<compile_context>
chip_gen: v7x
topology: tpu7x:2x2x1
jax: 0.10.2.dev20260603
libtpu: 0.0.44.dev20260713+nightly
codegen_flags: <defaults>
</compile_context>

<pallas_src>
import functools

import jax
import jax.numpy as jnp
from jax import lax
from jax.experimental import pallas as pl
from jax.experimental.pallas import tpu as pltpu
from jax.experimental.pallas import tpu_sc as plsc

N = 10000
E = 320000
IN_F = 128
HID = 256
H1 = 8
DH1 = 32
C = 64

NC = 2
NS = 16
L = 16

BN = 400
NB = N // BN
K = 80
EPT = E // NS
NCHUNK = EPT // K
NPT = 640
NPT_LAST = N - 15 * NPT

f32 = jnp.float32


def _tc1_body(x_ref, w1_ref, a1s_ref, a1d_ref, h_ref, ss_ref, sd_ref):
    h = jnp.dot(x_ref[...], w1_ref[...], preferred_element_type=f32)
    h_ref[0] = h
    ss_ref[0] = jnp.dot(h, a1s_ref[0], preferred_element_type=f32)
    sd_ref[0] = jnp.dot(h, a1d_ref[0], preferred_element_type=f32)


def _tc1(x, W1, A1s, A1d):
    return pl.pallas_call(
        _tc1_body,
        grid=(NC, NB),
        in_specs=[
            pl.BlockSpec((BN, IN_F), lambda c, i: (i, 0)),
            pl.BlockSpec((IN_F, IN_F), lambda c, i: (0, c)),
            pl.BlockSpec((1, IN_F, 16), lambda c, i: (c, 0, 0)),
            pl.BlockSpec((1, IN_F, 16), lambda c, i: (c, 0, 0)),
        ],
        out_specs=[
            pl.BlockSpec((1, BN, IN_F), lambda c, i: (c, i, 0)),
            pl.BlockSpec((1, BN, 16), lambda c, i: (c, i, 0)),
            pl.BlockSpec((1, BN, 16), lambda c, i: (c, i, 0)),
        ],
        out_shape=[
            jax.ShapeDtypeStruct((NC, N, IN_F), f32),
            jax.ShapeDtypeStruct((NC, N, 16), f32),
            jax.ShapeDtypeStruct((NC, N, 16), f32),
        ],
    )(x, W1, A1s, A1d)


def _tc2_body(num_ref, den_ref, erep_ref, w2_ref, a2s_ref, a2d_ref,
              h2_ref, ss_ref, sd_ref):
    c = pl.program_id(0)
    d0 = jnp.dot(den_ref[0], erep_ref[...], preferred_element_type=f32)
    d1 = jnp.dot(den_ref[1], erep_ref[...], preferred_element_type=f32)
    a0 = num_ref[0] / (d0 + 1e-16)
    a1 = num_ref[1] / (d1 + 1e-16)
    z = jnp.concatenate([a0, a1], axis=1)
    z = jnp.where(z > 0, z, jnp.exp(z) - 1.0)
    h2 = jnp.dot(z, w2_ref[...], preferred_element_type=f32)
    ss_ref[0] = jnp.dot(h2, a2s_ref[...], preferred_element_type=f32)
    sd_ref[0] = jnp.dot(h2, a2d_ref[...], preferred_element_type=f32)
    h2_ref[0] = jnp.where(c == 0, h2[:, :32], h2[:, 32:])


def _tc2(num1, den1, Erep, W2, A2s, A2d):
    return pl.pallas_call(
        _tc2_body,
        grid=(NC, NB),
        in_specs=[
            pl.BlockSpec((NC, BN, IN_F), lambda c, i: (0, i, 0)),
            pl.BlockSpec((NC, BN, 16), lambda c, i: (0, i, 0)),
            pl.BlockSpec((16, HID // 2), lambda c, i: (0, 0)),
            pl.BlockSpec((HID, C), lambda c, i: (0, 0)),
            pl.BlockSpec((C, 16), lambda c, i: (0, 0)),
            pl.BlockSpec((C, 16), lambda c, i: (0, 0)),
        ],
        out_specs=[
            pl.BlockSpec((1, BN, 32), lambda c, i: (c, i, 0)),
            pl.BlockSpec((1, BN, 16), lambda c, i: (c, i, 0)),
            pl.BlockSpec((1, BN, 16), lambda c, i: (c, i, 0)),
        ],
        out_shape=[
            jax.ShapeDtypeStruct((NC, N, 32), f32),
            jax.ShapeDtypeStruct((NC, N, 16), f32),
            jax.ShapeDtypeStruct((NC, N, 16), f32),
        ],
    )(num1, den1, Erep, W2, A2s, A2d)


def _tc3_body(num_ref, den_ref, e2_ref, out_ref):
    d = jnp.dot(den_ref[0], e2_ref[...], preferred_element_type=f32)
    z = jnp.concatenate([num_ref[0], num_ref[1]], axis=1) / (d + 1e-16)
    z = jnp.where(z > 0, z, jnp.exp(z) - 1.0)
    m = jnp.max(z, axis=1, keepdims=True)
    t = z - m
    out_ref[...] = t - jnp.log(jnp.sum(jnp.exp(t), axis=1, keepdims=True))


def _tc3(num2, den2, E2):
    return pl.pallas_call(
        _tc3_body,
        grid=(NB,),
        in_specs=[
            pl.BlockSpec((NC, BN, 32), lambda i: (0, i, 0)),
            pl.BlockSpec((NC, BN, 16), lambda i: (0, i, 0)),
            pl.BlockSpec((16, C), lambda i: (0, 0)),
        ],
        out_specs=pl.BlockSpec((BN, C), lambda i: (i, 0)),
        out_shape=jax.ShapeDtypeStruct((N, C), f32),
    )(num2, den2, E2)


def _make_sc_edge(F, U):
    n_iter = NCHUNK // U
    n_pairs = F // 32
    mesh = plsc.VectorSubcoreMesh(core_axis_name="c", subcore_axis_name="s")

    def body(h_tab, ss_tab, sd_tab, idxtab, num_out, den_out,
             idxb, rows, ssb, sdb, accn, accd, *sems):
        gsem = sems[:U]
        ssem = sems[U:]
        cid = lax.axis_index("c")
        sid = lax.axis_index("s")
        chunk_base = (cid * NS + sid) * NCHUNK

        zero16 = jnp.zeros((L,), f32)

        def zrow(k, _):
            def zcol(g, _):
                rows[0, k, pl.ds(g * L, L)] = zero16
                return 0
            lax.fori_loop(0, F // L, zcol, 0)
            ssb[0, k, :] = zero16
            return 0
        lax.fori_loop(0, K, zrow, 0)

        nz = jnp.where(sid < 15, NPT // K, NPT_LAST // K)

        def zacc(t, _):
            off = sid * NPT + t * K
            pltpu.sync_copy(rows.at[0], accn.at[pl.ds(off, K)])
            pltpu.sync_copy(ssb.at[0], accd.at[pl.ds(off, K)])
            return 0
        lax.fori_loop(0, nz, zacc, 0)
        plsc.subcore_barrier()

        def giter(t, _):
            g = []
            for p in range(U):
                ch = chunk_base + t * U + p
                pltpu.sync_copy(idxtab.at[ch], idxb.at[p])
                g.append((
                    pltpu.async_copy(h_tab.at[idxb.at[p, 0]], rows.at[p],
                                     gsem[p]),
                    pltpu.async_copy(ss_tab.at[idxb.at[p, 0]], ssb.at[p],
                                     gsem[p]),
                    pltpu.async_copy(sd_tab.at[idxb.at[p, 1]], sdb.at[p],
                                     gsem[p]),
                ))
            s = []
            for p in range(U):
                for d in g[p]:
                    d.wait()

                def scale(k, _):
                    e = ssb[p, k, :] + sdb[p, k, :]
                    w = jnp.exp(jnp.maximum(e, 0.2 * e))
                    ssb[p, k, :] = w
                    for q in range(n_pairs):
                        wv = w.at[jnp.full((L,), q, jnp.int32)].get(
                            mode="promise_in_bounds")
                        for half in range(2):
                            c0 = q * 32 + half * L
                            rows[p, k, pl.ds(c0, L)] = (
                                rows[p, k, pl.ds(c0, L)] * wv)
                    return 0
                lax.fori_loop(0, K, scale, 0)
                s.append(pltpu.async_copy(rows.at[p], accn.at[idxb.at[p, 2]],
                                          ssem[p], add=True))
                s.append(pltpu.async_copy(ssb.at[p], accd.at[idxb.at[p, 2]],
                                          ssem[p], add=True))
            for d in s:
                d.wait()
            return 0
        lax.fori_loop(0, n_iter, giter, 0)
        plsc.subcore_barrier()

        off = sid * NPT

        @pl.when(sid < 15)
        def _():
            pltpu.sync_copy(accn.at[pl.ds(off, NPT)],
                            num_out.at[cid, pl.ds(off, NPT)])
            pltpu.sync_copy(accd.at[pl.ds(off, NPT)],
                            den_out.at[cid, pl.ds(off, NPT)])

        @pl.when(sid == 15)
        def _():
            pltpu.sync_copy(accn.at[pl.ds(off, NPT_LAST)],
                            num_out.at[cid, pl.ds(off, NPT_LAST)])
            pltpu.sync_copy(accd.at[pl.ds(off, NPT_LAST)],
                            den_out.at[cid, pl.ds(off, NPT_LAST)])

    return pl.kernel(
        body,
        out_type=(
            jax.ShapeDtypeStruct((NC, N, F), f32),
            jax.ShapeDtypeStruct((NC, N, 16), f32),
        ),
        mesh=mesh,
        compiler_params=pltpu.CompilerParams(use_tc_tiling_on_sc=False),
        scratch_types=[
            pltpu.VMEM((U, 3, K), jnp.int32),
            pltpu.VMEM((U, K, F), f32),
            pltpu.VMEM((U, K, 16), f32),
            pltpu.VMEM((U, K, 16), f32),
            pltpu.VMEM_SHARED((N, F), f32),
            pltpu.VMEM_SHARED((N, 16), f32),
        ] + [pltpu.SemaphoreType.DMA] * (2 * U),
    )


_sc_edge_128 = _make_sc_edge(IN_F, 2)
_sc_edge_32 = _make_sc_edge(32, 10)


def kernel(x, edge_index, W1, a1_src, a1_dst, W2, a2_src, a2_dst):
    src = edge_index[0]
    dst = edge_index[1]
    base = jnp.stack([src, dst, dst])
    idx_parts = []
    for c in range(NC):
        off = jnp.array([c * N, c * N, 0], jnp.int32)[:, None]
        t = (base + off).reshape(3, NS, NCHUNK, K).transpose(1, 2, 0, 3)
        idx_parts.append(t)
    idxtab = jnp.stack(idx_parts).reshape(NC * NS * NCHUNK, 3, K)

    eye = jnp.eye(16, dtype=f32)
    A1s = (a1_src.reshape(2, 4, DH1)[:, :, :, None]
           * eye[None, :4, None, :]).reshape(2, IN_F, 16)
    A1d = (a1_dst.reshape(2, 4, DH1)[:, :, :, None]
           * eye[None, :4, None, :]).reshape(2, IN_F, 16)
    A2s = jnp.zeros((C, 16), f32).at[:, 0].set(a2_src[0])
    A2d = jnp.zeros((C, 16), f32).at[:, 0].set(a2_dst[0])
    Erep = jnp.repeat(eye[:, :4], DH1, axis=1)
    E2 = jnp.zeros((16, C), f32).at[0, :].set(1.0)

    h1, ss1, sd1 = _tc1(x, W1, A1s, A1d)
    num1, den1 = _sc_edge_128(
        h1.reshape(NC * N, IN_F), ss1.reshape(NC * N, 16),
        sd1.reshape(NC * N, 16), idxtab)
    h2, ss2, sd2 = _tc2(num1, den1, Erep, W2, A2s, A2d)
    num2, den2 = _sc_edge_32(
        h2.reshape(NC * N, 32), ss2.reshape(NC * N, 16),
        sd2.reshape(NC * N, 16), idxtab)
    return _tc3(num2, den2, E2)

# --- scband reference (transcript-rebuilt; emitter-appended) ---
"""Pipeline reference for scband-gat-19868518711381 (READ-ONLY COPY).

The authoritative reference and input builder live on the scoring server;
editing this copy changes nothing except your own understanding.
"""

import jax, jax.numpy as jnp
import numpy as np

N = 10000
E = 320000
IN_F = 128
HID = 256
H1 = 8
DH1 = HID // H1
C = 64
NEG_SLOPE = 0.2


def gat_layer(x, src, dst, W, a_src, a_dst, n_heads, is_concat):
    n = x.shape[0]
    h = (x @ W).reshape(n, n_heads, -1)
    e_s = jnp.sum(h * a_src[None, :, :], axis=-1)
    e_d = jnp.sum(h * a_dst[None, :, :], axis=-1)
    e = e_s[src] + e_d[dst]
    e = jax.nn.leaky_relu(e, negative_slope=NEG_SLOPE)
    m = jax.ops.segment_max(e, dst, num_segments=n)
    m = jnp.where(jnp.isfinite(m), m, 0.0)
    ex = jnp.exp(e - m[dst])
    denom = jax.ops.segment_sum(ex, dst, num_segments=n) + 1e-16
    alpha = ex / denom[dst]
    msg = alpha[:, :, None] * h[src]
    out = jax.ops.segment_sum(msg, dst, num_segments=n)
    if is_concat:
        return out.reshape(n, -1)
    return out.mean(axis=1)


def setup_inputs(seed: int = 0):
    key = jax.random.key(seed)
    ks = jax.random.split(key, 8)
    x = jax.random.normal(ks[0], (N, IN_F), dtype=jnp.float32)
    edge_index = jax.random.randint(ks[1], (2, E), 0, N, dtype=jnp.int32)
    W1 = jax.random.normal(ks[2], (IN_F, H1 * DH1), dtype=jnp.float32) * 0.1
    a1_src = jax.random.normal(ks[3], (H1, DH1), dtype=jnp.float32) * 0.1
    a1_dst = jax.random.normal(ks[4], (H1, DH1), dtype=jnp.float32) * 0.1
    W2 = jax.random.normal(ks[5], (HID, C), dtype=jnp.float32) * 0.1
    a2_src = jax.random.normal(ks[6], (1, C), dtype=jnp.float32) * 0.1
    a2_dst = jax.random.normal(ks[7], (1, C), dtype=jnp.float32) * 0.1
    return {"x": x, "edge_index": edge_index, "W1": W1, "a1_src": a1_src,
            "a1_dst": a1_dst, "W2": W2, "a2_src": a2_src, "a2_dst": a2_dst}


def reference(x, edge_index, W1, a1_src, a1_dst, W2, a2_src, a2_dst):
    src = edge_index[0]
    dst = edge_index[1]
    h = gat_layer(x, src, dst, W1, a1_src, a1_dst, H1, True)
    h = jax.nn.elu(h)
    h = gat_layer(h, src, dst, W2, a2_src, a2_dst, 1, False)
    h = jax.nn.elu(h)
    return jax.nn.log_softmax(h, axis=1)

if __name__ == "__main__":
    import jax
    _d = setup_inputs()
    print(jax.jit(kernel)(*tuple(_d.values())))

</pallas_src>

<mosaic_0001>
#map = affine_map<(d0, d1) -> (0, 0)>
#map1 = affine_map<(d0, d1) -> (0, 0, 0)>
module attributes {stable_mosaic.version = 14 : i64} {
  func.func @body(%arg0: i32, %arg1: i32, %arg2: memref<20000x128xf32, #tpu.memory_space<hbm>>, %arg3: memref<20000x16xf32, #tpu.memory_space<hbm>>, %arg4: memref<20000x16xf32, #tpu.memory_space<hbm>>, %arg5: memref<8000x3x80xi32, #tpu.memory_space<hbm>>, %arg6: memref<2x10000x128xf32, #tpu.memory_space<hbm>>, %arg7: memref<2x10000x16xf32, #tpu.memory_space<hbm>>, %arg8: memref<2x3x80xi32, #tpu.memory_space<vmem>>, %arg9: memref<2x80x128xf32, #tpu.memory_space<vmem>>, %arg10: memref<2x80x16xf32, #tpu.memory_space<vmem>>, %arg11: memref<2x80x16xf32, #tpu.memory_space<vmem>>, %arg12: memref<10000x128xf32, #tpu.memory_space<vmem_shared>>, %arg13: memref<10000x16xf32, #tpu.memory_space<vmem_shared>>, %arg14: memref<!tpu.dma_semaphore, #tpu.memory_space<semaphore_mem>>, %arg15: memref<!tpu.dma_semaphore, #tpu.memory_space<semaphore_mem>>, %arg16: memref<!tpu.dma_semaphore, #tpu.memory_space<semaphore_mem>>, %arg17: memref<!tpu.dma_semaphore, #tpu.memory_space<semaphore_mem>>) attributes {dimension_semantics = [#tpu.dimension_semantics<core_parallel>, #tpu.dimension_semantics<subcore_parallel>], iteration_bounds = array<i64: 2, 16>, scalar_prefetch = 0 : i64, scratch_operands = 10 : i64, tpu.core_type = #tpu.core_type<sc_vector_subcore>, window_params = [{transform_indices = #map}, {transform_indices = #map}, {transform_indices = #map}, {transform_indices = #map1}, {transform_indices = #map1}, {transform_indices = #map1}]} {
    %mul3A = arith.constant 16 : i32
    %mul3A_0 = arith.muli %arg0, %mul3A : i32
    %add3A = arith.addi %mul3A_0, %arg1 : i32
    %mul3A_1 = arith.constant 250 : i32
    %mul3A_2 = arith.muli %add3A, %mul3A_1 : i32
    %broadcast_in_dim3A = arith.constant 0.000000e+00 : f32
    %broadcast_in_dim3A_3 = vector.broadcast %broadcast_in_dim3A : f32 to vector<16xf32>
    %scan3A = arith.constant 0 : i32
    %scan3A_4 = arith.constant 0 : i32
    %scan3A_5 = arith.constant 80 : i32
    %scan3A_6 = arith.addi %scan3A_4, %scan3A_5 : i32
    %scan3A_7 = arith.constant 1 : i32
    %scan3A_8 = scf.for %scan3A_40 = %scan3A_4 to %scan3A_6 step %scan3A_7 iter_args(%scan3A_41 = %scan3A) -> (i32)  : i32 {
      %scan3A_42 = arith.constant 0 : i32
      %scan3A_43 = arith.constant 0 : i32
      %scan3A_44 = arith.constant 8 : i32
      %scan3A_45 = arith.addi %scan3A_43, %scan3A_44 : i32
      %scan3A_46 = arith.constant 1 : i32
      %scan3A_47 = scf.for %scan3A_56 = %scan3A_43 to %scan3A_45 step %scan3A_46 iter_args(%scan3A_57 = %scan3A_42) -> (i32)  : i32 {
        %mul3A_58 = arith.constant 16 : i32
        %mul3A_59 = arith.muli %scan3A_56, %mul3A_58 : i32
        %swap3A_60 = arith.constant 0 : i32
        %swap3A_61 = arith.index_cast %swap3A_60 : i32 to index
        %swap3A_62 = arith.index_cast %scan3A_40 : i32 to index
        %swap3A_63 = arith.index_cast %mul3A_59 : i32 to index
        %swap3A_64 = tpu.vector_load %arg9[%swap3A_61, %swap3A_62, %swap3A_63] {strides = array<i32>} : memref<2x80x128xf32, #tpu.memory_space<vmem>>, vector<1x1x16xf32>,
        %swap3A_65 = vector.shape_cast %swap3A_64 : vector<1x1x16xf32> to vector<16xf32>
        %swap3A_66 = vector.shape_cast %broadcast_in_dim3A_3 : vector<16xf32> to vector<1x1x16xf32>
        tpu.vector_store %arg9[%swap3A_61, %swap3A_62, %swap3A_63], %swap3A_66 {strides = array<i32>} : memref<2x80x128xf32, #tpu.memory_space<vmem>>, vector<1x1x16xf32>,
        %scan3A_67 = arith.constant 0 : i32
        scf.yield %scan3A_67 : i32
      }
      %scan3A_48 = arith.constant 8 : i32
      %swap3A = arith.constant 0 : i32
      %swap3A_49 = arith.index_cast %swap3A : i32 to index
      %swap3A_50 = arith.index_cast %scan3A_40 : i32 to index
      %swap3A_51 = arith.constant 0 : index
      %swap3A_52 = tpu.vector_load %arg10[%swap3A_49, %swap3A_50, %swap3A_51] {strides = array<i32>} : memref<2x80x16xf32, #tpu.memory_space<vmem>>, vector<1x1x16xf32>,
      %swap3A_53 = vector.shape_cast %swap3A_52 : vector<1x1x16xf32> to vector<16xf32>
      %swap3A_54 = vector.shape_cast %broadcast_in_dim3A_3 : vector<16xf32> to vector<1x1x16xf32>
      tpu.vector_store %arg10[%swap3A_49, %swap3A_50, %swap3A_51], %swap3A_54 {strides = array<i32>} : memref<2x80x16xf32, #tpu.memory_space<vmem>>, vector<1x1x16xf32>,
      %scan3A_55 = arith.constant 0 : i32
      scf.yield %scan3A_55 : i32
    }
    %scan3A_9 = arith.constant 80 : i32
    %lt3A = arith.constant 15 : i32
    %lt3A_10 = arith.cmpi slt, %arg1, %lt3A : i32
    %jit3A = arith.constant 8 : i32
    %jit3A_11 = arith.constant 5 : i32
    %select_n3A = arith.select %lt3A_10, %jit3A, %jit3A_11 : i32
    %while3A = arith.constant 0 : i32
    %while3A_12 = arith.constant 0 : i32
    %while3A_13 = arith.subi %select_n3A, %while3A : i32
    %while3A_14 = arith.addi %while3A, %while3A_13 : i32
    %while3A_15 = arith.constant 1 : i32
    %while3A_16 = arith.divsi %while3A_13, %while3A_15 : i32
    %while3A_17 = arith.muli %while3A_16, %while3A_15 : i32
    %while3A_18 = arith.addi %while3A, %while3A_17 : i32
    %while3A_19 = arith.constant 1 : i32
    %while3A_20 = scf.for %while3A_40 = %while3A to %while3A_18 step %while3A_19 iter_args(%while3A_41 = %while3A_12) -> (i32)  : i32 {
      %mul3A_42 = arith.constant 640 : i32
      %mul3A_43 = arith.muli %arg1, %mul3A_42 : i32
      %mul3A_44 = arith.constant 80 : i32
      %mul3A_45 = arith.muli %while3A_40, %mul3A_44 : i32
      %add3A_46 = arith.addi %mul3A_43, %mul3A_45 : i32
      %run_scoped3A = arith.constant 0 : i32
      "tpu.region"() ({
        %run_scoped3A_49 = tpu.sem_alloc : memref<!tpu.dma_semaphore, #tpu.memory_space<semaphore_mem>>
        %dma_start3A = arith.constant 0 : i32
        %dma_start3A_50 = arith.constant 0 : i32
        %dma_start3A_51 = tpu.memref_slice %arg9[%run_scoped3A, %dma_start3A, %dma_start3A_50] : memref<2x80x128xf32, #tpu.memory_space<vmem>> -> memref<1x80x128xf32, #tpu.memory_space<vmem>>
        %dma_start3A_52 = tpu.memref_squeeze %dma_start3A_51 : memref<1x80x128xf32, #tpu.memory_space<vmem>> -> memref<80x128xf32, #tpu.memory_space<vmem>>
        %dma_start3A_53 = arith.constant 0 : i32
        %dma_start3A_54 = tpu.memref_slice %arg12[%add3A_46, %dma_start3A_53] : memref<10000x128xf32, #tpu.memory_space<vmem_shared>> -> memref<80x128xf32, #tpu.memory_space<vmem_shared>>
        %dma_start3A_55 = arith.constant 0 : i32
        %dma_start3A_56 = tpu.memref_slice %arg12[%add3A_46, %dma_start3A_55] : memref<10000x128xf32, #tpu.memory_space<vmem_shared>> -> memref<80x128xf32, #tpu.memory_space<vmem_shared>>
        %dma_start3A_57 = arith.constant 0 : i32
        %dma_start3A_58 = arith.constant 0 : i32
        %dma_start3A_59 = tpu.memref_slice %arg9[%run_scoped3A, %dma_start3A_57, %dma_start3A_58] : memref<2x80x128xf32, #tpu.memory_space<vmem>> -> memref<1x80x128xf32, #tpu.memory_space<vmem>>
        %dma_start3A_60 = tpu.memref_squeeze %dma_start3A_59 : memref<1x80x128xf32, #tpu.memory_space<vmem>> -> memref<80x128xf32, #tpu.memory_space<vmem>>
        tpu.enqueue_dma source(%dma_start3A_60 : memref<80x128xf32, #tpu.memory_space<vmem>>) target(%dma_start3A_56 : memref<80x128xf32, #tpu.memory_space<vmem_shared>>) target_semaphore(%run_scoped3A_49 : memref<!tpu.dma_semaphore, #tpu.memory_space<semaphore_mem>>)
        %dma_wait3A = arith.constant 0 : i32
        %dma_wait3A_61 = arith.constant 0 : i32
        %dma_wait3A_62 = tpu.memref_slice %arg9[%run_scoped3A, %dma_wait3A, %dma_wait3A_61] : memref<2x80x128xf32, #tpu.memory_space<vmem>> -> memref<1x80x128xf32, #tpu.memory_space<vmem>>
        %dma_wait3A_63 = tpu.memref_squeeze %dma_wait3A_62 : memref<1x80x128xf32, #tpu.memory_space<vmem>> -> memref<80x128xf32, #tpu.memory_space<vmem>>
        %dma_wait3A_64 = arith.constant 0 : i32
        %dma_wait3A_65 = tpu.memref_slice %arg12[%add3A_46, %dma_wait3A_64] : memref<10000x128xf32, #tpu.memory_space<vmem_shared>> -> memref<80x128xf32, #tpu.memory_space<vmem_shared>>
        %dma_wait3A_66 = arith.constant 0 : i32
        %dma_wait3A_67 = tpu.memref_slice %arg12[%add3A_46, %dma_wait3A_66] : memref<10000x128xf32, #tpu.memory_space<vmem_shared>> -> memref<80x128xf32, #tpu.memory_space<vmem_shared>>
        %dma_wait3A_68 = arith.constant 0 : i32
        %dma_wait3A_69 = arith.constant 0 : i32
        %dma_wait3A_70 = tpu.memref_slice %arg9[%run_scoped3A, %dma_wait3A_68, %dma_wait3A_69] : memref<2x80x128xf32, #tpu.memory_space<vmem>> -> memref<1x80x128xf32, #tpu.memory_space<vmem>>
        %dma_wait3A_71 = tpu.memref_squeeze %dma_wait3A_70 : memref<1x80x128xf32, #tpu.memory_space<vmem>> -> memref<80x128xf32, #tpu.memory_space<vmem>>
        tpu.wait_dma2 semaphore(%run_scoped3A_49 : memref<!tpu.dma_semaphore, #tpu.memory_space<semaphore_mem>>) src(%dma_wait3A_71 : memref<80x128xf32, #tpu.memory_space<vmem>>) dst(%dma_wait3A_67 : memref<80x128xf32, #tpu.memory_space<vmem_shared>>)
        tpu.yield
      }) : () -> ()
      %run_scoped3A_47 = arith.constant 0 : i32
      "tpu.region"() ({
        %run_scoped3A_49 = tpu.sem_alloc : memref<!tpu.dma_semaphore, #tpu.memory_space<semaphore_mem>>
        %dma_start3A = arith.constant 0 : i32
        %dma_start3A_50 = arith.constant 0 : i32
        %dma_start3A_51 = tpu.memref_slice %arg10[%run_scoped3A_47, %dma_start3A, %dma_start3A_50] : memref<2x80x16xf32, #tpu.memory_space<vmem>> -> memref<1x80x16xf32, #tpu.memory_space<vmem>>
        %dma_start3A_52 = tpu.memref_squeeze %dma_start3A_51 : memref<1x80x16xf32, #tpu.memory_space<vmem>> -> memref<80x16xf32, #tpu.memory_space<vmem>>
        %dma_start3A_53 = arith.constant 0 : i32
        %dma_start3A_54 = tpu.memref_slice %arg13[%add3A_46, %dma_start3A_53] : memref<10000x16xf32, #tpu.memory_space<vmem_shared>> -> memref<80x16xf32, #tpu.memory_space<vmem_shared>>
        %dma_start3A_55 = arith.constant 0 : i32
        %dma_start3A_56 = tpu.memref_slice %arg13[%add3A_46, %dma_start3A_55] : memref<10000x16xf32, #tpu.memory_space<vmem_shared>> -> memref<80x16xf32, #tpu.memory_space<vmem_shared>>
        %dma_start3A_57 = arith.constant 0 : i32
        %dma_start3A_58 = arith.constant 0 : i32
        %dma_start3A_59 = tpu.memref_slice %arg10[%run_scoped3A_47, %dma_start3A_57, %dma_start3A_58] : memref<2x80x16xf32, #tpu.memory_space<vmem>> -> memref<1x80x16xf32, #tpu.memory_space<vmem>>
        %dma_start3A_60 = tpu.memref_squeeze %dma_start3A_59 : memref<1x80x16xf32, #tpu.memory_space<vmem>> -> memref<80x16xf32, #tpu.memory_space<vmem>>
        tpu.enqueue_dma source(%dma_start3A_60 : memref<80x16xf32, #tpu.memory_space<vmem>>) target(%dma_start3A_56 : memref<80x16xf32, #tpu.memory_space<vmem_shared>>) target_semaphore(%run_scoped3A_49 : memref<!tpu.dma_semaphore, #tpu.memory_space<semaphore_mem>>)
        %dma_wait3A = arith.constant 0 : i32
        %dma_wait3A_61 = arith.constant 0 : i32
        %dma_wait3A_62 = tpu.memref_slice %arg10[%run_scoped3A_47, %dma_wait3A, %dma_wait3A_61] : memref<2x80x16xf32, #tpu.memory_space<vmem>> -> memref<1x80x16xf32, #tpu.memory_space<vmem>>
        %dma_wait3A_63 = tpu.memref_squeeze %dma_wait3A_62 : memref<1x80x16xf32, #tpu.memory_space<vmem>> -> memref<80x16xf32, #tpu.memory_space<vmem>>
        %dma_wait3A_64 = arith.constant 0 : i32
        %dma_wait3A_65 = tpu.memref_slice %arg13[%add3A_46, %dma_wait3A_64] : memref<10000x16xf32, #tpu.memory_space<vmem_shared>> -> memref<80x16xf32, #tpu.memory_space<vmem_shared>>
        %dma_wait3A_66 = arith.constant 0 : i32
        %dma_wait3A_67 = tpu.memref_slice %arg13[%add3A_46, %dma_wait3A_66] : memref<10000x16xf32, #tpu.memory_space<vmem_shared>> -> memref<80x16xf32, #tpu.memory_space<vmem_shared>>
        %dma_wait3A_68 = arith.constant 0 : i32
        %dma_wait3A_69 = arith.constant 0 : i32
        %dma_wait3A_70 = tpu.memref_slice %arg10[%run_scoped3A_47, %dma_wait3A_68, %dma_wait3A_69] : memref<2x80x16xf32, #tpu.memory_space<vmem>> -> memref<1x80x16xf32, #tpu.memory_space<vmem>>
        %dma_wait3A_71 = tpu.memref_squeeze %dma_wait3A_70 : memref<1x80x16xf32, #tpu.memory_space<vmem>> -> memref<80x16xf32, #tpu.memory_space<vmem>>
        tpu.wait_dma2 semaphore(%run_scoped3A_49 : memref<!tpu.dma_semaphore, #tpu.memory_space<semaphore_mem>>) src(%dma_wait3A_71 : memref<80x16xf32, #tpu.memory_space<vmem>>) dst(%dma_wait3A_67 : memref<80x16xf32, #tpu.memory_space<vmem_shared>>)
        tpu.yield
      }) : () -> ()
      %while3A_48 = arith.constant 0 : i32
      scf.yield %while3A_48 : i32
    }
    %while3A_21 = arith.constant 1 : i32
    %while3A_22 = scf.for %while3A_40 = %while3A_18 to %while3A_14 step %while3A_21 iter_args(%while3A_41 = %while3A_20) -> (i32)  : i32 {
      %mul3A_42 = arith.constant 640 : i32
      %mul3A_43 = arith.muli %arg1, %mul3A_42 : i32
      %mul3A_44 = arith.constant 80 : i32
      %mul3A_45 = arith.muli %while3A_40, %mul3A_44 : i32
      %add3A_46 = arith.addi %mul3A_43, %mul3A_45 : i32
      %run_scoped3A = arith.constant 0 : i32
      "tpu.region"() ({
        %run_scoped3A_49 = tpu.sem_alloc : memref<!tpu.dma_semaphore, #tpu.memory_space<semaphore_mem>>
        %dma_start3A = arith.constant 0 : i32
        %dma_start3A_50 = arith.constant 0 : i32
        %dma_start3A_51 = tpu.memref_slice %arg9[%run_scoped3A, %dma_start3A, %dma_start3A_50] : memref<2x80x128xf32, #tpu.memory_space<vmem>> -> memref<1x80x128xf32, #tpu.memory_space<vmem>>
        %dma_start3A_52 = tpu.memref_squeeze %dma_start3A_51 : memref<1x80x128xf32, #tpu.memory_space<vmem>> -> memref<80x128xf32, #tpu.memory_space<vmem>>
        %dma_start3A_53 = arith.constant 0 : i32
        %dma_start3A_54 = tpu.memref_slice %arg12[%add3A_46, %dma_start3A_53] : memref<10000x128xf32, #tpu.memory_space<vmem_shared>> -> memref<80x128xf32, #tpu.memory_space<vmem_shared>>
        %dma_start3A_55 = arith.constant 0 : i32
        %dma_start3A_56 = tpu.memref_slice %arg12[%add3A_46, %dma_start3A_55] : memref<10000x128xf32, #tpu.memory_space<vmem_shared>> -> memref<80x128xf32, #tpu.memory_space<vmem_shared>>
        %dma_start3A_57 = arith.constant 0 : i32
        %dma_start3A_58 = arith.constant 0 : i32
        %dma_start3A_59 = tpu.memref_slice %arg9[%run_scoped3A, %dma_start3A_57, %dma_start3A_58] : memref<2x80x128xf32, #tpu.memory_space<vmem>> -> memref<1x80x128xf32, #tpu.memory_space<vmem>>
        %dma_start3A_60 = tpu.memref_squeeze %dma_start3A_59 : memref<1x80x128xf32, #tpu.memory_space<vmem>> -> memref<80x128xf32, #tpu.memory_space<vmem>>
        tpu.enqueue_dma source(%dma_start3A_60 : memref<80x128xf32, #tpu.memory_space<vmem>>) target(%dma_start3A_56 : memref<80x128xf32, #tpu.memory_space<vmem_shared>>) target_semaphore(%run_scoped3A_49 : memref<!tpu.dma_semaphore, #tpu.memory_space<semaphore_mem>>)
        %dma_wait3A = arith.constant 0 : i32
        %dma_wait3A_61 = arith.constant 0 : i32
        %dma_wait3A_62 = tpu.memref_slice %arg9[%run_scoped3A, %dma_wait3A, %dma_wait3A_61] : memref<2x80x128xf32, #tpu.memory_space<vmem>> -> memref<1x80x128xf32, #tpu.memory_space<vmem>>
        %dma_wait3A_63 = tpu.memref_squeeze %dma_wait3A_62 : memref<1x80x128xf32, #tpu.memory_space<vmem>> -> memref<80x128xf32, #tpu.memory_space<vmem>>
        %dma_wait3A_64 = arith.constant 0 : i32
        %dma_wait3A_65 = tpu.memref_slice %arg12[%add3A_46, %dma_wait3A_64] : memref<10000x128xf32, #tpu.memory_space<vmem_shared>> -> memref<80x128xf32, #tpu.memory_space<vmem_shared>>
        %dma_wait3A_66 = arith.constant 0 : i32
        %dma_wait3A_67 = tpu.memref_slice %arg12[%add3A_46, %dma_wait3A_66] : memref<10000x128xf32, #tpu.memory_space<vmem_shared>> -> memref<80x128xf32, #tpu.memory_space<vmem_shared>>
        %dma_wait3A_68 = arith.constant 0 : i32
        %dma_wait3A_69 = arith.constant 0 : i32
        %dma_wait3A_70 = tpu.memref_slice %arg9[%run_scoped3A, %dma_wait3A_68, %dma_wait3A_69] : memref<2x80x128xf32, #tpu.memory_space<vmem>> -> memref<1x80x128xf32, #tpu.memory_space<vmem>>
        %dma_wait3A_71 = tpu.memref_squeeze %dma_wait3A_70 : memref<1x80x128xf32, #tpu.memory_space<vmem>> -> memref<80x128xf32, #tpu.memory_space<vmem>>
        tpu.wait_dma2 semaphore(%run_scoped3A_49 : memref<!tpu.dma_semaphore, #tpu.memory_space<semaphore_mem>>) src(%dma_wait3A_71 : memref<80x128xf32, #tpu.memory_space<vmem>>) dst(%dma_wait3A_67 : memref<80x128xf32, #tpu.memory_space<vmem_shared>>)
        tpu.yield
      }) : () -> ()
      %run_scoped3A_47 = arith.constant 0 : i32
      "tpu.region"() ({
        %run_scoped3A_49 = tpu.sem_alloc : memref<!tpu.dma_semaphore, #tpu.memory_space<semaphore_mem>>
        %dma_start3A = arith.constant 0 : i32
        %dma_start3A_50 = arith.constant 0 : i32
        %dma_start3A_51 = tpu.memref_slice %arg10[%run_scoped3A_47, %dma_start3A, %dma_start3A_50] : memref<2x80x16xf32, #tpu.memory_space<vmem>> -> memref<1x80x16xf32, #tpu.memory_space<vmem>>
        %dma_start3A_52 = tpu.memref_squeeze %dma_start3A_51 : memref<1x80x16xf32, #tpu.memory_space<vmem>> -> memref<80x16xf32, #tpu.memory_space<vmem>>
        %dma_start3A_53 = arith.constant 0 : i32
        %dma_start3A_54 = tpu.memref_slice %arg13[%add3A_46, %dma_start3A_53] : memref<10000x16xf32, #tpu.memory_space<vmem_shared>> -> memref<80x16xf32, #tpu.memory_space<vmem_shared>>
        %dma_start3A_55 = arith.constant 0 : i32
        %dma_start3A_56 = tpu.memref_slice %arg13[%add3A_46, %dma_start3A_55] : memref<10000x16xf32, #tpu.memory_space<vmem_shared>> -> memref<80x16xf32, #tpu.memory_space<vmem_shared>>
        %dma_start3A_57 = arith.constant 0 : i32
        %dma_start3A_58 = arith.constant 0 : i32
        %dma_start3A_59 = tpu.memref_slice %arg10[%run_scoped3A_47, %dma_start3A_57, %dma_start3A_58] : memref<2x80x16xf32, #tpu.memory_space<vmem>> -> memref<1x80x16xf32, #tpu.memory_space<vmem>>
        %dma_start3A_60 = tpu.memref_squeeze %dma_start3A_59 : memref<1x80x16xf32, #tpu.memory_space<vmem>> -> memref<80x16xf32, #tpu.memory_space<vmem>>
        tpu.enqueue_dma source(%dma_start3A_60 : memref<80x16xf32, #tpu.memory_space<vmem>>) target(%dma_start3A_56 : memref<80x16xf32, #tpu.memory_space<vmem_shared>>) target_semaphore(%run_scoped3A_49 : memref<!tpu.dma_semaphore, #tpu.memory_space<semaphore_mem>>)
        %dma_wait3A = arith.constant 0 : i32
        %dma_wait3A_61 = arith.constant 0 : i32
        %dma_wait3A_62 = tpu.memref_slice %arg10[%run_scoped3A_47, %dma_wait3A, %dma_wait3A_61] : memref<2x80x16xf32, #tpu.memory_space<vmem>> -> memref<1x80x16xf32, #tpu.memory_space<vmem>>
        %dma_wait3A_63 = tpu.memref_squeeze %dma_wait3A_62 : memref<1x80x16xf32, #tpu.memory_space<vmem>> -> memref<80x16xf32, #tpu.memory_space<vmem>>
        %dma_wait3A_64 = arith.constant 0 : i32
        %dma_wait3A_65 = tpu.memref_slice %arg13[%add3A_46, %dma_wait3A_64] : memref<10000x16xf32, #tpu.memory_space<vmem_shared>> -> memref<80x16xf32, #tpu.memory_space<vmem_shared>>
        %dma_wait3A_66 = arith.constant 0 : i32
        %dma_wait3A_67 = tpu.memref_slice %arg13[%add3A_46, %dma_wait3A_66] : memref<10000x16xf32, #tpu.memory_space<vmem_shared>> -> memref<80x16xf32, #tpu.memory_space<vmem_shared>>
        %dma_wait3A_68 = arith.constant 0 : i32
        %dma_wait3A_69 = arith.constant 0 : i32
        %dma_wait3A_70 = tpu.memref_slice %arg10[%run_scoped3A_47, %dma_wait3A_68, %dma_wait3A_69] : memref<2x80x16xf32, #tpu.memory_space<vmem>> -> memref<1x80x16xf32, #tpu.memory_space<vmem>>
        %dma_wait3A_71 = tpu.memref_squeeze %dma_wait3A_70 : memref<1x80x16xf32, #tpu.memory_space<vmem>> -> memref<80x16xf32, #tpu.memory_space<vmem>>
        tpu.wait_dma2 semaphore(%run_scoped3A_49 : memref<!tpu.dma_semaphore, #tpu.memory_space<semaphore_mem>>) src(%dma_wait3A_71 : memref<80x16xf32, #tpu.memory_space<vmem>>) dst(%dma_wait3A_67 : memref<80x16xf32, #tpu.memory_space<vmem_shared>>)
        tpu.yield
      }) : () -> ()
      %while3A_48 = arith.constant 0 : i32
      scf.yield %while3A_48 : i32
    }
    %barrier3A = arith.constant 0 : index
    tpu.barrier barrier_id(%barrier3A)
    %scan3A_23 = arith.constant 0 : i32
    %scan3A_24 = arith.constant 0 : i32
    %scan3A_25 = arith.constant 125 : i32
    %scan3A_26 = arith.addi %scan3A_24, %scan3A_25 : i32
    %scan3A_27 = arith.constant 1 : i32
    %scan3A_28 = scf.for %scan3A_40 = %scan3A_24 to %scan3A_26 step %scan3A_27 iter_args(%scan3A_41 = %scan3A_23) -> (i32)  : i32 {
      %mul3A_42 = arith.constant 2 : i32
      %mul3A_43 = arith.muli %scan3A_40, %mul3A_42 : i32
      %add3A_44 = arith.addi %mul3A_2, %mul3A_43 : i32
      %add3A_45 = arith.constant 0 : i32
      %add3A_46 = arith.addi %add3A_44, %add3A_45 : i32
      %run_scoped3A = arith.constant 0 : i32
      "tpu.region"() ({
        %run_scoped3A_326 = tpu.sem_alloc : memref<!tpu.dma_semaphore, #tpu.memory_space<semaphore_mem>>
        %dma_start3A_327 = arith.constant 0 : i32
        %dma_start3A_328 = arith.constant 0 : i32
        %dma_start3A_329 = tpu.memref_slice %arg8[%run_scoped3A, %dma_start3A_327, %dma_start3A_328] : memref<2x3x80xi32, #tpu.memory_space<vmem>> -> memref<1x3x80xi32, #tpu.memory_space<vmem>>
        %dma_start3A_330 = tpu.memref_squeeze %dma_start3A_329 : memref<1x3x80xi32, #tpu.memory_space<vmem>> -> memref<3x80xi32, #tpu.memory_space<vmem>>
        %dma_start3A_331 = arith.constant 0 : i32
        %dma_start3A_332 = arith.constant 0 : i32
        %dma_start3A_333 = tpu.memref_slice %arg5[%add3A_46, %dma_start3A_331, %dma_start3A_332] : memref<8000x3x80xi32, #tpu.memory_space<hbm>> -> memref<1x3x80xi32, #tpu.memory_space<hbm>>
        %dma_start3A_334 = tpu.memref_squeeze %dma_start3A_333 : memref<1x3x80xi32, #tpu.memory_space<hbm>> -> memref<3x80xi32, #tpu.memory_space<hbm>>
        %dma_start3A_335 = arith.constant 0 : i32
        %dma_start3A_336 = arith.constant 0 : i32
        %dma_start3A_337 = tpu.memref_slice %arg8[%run_scoped3A, %dma_start3A_335, %dma_start3A_336] : memref<2x3x80xi32, #tpu.memory_space<vmem>> -> memref<1x3x80xi32, #tpu.memory_space<vmem>>
        %dma_start3A_338 = tpu.memref_squeeze %dma_start3A_337 : memref<1x3x80xi32, #tpu.memory_space<vmem>> -> memref<3x80xi32, #tpu.memory_space<vmem>>
        %dma_start3A_339 = arith.constant 0 : i32
        %dma_start3A_340 = arith.constant 0 : i32
        %dma_start3A_341 = tpu.memref_slice %arg5[%add3A_46, %dma_start3A_339, %dma_start3A_340] : memref<8000x3x80xi32, #tpu.memory_space<hbm>> -> memref<1x3x80xi32, #tpu.memory_space<hbm>>
        %dma_start3A_342 = tpu.memref_squeeze %dma_start3A_341 : memref<1x3x80xi32, #tpu.memory_space<hbm>> -> memref<3x80xi32, #tpu.memory_space<hbm>>
        tpu.enqueue_dma source(%dma_start3A_342 : memref<3x80xi32, #tpu.memory_space<hbm>>) target(%dma_start3A_338 : memref<3x80xi32, #tpu.memory_space<vmem>>) target_semaphore(%run_scoped3A_326 : memref<!tpu.dma_semaphore, #tpu.memory_space<semaphore_mem>>)
        %dma_wait3A_343 = arith.constant 0 : i32
        %dma_wait3A_344 = arith.constant 0 : i32
        %dma_wait3A_345 = tpu.memref_slice %arg8[%run_scoped3A, %dma_wait3A_343, %dma_wait3A_344] : memref<2x3x80xi32, #tpu.memory_space<vmem>> -> memref<1x3x80xi32, #tpu.memory_space<vmem>>
        %dma_wait3A_346 = tpu.memref_squeeze %dma_wait3A_345 : memref<1x3x80xi32, #tpu.memory_space<vmem>> -> memref<3x80xi32, #tpu.memory_space<vmem>>
        %dma_wait3A_347 = arith.constant 0 : i32
        %dma_wait3A_348 = arith.constant 0 : i32
        %dma_wait3A_349 = tpu.memref_slice %arg5[%add3A_46, %dma_wait3A_347, %dma_wait3A_348] : memref<8000x3x80xi32, #tpu.memory_space<hbm>> -> memref<1x3x80xi32, #tpu.memory_space<hbm>>
        %dma_wait3A_350 = tpu.memref_squeeze %dma_wait3A_349 : memref<1x3x80xi32, #tpu.memory_space<hbm>> -> memref<3x80xi32, #tpu.memory_space<hbm>>
        %dma_wait3A_351 = arith.constant 0 : i32
        %dma_wait3A_352 = arith.constant 0 : i32
        %dma_wait3A_353 = tpu.memref_slice %arg8[%run_scoped3A, %dma_wait3A_351, %dma_wait3A_352] : memref<2x3x80xi32, #tpu.memory_space<vmem>> -> memref<1x3x80xi32, #tpu.memory_space<vmem>>
        %dma_wait3A_354 = tpu.memref_squeeze %dma_wait3A_353 : memref<1x3x80xi32, #tpu.memory_space<vmem>> -> memref<3x80xi32, #tpu.memory_space<vmem>>
        %dma_wait3A_355 = arith.constant 0 : i32
        %dma_wait3A_356 = arith.constant 0 : i32
        %dma_wait3A_357 = tpu.memref_slice %arg5[%add3A_46, %dma_wait3A_355, %dma_wait3A_356] : memref<8000x3x80xi32, #tpu.memory_space<hbm>> -> memref<1x3x80xi32, #tpu.memory_space<hbm>>
        %dma_wait3A_358 = tpu.memref_squeeze %dma_wait3A_357 : memref<1x3x80xi32, #tpu.memory_space<hbm>> -> memref<3x80xi32, #tpu.memory_space<hbm>>
        tpu.wait_dma2 semaphore(%run_scoped3A_326 : memref<!tpu.dma_semaphore, #tpu.memory_space<semaphore_mem>>) src(%dma_wait3A_358 : memref<3x80xi32, #tpu.memory_space<hbm>>) dst(%dma_wait3A_354 : memref<3x80xi32, #tpu.memory_space<vmem>>)
        tpu.yield
      }) : () -> ()
      %dma_start3A = arith.constant 0 : i32
      %dma_start3A_47 = arith.constant 0 : i32
      %dma_start3A_48 = arith.constant 0 : i32
      %dma_start3A_49 = arith.constant 0 : i32
      %dma_start3A_50 = arith.constant 0 : i32
      %dma_start3A_51 = tpu.memref_slice %arg9[%dma_start3A_48, %dma_start3A_49, %dma_start3A_50] : memref<2x80x128xf32, #tpu.memory_space<vmem>> -> memref<1x80x128xf32, #tpu.memory_space<vmem>>
      %dma_start3A_52 = tpu.memref_squeeze %dma_start3A_51 : memref<1x80x128xf32, #tpu.memory_space<vmem>> -> memref<80x128xf32, #tpu.memory_space<vmem>>
      %dma_start3A_53 = arith.constant 0 : i32
      %dma_start3A_54 = tpu.memref_slice %arg8[%dma_start3A, %dma_start3A_47, %dma_start3A_53] : memref<2x3x80xi32, #tpu.memory_space<vmem>> -> memref<1x1x80xi32, #tpu.memory_space<vmem>>
      %dma_start3A_55 = tpu.memref_squeeze %dma_start3A_54 : memref<1x1x80xi32, #tpu.memory_space<vmem>> -> memref<80xi32, #tpu.memory_space<vmem>>
      %dma_start3A_56 = arith.constant 0 : i32
      %dma_start3A_57 = arith.constant 0 : i32
      %dma_start3A_58 = tpu.memref_slice %arg2[%dma_start3A_56, %dma_start3A_57] : memref<20000x128xf32, #tpu.memory_space<hbm>> -> memref<20000x128xf32, #tpu.memory_space<hbm>>
      tpu.enqueue_indirect_dma source(%dma_start3A_58 : memref<20000x128xf32, #tpu.memory_space<hbm>>) target(%dma_start3A_52 : memref<80x128xf32, #tpu.memory_space<vmem>>) offsets(%dma_start3A_55 : memref<80xi32, #tpu.memory_space<vmem>>) semaphore(%arg14 : memref<!tpu.dma_semaphore, #tpu.memory_space<semaphore_mem>>)
      %dma_start3A_59 = arith.constant 0 : i32
      %dma_start3A_60 = arith.constant 0 : i32
      %dma_start3A_61 = arith.constant 0 : i32
      %dma_start3A_62 = arith.constant 0 : i32
      %dma_start3A_63 = arith.constant 0 : i32
      %dma_start3A_64 = tpu.memref_slice %arg10[%dma_start3A_61, %dma_start3A_62, %dma_start3A_63] : memref<2x80x16xf32, #tpu.memory_space<vmem>> -> memref<1x80x16xf32, #tpu.memory_space<vmem>>
      %dma_start3A_65 = tpu.memref_squeeze %dma_start3A_64 : memref<1x80x16xf32, #tpu.memory_space<vmem>> -> memref<80x16xf32, #tpu.memory_space<vmem>>
      %dma_start3A_66 = arith.constant 0 : i32
      %dma_start3A_67 = tpu.memref_slice %arg8[%dma_start3A_59, %dma_start3A_60, %dma_start3A_66] : memref<2x3x80xi32, #tpu.memory_space<vmem>> -> memref<1x1x80xi32, #tpu.memory_space<vmem>>
      %dma_start3A_68 = tpu.memref_squeeze %dma_start3A_67 : memref<1x1x80xi32, #tpu.memory_space<vmem>> -> memref<80xi32, #tpu.memory_space<vmem>>
      %dma_start3A_69 = arith.constant 0 : i32
      %dma_start3A_70 = arith.constant 0 : i32
      %dma_start3A_71 = tpu.memref_slice %arg3[%dma_start3A_69, %dma_start3A_70] : memref<20000x16xf32, #tpu.memory_space<hbm>> -> memref<20000x16xf32, #tpu.memory_space<hbm>>
      tpu.enqueue_indirect_dma source(%dma_start3A_71 : memref<20000x16xf32, #tpu.memory_space<hbm>>) target(%dma_start3A_65 : memref<80x16xf32, #tpu.memory_space<vmem>>) offsets(%dma_start3A_68 : memref<80xi32, #tpu.memory_space<vmem>>) semaphore(%arg14 : memref<!tpu.dma_semaphore, #tpu.memory_space<semaphore_mem>>)
      %dma_start3A_72 = arith.constant 0 : i32
      %dma_start3A_73 = arith.constant 1 : i32
      %dma_start3A_74 = arith.constant 0 : i32
      %dma_start3A_75 = arith.constant 0 : i32
      %dma_start3A_76 = arith.constant 0 : i32
      %dma_start3A_77 = tpu.memref_slice %arg11[%dma_start3A_74, %dma_start3A_75, %dma_start3A_76] : memref<2x80x16xf32, #tpu.memory_space<vmem>> -> memref<1x80x16xf32, #tpu.memory_space<vmem>>
      %dma_start3A_78 = tpu.memref_squeeze %dma_start3A_77 : memref<1x80x16xf32, #tpu.memory_space<vmem>> -> memref<80x16xf32, #tpu.memory_space<vmem>>
      %dma_start3A_79 = arith.constant 0 : i32
      %dma_start3A_80 = tpu.memref_slice %arg8[%dma_start3A_72, %dma_start3A_73, %dma_start3A_79] : memref<2x3x80xi32, #tpu.memory_space<vmem>> -> memref<1x1x80xi32, #tpu.memory_space<vmem>>
      %dma_start3A_81 = tpu.memref_squeeze %dma_start3A_80 : memref<1x1x80xi32, #tpu.memory_space<vmem>> -> memref<80xi32, #tpu.memory_space<vmem>>
      %dma_start3A_82 = arith.constant 0 : i32
      %dma_start3A_83 = arith.constant 0 : i32
      %dma_start3A_84 = tpu.memref_slice %arg4[%dma_start3A_82, %dma_start3A_83] : memref<20000x16xf32, #tpu.memory_space<hbm>> -> memref<20000x16xf32, #tpu.memory_space<hbm>>
      tpu.enqueue_indirect_dma source(%dma_start3A_84 : memref<20000x16xf32, #tpu.memory_space<hbm>>) target(%dma_start3A_78 : memref<80x16xf32, #tpu.memory_space<vmem>>) offsets(%dma_start3A_81 : memref<80xi32, #tpu.memory_space<vmem>>) semaphore(%arg14 : memref<!tpu.dma_semaphore, #tpu.memory_space<semaphore_mem>>)
      %mul3A_85 = arith.constant 2 : i32
      %mul3A_86 = arith.muli %scan3A_40, %mul3A_85 : i32
      %add3A_87 = arith.addi %mul3A_2, %mul3A_86 : i32
      %add3A_88 = arith.constant 1 : i32
      %add3A_89 = arith.addi %add3A_87, %add3A_88 : i32
      %run_scoped3A_90 = arith.constant 1 : i32
      "tpu.region"() ({
        %run_scoped3A_326 = tpu.sem_alloc : memref<!tpu.dma_semaphore, #tpu.memory_space<semaphore_mem>>
        %dma_start3A_327 = arith.constant 0 : i32
        %dma_start3A_328 = arith.constant 0 : i32
        %dma_start3A_329 = tpu.memref_slice %arg8[%run_scoped3A_90, %dma_start3A_327, %dma_start3A_328] : memref<2x3x80xi32, #tpu.memory_space<vmem>> -> memref<1x3x80xi32, #tpu.memory_space<vmem>>
        %dma_start3A_330 = tpu.memref_squeeze %dma_start3A_329 : memref<1x3x80xi32, #tpu.memory_space<vmem>> -> memref<3x80xi32, #tpu.memory_space<vmem>>
        %dma_start3A_331 = arith.constant 0 : i32
        %dma_start3A_332 = arith.constant 0 : i32
        %dma_start3A_333 = tpu.memref_slice %arg5[%add3A_89, %dma_start3A_331, %dma_start3A_332] : memref<8000x3x80xi32, #tpu.memory_space<hbm>> -> memref<1x3x80xi32, #tpu.memory_space<hbm>>
        %dma_start3A_334 = tpu.memref_squeeze %dma_start3A_333 : memref<1x3x80xi32, #tpu.memory_space<hbm>> -> memref<3x80xi32, #tpu.memory_space<hbm>>
        %dma_start3A_335 = arith.constant 0 : i32
        %dma_start3A_336 = arith.constant 0 : i32
        %dma_start3A_337 = tpu.memref_slice %arg8[%run_scoped3A_90, %dma_start3A_335, %dma_start3A_336] : memref<2x3x80xi32, #tpu.memory_space<vmem>> -> memref<1x3x80xi32, #tpu.memory_space<vmem>>
        %dma_start3A_338 = tpu.memref_squeeze %dma_start3A_337 : memref<1x3x80xi32, #tpu.memory_space<vmem>> -> memref<3x80xi32, #tpu.memory_space<vmem>>
        %dma_start3A_339 = arith.constant 0 : i32
        %dma_start3A_340 = arith.constant 0 : i32
        %dma_start3A_341 = tpu.memref_slice %arg5[%add3A_89, %dma_start3A_339, %dma_start3A_340] : memref<8000x3x80xi32, #tpu.memory_space<hbm>> -> memref<1x3x80xi32, #tpu.memory_space<hbm>>
        %dma_start3A_342 = tpu.memref_squeeze %dma_start3A_341 : memref<1x3x80xi32, #tpu.memory_space<hbm>> -> memref<3x80xi32, #tpu.memory_space<hbm>>
        tpu.enqueue_dma source(%dma_start3A_342 : memref<3x80xi32, #tpu.memory_space<hbm>>) target(%dma_start3A_338 : memref<3x80xi32, #tpu.memory_space<vmem>>) target_semaphore(%run_scoped3A_326 : memref<!tpu.dma_semaphore, #tpu.memory_space<semaphore_mem>>)
        %dma_wait3A_343 = arith.constant 0 : i32
        %dma_wait3A_344 = arith.constant 0 : i32
        %dma_wait3A_345 = tpu.memref_slice %arg8[%run_scoped3A_90, %dma_wait3A_343, %dma_wait3A_344] : memref<2x3x80xi32, #tpu.memory_space<vmem>> -> memref<1x3x80xi32, #tpu.memory_space<vmem>>
        %dma_wait3A_346 = tpu.memref_squeeze %dma_wait3A_345 : memref<1x3x80xi32, #tpu.memory_space<vmem>> -> memref<3x80xi32, #tpu.memory_space<vmem>>
        %dma_wait3A_347 = arith.constant 0 : i32
        %dma_wait3A_348 = arith.constant 0 : i32
        %dma_wait3A_349 = tpu.memref_slice %arg5[%add3A_89, %dma_wait3A_347, %dma_wait3A_348] : memref<8000x3x80xi32, #tpu.memory_space<hbm>> -> memref<1x3x80xi32, #tpu.memory_space<hbm>>
        %dma_wait3A_350 = tpu.memref_squeeze %dma_wait3A_349 : memref<1x3x80xi32, #tpu.memory_space<hbm>> -> memref<3x80xi32, #tpu.memory_space<hbm>>
        %dma_wait3A_351 = arith.constant 0 : i32
        %dma_wait3A_352 = arith.constant 0 : i32
        %dma_wait3A_353 = tpu.memref_slice %arg8[%run_scoped3A_90, %dma_wait3A_351, %dma_wait3A_352] : memref<2x3x80xi32, #tpu.memory_space<vmem>> -> memref<1x3x80xi32, #tpu.memory_space<vmem>>
        %dma_wait3A_354 = tpu.memref_squeeze %dma_wait3A_353 : memref<1x3x80xi32, #tpu.memory_space<vmem>> -> memref<3x80xi32, #tpu.memory_space<vmem>>
        %dma_wait3A_355 = arith.constant 0 : i32
        %dma_wait3A_356 = arith.constant 0 : i32
        %dma_wait3A_357 = tpu.memref_slice %arg5[%add3A_89, %dma_wait3A_355, %dma_wait3A_356] : memref<8000x3x80xi32, #tpu.memory_space<hbm>> -> memref<1x3x80xi32, #tpu.memory_space<hbm>>
        %dma_wait3A_358 = tpu.memref_squeeze %dma_wait3A_357 : memref<1x3x80xi32, #tpu.memory_space<hbm>> -> memref<3x80xi32, #tpu.memory_space<hbm>>
        tpu.wait_dma2 semaphore(%run_scoped3A_326 : memref<!tpu.dma_semaphore, #tpu.memory_space<semaphore_mem>>) src(%dma_wait3A_358 : memref<3x80xi32, #tpu.memory_space<hbm>>) dst(%dma_wait3A_354 : memref<3x80xi32, #tpu.memory_space<vmem>>)
        tpu.yield
      }) : () -> ()
      %dma_start3A_91 = arith.constant 1 : i32
      %dma_start3A_92 = arith.constant 0 : i32
      %dma_start3A_93 = arith.constant 1 : i32
      %dma_start3A_94 = arith.constant 0 : i32
      %dma_start3A_95 = arith.constant 0 : i32
      %dma_start3A_96 = tpu.memref_slice %arg9[%dma_start3A_93, %dma_start3A_94, %dma_start3A_95] : memref<2x80x128xf32, #tpu.memory_space<vmem>> -> memref<1x80x128xf32, #tpu.memory_space<vmem>>
      %dma_start3A_97 = tpu.memref_squeeze %dma_start3A_96 : memref<1x80x128xf32, #tpu.memory_space<vmem>> -> memref<80x128xf32, #tpu.memory_space<vmem>>
      %dma_start3A_98 = arith.constant 0 : i32
      %dma_start3A_99 = tpu.memref_slice %arg8[%dma_start3A_91, %dma_start3A_92, %dma_start3A_98] : memref<2x3x80xi32, #tpu.memory_space<vmem>> -> memref<1x1x80xi32, #tpu.memory_space<vmem>>
      %dma_start3A_100 = tpu.memref_squeeze %dma_start3A_99 : memref<1x1x80xi32, #tpu.memory_space<vmem>> -> memref<80xi32, #tpu.memory_space<vmem>>
      %dma_start3A_101 = arith.constant 0 : i32
      %dma_start3A_102 = arith.constant 0 : i32
      %dma_start3A_103 = tpu.memref_slice %arg2[%dma_start3A_101, %dma_start3A_102] : memref<20000x128xf32, #tpu.memory_space<hbm>> -> memref<20000x128xf32, #tpu.memory_space<hbm>>
      tpu.enqueue_indirect_dma source(%dma_start3A_103 : memref<20000x128xf32, #tpu.memory_space<hbm>>) target(%dma_start3A_97 : memref<80x128xf32, #tpu.memory_space<vmem>>) offsets(%dma_start3A_100 : memref<80xi32, #tpu.memory_space<vmem>>) semaphore(%arg15 : memref<!tpu.dma_semaphore, #tpu.memory_space<semaphore_mem>>)
      %dma_start3A_104 = arith.constant 1 : i32
      %dma_start3A_105 = arith.constant 0 : i32
      %dma_start3A_106 = arith.constant 1 : i32
      %dma_start3A_107 = arith.constant 0 : i32
      %dma_start3A_108 = arith.constant 0 : i32
      %dma_start3A_109 = tpu.memref_slice %arg10[%dma_start3A_106, %dma_start3A_107, %dma_start3A_108] : memref<2x80x16xf32, #tpu.memory_space<vmem>> -> memref<1x80x16xf32, #tpu.memory_space<vmem>>
      %dma_start3A_110 = tpu.memref_squeeze %dma_start3A_109 : memref<1x80x16xf32, #tpu.memory_space<vmem>> -> memref<80x16xf32, #tpu.memory_space<vmem>>
      %dma_start3A_111 = arith.constant 0 : i32
      %dma_start3A_112 = tpu.memref_slice %arg8[%dma_start3A_104, %dma_start3A_105, %dma_start3A_111] : memref<2x3x80xi32, #tpu.memory_space<vmem>> -> memref<1x1x80xi32, #tpu.memory_space<vmem>>
      %dma_start3A_113 = tpu.memref_squeeze %dma_start3A_112 : memref<1x1x80xi32, #tpu.memory_space<vmem>> -> memref<80xi32, #tpu.memory_space<vmem>>
      %dma_start3A_114 = arith.constant 0 : i32
      %dma_start3A_115 = arith.constant 0 : i32
      %dma_start3A_116 = tpu.memref_slice %arg3[%dma_start3A_114, %dma_start3A_115] : memref<20000x16xf32, #tpu.memory_space<hbm>> -> memref<20000x16xf32, #tpu.memory_space<hbm>>
      tpu.enqueue_indirect_dma source(%dma_start3A_116 : memref<20000x16xf32, #tpu.memory_space<hbm>>) target(%dma_start3A_110 : memref<80x16xf32, #tpu.memory_space<vmem>>) offsets(%dma_start3A_113 : memref<80xi32, #tpu.memory_space<vmem>>) semaphore(%arg15 : memref<!tpu.dma_semaphore, #tpu.memory_space<semaphore_mem>>)
      %dma_start3A_117 = arith.constant 1 : i32
      %dma_start3A_118 = arith.constant 1 : i32
      %dma_start3A_119 = arith.constant 1 : i32
      %dma_start3A_120 = arith.constant 0 : i32
      %dma_start3A_121 = arith.constant 0 : i32
      %dma_start3A_122 = tpu.memref_slice %arg11[%dma_start3A_119, %dma_start3A_120, %dma_start3A_121] : memref<2x80x16xf32, #tpu.memory_space<vmem>> -> memref<1x80x16xf32, #tpu.memory_space<vmem>>
      %dma_start3A_123 = tpu.memref_squeeze %dma_start3A_122 : memref<1x80x16xf32, #tpu.memory_space<vmem>> -> memref<80x16xf32, #tpu.memory_space<vmem>>
      %dma_start3A_124 = arith.constant 0 : i32
      %dma_start3A_125 = tpu.memref_slice %arg8[%dma_start3A_117, %dma_start3A_118, %dma_start3A_124] : memref<2x3x80xi32, #tpu.memory_space<vmem>> -> memref<1x1x80xi32, #tpu.memory_space<vmem>>
      %dma_start3A_126 = tpu.memref_squeeze %dma_start3A_125 : memref<1x1x80xi32, #tpu.memory_space<vmem>> -> memref<80xi32, #tpu.memory_space<vmem>>
      %dma_start3A_127 = arith.constant 0 : i32
      %dma_start3A_128 = arith.constant 0 : i32
      %dma_start3A_129 = tpu.memref_slice %arg4[%dma_start3A_127, %dma_start3A_128] : memref<20000x16xf32, #tpu.memory_space<hbm>> -> memref<20000x16xf32, #tpu.memory_space<hbm>>
      tpu.enqueue_indirect_dma source(%dma_start3A_129 : memref<20000x16xf32, #tpu.memory_space<hbm>>) target(%dma_start3A_123 : memref<80x16xf32, #tpu.memory_space<vmem>>) offsets(%dma_start3A_126 : memref<80xi32, #tpu.memory_space<vmem>>) semaphore(%arg15 : memref<!tpu.dma_semaphore, #tpu.memory_space<semaphore_mem>>)
      %dma_wait3A = arith.constant 0 : i32
      %dma_wait3A_130 = arith.constant 0 : i32
      %dma_wait3A_131 = arith.constant 0 : i32
      %dma_wait3A_132 = arith.constant 0 : i32
      %dma_wait3A_133 = arith.constant 0 : i32
      %dma_wait3A_134 = tpu.memref_slice %arg9[%dma_wait3A_131, %dma_wait3A_132, %dma_wait3A_133] : memref<2x80x128xf32, #tpu.memory_space<vmem>> -> memref<1x80x128xf32, #tpu.memory_space<vmem>>
      %dma_wait3A_135 = tpu.memref_squeeze %dma_wait3A_134 : memref<1x80x128xf32, #tpu.memory_space<vmem>> -> memref<80x128xf32, #tpu.memory_space<vmem>>
      %dma_wait3A_136 = arith.constant 0 : i32
      %dma_wait3A_137 = tpu.memref_slice %arg8[%dma_wait3A, %dma_wait3A_130, %dma_wait3A_136] : memref<2x3x80xi32, #tpu.memory_space<vmem>> -> memref<1x1x80xi32, #tpu.memory_space<vmem>>
      %dma_wait3A_138 = tpu.memref_squeeze %dma_wait3A_137 : memref<1x1x80xi32, #tpu.memory_space<vmem>> -> memref<80xi32, #tpu.memory_space<vmem>>
      %dma_wait3A_139 = arith.constant 0 : i32
      %dma_wait3A_140 = arith.constant 0 : i32
      %dma_wait3A_141 = tpu.memref_slice %arg2[%dma_wait3A_139, %dma_wait3A_140] : memref<20000x128xf32, #tpu.memory_space<hbm>> -> memref<20000x128xf32, #tpu.memory_space<hbm>>
      tpu.wait_indirect_dma semaphore(%arg14 : memref<!tpu.dma_semaphore, #tpu.memory_space<semaphore_mem>>) src(%dma_wait3A_141 : memref<20000x128xf32, #tpu.memory_space<hbm>>) dst(%dma_wait3A_135 : memref<80x128xf32, #tpu.memory_space<vmem>>)
      %dma_wait3A_142 = arith.constant 0 : i32
      %dma_wait3A_143 = arith.constant 0 : i32
      %dma_wait3A_144 = arith.constant 0 : i32
      %dma_wait3A_145 = arith.constant 0 : i32
      %dma_wait3A_146 = arith.constant 0 : i32
      %dma_wait3A_147 = tpu.memref_slice %arg10[%dma_wait3A_144, %dma_wait3A_145, %dma_wait3A_146] : memref<2x80x16xf32, #tpu.memory_space<vmem>> -> memref<1x80x16xf32, #tpu.memory_space<vmem>>
      %dma_wait3A_148 = tpu.memref_squeeze %dma_wait3A_147 : memref<1x80x16xf32, #tpu.memory_space<vmem>> -> memref<80x16xf32, #tpu.memory_space<vmem>>
      %dma_wait3A_149 = arith.constant 0 : i32
      %dma_wait3A_150 = tpu.memref_slice %arg8[%dma_wait3A_142, %dma_wait3A_143, %dma_wait3A_149] : memref<2x3x80xi32, #tpu.memory_space<vmem>> -> memref<1x1x80xi32, #tpu.memory_space<vmem>>
      %dma_wait3A_151 = tpu.memref_squeeze %dma_wait3A_150 : memref<1x1x80xi32, #tpu.memory_space<vmem>> -> memref<80xi32, #tpu.memory_space<vmem>>
      %dma_wait3A_152 = arith.constant 0 : i32
      %dma_wait3A_153 = arith.constant 0 : i32
      %dma_wait3A_154 = tpu.memref_slice %arg3[%dma_wait3A_152, %dma_wait3A_153] : memref<20000x16xf32, #tpu.memory_space<hbm>> -> memref<20000x16xf32, #tpu.memory_space<hbm>>
      tpu.wait_indirect_dma semaphore(%arg14 : memref<!tpu.dma_semaphore, #tpu.memory_space<semaphore_mem>>) src(%dma_wait3A_154 : memref<20000x16xf32, #tpu.memory_space<hbm>>) dst(%dma_wait3A_148 : memref<80x16xf32, #tpu.memory_space<vmem>>)
      %dma_wait3A_155 = arith.constant 0 : i32
      %dma_wait3A_156 = arith.constant 1 : i32
      %dma_wait3A_157 = arith.constant 0 : i32
      %dma_wait3A_158 = arith.constant 0 : i32
      %dma_wait3A_159 = arith.constant 0 : i32
      %dma_wait3A_160 = tpu.memref_slice %arg11[%dma_wait3A_157, %dma_wait3A_158, %dma_wait3A_159] : memref<2x80x16xf32, #tpu.memory_space<vmem>> -> memref<1x80x16xf32, #tpu.memory_space<vmem>>
      %dma_wait3A_161 = tpu.memref_squeeze %dma_wait3A_160 : memref<1x80x16xf32, #tpu.memory_space<vmem>> -> memref<80x16xf32, #tpu.memory_space<vmem>>
      %dma_wait3A_162 = arith.constant 0 : i32
      %dma_wait3A_163 = tpu.memref_slice %arg8[%dma_wait3A_155, %dma_wait3A_156, %dma_wait3A_162] : memref<2x3x80xi32, #tpu.memory_space<vmem>> -> memref<1x1x80xi32, #tpu.memory_space<vmem>>
      %dma_wait3A_164 = tpu.memref_squeeze %dma_wait3A_163 : memref<1x1x80xi32, #tpu.memory_space<vmem>> -> memref<80xi32, #tpu.memory_space<vmem>>
      %dma_wait3A_165 = arith.constant 0 : i32
      %dma_wait3A_166 = arith.constant 0 : i32
      %dma_wait3A_167 = tpu.memref_slice %arg4[%dma_wait3A_165, %dma_wait3A_166] : memref<20000x16xf32, #tpu.memory_space<hbm>> -> memref<20000x16xf32, #tpu.memory_space<hbm>>
      tpu.wait_indirect_dma semaphore(%arg14 : memref<!tpu.dma_semaphore, #tpu.memory_space<semaphore_mem>>) src(%dma_wait3A_167 : memref<20000x16xf32, #tpu.memory_space<hbm>>) dst(%dma_wait3A_161 : memref<80x16xf32, #tpu.memory_space<vmem>>)
      %scan3A_168 = arith.constant 0 : i32
      %scan3A_169 = arith.constant 0 : i32
      %scan3A_170 = arith.constant 80 : i32
      %scan3A_171 = arith.addi %scan3A_169, %scan3A_170 : i32
      %scan3A_172 = arith.constant 1 : i32
      %scan3A_173 = scf.for %scan3A_326 = %scan3A_169 to %scan3A_171 step %scan3A_172 iter_args(%scan3A_327 = %scan3A_168) -> (i32)  : i32 {
        %get3A = arith.constant 0 : i32
        %get3A_328 = arith.index_cast %get3A : i32 to index
        %get3A_329 = arith.index_cast %scan3A_326 : i32 to index
        %get3A_330 = arith.constant 0 : index
        %get3A_331 = tpu.vector_load %arg10[%get3A_328, %get3A_329, %get3A_330] {strides = array<i32>} : memref<2x80x16xf32, #tpu.memory_space<vmem>>, vector<1x1x16xf32>,
        %get3A_332 = vector.shape_cast %get3A_331 : vector<1x1x16xf32> to vector<16xf32>
        %get3A_333 = arith.constant 0 : i32
        %get3A_334 = arith.index_cast %get3A_333 : i32 to index
        %get3A_335 = arith.index_cast %scan3A_326 : i32 to index
        %get3A_336 = arith.constant 0 : index
        %get3A_337 = tpu.vector_load %arg11[%get3A_334, %get3A_335, %get3A_336] {strides = array<i32>} : memref<2x80x16xf32, #tpu.memory_space<vmem>>, vector<1x1x16xf32>,
        %get3A_338 = vector.shape_cast %get3A_337 : vector<1x1x16xf32> to vector<16xf32>
        %add3A_339 = arith.addf %get3A_332, %get3A_338 : vector<16xf32>
        %mul3A_340 = arith.constant 2.000000e-01 : f32
        %mul3A_341 = vector.broadcast %mul3A_340 : f32 to vector<16xf32>
        %mul3A_342 = arith.mulf %mul3A_341, %add3A_339 : vector<16xf32>
        %max3A = arith.maximumf %add3A_339, %mul3A_342 : vector<16xf32>
        %exp3A = math.exp %max3A : vector<16xf32>
        %swap3A = arith.constant 0 : i32
        %swap3A_343 = arith.index_cast %swap3A : i32 to index
        %swap3A_344 = arith.index_cast %scan3A_326 : i32 to index
        %swap3A_345 = arith.constant 0 : index
        %swap3A_346 = tpu.vector_load %arg10[%swap3A_343, %swap3A_344, %swap3A_345] {strides = array<i32>} : memref<2x80x16xf32, #tpu.memory_space<vmem>>, vector<1x1x16xf32>,
        %swap3A_347 = vector.shape_cast %swap3A_346 : vector<1x1x16xf32> to vector<16xf32>
        %swap3A_348 = vector.shape_cast %exp3A : vector<16xf32> to vector<1x1x16xf32>
        tpu.vector_store %arg10[%swap3A_343, %swap3A_344, %swap3A_345], %swap3A_348 {strides = array<i32>} : memref<2x80x16xf32, #tpu.memory_space<vmem>>, vector<1x1x16xf32>,
        %broadcast_in_dim3A_349 = arith.constant 0 : i32
        %broadcast_in_dim3A_350 = vector.broadcast %broadcast_in_dim3A_349 : i32 to vector<16xi32>
        %lt3A_351 = arith.constant 0 : i32
        %lt3A_352 = vector.broadcast %lt3A_351 : i32 to vector<16xi32>
        %lt3A_353 = arith.cmpi slt, %broadcast_in_dim3A_350, %lt3A_352 : vector<16xi32>
        %add3A_354 = arith.constant 16 : i32
        %add3A_355 = vector.broadcast %add3A_354 : i32 to vector<16xi32>
        %add3A_356 = arith.addi %broadcast_in_dim3A_350, %add3A_355 : vector<16xi32>
        %select_n3A_357 = arith.select %lt3A_353, %add3A_356, %broadcast_in_dim3A_350 : vector<16xi1>, vector<16xi32>
        %broadcast_in_dim3A_358 = vector.shape_cast %select_n3A_357 : vector<16xi32> to vector<16x1xi32>
        %gather3A = vector.shape_cast %broadcast_in_dim3A_358 : vector<16x1xi32> to vector<16xi32>
        %gather3A_359 = tpu.dynamic_gather %exp3A[%gather3A] in [0] : vector<16xf32>, vector<16xi32> -> vector<16xf32>
        %get3A_360 = arith.constant 0 : i32
        %get3A_361 = arith.index_cast %get3A_360 : i32 to index
        %get3A_362 = arith.index_cast %scan3A_326 : i32 to index
        %get3A_363 = arith.constant 0 : index
        %get3A_364 = tpu.vector_load %arg9[%get3A_361, %get3A_362, %get3A_363] {strides = array<i32>} : memref<2x80x128xf32, #tpu.memory_space<vmem>>, vector<1x1x16xf32>,
        %get3A_365 = vector.shape_cast %get3A_364 : vector<1x1x16xf32> to vector<16xf32>
        %mul3A_366 = arith.mulf %get3A_365, %gather3A_359 : vector<16xf32>
        %swap3A_367 = arith.constant 0 : i32
        %swap3A_368 = arith.index_cast %swap3A_367 : i32 to index
        %swap3A_369 = arith.index_cast %scan3A_326 : i32 to index
        %swap3A_370 = arith.constant 0 : index
        %swap3A_371 = tpu.vector_load %arg9[%swap3A_368, %swap3A_369, %swap3A_370] {strides = array<i32>} : memref<2x80x128xf32, #tpu.memory_space<vmem>>, vector<1x1x16xf32>,
        %swap3A_372 = vector.shape_cast %swap3A_371 : vector<1x1x16xf32> to vector<16xf32>
        %swap3A_373 = vector.shape_cast %mul3A_366 : vector<16xf32> to vector<1x1x16xf32>
        tpu.vector_store %arg9[%swap3A_368, %swap3A_369, %swap3A_370], %swap3A_373 {strides = array<i32>} : memref<2x80x128xf32, #tpu.memory_space<vmem>>, vector<1x1x16xf32>,
        %get3A_374 = arith.constant 0 : i32
        %get3A_375 = arith.index_cast %get3A_374 : i32 to index
        %get3A_376 = arith.index_cast %scan3A_326 : i32 to index
        %get3A_377 = arith.constant 16 : index
        %get3A_378 = tpu.vector_load %arg9[%get3A_375, %get3A_376, %get3A_377] {strides = array<i32>} : memref<2x80x128xf32, #tpu.memory_space<vmem>>, vector<1x1x16xf32>,
        %get3A_379 = vector.shape_cast %get3A_378 : vector<1x1x16xf32> to vector<16xf32>
        %mul3A_380 = arith.mulf %get3A_379, %gather3A_359 : vector<16xf32>
        %swap3A_381 = arith.constant 0 : i32
        %swap3A_382 = arith.index_cast %swap3A_381 : i32 to index
        %swap3A_383 = arith.index_cast %scan3A_326 : i32 to index
        %swap3A_384 = arith.constant 16 : index
        %swap3A_385 = tpu.vector_load %arg9[%swap3A_382, %swap3A_383, %swap3A_384] {strides = array<i32>} : memref<2x80x128xf32, #tpu.memory_space<vmem>>, vector<1x1x16xf32>,
        %swap3A_386 = vector.shape_cast %swap3A_385 : vector<1x1x16xf32> to vector<16xf32>
        %swap3A_387 = vector.shape_cast %mul3A_380 : vector<16xf32> to vector<1x1x16xf32>
        tpu.vector_store %arg9[%swap3A_382, %swap3A_383, %swap3A_384], %swap3A_387 {strides = array<i32>} : memref<2x80x128xf32, #tpu.memory_space<vmem>>, vector<1x1x16xf32>,
        %broadcast_in_dim3A_388 = arith.constant 1 : i32
        %broadcast_in_dim3A_389 = vector.broadcast %broadcast_in_dim3A_388 : i32 to vector<16xi32>
        %lt3A_390 = arith.constant 0 : i32
        %lt3A_391 = vector.broadcast %lt3A_390 : i32 to vector<16xi32>
        %lt3A_392 = arith.cmpi slt, %broadcast_in_dim3A_389, %lt3A_391 : vector<16xi32>
        %add3A_393 = arith.constant 16 : i32
        %add3A_394 = vector.broadcast %add3A_393 : i32 to vector<16xi32>
        %add3A_395 = arith.addi %broadcast_in_dim3A_389, %add3A_394 : vector<16xi32>
        %select_n3A_396 = arith.select %lt3A_392, %add3A_395, %broadcast_in_dim3A_389 : vector<16xi1>, vector<16xi32>
        %broadcast_in_dim3A_397 = vector.shape_cast %select_n3A_396 : vector<16xi32> to vector<16x1xi32>
        %gather3A_398 = vector.shape_cast %broadcast_in_dim3A_397 : vector<16x1xi32> to vector<16xi32>
        %gather3A_399 = tpu.dynamic_gather %exp3A[%gather3A_398] in [0] : vector<16xf32>, vector<16xi32> -> vector<16xf32>
        %get3A_400 = arith.constant 0 : i32
        %get3A_401 = arith.index_cast %get3A_400 : i32 to index
        %get3A_402 = arith.index_cast %scan3A_326 : i32 to index
        %get3A_403 = arith.constant 32 : index
        %get3A_404 = tpu.vector_load %arg9[%get3A_401, %get3A_402, %get3A_403] {strides = array<i32>} : memref<2x80x128xf32, #tpu.memory_space<vmem>>, vector<1x1x16xf32>,
        %get3A_405 = vector.shape_cast %get3A_404 : vector<1x1x16xf32> to vector<16xf32>
        %mul3A_406 = arith.mulf %get3A_405, %gather3A_399 : vector<16xf32>
        %swap3A_407 = arith.constant 0 : i32
        %swap3A_408 = arith.index_cast %swap3A_407 : i32 to index
        %swap3A_409 = arith.index_cast %scan3A_326 : i32 to index
        %swap3A_410 = arith.constant 32 : index
        %swap3A_411 = tpu.vector_load %arg9[%swap3A_408, %swap3A_409, %swap3A_410] {strides = array<i32>} : memref<2x80x128xf32, #tpu.memory_space<vmem>>, vector<1x1x16xf32>,
        %swap3A_412 = vector.shape_cast %swap3A_411 : vector<1x1x16xf32> to vector<16xf32>
        %swap3A_413 = vector.shape_cast %mul3A_406 : vector<16xf32> to vector<1x1x16xf32>
        tpu.vector_store %arg9[%swap3A_408, %swap3A_409, %swap3A_410], %swap3A_413 {strides = array<i32>} : memref<2x80x128xf32, #tpu.memory_space<vmem>>, vector<1x1x16xf32>,
        %get3A_414 = arith.constant 0 : i32
        %get3A_415 = arith.index_cast %get3A_414 : i32 to index
        %get3A_416 = arith.index_cast %scan3A_326 : i32 to index
        %get3A_417 = arith.constant 48 : index
        %get3A_418 = tpu.vector_load %arg9[%get3A_415, %get3A_416, %get3A_417] {strides = array<i32>} : memref<2x80x128xf32, #tpu.memory_space<vmem>>, vector<1x1x16xf32>,
        %get3A_419 = vector.shape_cast %get3A_418 : vector<1x1x16xf32> to vector<16xf32>
        %mul3A_420 = arith.mulf %get3A_419, %gather3A_399 : vector<16xf32>
        %swap3A_421 = arith.constant 0 : i32
        %swap3A_422 = arith.index_cast %swap3A_421 : i32 to index
        %swap3A_423 = arith.index_cast %scan3A_326 : i32 to index
        %swap3A_424 = arith.constant 48 : index
        %swap3A_425 = tpu.vector_load %arg9[%swap3A_422, %swap3A_423, %swap3A_424] {strides = array<i32>} : memref<2x80x128xf32, #tpu.memory_space<vmem>>, vector<1x1x16xf32>,
        %swap3A_426 = vector.shape_cast %swap3A_425 : vector<1x1x16xf32> to vector<16xf32>
        %swap3A_427 = vector.shape_cast %mul3A_420 : vector<16xf32> to vector<1x1x16xf32>
        tpu.vector_store %arg9[%swap3A_422, %swap3A_423, %swap3A_424], %swap3A_427 {strides = array<i32>} : memref<2x80x128xf32, #tpu.memory_space<vmem>>, vector<1x1x16xf32>,
        %broadcast_in_dim3A_428 = arith.constant 2 : i32
        %broadcast_in_dim3A_429 = vector.broadcast %broadcast_in_dim3A_428 : i32 to vector<16xi32>
        %lt3A_430 = arith.constant 0 : i32
        %lt3A_431 = vector.broadcast %lt3A_430 : i32 to vector<16xi32>
        %lt3A_432 = arith.cmpi slt, %broadcast_in_dim3A_429, %lt3A_431 : vector<16xi32>
        %add3A_433 = arith.constant 16 : i32
        %add3A_434 = vector.broadcast %add3A_433 : i32 to vector<16xi32>
        %add3A_435 = arith.addi %broadcast_in_dim3A_429, %add3A_434 : vector<16xi32>
        %select_n3A_436 = arith.select %lt3A_432, %add3A_435, %broadcast_in_dim3A_429 : vector<16xi1>, vector<16xi32>
        %broadcast_in_dim3A_437 = vector.shape_cast %select_n3A_436 : vector<16xi32> to vector<16x1xi32>
        %gather3A_438 = vector.shape_cast %broadcast_in_dim3A_437 : vector<16x1xi32> to vector<16xi32>
        %gather3A_439 = tpu.dynamic_gather %exp3A[%gather3A_438] in [0] : vector<16xf32>, vector<16xi32> -> vector<16xf32>
        %get3A_440 = arith.constant 0 : i32
        %get3A_441 = arith.index_cast %get3A_440 : i32 to index
        %get3A_442 = arith.index_cast %scan3A_326 : i32 to index
        %get3A_443 = arith.constant 64 : index
        %get3A_444 = tpu.vector_load %arg9[%get3A_441, %get3A_442, %get3A_443] {strides = array<i32>} : memref<2x80x128xf32, #tpu.memory_space<vmem>>, vector<1x1x16xf32>,
        %get3A_445 = vector.shape_cast %get3A_444 : vector<1x1x16xf32> to vector<16xf32>
        %mul3A_446 = arith.mulf %get3A_445, %gather3A_439 : vector<16xf32>
        %swap3A_447 = arith.constant 0 : i32
        %swap3A_448 = arith.index_cast %swap3A_447 : i32 to index
        %swap3A_449 = arith.index_cast %scan3A_326 : i32 to index
        %swap3A_450 = arith.constant 64 : index
        %swap3A_451 = tpu.vector_load %arg9[%swap3A_448, %swap3A_449, %swap3A_450] {strides = array<i32>} : memref<2x80x128xf32, #tpu.memory_space<vmem>>, vector<1x1x16xf32>,
        %swap3A_452 = vector.shape_cast %swap3A_451 : vector<1x1x16xf32> to vector<16xf32>
        %swap3A_453 = vector.shape_cast %mul3A_446 : vector<16xf32> to vector<1x1x16xf32>
        tpu.vector_store %arg9[%swap3A_448, %swap3A_449, %swap3A_450], %swap3A_453 {strides = array<i32>} : memref<2x80x128xf32, #tpu.memory_space<vmem>>, vector<1x1x16xf32>,
        %get3A_454 = arith.constant 0 : i32
        %get3A_455 = arith.index_cast %get3A_454 : i32 to index
        %get3A_456 = arith.index_cast %scan3A_326 : i32 to index
        %get3A_457 = arith.constant 80 : index
        %get3A_458 = tpu.vector_load %arg9[%get3A_455, %get3A_456, %get3A_457] {strides = array<i32>} : memref<2x80x128xf32, #tpu.memory_space<vmem>>, vector<1x1x16xf32>,
        %get3A_459 = vector.shape_cast %get3A_458 : vector<1x1x16xf32> to vector<16xf32>
        %mul3A_460 = arith.mulf %get3A_459, %gather3A_439 : vector<16xf32>
        %swap3A_461 = arith.constant 0 : i32
        %swap3A_462 = arith.index_cast %swap3A_461 : i32 to index
        %swap3A_463 = arith.index_cast %scan3A_326 : i32 to index
        %swap3A_464 = arith.constant 80 : index
        %swap3A_465 = tpu.vector_load %arg9[%swap3A_462, %swap3A_463, %swap3A_464] {strides = array<i32>} : memref<2x80x128xf32, #tpu.memory_space<vmem>>, vector<1x1x16xf32>,
        %swap3A_466 = vector.shape_cast %swap3A_465 : vector<1x1x16xf32> to vector<16xf32>
        %swap3A_467 = vector.shape_cast %mul3A_460 : vector<16xf32> to vector<1x1x16xf32>
        tpu.vector_store %arg9[%swap3A_462, %swap3A_463, %swap3A_464], %swap3A_467 {strides = array<i32>} : memref<2x80x128xf32, #tpu.memory_space<vmem>>, vector<1x1x16xf32>,
        %broadcast_in_dim3A_468 = arith.constant 3 : i32
        %broadcast_in_dim3A_469 = vector.broadcast %broadcast_in_dim3A_468 : i32 to vector<16xi32>
        %lt3A_470 = arith.constant 0 : i32
        %lt3A_471 = vector.broadcast %lt3A_470 : i32 to vector<16xi32>
        %lt3A_472 = arith.cmpi slt, %broadcast_in_dim3A_469, %lt3A_471 : vector<16xi32>
        %add3A_473 = arith.constant 16 : i32
        %add3A_474 = vector.broadcast %add3A_473 : i32 to vector<16xi32>
        %add3A_475 = arith.addi %broadcast_in_dim3A_469, %add3A_474 : vector<16xi32>
        %select_n3A_476 = arith.select %lt3A_472, %add3A_475, %broadcast_in_dim3A_469 : vector<16xi1>, vector<16xi32>
        %broadcast_in_dim3A_477 = vector.shape_cast %select_n3A_476 : vector<16xi32> to vector<16x1xi32>
        %gather3A_478 = vector.shape_cast %broadcast_in_dim3A_477 : vector<16x1xi32> to vector<16xi32>
        %gather3A_479 = tpu.dynamic_gather %exp3A[%gather3A_478] in [0] : vector<16xf32>, vector<16xi32> -> vector<16xf32>
        %get3A_480 = arith.constant 0 : i32
        %get3A_481 = arith.index_cast %get3A_480 : i32 to index
        %get3A_482 = arith.index_cast %scan3A_326 : i32 to index
        %get3A_483 = arith.constant 96 : index
        %get3A_484 = tpu.vector_load %arg9[%get3A_481, %get3A_482, %get3A_483] {strides = array<i32>} : memref<2x80x128xf32, #tpu.memory_space<vmem>>, vector<1x1x16xf32>,
        %get3A_485 = vector.shape_cast %get3A_484 : vector<1x1x16xf32> to vector<16xf32>
        %mul3A_486 = arith.mulf %get3A_485, %gather3A_479 : vector<16xf32>
        %swap3A_487 = arith.constant 0 : i32
        %swap3A_488 = arith.index_cast %swap3A_487 : i32 to index
        %swap3A_489 = arith.index_cast %scan3A_326 : i32 to index
        %swap3A_490 = arith.constant 96 : index
        %swap3A_491 = tpu.vector_load %arg9[%swap3A_488, %swap3A_489, %swap3A_490] {strides = array<i32>} : memref<2x80x128xf32, #tpu.memory_space<vmem>>, vector<1x1x16xf32>,
        %swap3A_492 = vector.shape_cast %swap3A_491 : vector<1x1x16xf32> to vector<16xf32>
        %swap3A_493 = vector.shape_cast %mul3A_486 : vector<16xf32> to vector<1x1x16xf32>
        tpu.vector_store %arg9[%swap3A_488, %swap3A_489, %swap3A_490], %swap3A_493 {strides = array<i32>} : memref<2x80x128xf32, #tpu.memory_space<vmem>>, vector<1x1x16xf32>,
        %get3A_494 = arith.constant 0 : i32
        %get3A_495 = arith.index_cast %get3A_494 : i32 to index
        %get3A_496 = arith.index_cast %scan3A_326 : i32 to index
        %get3A_497 = arith.constant 112 : index
        %get3A_498 = tpu.vector_load %arg9[%get3A_495, %get3A_496, %get3A_497] {strides = array<i32>} : memref<2x80x128xf32, #tpu.memory_space<vmem>>, vector<1x1x16xf32>,
        %get3A_499 = vector.shape_cast %get3A_498 : vector<1x1x16xf32> to vector<16xf32>
        %mul3A_500 = arith.mulf %get3A_499, %gather3A_479 : vector<16xf32>
        %swap3A_501 = arith.constant 0 : i32
        %swap3A_502 = arith.index_cast %swap3A_501 : i32 to index
        %swap3A_503 = arith.index_cast %scan3A_326 : i32 to index
        %swap3A_504 = arith.constant 112 : index
        %swap3A_505 = tpu.vector_load %arg9[%swap3A_502, %swap3A_503, %swap3A_504] {strides = array<i32>} : memref<2x80x128xf32, #tpu.memory_space<vmem>>, vector<1x1x16xf32>,
        %swap3A_506 = vector.shape_cast %swap3A_505 : vector<1x1x16xf32> to vector<16xf32>
        %swap3A_507 = vector.shape_cast %mul3A_500 : vector<16xf32> to vector<1x1x16xf32>
        tpu.vector_store %arg9[%swap3A_502, %swap3A_503, %swap3A_504], %swap3A_507 {strides = array<i32>} : memref<2x80x128xf32, #tpu.memory_space<vmem>>, vector<1x1x16xf32>,
        %scan3A_508 = arith.constant 0 : i32
        scf.yield %scan3A_508 : i32
      }
      %scan3A_174 = arith.constant 80 : i32
      %dma_start3A_175 = arith.constant 0 : i32
      %dma_start3A_176 = arith.constant 0 : i32
      %dma_start3A_177 = arith.constant 2 : i32
      %dma_start3A_178 = arith.constant 0 : i32
      %dma_start3A_179 = arith.constant 0 : i32
      %dma_start3A_180 = tpu.memref_slice %arg9[%dma_start3A_175, %dma_start3A_178, %dma_start3A_179] : memref<2x80x128xf32, #tpu.memory_space<vmem>> -> memref<1x80x128xf32, #tpu.memory_space<vmem>>
      %dma_start3A_181 = tpu.memref_squeeze %dma_start3A_180 : memref<1x80x128xf32, #tpu.memory_space<vmem>> -> memref<80x128xf32, #tpu.memory_space<vmem>>
      %dma_start3A_182 = arith.constant 0 : i32
      %dma_start3A_183 = tpu.memref_slice %arg8[%dma_start3A_176, %dma_start3A_177, %dma_start3A_182] : memref<2x3x80xi32, #tpu.memory_space<vmem>> -> memref<1x1x80xi32, #tpu.memory_space<vmem>>
      %dma_start3A_184 = tpu.memref_squeeze %dma_start3A_183 : memref<1x1x80xi32, #tpu.memory_space<vmem>> -> memref<80xi32, #tpu.memory_space<vmem>>
      %dma_start3A_185 = arith.constant 0 : i32
      %dma_start3A_186 = arith.constant 0 : i32
      %dma_start3A_187 = tpu.memref_slice %arg12[%dma_start3A_185, %dma_start3A_186] : memref<10000x128xf32, #tpu.memory_space<vmem_shared>> -> memref<10000x128xf32, #tpu.memory_space<vmem_shared>>
      tpu.enqueue_indirect_dma source(%dma_start3A_181 : memref<80x128xf32, #tpu.memory_space<vmem>>) target(%dma_start3A_187 : memref<10000x128xf32, #tpu.memory_space<vmem_shared>>) offsets(%dma_start3A_184 : memref<80xi32, #tpu.memory_space<vmem>>) semaphore(%arg16 : memref<!tpu.dma_semaphore, #tpu.memory_space<semaphore_mem>>) {add = true}
      %dma_start3A_188 = arith.constant 0 : i32
      %dma_start3A_189 = arith.constant 0 : i32
      %dma_start3A_190 = arith.constant 2 : i32
      %dma_start3A_191 = arith.constant 0 : i32
      %dma_start3A_192 = arith.constant 0 : i32
      %dma_start3A_193 = tpu.memref_slice %arg10[%dma_start3A_188, %dma_start3A_191, %dma_start3A_192] : memref<2x80x16xf32, #tpu.memory_space<vmem>> -> memref<1x80x16xf32, #tpu.memory_space<vmem>>
      %dma_start3A_194 = tpu.memref_squeeze %dma_start3A_193 : memref<1x80x16xf32, #tpu.memory_space<vmem>> -> memref<80x16xf32, #tpu.memory_space<vmem>>
      %dma_start3A_195 = arith.constant 0 : i32
      %dma_start3A_196 = tpu.memref_slice %arg8[%dma_start3A_189, %dma_start3A_190, %dma_start3A_195] : memref<2x3x80xi32, #tpu.memory_space<vmem>> -> memref<1x1x80xi32, #tpu.memory_space<vmem>>
      %dma_start3A_197 = tpu.memref_squeeze %dma_start3A_196 : memref<1x1x80xi32, #tpu.memory_space<vmem>> -> memref<80xi32, #tpu.memory_space<vmem>>
      %dma_start3A_198 = arith.constant 0 : i32
      %dma_start3A_199 = arith.constant 0 : i32
      %dma_start3A_200 = tpu.memref_slice %arg13[%dma_start3A_198, %dma_start3A_199] : memref<10000x16xf32, #tpu.memory_space<vmem_shared>> -> memref<10000x16xf32, #tpu.memory_space<vmem_shared>>
      tpu.enqueue_indirect_dma source(%dma_start3A_194 : memref<80x16xf32, #tpu.memory_space<vmem>>) target(%dma_start3A_200 : memref<10000x16xf32, #tpu.memory_space<vmem_shared>>) offsets(%dma_start3A_197 : memref<80xi32, #tpu.memory_space<vmem>>) semaphore(%arg16 : memref<!tpu.dma_semaphore, #tpu.memory_space<semaphore_mem>>) {add = true}
      %dma_wait3A_201 = arith.constant 1 : i32
      %dma_wait3A_202 = arith.constant 0 : i32
      %dma_wait3A_203 = arith.constant 1 : i32
      %dma_wait3A_204 = arith.constant 0 : i32
      %dma_wait3A_205 = arith.constant 0 : i32
      %dma_wait3A_206 = tpu.memref_slice %arg9[%dma_wait3A_203, %dma_wait3A_204, %dma_wait3A_205] : memref<2x80x128xf32, #tpu.memory_space<vmem>> -> memref<1x80x128xf32, #tpu.memory_space<vmem>>
      %dma_wait3A_207 = tpu.memref_squeeze %dma_wait3A_206 : memref<1x80x128xf32, #tpu.memory_space<vmem>> -> memref<80x128xf32, #tpu.memory_space<vmem>>
      %dma_wait3A_208 = arith.constant 0 : i32
      %dma_wait3A_209 = tpu.memref_slice %arg8[%dma_wait3A_201, %dma_wait3A_202, %dma_wait3A_208] : memref<2x3x80xi32, #tpu.memory_space<vmem>> -> memref<1x1x80xi32, #tpu.memory_space<vmem>>
      %dma_wait3A_210 = tpu.memref_squeeze %dma_wait3A_209 : memref<1x1x80xi32, #tpu.memory_space<vmem>> -> memref<80xi32, #tpu.memory_space<vmem>>
      %dma_wait3A_211 = arith.constant 0 : i32
      %dma_wait3A_212 = arith.constant 0 : i32
      %dma_wait3A_213 = tpu.memref_slice %arg2[%dma_wait3A_211, %dma_wait3A_212] : memref<20000x128xf32, #tpu.memory_space<hbm>> -> memref<20000x128xf32, #tpu.memory_space<hbm>>
      tpu.wait_indirect_dma semaphore(%arg15 : memref<!tpu.dma_semaphore, #tpu.memory_space<semaphore_mem>>) src(%dma_wait3A_213 : memref<20000x128xf32, #tpu.memory_space<hbm>>) dst(%dma_wait3A_207 : memref<80x128xf32, #tpu.memory_space<vmem>>)
      %dma_wait3A_214 = arith.constant 1 : i32
      %dma_wait3A_215 = arith.constant 0 : i32
      %dma_wait3A_216 = arith.constant 1 : i32
      %dma_wait3A_217 = arith.constant 0 : i32
      %dma_wait3A_218 = arith.constant 0 : i32
      %dma_wait3A_219 = tpu.memref_slice %arg10[%dma_wait3A_216, %dma_wait3A_217, %dma_wait3A_218] : memref<2x80x16xf32, #tpu.memory_space<vmem>> -> memref<1x80x16xf32, #tpu.memory_space<vmem>>
      %dma_wait3A_220 = tpu.memref_squeeze %dma_wait3A_219 : memref<1x80x16xf32, #tpu.memory_space<vmem>> -> memref<80x16xf32, #tpu.memory_space<vmem>>
      %dma_wait3A_221 = arith.constant 0 : i32
      %dma_wait3A_222 = tpu.memref_slice %arg8[%dma_wait3A_214, %dma_wait3A_215, %dma_wait3A_221] : memref<2x3x80xi32, #tpu.memory_space<vmem>> -> memref<1x1x80xi32, #tpu.memory_space<vmem>>
      %dma_wait3A_223 = tpu.memref_squeeze %dma_wait3A_222 : memref<1x1x80xi32, #tpu.memory_space<vmem>> -> memref<80xi32, #tpu.memory_space<vmem>>
      %dma_wait3A_224 = arith.constant 0 : i32
      %dma_wait3A_225 = arith.constant 0 : i32
      %dma_wait3A_226 = tpu.memref_slice %arg3[%dma_wait3A_224, %dma_wait3A_225] : memref<20000x16xf32, #tpu.memory_space<hbm>> -> memref<20000x16xf32, #tpu.memory_space<hbm>>
      tpu.wait_indirect_dma semaphore(%arg15 : memref<!tpu.dma_semaphore, #tpu.memory_space<semaphore_mem>>) src(%dma_wait3A_226 : memref<20000x16xf32, #tpu.memory_space<hbm>>) dst(%dma_wait3A_220 : memref<80x16xf32, #tpu.memory_space<vmem>>)
      %dma_wait3A_227 = arith.constant 1 : i32
      %dma_wait3A_228 = arith.constant 1 : i32
      %dma_wait3A_229 = arith.constant 1 : i32
      %dma_wait3A_230 = arith.constant 0 : i32
      %dma_wait3A_231 = arith.constant 0 : i32
      %dma_wait3A_232 = tpu.memref_slice %arg11[%dma_wait3A_229, %dma_wait3A_230, %dma_wait3A_231] : memref<2x80x16xf32, #tpu.memory_space<vmem>> -> memref<1x80x16xf32, #tpu.memory_space<vmem>>
      %dma_wait3A_233 = tpu.memref_squeeze %dma_wait3A_232 : memref<1x80x16xf32, #tpu.memory_space<vmem>> -> memref<80x16xf32, #tpu.memory_space<vmem>>
      %dma_wait3A_234 = arith.constant 0 : i32
      %dma_wait3A_235 = tpu.memref_slice %arg8[%dma_wait3A_227, %dma_wait3A_228, %dma_wait3A_234] : memref<2x3x80xi32, #tpu.memory_space<vmem>> -> memref<1x1x80xi32, #tpu.memory_space<vmem>>
      %dma_wait3A_236 = tpu.memref_squeeze %dma_wait3A_235 : memref<1x1x80xi32, #tpu.memory_space<vmem>> -> memref<80xi32, #tpu.memory_space<vmem>>
      %dma_wait3A_237 = arith.constant 0 : i32
      %dma_wait3A_238 = arith.constant 0 : i32
      %dma_wait3A_239 = tpu.memref_slice %arg4[%dma_wait3A_237, %dma_wait3A_238] : memref<20000x16xf32, #tpu.memory_space<hbm>> -> memref<20000x16xf32, #tpu.memory_space<hbm>>
      tpu.wait_indirect_dma semaphore(%arg15 : memref<!tpu.dma_semaphore, #tpu.memory_space<semaphore_mem>>) src(%dma_wait3A_239 : memref<20000x16xf32, #tpu.memory_space<hbm>>) dst(%dma_wait3A_233 : memref<80x16xf32, #tpu.memory_space<vmem>>)
      %scan3A_240 = arith.constant 0 : i32
      %scan3A_241 = arith.constant 0 : i32
      %scan3A_242 = arith.constant 80 : i32
      %scan3A_243 = arith.addi %scan3A_241, %scan3A_242 : i32
      %scan3A_244 = arith.constant 1 : i32
      %scan3A_245 = scf.for %scan3A_326 = %scan3A_241 to %scan3A_243 step %scan3A_244 iter_args(%scan3A_327 = %scan3A_240) -> (i32)  : i32 {
        %get3A = arith.constant 1 : i32
        %get3A_328 = arith.index_cast %get3A : i32 to index
        %get3A_329 = arith.index_cast %scan3A_326 : i32 to index
        %get3A_330 = arith.constant 0 : index
        %get3A_331 = tpu.vector_load %arg10[%get3A_328, %get3A_329, %get3A_330] {strides = array<i32>} : memref<2x80x16xf32, #tpu.memory_space<vmem>>, vector<1x1x16xf32>,
        %get3A_332 = vector.shape_cast %get3A_331 : vector<1x1x16xf32> to vector<16xf32>
        %get3A_333 = arith.constant 1 : i32
        %get3A_334 = arith.index_cast %get3A_333 : i32 to index
        %get3A_335 = arith.index_cast %scan3A_326 : i32 to index
        %get3A_336 = arith.constant 0 : index
        %get3A_337 = tpu.vector_load %arg11[%get3A_334, %get3A_335, %get3A_336] {strides = array<i32>} : memref<2x80x16xf32, #tpu.memory_space<vmem>>, vector<1x1x16xf32>,
        %get3A_338 = vector.shape_cast %get3A_337 : vector<1x1x16xf32> to vector<16xf32>
        %add3A_339 = arith.addf %get3A_332, %get3A_338 : vector<16xf32>
        %mul3A_340 = arith.constant 2.000000e-01 : f32
        %mul3A_341 = vector.broadcast %mul3A_340 : f32 to vector<16xf32>
        %mul3A_342 = arith.mulf %mul3A_341, %add3A_339 : vector<16xf32>
        %max3A = arith.maximumf %add3A_339, %mul3A_342 : vector<16xf32>
        %exp3A = math.exp %max3A : vector<16xf32>
        %swap3A = arith.constant 1 : i32
        %swap3A_343 = arith.index_cast %swap3A : i32 to index
        %swap3A_344 = arith.index_cast %scan3A_326 : i32 to index
        %swap3A_345 = arith.constant 0 : index
        %swap3A_346 = tpu.vector_load %arg10[%swap3A_343, %swap3A_344, %swap3A_345] {strides = array<i32>} : memref<2x80x16xf32, #tpu.memory_space<vmem>>, vector<1x1x16xf32>,
        %swap3A_347 = vector.shape_cast %swap3A_346 : vector<1x1x16xf32> to vector<16xf32>
        %swap3A_348 = vector.shape_cast %exp3A : vector<16xf32> to vector<1x1x16xf32>
        tpu.vector_store %arg10[%swap3A_343, %swap3A_344, %swap3A_345], %swap3A_348 {strides = array<i32>} : memref<2x80x16xf32, #tpu.memory_space<vmem>>, vector<1x1x16xf32>,
        %broadcast_in_dim3A_349 = arith.constant 0 : i32
        %broadcast_in_dim3A_350 = vector.broadcast %broadcast_in_dim3A_349 : i32 to vector<16xi32>
        %lt3A_351 = arith.constant 0 : i32
        %lt3A_352 = vector.broadcast %lt3A_351 : i32 to vector<16xi32>
        %lt3A_353 = arith.cmpi slt, %broadcast_in_dim3A_350, %lt3A_352 : vector<16xi32>
        %add3A_354 = arith.constant 16 : i32
        %add3A_355 = vector.broadcast %add3A_354 : i32 to vector<16xi32>
        %add3A_356 = arith.addi %broadcast_in_dim3A_350, %add3A_355 : vector<16xi32>
        %select_n3A_357 = arith.select %lt3A_353, %add3A_356, %broadcast_in_dim3A_350 : vector<16xi1>, vector<16xi32>
        %broadcast_in_dim3A_358 = vector.shape_cast %select_n3A_357 : vector<16xi32> to vector<16x1xi32>
        %gather3A = vector.shape_cast %broadcast_in_dim3A_358 : vector<16x1xi32> to vector<16xi32>
        %gather3A_359 = tpu.dynamic_gather %exp3A[%gather3A] in [0] : vector<16xf32>, vector<16xi32> -> vector<16xf32>
        %get3A_360 = arith.constant 1 : i32
        %get3A_361 = arith.index_cast %get3A_360 : i32 to index
        %get3A_362 = arith.index_cast %scan3A_326 : i32 to index
        %get3A_363 = arith.constant 0 : index
        %get3A_364 = tpu.vector_load %arg9[%get3A_361, %get3A_362, %get3A_363] {strides = array<i32>} : memref<2x80x128xf32, #tpu.memory_space<vmem>>, vector<1x1x16xf32>,
        %get3A_365 = vector.shape_cast %get3A_364 : vector<1x1x16xf32> to vector<16xf32>
        %mul3A_366 = arith.mulf %get3A_365, %gather3A_359 : vector<16xf32>
        %swap3A_367 = arith.constant 1 : i32
        %swap3A_368 = arith.index_cast %swap3A_367 : i32 to index
        %swap3A_369 = arith.index_cast %scan3A_326 : i32 to index
        %swap3A_370 = arith.constant 0 : index
        %swap3A_371 = tpu.vector_load %arg9[%swap3A_368, %swap3A_369, %swap3A_370] {strides = array<i32>} : memref<2x80x128xf32, #tpu.memory_space<vmem>>, vector<1x1x16xf32>,
        %swap3A_372 = vector.shape_cast %swap3A_371 : vector<1x1x16xf32> to vector<16xf32>
        %swap3A_373 = vector.shape_cast %mul3A_366 : vector<16xf32> to vector<1x1x16xf32>
        tpu.vector_store %arg9[%swap3A_368, %swap3A_369, %swap3A_370], %swap3A_373 {strides = array<i32>} : memref<2x80x128xf32, #tpu.memory_space<vmem>>, vector<1x1x16xf32>,
        %get3A_374 = arith.constant 1 : i32
        %get3A_375 = arith.index_cast %get3A_374 : i32 to index
        %get3A_376 = arith.index_cast %scan3A_326 : i32 to index
        %get3A_377 = arith.constant 16 : index
        %get3A_378 = tpu.vector_load %arg9[%get3A_375, %get3A_376, %get3A_377] {strides = array<i32>} : memref<2x80x128xf32, #tpu.memory_space<vmem>>, vector<1x1x16xf32>,
        %get3A_379 = vector.shape_cast %get3A_378 : vector<1x1x16xf32> to vector<16xf32>
        %mul3A_380 = arith.mulf %get3A_379, %gather3A_359 : vector<16xf32>
        %swap3A_381 = arith.constant 1 : i32
        %swap3A_382 = arith.index_cast %swap3A_381 : i32 to index
        %swap3A_383 = arith.index_cast %scan3A_326 : i32 to index
        %swap3A_384 = arith.constant 16 : index
        %swap3A_385 = tpu.vector_load %arg9[%swap3A_382, %swap3A_383, %swap3A_384] {strides = array<i32>} : memref<2x80x128xf32, #tpu.memory_space<vmem>>, vector<1x1x16xf32>,
        %swap3A_386 = vector.shape_cast %swap3A_385 : vector<1x1x16xf32> to vector<16xf32>
        %swap3A_387 = vector.shape_cast %mul3A_380 : vector<16xf32> to vector<1x1x16xf32>
        tpu.vector_store %arg9[%swap3A_382, %swap3A_383, %swap3A_384], %swap3A_387 {strides = array<i32>} : memref<2x80x128xf32, #tpu.memory_space<vmem>>, vector<1x1x16xf32>,
        %broadcast_in_dim3A_388 = arith.constant 1 : i32
        %broadcast_in_dim3A_389 = vector.broadcast %broadcast_in_dim3A_388 : i32 to vector<16xi32>
        %lt3A_390 = arith.constant 0 : i32
        %lt3A_391 = vector.broadcast %lt3A_390 : i32 to vector<16xi32>
        %lt3A_392 = arith.cmpi slt, %broadcast_in_dim3A_389, %lt3A_391 : vector<16xi32>
        %add3A_393 = arith.constant 16 : i32
        %add3A_394 = vector.broadcast %add3A_393 : i32 to vector<16xi32>
        %add3A_395 = arith.addi %broadcast_in_dim3A_389, %add3A_394 : vector<16xi32>
        %select_n3A_396 = arith.select %lt3A_392, %add3A_395, %broadcast_in_dim3A_389 : vector<16xi1>, vector<16xi32>
        %broadcast_in_dim3A_397 = vector.shape_cast %select_n3A_396 : vector<16xi32> to vector<16x1xi32>
        %gather3A_398 = vector.shape_cast %broadcast_in_dim3A_397 : vector<16x1xi32> to vector<16xi32>
        %gather3A_399 = tpu.dynamic_gather %exp3A[%gather3A_398] in [0] : vector<16xf32>, vector<16xi32> -> vector<16xf32>
        %get3A_400 = arith.constant 1 : i32
        %get3A_401 = arith.index_cast %get3A_400 : i32 to index
        %get3A_402 = arith.index_cast %scan3A_326 : i32 to index
        %get3A_403 = arith.constant 32 : index
        %get3A_404 = tpu.vector_load %arg9[%get3A_401, %get3A_402, %get3A_403] {strides = array<i32>} : memref<2x80x128xf32, #tpu.memory_space<vmem>>, vector<1x1x16xf32>,
        %get3A_405 = vector.shape_cast %get3A_404 : vector<1x1x16xf32> to vector<16xf32>
        %mul3A_406 = arith.mulf %get3A_405, %gather3A_399 : vector<16xf32>
        %swap3A_407 = arith.constant 1 : i32
        %swap3A_408 = arith.index_cast %swap3A_407 : i32 to index
        %swap3A_409 = arith.index_cast %scan3A_326 : i32 to index
        %swap3A_410 = arith.constant 32 : index
        %swap3A_411 = tpu.vector_load %arg9[%swap3A_408, %swap3A_409, %swap3A_410] {strides = array<i32>} : memref<2x80x128xf32, #tpu.memory_space<vmem>>, vector<1x1x16xf32>,
        %swap3A_412 = vector.shape_cast %swap3A_411 : vector<1x1x16xf32> to vector<16xf32>
        %swap3A_413 = vector.shape_cast %mul3A_406 : vector<16xf32> to vector<1x1x16xf32>
        tpu.vector_store %arg9[%swap3A_408, %swap3A_409, %swap3A_410], %swap3A_413 {strides = array<i32>} : memref<2x80x128xf32, #tpu.memory_space<vmem>>, vector<1x1x16xf32>,
        %get3A_414 = arith.constant 1 : i32
        %get3A_415 = arith.index_cast %get3A_414 : i32 to index
        %get3A_416 = arith.index_cast %scan3A_326 : i32 to index
        %get3A_417 = arith.constant 48 : index
        %get3A_418 = tpu.vector_load %arg9[%get3A_415, %get3A_416, %get3A_417] {strides = array<i32>} : memref<2x80x128xf32, #tpu.memory_space<vmem>>, vector<1x1x16xf32>,
        %get3A_419 = vector.shape_cast %get3A_418 : vector<1x1x16xf32> to vector<16xf32>
        %mul3A_420 = arith.mulf %get3A_419, %gather3A_399 : vector<16xf32>
        %swap3A_421 = arith.constant 1 : i32
        %swap3A_422 = arith.index_cast %swap3A_421 : i32 to index
        %swap3A_423 = arith.index_cast %scan3A_326 : i32 to index
        %swap3A_424 = arith.constant 48 : index
        %swap3A_425 = tpu.vector_load %arg9[%swap3A_422, %swap3A_423, %swap3A_424] {strides = array<i32>} : memref<2x80x128xf32, #tpu.memory_space<vmem>>, vector<1x1x16xf32>,
        %swap3A_426 = vector.shape_cast %swap3A_425 : vector<1x1x16xf32> to vector<16xf32>
        %swap3A_427 = vector.shape_cast %mul3A_420 : vector<16xf32> to vector<1x1x16xf32>
        tpu.vector_store %arg9[%swap3A_422, %swap3A_423, %swap3A_424], %swap3A_427 {strides = array<i32>} : memref<2x80x128xf32, #tpu.memory_space<vmem>>, vector<1x1x16xf32>,
        %broadcast_in_dim3A_428 = arith.constant 2 : i32
        %broadcast_in_dim3A_429 = vector.broadcast %broadcast_in_dim3A_428 : i32 to vector<16xi32>
        %lt3A_430 = arith.constant 0 : i32
        %lt3A_431 = vector.broadcast %lt3A_430 : i32 to vector<16xi32>
        %lt3A_432 = arith.cmpi slt, %broadcast_in_dim3A_429, %lt3A_431 : vector<16xi32>
        %add3A_433 = arith.constant 16 : i32
        %add3A_434 = vector.broadcast %add3A_433 : i32 to vector<16xi32>
        %add3A_435 = arith.addi %broadcast_in_dim3A_429, %add3A_434 : vector<16xi32>
        %select_n3A_436 = arith.select %lt3A_432, %add3A_435, %broadcast_in_dim3A_429 : vector<16xi1>, vector<16xi32>
        %broadcast_in_dim3A_437 = vector.shape_cast %select_n3A_436 : vector<16xi32> to vector<16x1xi32>
        %gather3A_438 = vector.shape_cast %broadcast_in_dim3A_437 : vector<16x1xi32> to vector<16xi32>
        %gather3A_439 = tpu.dynamic_gather %exp3A[%gather3A_438] in [0] : vector<16xf32>, vector<16xi32> -> vector<16xf32>
        %get3A_440 = arith.constant 1 : i32
        %get3A_441 = arith.index_cast %get3A_440 : i32 to index
        %get3A_442 = arith.index_cast %scan3A_326 : i32 to index
        %get3A_443 = arith.constant 64 : index
        %get3A_444 = tpu.vector_load %arg9[%get3A_441, %get3A_442, %get3A_443] {strides = array<i32>} : memref<2x80x128xf32, #tpu.memory_space<vmem>>, vector<1x1x16xf32>,
        %get3A_445 = vector.shape_cast %get3A_444 : vector<1x1x16xf32> to vector<16xf32>
        %mul3A_446 = arith.mulf %get3A_445, %gather3A_439 : vector<16xf32>
        %swap3A_447 = arith.constant 1 : i32
        %swap3A_448 = arith.index_cast %swap3A_447 : i32 to index
        %swap3A_449 = arith.index_cast %scan3A_326 : i32 to index
        %swap3A_450 = arith.constant 64 : index
        %swap3A_451 = tpu.vector_load %arg9[%swap3A_448, %swap3A_449, %swap3A_450] {strides = array<i32>} : memref<2x80x128xf32, #tpu.memory_space<vmem>>, vector<1x1x16xf32>,
        %swap3A_452 = vector.shape_cast %swap3A_451 : vector<1x1x16xf32> to vector<16xf32>
        %swap3A_453 = vector.shape_cast %mul3A_446 : vector<16xf32> to vector<1x1x16xf32>
        tpu.vector_store %arg9[%swap3A_448, %swap3A_449, %swap3A_450], %swap3A_453 {strides = array<i32>} : memref<2x80x128xf32, #tpu.memory_space<vmem>>, vector<1x1x16xf32>,
        %get3A_454 = arith.constant 1 : i32
        %get3A_455 = arith.index_cast %get3A_454 : i32 to index
        %get3A_456 = arith.index_cast %scan3A_326 : i32 to index
        %get3A_457 = arith.constant 80 : index
        %get3A_458 = tpu.vector_load %arg9[%get3A_455, %get3A_456, %get3A_457] {strides = array<i32>} : memref<2x80x128xf32, #tpu.memory_space<vmem>>, vector<1x1x16xf32>,
        %get3A_459 = vector.shape_cast %get3A_458 : vector<1x1x16xf32> to vector<16xf32>
        %mul3A_460 = arith.mulf %get3A_459, %gather3A_439 : vector<16xf32>
        %swap3A_461 = arith.constant 1 : i32
        %swap3A_462 = arith.index_cast %swap3A_461 : i32 to index
        %swap3A_463 = arith.index_cast %scan3A_326 : i32 to index
        %swap3A_464 = arith.constant 80 : index
        %swap3A_465 = tpu.vector_load %arg9[%swap3A_462, %swap3A_463, %swap3A_464] {strides = array<i32>} : memref<2x80x128xf32, #tpu.memory_space<vmem>>, vector<1x1x16xf32>,
        %swap3A_466 = vector.shape_cast %swap3A_465 : vector<1x1x16xf32> to vector<16xf32>
        %swap3A_467 = vector.shape_cast %mul3A_460 : vector<16xf32> to vector<1x1x16xf32>
        tpu.vector_store %arg9[%swap3A_462, %swap3A_463, %swap3A_464], %swap3A_467 {strides = array<i32>} : memref<2x80x128xf32, #tpu.memory_space<vmem>>, vector<1x1x16xf32>,
        %broadcast_in_dim3A_468 = arith.constant 3 : i32
        %broadcast_in_dim3A_469 = vector.broadcast %broadcast_in_dim3A_468 : i32 to vector<16xi32>
        %lt3A_470 = arith.constant 0 : i32
        %lt3A_471 = vector.broadcast %lt3A_470 : i32 to vector<16xi32>
        %lt3A_472 = arith.cmpi slt, %broadcast_in_dim3A_469, %lt3A_471 : vector<16xi32>
        %add3A_473 = arith.constant 16 : i32
        %add3A_474 = vector.broadcast %add3A_473 : i32 to vector<16xi32>
        %add3A_475 = arith.addi %broadcast_in_dim3A_469, %add3A_474 : vector<16xi32>
        %select_n3A_476 = arith.select %lt3A_472, %add3A_475, %broadcast_in_dim3A_469 : vector<16xi1>, vector<16xi32>
        %broadcast_in_dim3A_477 = vector.shape_cast %select_n3A_476 : vector<16xi32> to vector<16x1xi32>
        %gather3A_478 = vector.shape_cast %broadcast_in_dim3A_477 : vector<16x1xi32> to vector<16xi32>
        %gather3A_479 = tpu.dynamic_gather %exp3A[%gather3A_478] in [0] : vector<16xf32>, vector<16xi32> -> vector<16xf32>
        %get3A_480 = arith.constant 1 : i32
        %get3A_481 = arith.index_cast %get3A_480 : i32 to index
        %get3A_482 = arith.index_cast %scan3A_326 : i32 to index
        %get3A_483 = arith.constant 96 : index
        %get3A_484 = tpu.vector_load %arg9[%get3A_481, %get3A_482, %get3A_483] {strides = array<i32>} : memref<2x80x128xf32, #tpu.memory_space<vmem>>, vector<1x1x16xf32>,
        %get3A_485 = vector.shape_cast %get3A_484 : vector<1x1x16xf32> to vector<16xf32>
        %mul3A_486 = arith.mulf %get3A_485, %gather3A_479 : vector<16xf32>
        %swap3A_487 = arith.constant 1 : i32
        %swap3A_488 = arith.index_cast %swap3A_487 : i32 to index
        %swap3A_489 = arith.index_cast %scan3A_326 : i32 to index
        %swap3A_490 = arith.constant 96 : index
        %swap3A_491 = tpu.vector_load %arg9[%swap3A_488, %swap3A_489, %swap3A_490] {strides = array<i32>} : memref<2x80x128xf32, #tpu.memory_space<vmem>>, vector<1x1x16xf32>,
        %swap3A_492 = vector.shape_cast %swap3A_491 : vector<1x1x16xf32> to vector<16xf32>
        %swap3A_493 = vector.shape_cast %mul3A_486 : vector<16xf32> to vector<1x1x16xf32>
        tpu.vector_store %arg9[%swap3A_488, %swap3A_489, %swap3A_490], %swap3A_493 {strides = array<i32>} : memref<2x80x128xf32, #tpu.memory_space<vmem>>, vector<1x1x16xf32>,
        %get3A_494 = arith.constant 1 : i32
        %get3A_495 = arith.index_cast %get3A_494 : i32 to index
        %get3A_496 = arith.index_cast %scan3A_326 : i32 to index
        %get3A_497 = arith.constant 112 : index
        %get3A_498 = tpu.vector_load %arg9[%get3A_495, %get3A_496, %get3A_497] {strides = array<i32>} : memref<2x80x128xf32, #tpu.memory_space<vmem>>, vector<1x1x16xf32>,
        %get3A_499 = vector.shape_cast %get3A_498 : vector<1x1x16xf32> to vector<16xf32>
        %mul3A_500 = arith.mulf %get3A_499, %gather3A_479 : vector<16xf32>
        %swap3A_501 = arith.constant 1 : i32
        %swap3A_502 = arith.index_cast %swap3A_501 : i32 to index
        %swap3A_503 = arith.index_cast %scan3A_326 : i32 to index
        %swap3A_504 = arith.constant 112 : index
        %swap3A_505 = tpu.vector_load %arg9[%swap3A_502, %swap3A_503, %swap3A_504] {strides = array<i32>} : memref<2x80x128xf32, #tpu.memory_space<vmem>>, vector<1x1x16xf32>,
        %swap3A_506 = vector.shape_cast %swap3A_505 : vector<1x1x16xf32> to vector<16xf32>
        %swap3A_507 = vector.shape_cast %mul3A_500 : vector<16xf32> to vector<1x1x16xf32>
        tpu.vector_store %arg9[%swap3A_502, %swap3A_503, %swap3A_504], %swap3A_507 {strides = array<i32>} : memref<2x80x128xf32, #tpu.memory_space<vmem>>, vector<1x1x16xf32>,
        %scan3A_508 = arith.constant 0 : i32
        scf.yield %scan3A_508 : i32
      }
      %scan3A_246 = arith.constant 80 : i32
      %dma_start3A_247 = arith.constant 1 : i32
      %dma_start3A_248 = arith.constant 1 : i32
      %dma_start3A_249 = arith.constant 2 : i32
      %dma_start3A_250 = arith.constant 0 : i32
      %dma_start3A_251 = arith.constant 0 : i32
      %dma_start3A_252 = tpu.memref_slice %arg9[%dma_start3A_247, %dma_start3A_250, %dma_start3A_251] : memref<2x80x128xf32, #tpu.memory_space<vmem>> -> memref<1x80x128xf32, #tpu.memory_space<vmem>>
      %dma_start3A_253 = tpu.memref_squeeze %dma_start3A_252 : memref<1x80x128xf32, #tpu.memory_space<vmem>> -> memref<80x128xf32, #tpu.memory_space<vmem>>
      %dma_start3A_254 = arith.constant 0 : i32
      %dma_start3A_255 = tpu.memref_slice %arg8[%dma_start3A_248, %dma_start3A_249, %dma_start3A_254] : memref<2x3x80xi32, #tpu.memory_space<vmem>> -> memref<1x1x80xi32, #tpu.memory_space<vmem>>
      %dma_start3A_256 = tpu.memref_squeeze %dma_start3A_255 : memref<1x1x80xi32, #tpu.memory_space<vmem>> -> memref<80xi32, #tpu.memory_space<vmem>>
      %dma_start3A_257 = arith.constant 0 : i32
      %dma_start3A_258 = arith.constant 0 : i32
      %dma_start3A_259 = tpu.memref_slice %arg12[%dma_start3A_257, %dma_start3A_258] : memref<10000x128xf32, #tpu.memory_space<vmem_shared>> -> memref<10000x128xf32, #tpu.memory_space<vmem_shared>>
      tpu.enqueue_indirect_dma source(%dma_start3A_253 : memref<80x128xf32, #tpu.memory_space<vmem>>) target(%dma_start3A_259 : memref<10000x128xf32, #tpu.memory_space<vmem_shared>>) offsets(%dma_start3A_256 : memref<80xi32, #tpu.memory_space<vmem>>) semaphore(%arg17 : memref<!tpu.dma_semaphore, #tpu.memory_space<semaphore_mem>>) {add = true}
      %dma_start3A_260 = arith.constant 1 : i32
      %dma_start3A_261 = arith.constant 1 : i32
      %dma_start3A_262 = arith.constant 2 : i32
      %dma_start3A_263 = arith.constant 0 : i32
      %dma_start3A_264 = arith.constant 0 : i32
      %dma_start3A_265 = tpu.memref_slice %arg10[%dma_start3A_260, %dma_start3A_263, %dma_start3A_264] : memref<2x80x16xf32, #tpu.memory_space<vmem>> -> memref<1x80x16xf32, #tpu.memory_space<vmem>>
      %dma_start3A_266 = tpu.memref_squeeze %dma_start3A_265 : memref<1x80x16xf32, #tpu.memory_space<vmem>> -> memref<80x16xf32, #tpu.memory_space<vmem>>
      %dma_start3A_267 = arith.constant 0 : i32
      %dma_start3A_268 = tpu.memref_slice %arg8[%dma_start3A_261, %dma_start3A_262, %dma_start3A_267] : memref<2x3x80xi32, #tpu.memory_space<vmem>> -> memref<1x1x80xi32, #tpu.memory_space<vmem>>
      %dma_start3A_269 = tpu.memref_squeeze %dma_start3A_268 : memref<1x1x80xi32, #tpu.memory_space<vmem>> -> memref<80xi32, #tpu.memory_space<vmem>>
      %dma_start3A_270 = arith.constant 0 : i32
      %dma_start3A_271 = arith.constant 0 : i32
      %dma_start3A_272 = tpu.memref_slice %arg13[%dma_start3A_270, %dma_start3A_271] : memref<10000x16xf32, #tpu.memory_space<vmem_shared>> -> memref<10000x16xf32, #tpu.memory_space<vmem_shared>>
      tpu.enqueue_indirect_dma source(%dma_start3A_266 : memref<80x16xf32, #tpu.memory_space<vmem>>) target(%dma_start3A_272 : memref<10000x16xf32, #tpu.memory_space<vmem_shared>>) offsets(%dma_start3A_269 : memref<80xi32, #tpu.memory_space<vmem>>) semaphore(%arg17 : memref<!tpu.dma_semaphore, #tpu.memory_space<semaphore_mem>>) {add = true}
      %dma_wait3A_273 = arith.constant 0 : i32
      %dma_wait3A_274 = arith.constant 0 : i32
      %dma_wait3A_275 = arith.constant 2 : i32
      %dma_wait3A_276 = arith.constant 0 : i32
      %dma_wait3A_277 = arith.constant 0 : i32
      %dma_wait3A_278 = tpu.memref_slice %arg9[%dma_wait3A_273, %dma_wait3A_276, %dma_wait3A_277] : memref<2x80x128xf32, #tpu.memory_space<vmem>> -> memref<1x80x128xf32, #tpu.memory_space<vmem>>
      %dma_wait3A_279 = tpu.memref_squeeze %dma_wait3A_278 : memref<1x80x128xf32, #tpu.memory_space<vmem>> -> memref<80x128xf32, #tpu.memory_space<vmem>>
      %dma_wait3A_280 = arith.constant 0 : i32
      %dma_wait3A_281 = tpu.memref_slice %arg8[%dma_wait3A_274, %dma_wait3A_275, %dma_wait3A_280] : memref<2x3x80xi32, #tpu.memory_space<vmem>> -> memref<1x1x80xi32, #tpu.memory_space<vmem>>
      %dma_wait3A_282 = tpu.memref_squeeze %dma_wait3A_281 : memref<1x1x80xi32, #tpu.memory_space<vmem>> -> memref<80xi32, #tpu.memory_space<vmem>>
      %dma_wait3A_283 = arith.constant 0 : i32
      %dma_wait3A_284 = arith.constant 0 : i32
      %dma_wait3A_285 = tpu.memref_slice %arg12[%dma_wait3A_283, %dma_wait3A_284] : memref<10000x128xf32, #tpu.memory_space<vmem_shared>> -> memref<10000x128xf32, #tpu.memory_space<vmem_shared>>
      tpu.wait_indirect_dma semaphore(%arg16 : memref<!tpu.dma_semaphore, #tpu.memory_space<semaphore_mem>>) src(%dma_wait3A_279 : memref<80x128xf32, #tpu.memory_space<vmem>>) dst(%dma_wait3A_285 : memref<10000x128xf32, #tpu.memory_space<vmem_shared>>)
      %dma_wait3A_286 = arith.constant 0 : i32
      %dma_wait3A_287 = arith.constant 0 : i32
      %dma_wait3A_288 = arith.constant 2 : i32
      %dma_wait3A_289 = arith.constant 0 : i32
      %dma_wait3A_290 = arith.constant 0 : i32
      %dma_wait3A_291 = tpu.memref_slice %arg10[%dma_wait3A_286, %dma_wait3A_289, %dma_wait3A_290] : memref<2x80x16xf32, #tpu.memory_space<vmem>> -> memref<1x80x16xf32, #tpu.memory_space<vmem>>
      %dma_wait3A_292 = tpu.memref_squeeze %dma_wait3A_291 : memref<1x80x16xf32, #tpu.memory_space<vmem>> -> memref<80x16xf32, #tpu.memory_space<vmem>>
      %dma_wait3A_293 = arith.constant 0 : i32
      %dma_wait3A_294 = tpu.memref_slice %arg8[%dma_wait3A_287, %dma_wait3A_288, %dma_wait3A_293] : memref<2x3x80xi32, #tpu.memory_space<vmem>> -> memref<1x1x80xi32, #tpu.memory_space<vmem>>
      %dma_wait3A_295 = tpu.memref_squeeze %dma_wait3A_294 : memref<1x1x80xi32, #tpu.memory_space<vmem>> -> memref<80xi32, #tpu.memory_space<vmem>>
      %dma_wait3A_296 = arith.constant 0 : i32
      %dma_wait3A_297 = arith.constant 0 : i32
      %dma_wait3A_298 = tpu.memref_slice %arg13[%dma_wait3A_296, %dma_wait3A_297] : memref<10000x16xf32, #tpu.memory_space<vmem_shared>> -> memref<10000x16xf32, #tpu.memory_space<vmem_shared>>
      tpu.wait_indirect_dma semaphore(%arg16 : memref<!tpu.dma_semaphore, #tpu.memory_space<semaphore_mem>>) src(%dma_wait3A_292 : memref<80x16xf32, #tpu.memory_space<vmem>>) dst(%dma_wait3A_298 : memref<10000x16xf32, #tpu.memory_space<vmem_shared>>)
      %dma_wait3A_299 = arith.constant 1 : i32
      %dma_wait3A_300 = arith.constant 1 : i32
      %dma_wait3A_301 = arith.constant 2 : i32
      %dma_wait3A_302 = arith.constant 0 : i32
      %dma_wait3A_303 = arith.constant 0 : i32
      %dma_wait3A_304 = tpu.memref_slice %arg9[%dma_wait3A_299, %dma_wait3A_302, %dma_wait3A_303] : memref<2x80x128xf32, #tpu.memory_space<vmem>> -> memref<1x80x128xf32, #tpu.memory_space<vmem>>
      %dma_wait3A_305 = tpu.memref_squeeze %dma_wait3A_304 : memref<1x80x128xf32, #tpu.memory_space<vmem>> -> memref<80x128xf32, #tpu.memory_space<vmem>>
      %dma_wait3A_306 = arith.constant 0 : i32
      %dma_wait3A_307 = tpu.memref_slice %arg8[%dma_wait3A_300, %dma_wait3A_301, %dma_wait3A_306] : memref<2x3x80xi32, #tpu.memory_space<vmem>> -> memref<1x1x80xi32, #tpu.memory_space<vmem>>
      %dma_wait3A_308 = tpu.memref_squeeze %dma_wait3A_307 : memref<1x1x80xi32, #tpu.memory_space<vmem>> -> memref<80xi32, #tpu.memory_space<vmem>>
      %dma_wait3A_309 = arith.constant 0 : i32
      %dma_wait3A_310 = arith.constant 0 : i32
      %dma_wait3A_311 = tpu.memref_slice %arg12[%dma_wait3A_309, %dma_wait3A_310] : memref<10000x128xf32, #tpu.memory_space<vmem_shared>> -> memref<10000x128xf32, #tpu.memory_space<vmem_shared>>
      tpu.wait_indirect_dma semaphore(%arg17 : memref<!tpu.dma_semaphore, #tpu.memory_space<semaphore_mem>>) src(%dma_wait3A_305 : memref<80x128xf32, #tpu.memory_space<vmem>>) dst(%dma_wait3A_311 : memref<10000x128xf32, #tpu.memory_space<vmem_shared>>)
      %dma_wait3A_312 = arith.constant 1 : i32
      %dma_wait3A_313 = arith.constant 1 : i32
      %dma_wait3A_314 = arith.constant 2 : i32
      %dma_wait3A_315 = arith.constant 0 : i32
      %dma_wait3A_316 = arith.constant 0 : i32
      %dma_wait3A_317 = tpu.memref_slice %arg10[%dma_wait3A_312, %dma_wait3A_315, %dma_wait3A_316] : memref<2x80x16xf32, #tpu.memory_space<vmem>> -> memref<1x80x16xf32, #tpu.memory_space<vmem>>
      %dma_wait3A_318 = tpu.memref_squeeze %dma_wait3A_317 : memref<1x80x16xf32, #tpu.memory_space<vmem>> -> memref<80x16xf32, #tpu.memory_space<vmem>>
      %dma_wait3A_319 = arith.constant 0 : i32
      %dma_wait3A_320 = tpu.memref_slice %arg8[%dma_wait3A_313, %dma_wait3A_314, %dma_wait3A_319] : memref<2x3x80xi32, #tpu.memory_space<vmem>> -> memref<1x1x80xi32, #tpu.memory_space<vmem>>
      %dma_wait3A_321 = tpu.memref_squeeze %dma_wait3A_320 : memref<1x1x80xi32, #tpu.memory_space<vmem>> -> memref<80xi32, #tpu.memory_space<vmem>>
      %dma_wait3A_322 = arith.constant 0 : i32
      %dma_wait3A_323 = arith.constant 0 : i32
      %dma_wait3A_324 = tpu.memref_slice %arg13[%dma_wait3A_322, %dma_wait3A_323] : memref<10000x16xf32, #tpu.memory_space<vmem_shared>> -> memref<10000x16xf32, #tpu.memory_space<vmem_shared>>
      tpu.wait_indirect_dma semaphore(%arg17 : memref<!tpu.dma_semaphore, #tpu.memory_space<semaphore_mem>>) src(%dma_wait3A_318 : memref<80x16xf32, #tpu.memory_space<vmem>>) dst(%dma_wait3A_324 : memref<10000x16xf32, #tpu.memory_space<vmem_shared>>)
      %scan3A_325 = arith.constant 0 : i32
      scf.yield %scan3A_325 : i32
    }
    %scan3A_29 = arith.constant 125 : i32
    %barrier3A_30 = arith.constant 0 : index
    tpu.barrier barrier_id(%barrier3A_30)
    %mul3A_31 = arith.constant 640 : i32
    %mul3A_32 = arith.muli %arg1, %mul3A_31 : i32
    %lt3A_33 = arith.constant 15 : i32
    %lt3A_34 = arith.cmpi slt, %arg1, %lt3A_33 : i32
    %convert_element_type3A = arith.extui %lt3A_34 : i1 to i32
    %cond3A = arith.constant 0 : i32
    %cond3A_35 = arith.cmpi ne, %convert_element_type3A, %cond3A : i32
    scf.if %cond3A_35 {
      "tpu.region"() ({
        %run_scoped3A = tpu.sem_alloc : memref<!tpu.dma_semaphore, #tpu.memory_space<semaphore_mem>>
        %dma_start3A = arith.constant 0 : i32
        %dma_start3A_40 = tpu.memref_slice %arg6[%arg0, %mul3A_32, %dma_start3A] : memref<2x10000x128xf32, #tpu.memory_space<hbm>> -> memref<1x640x128xf32, #tpu.memory_space<hbm>>
        %dma_start3A_41 = tpu.memref_squeeze %dma_start3A_40 : memref<1x640x128xf32, #tpu.memory_space<hbm>> -> memref<640x128xf32, #tpu.memory_space<hbm>>
        %dma_start3A_42 = arith.constant 0 : i32
        %dma_start3A_43 = tpu.memref_slice %arg12[%mul3A_32, %dma_start3A_42] : memref<10000x128xf32, #tpu.memory_space<vmem_shared>> -> memref<640x128xf32, #tpu.memory_space<vmem_shared>>
        tpu.enqueue_dma source(%dma_start3A_43 : memref<640x128xf32, #tpu.memory_space<vmem_shared>>) target(%dma_start3A_41 : memref<640x128xf32, #tpu.memory_space<hbm>>) target_semaphore(%run_scoped3A : memref<!tpu.dma_semaphore, #tpu.memory_space<semaphore_mem>>)
        %dma_wait3A = arith.constant 0 : i32
        %dma_wait3A_44 = tpu.memref_slice %arg6[%arg0, %mul3A_32, %dma_wait3A] : memref<2x10000x128xf32, #tpu.memory_space<hbm>> -> memref<1x640x128xf32, #tpu.memory_space<hbm>>
        %dma_wait3A_45 = tpu.memref_squeeze %dma_wait3A_44 : memref<1x640x128xf32, #tpu.memory_space<hbm>> -> memref<640x128xf32, #tpu.memory_space<hbm>>
        %dma_wait3A_46 = arith.constant 0 : i32
        %dma_wait3A_47 = tpu.memref_slice %arg12[%mul3A_32, %dma_wait3A_46] : memref<10000x128xf32, #tpu.memory_space<vmem_shared>> -> memref<640x128xf32, #tpu.memory_space<vmem_shared>>
        tpu.wait_dma2 semaphore(%run_scoped3A : memref<!tpu.dma_semaphore, #tpu.memory_space<semaphore_mem>>) src(%dma_wait3A_47 : memref<640x128xf32, #tpu.memory_space<vmem_shared>>) dst(%dma_wait3A_45 : memref<640x128xf32, #tpu.memory_space<hbm>>)
        tpu.yield
      }) : () -> ()
      "tpu.region"() ({
        %run_scoped3A = tpu.sem_alloc : memref<!tpu.dma_semaphore, #tpu.memory_space<semaphore_mem>>
        %dma_start3A = arith.constant 0 : i32
        %dma_start3A_40 = tpu.memref_slice %arg7[%arg0, %mul3A_32, %dma_start3A] : memref<2x10000x16xf32, #tpu.memory_space<hbm>> -> memref<1x640x16xf32, #tpu.memory_space<hbm>>
        %dma_start3A_41 = tpu.memref_squeeze %dma_start3A_40 : memref<1x640x16xf32, #tpu.memory_space<hbm>> -> memref<640x16xf32, #tpu.memory_space<hbm>>
        %dma_start3A_42 = arith.constant 0 : i32
        %dma_start3A_43 = tpu.memref_slice %arg13[%mul3A_32, %dma_start3A_42] : memref<10000x16xf32, #tpu.memory_space<vmem_shared>> -> memref<640x16xf32, #tpu.memory_space<vmem_shared>>
        tpu.enqueue_dma source(%dma_start3A_43 : memref<640x16xf32, #tpu.memory_space<vmem_shared>>) target(%dma_start3A_41 : memref<640x16xf32, #tpu.memory_space<hbm>>) target_semaphore(%run_scoped3A : memref<!tpu.dma_semaphore, #tpu.memory_space<semaphore_mem>>)
        %dma_wait3A = arith.constant 0 : i32
        %dma_wait3A_44 = tpu.memref_slice %arg7[%arg0, %mul3A_32, %dma_wait3A] : memref<2x10000x16xf32, #tpu.memory_space<hbm>> -> memref<1x640x16xf32, #tpu.memory_space<hbm>>
        %dma_wait3A_45 = tpu.memref_squeeze %dma_wait3A_44 : memref<1x640x16xf32, #tpu.memory_space<hbm>> -> memref<640x16xf32, #tpu.memory_space<hbm>>
        %dma_wait3A_46 = arith.constant 0 : i32
        %dma_wait3A_47 = tpu.memref_slice %arg13[%mul3A_32, %dma_wait3A_46] : memref<10000x16xf32, #tpu.memory_space<vmem_shared>> -> memref<640x16xf32, #tpu.memory_space<vmem_shared>>
        tpu.wait_dma2 semaphore(%run_scoped3A : memref<!tpu.dma_semaphore, #tpu.memory_space<semaphore_mem>>) src(%dma_wait3A_47 : memref<640x16xf32, #tpu.memory_space<vmem_shared>>) dst(%dma_wait3A_45 : memref<640x16xf32, #tpu.memory_space<hbm>>)
        tpu.yield
      }) : () -> ()
    } else {
    }
    %eq3A = arith.constant 15 : i32
    %eq3A_36 = arith.cmpi eq, %arg1, %eq3A : i32
    %convert_element_type3A_37 = arith.extui %eq3A_36 : i1 to i32
    %cond3A_38 = arith.constant 0 : i32
    %cond3A_39 = arith.cmpi ne, %convert_element_type3A_37, %cond3A_38 : i32
    scf.if %cond3A_39 {
      "tpu.region"() ({
        %run_scoped3A = tpu.sem_alloc : memref<!tpu.dma_semaphore, #tpu.memory_space<semaphore_mem>>
        %dma_start3A = arith.constant 0 : i32
        %dma_start3A_40 = tpu.memref_slice %arg6[%arg0, %mul3A_32, %dma_start3A] : memref<2x10000x128xf32, #tpu.memory_space<hbm>> -> memref<1x400x128xf32, #tpu.memory_space<hbm>>
        %dma_start3A_41 = tpu.memref_squeeze %dma_start3A_40 : memref<1x400x128xf32, #tpu.memory_space<hbm>> -> memref<400x128xf32, #tpu.memory_space<hbm>>
        %dma_start3A_42 = arith.constant 0 : i32
        %dma_start3A_43 = tpu.memref_slice %arg12[%mul3A_32, %dma_start3A_42] : memref<10000x128xf32, #tpu.memory_space<vmem_shared>> -> memref<400x128xf32, #tpu.memory_space<vmem_shared>>
        tpu.enqueue_dma source(%dma_start3A_43 : memref<400x128xf32, #tpu.memory_space<vmem_shared>>) target(%dma_start3A_41 : memref<400x128xf32, #tpu.memory_space<hbm>>) target_semaphore(%run_scoped3A : memref<!tpu.dma_semaphore, #tpu.memory_space<semaphore_mem>>)
        %dma_wait3A = arith.constant 0 : i32
        %dma_wait3A_44 = tpu.memref_slice %arg6[%arg0, %mul3A_32, %dma_wait3A] : memref<2x10000x128xf32, #tpu.memory_space<hbm>> -> memref<1x400x128xf32, #tpu.memory_space<hbm>>
        %dma_wait3A_45 = tpu.memref_squeeze %dma_wait3A_44 : memref<1x400x128xf32, #tpu.memory_space<hbm>> -> memref<400x128xf32, #tpu.memory_space<hbm>>
        %dma_wait3A_46 = arith.constant 0 : i32
        %dma_wait3A_47 = tpu.memref_slice %arg12[%mul3A_32, %dma_wait3A_46] : memref<10000x128xf32, #tpu.memory_space<vmem_shared>> -> memref<400x128xf32, #tpu.memory_space<vmem_shared>>
        tpu.wait_dma2 semaphore(%run_scoped3A : memref<!tpu.dma_semaphore, #tpu.memory_space<semaphore_mem>>) src(%dma_wait3A_47 : memref<400x128xf32, #tpu.memory_space<vmem_shared>>) dst(%dma_wait3A_45 : memref<400x128xf32, #tpu.memory_space<hbm>>)
        tpu.yield
      }) : () -> ()
      "tpu.region"() ({
        %run_scoped3A = tpu.sem_alloc : memref<!tpu.dma_semaphore, #tpu.memory_space<semaphore_mem>>
        %dma_start3A = arith.constant 0 : i32
        %dma_start3A_40 = tpu.memref_slice %arg7[%arg0, %mul3A_32, %dma_start3A] : memref<2x10000x16xf32, #tpu.memory_space<hbm>> -> memref<1x400x16xf32, #tpu.memory_space<hbm>>
        %dma_start3A_41 = tpu.memref_squeeze %dma_start3A_40 : memref<1x400x16xf32, #tpu.memory_space<hbm>> -> memref<400x16xf32, #tpu.memory_space<hbm>>
        %dma_start3A_42 = arith.constant 0 : i32
        %dma_start3A_43 = tpu.memref_slice %arg13[%mul3A_32, %dma_start3A_42] : memref<10000x16xf32, #tpu.memory_space<vmem_shared>> -> memref<400x16xf32, #tpu.memory_space<vmem_shared>>
        tpu.enqueue_dma source(%dma_start3A_43 : memref<400x16xf32, #tpu.memory_space<vmem_shared>>) target(%dma_start3A_41 : memref<400x16xf32, #tpu.memory_space<hbm>>) target_semaphore(%run_scoped3A : memref<!tpu.dma_semaphore, #tpu.memory_space<semaphore_mem>>)
        %dma_wait3A = arith.constant 0 : i32
        %dma_wait3A_44 = tpu.memref_slice %arg7[%arg0, %mul3A_32, %dma_wait3A] : memref<2x10000x16xf32, #tpu.memory_space<hbm>> -> memref<1x400x16xf32, #tpu.memory_space<hbm>>
        %dma_wait3A_45 = tpu.memref_squeeze %dma_wait3A_44 : memref<1x400x16xf32, #tpu.memory_space<hbm>> -> memref<400x16xf32, #tpu.memory_space<hbm>>
        %dma_wait3A_46 = arith.constant 0 : i32
        %dma_wait3A_47 = tpu.memref_slice %arg13[%mul3A_32, %dma_wait3A_46] : memref<10000x16xf32, #tpu.memory_space<vmem_shared>> -> memref<400x16xf32, #tpu.memory_space<vmem_shared>>
        tpu.wait_dma2 semaphore(%run_scoped3A : memref<!tpu.dma_semaphore, #tpu.memory_space<semaphore_mem>>) src(%dma_wait3A_47 : memref<400x16xf32, #tpu.memory_space<vmem_shared>>) dst(%dma_wait3A_45 : memref<400x16xf32, #tpu.memory_space<hbm>>)
        tpu.yield
      }) : () -> ()
    } else {
    }
    return
  }
}

#map = affine_map<(d0, d1) -> (0, 0)>
#map1 = affine_map<(d0, d1) -> (0, 0, 0)>
module attributes {stable_mosaic.version = 14 : i64} {
  func.func @body(%arg0: i32, %arg1: i32, %arg2: memref<20000x32xf32, #tpu.memory_space<hbm>>, %arg3: memref<20000x16xf32, #tpu.memory_space<hbm>>, %arg4: memref<20000x16xf32, #tpu.memory_space<hbm>>, %arg5: memref<8000x3x80xi32, #tpu.memory_space<hbm>>, %arg6: memref<2x10000x32xf32, #tpu.memory_space<hbm>>, %arg7: memref<2x10000x16xf32, #tpu.memory_space<hbm>>, %arg8: memref<10x3x80xi32, #tpu.memory_space<vmem>>, %arg9: memref<10x80x32xf32, #tpu.memory_space<vmem>>, %arg10: memref<10x80x16xf32, #tpu.memory_space<vmem>>, %arg11: memref<10x80x16xf32, #tpu.memory_space<vmem>>, %arg12: memref<10000x32xf32, #tpu.memory_space<vmem_shared>>, %arg13: memref<10000x16xf32, #tpu.memory_space<vmem_shared>>, %arg14: memref<!tpu.dma_semaphore, #tpu.memory_space<semaphore_mem>>, %arg15: memref<!tpu.dma_semaphore, #tpu.memory_space<semaphore_mem>>, %arg16: memref<!tpu.dma_semaphore, #tpu.memory_space<semaphore_mem>>, %arg17: memref<!tpu.dma_semaphore, #tpu.memory_space<semaphore_mem>>, %arg18: memref<!tpu.dma_semaphore, #tpu.memory_space<semaphore_mem>>, %arg19: memref<!tpu.dma_semaphore, #tpu.memory_space<semaphore_mem>>, %arg20: memref<!tpu.dma_semaphore, #tpu.memory_space<semaphore_mem>>, %arg21: memref<!tpu.dma_semaphore, #tpu.memory_space<semaphore_mem>>, %arg22: memref<!tpu.dma_semaphore, #tpu.memory_space<semaphore_mem>>, %arg23: memref<!tpu.dma_semaphore, #tpu.memory_space<semaphore_mem>>, %arg24: memref<!tpu.dma_semaphore, #tpu.memory_space<semaphore_mem>>, %arg25: memref<!tpu.dma_semaphore, #tpu.memory_space<semaphore_mem>>, %arg26: memref<!tpu.dma_semaphore, #tpu.memory_space<semaphore_mem>>, %arg27: memref<!tpu.dma_semaphore, #tpu.memory_space<semaphore_mem>>, %arg28: memref<!tpu.dma_semaphore, #tpu.memory_space<semaphore_mem>>, %arg29: memref<!tpu.dma_semaphore, #tpu.memory_space<semaphore_mem>>, %arg30: memref<!tpu.dma_semaphore, #tpu.memory_space<semaphore_mem>>, %arg31: memref<!tpu.dma_semaphore, #tpu.memory_space<semaphore_mem>>, %arg32: memref<!tpu.dma_semaphore, #tpu.memory_space<semaphore_mem>>, %arg33: memref<!tpu.dma_semaphore, #tpu.memory_space<semaphore_mem>>) attributes {dimension_semantics = [#tpu.dimension_semantics<core_parallel>, #tpu.dimension_semantics<subcore_parallel>], iteration_bounds = array<i64: 2, 16>, scalar_prefetch = 0 : i64, scratch_operands = 26 : i64, tpu.core_type = #tpu.core_type<sc_vector_subcore>, window_params = [{transform_indices = #map}, {transform_indices = #map}, {transform_indices = #map}, {transform_indices = #map1}, {transform_indices = #map1}, {transform_indices = #map1}]} {
    %mul3A = arith.constant 16 : i32
    %mul3A_0 = arith.muli %arg0, %mul3A : i32
    %add3A = arith.addi %mul3A_0, %arg1 : i32
    %mul3A_1 = arith.constant 250 : i32
    %mul3A_2 = arith.muli %add3A, %mul3A_1 : i32
    %broadcast_in_dim3A = arith.constant 0.000000e+00 : f32
    %broadcast_in_dim3A_3 = vector.broadcast %broadcast_in_dim3A : f32 to vector<16xf32>
    %scan3A = arith.constant 0 : i32
    %scan3A_4 = arith.constant 0 : i32
    %scan3A_5 = arith.constant 80 : i32
    %scan3A_6 = arith.addi %scan3A_4, %scan3A_5 : i32
    %scan3A_7 = arith.constant 1 : i32
    %scan3A_8 = scf.for %scan3A_40 = %scan3A_4 to %scan3A_6 step %scan3A_7 iter_args(%scan3A_41 = %scan3A) -> (i32)  : i32 {
      %scan3A_42 = arith.constant 0 : i32
      %scan3A_43 = arith.constant 0 : i32
      %scan3A_44 = arith.constant 2 : i32
      %scan3A_45 = arith.addi %scan3A_43, %scan3A_44 : i32
      %scan3A_46 = arith.constant 1 : i32
      %scan3A_47 = scf.for %scan3A_56 = %scan3A_43 to %scan3A_45 step %scan3A_46 iter_args(%scan3A_57 = %scan3A_42) -> (i32)  : i32 {
        %mul3A_58 = arith.constant 16 : i32
        %mul3A_59 = arith.muli %scan3A_56, %mul3A_58 : i32
        %swap3A_60 = arith.constant 0 : i32
        %swap3A_61 = arith.index_cast %swap3A_60 : i32 to index
        %swap3A_62 = arith.index_cast %scan3A_40 : i32 to index
        %swap3A_63 = arith.index_cast %mul3A_59 : i32 to index
        %swap3A_64 = tpu.vector_load %arg9[%swap3A_61, %swap3A_62, %swap3A_63] {strides = array<i32>} : memref<10x80x32xf32, #tpu.memory_space<vmem>>, vector<1x1x16xf32>,
        %swap3A_65 = vector.shape_cast %swap3A_64 : vector<1x1x16xf32> to vector<16xf32>
        %swap3A_66 = vector.shape_cast %broadcast_in_dim3A_3 : vector<16xf32> to vector<1x1x16xf32>
        tpu.vector_store %arg9[%swap3A_61, %swap3A_62, %swap3A_63], %swap3A_66 {strides = array<i32>} : memref<10x80x32xf32, #tpu.memory_space<vmem>>, vector<1x1x16xf32>,
        %scan3A_67 = arith.constant 0 : i32
        scf.yield %scan3A_67 : i32
      }
      %scan3A_48 = arith.constant 2 : i32
      %swap3A = arith.constant 0 : i32
      %swap3A_49 = arith.index_cast %swap3A : i32 to index
      %swap3A_50 = arith.index_cast %scan3A_40 : i32 to index
      %swap3A_51 = arith.constant 0 : index
      %swap3A_52 = tpu.vector_load %arg10[%swap3A_49, %swap3A_50, %swap3A_51] {strides = array<i32>} : memref<10x80x16xf32, #tpu.memory_space<vmem>>, vector<1x1x16xf32>,
      %swap3A_53 = vector.shape_cast %swap3A_52 : vector<1x1x16xf32> to vector<16xf32>
      %swap3A_54 = vector.shape_cast %broadcast_in_dim3A_3 : vector<16xf32> to vector<1x1x16xf32>
      tpu.vector_store %arg10[%swap3A_49, %swap3A_50, %swap3A_51], %swap3A_54 {strides = array<i32>} : memref<10x80x16xf32, #tpu.memory_space<vmem>>, vector<1x1x16xf32>,
      %scan3A_55 = arith.constant 0 : i32
      scf.yield %scan3A_55 : i32
    }
    %scan3A_9 = arith.constant 80 : i32
    %lt3A = arith.constant 15 : i32
    %lt3A_10 = arith.cmpi slt, %arg1, %lt3A : i32
    %jit3A = arith.constant 8 : i32
    %jit3A_11 = arith.constant 5 : i32
    %select_n3A = arith.select %lt3A_10, %jit3A, %jit3A_11 : i32
    %while3A = arith.constant 0 : i32
    %while3A_12 = arith.constant 0 : i32
    %while3A_13 = arith.subi %select_n3A, %while3A : i32
    %while3A_14 = arith.addi %while3A, %while3A_13 : i32
    %while3A_15 = arith.constant 1 : i32
    %while3A_16 = arith.divsi %while3A_13, %while3A_15 : i32
    %while3A_17 = arith.muli %while3A_16, %while3A_15 : i32
    %while3A_18 = arith.addi %while3A, %while3A_17 : i32
    %while3A_19 = arith.constant 1 : i32
    %while3A_20 = scf.for %while3A_40 = %while3A to %while3A_18 step %while3A_19 iter_args(%while3A_41 = %while3A_12) -> (i32)  : i32 {
      %mul3A_42 = arith.constant 640 : i32
      %mul3A_43 = arith.muli %arg1, %mul3A_42 : i32
      %mul3A_44 = arith.constant 80 : i32
      %mul3A_45 = arith.muli %while3A_40, %mul3A_44 : i32
      %add3A_46 = arith.addi %mul3A_43, %mul3A_45 : i32
      %run_scoped3A = arith.constant 0 : i32
      "tpu.region"() ({
        %run_scoped3A_49 = tpu.sem_alloc : memref<!tpu.dma_semaphore, #tpu.memory_space<semaphore_mem>>
        %dma_start3A = arith.constant 0 : i32
        %dma_start3A_50 = arith.constant 0 : i32
        %dma_start3A_51 = tpu.memref_slice %arg9[%run_scoped3A, %dma_start3A, %dma_start3A_50] : memref<10x80x32xf32, #tpu.memory_space<vmem>> -> memref<1x80x32xf32, #tpu.memory_space<vmem>>
        %dma_start3A_52 = tpu.memref_squeeze %dma_start3A_51 : memref<1x80x32xf32, #tpu.memory_space<vmem>> -> memref<80x32xf32, #tpu.memory_space<vmem>>
        %dma_start3A_53 = arith.constant 0 : i32
        %dma_start3A_54 = tpu.memref_slice %arg12[%add3A_46, %dma_start3A_53] : memref<10000x32xf32, #tpu.memory_space<vmem_shared>> -> memref<80x32xf32, #tpu.memory_space<vmem_shared>>
        %dma_start3A_55 = arith.constant 0 : i32
        %dma_start3A_56 = tpu.memref_slice %arg12[%add3A_46, %dma_start3A_55] : memref<10000x32xf32, #tpu.memory_space<vmem_shared>> -> memref<80x32xf32, #tpu.memory_space<vmem_shared>>
        %dma_start3A_57 = arith.constant 0 : i32
        %dma_start3A_58 = arith.constant 0 : i32
        %dma_start3A_59 = tpu.memref_slice %arg9[%run_scoped3A, %dma_start3A_57, %dma_start3A_58] : memref<10x80x32xf32, #tpu.memory_space<vmem>> -> memref<1x80x32xf32, #tpu.memory_space<vmem>>
        %dma_start3A_60 = tpu.memref_squeeze %dma_start3A_59 : memref<1x80x32xf32, #tpu.memory_space<vmem>> -> memref<80x32xf32, #tpu.memory_space<vmem>>
        tpu.enqueue_dma source(%dma_start3A_60 : memref<80x32xf32, #tpu.memory_space<vmem>>) target(%dma_start3A_56 : memref<80x32xf32, #tpu.memory_space<vmem_shared>>) target_semaphore(%run_scoped3A_49 : memref<!tpu.dma_semaphore, #tpu.memory_space<semaphore_mem>>)
        %dma_wait3A = arith.constant 0 : i32
        %dma_wait3A_61 = arith.constant 0 : i32
        %dma_wait3A_62 = tpu.memref_slice %arg9[%run_scoped3A, %dma_wait3A, %dma_wait3A_61] : memref<10x80x32xf32, #tpu.memory_space<vmem>> -> memref<1x80x32xf32, #tpu.memory_space<vmem>>
        %dma_wait3A_63 = tpu.memref_squeeze %dma_wait3A_62 : memref<1x80x32xf32, #tpu.memory_space<vmem>> -> memref<80x32xf32, #tpu.memory_space<vmem>>
        %dma_wait3A_64 = arith.constant 0 : i32
        %dma_wait3A_65 = tpu.memref_slice %arg12[%add3A_46, %dma_wait3A_64] : memref<10000x32xf32, #tpu.memory_space<vmem_shared>> -> memref<80x32xf32, #tpu.memory_space<vmem_shared>>
        %dma_wait3A_66 = arith.constant 0 : i32
        %dma_wait3A_67 = tpu.memref_slice %arg12[%add3A_46, %dma_wait3A_66] : memref<10000x32xf32, #tpu.memory_space<vmem_shared>> -> memref<80x32xf32, #tpu.memory_space<vmem_shared>>
        %dma_wait3A_68 = arith.constant 0 : i32
        %dma_wait3A_69 = arith.constant 0 : i32
        %dma_wait3A_70 = tpu.memref_slice %arg9[%run_scoped3A, %dma_wait3A_68, %dma_wait3A_69] : memref<10x80x32xf32, #tpu.memory_space<vmem>> -> memref<1x80x32xf32, #tpu.memory_space<vmem>>
        %dma_wait3A_71 = tpu.memref_squeeze %dma_wait3A_70 : memref<1x80x32xf32, #tpu.memory_space<vmem>> -> memref<80x32xf32, #tpu.memory_space<vmem>>
        tpu.wait_dma2 semaphore(%run_scoped3A_49 : memref<!tpu.dma_semaphore, #tpu.memory_space<semaphore_mem>>) src(%dma_wait3A_71 : memref<80x32xf32, #tpu.memory_space<vmem>>) dst(%dma_wait3A_67 : memref<80x32xf32, #tpu.memory_space<vmem_shared>>)
        tpu.yield
      }) : () -> ()
      %run_scoped3A_47 = arith.constant 0 : i32
      "tpu.region"() ({
        %run_scoped3A_49 = tpu.sem_alloc : memref<!tpu.dma_semaphore, #tpu.memory_space<semaphore_mem>>
        %dma_start3A = arith.constant 0 : i32
        %dma_start3A_50 = arith.constant 0 : i32
        %dma_start3A_51 = tpu.memref_slice %arg10[%run_scoped3A_47, %dma_start3A, %dma_start3A_50] : memref<10x80x16xf32, #tpu.memory_space<vmem>> -> memref<1x80x16xf32, #tpu.memory_space<vmem>>
        %dma_start3A_52 = tpu.memref_squeeze %dma_start3A_51 : memref<1x80x16xf32, #tpu.memory_space<vmem>> -> memref<80x16xf32, #tpu.memory_space<vmem>>
        %dma_start3A_53 = arith.constant 0 : i32
        %dma_start3A_54 = tpu.memref_slice %arg13[%add3A_46, %dma_start3A_53] : memref<10000x16xf32, #tpu.memory_space<vmem_shared>> -> memref<80x16xf32, #tpu.memory_space<vmem_shared>>
        %dma_start3A_55 = arith.constant 0 : i32
        %dma_start3A_56 = tpu.memref_slice %arg13[%add3A_46, %dma_start3A_55] : memref<10000x16xf32, #tpu.memory_space<vmem_shared>> -> memref<80x16xf32, #tpu.memory_space<vmem_shared>>
        %dma_start3A_57 = arith.constant 0 : i32
        %dma_start3A_58 = arith.constant 0 : i32
        %dma_start3A_59 = tpu.memref_slice %arg10[%run_scoped3A_47, %dma_start3A_57, %dma_start3A_58] : memref<10x80x16xf32, #tpu.memory_space<vmem>> -> memref<1x80x16xf32, #tpu.memory_space<vmem>>
        %dma_start3A_60 = tpu.memref_squeeze %dma_start3A_59 : memref<1x80x16xf32, #tpu.memory_space<vmem>> -> memref<80x16xf32, #tpu.memory_space<vmem>>
        tpu.enqueue_dma source(%dma_start3A_60 : memref<80x16xf32, #tpu.memory_space<vmem>>) target(%dma_start3A_56 : memref<80x16xf32, #tpu.memory_space<vmem_shared>>) target_semaphore(%run_scoped3A_49 : memref<!tpu.dma_semaphore, #tpu.memory_space<semaphore_mem>>)
        %dma_wait3A = arith.constant 0 : i32
        %dma_wait3A_61 = arith.constant 0 : i32
        %dma_wait3A_62 = tpu.memref_slice %arg10[%run_scoped3A_47, %dma_wait3A, %dma_wait3A_61] : memref<10x80x16xf32, #tpu.memory_space<vmem>> -> memref<1x80x16xf32, #tpu.memory_space<vmem>>
        %dma_wait3A_63 = tpu.memref_squeeze %dma_wait3A_62 : memref<1x80x16xf32, #tpu.memory_space<vmem>> -> memref<80x16xf32, #tpu.memory_space<vmem>>
        %dma_wait3A_64 = arith.constant 0 : i32
        %dma_wait3A_65 = tpu.memref_slice %arg13[%add3A_46, %dma_wait3A_64] : memref<10000x16xf32, #tpu.memory_space<vmem_shared>> -> memref<80x16xf32, #tpu.memory_space<vmem_shared>>
        %dma_wait3A_66 = arith.constant 0 : i32
        %dma_wait3A_67 = tpu.memref_slice %arg13[%add3A_46, %dma_wait3A_66] : memref<10000x16xf32, #tpu.memory_space<vmem_shared>> -> memref<80x16xf32, #tpu.memory_space<vmem_shared>>
        %dma_wait3A_68 = arith.constant 0 : i32
        %dma_wait3A_69 = arith.constant 0 : i32
        %dma_wait3A_70 = tpu.memref_slice %arg10[%run_scoped3A_47, %dma_wait3A_68, %dma_wait3A_69] : memref<10x80x16xf32, #tpu.memory_space<vmem>> -> memref<1x80x16xf32, #tpu.memory_space<vmem>>
        %dma_wait3A_71 = tpu.memref_squeeze %dma_wait3A_70 : memref<1x80x16xf32, #tpu.memory_space<vmem>> -> memref<80x16xf32, #tpu.memory_space<vmem>>
        tpu.wait_dma2 semaphore(%run_scoped3A_49 : memref<!tpu.dma_semaphore, #tpu.memory_space<semaphore_mem>>) src(%dma_wait3A_71 : memref<80x16xf32, #tpu.memory_space<vmem>>) dst(%dma_wait3A_67 : memref<80x16xf32, #tpu.memory_space<vmem_shared>>)
        tpu.yield
      }) : () -> ()
      %while3A_48 = arith.constant 0 : i32
      scf.yield %while3A_48 : i32
    }
    %while3A_21 = arith.constant 1 : i32
    %while3A_22 = scf.for %while3A_40 = %while3A_18 to %while3A_14 step %while3A_21 iter_args(%while3A_41 = %while3A_20) -> (i32)  : i32 {
      %mul3A_42 = arith.constant 640 : i32
      %mul3A_43 = arith.muli %arg1, %mul3A_42 : i32
      %mul3A_44 = arith.constant 80 : i32
      %mul3A_45 = arith.muli %while3A_40, %mul3A_44 : i32
      %add3A_46 = arith.addi %mul3A_43, %mul3A_45 : i32
      %run_scoped3A = arith.constant 0 : i32
      "tpu.region"() ({
        %run_scoped3A_49 = tpu.sem_alloc : memref<!tpu.dma_semaphore, #tpu.memory_space<semaphore_mem>>
        %dma_start3A = arith.constant 0 : i32
        %dma_start3A_50 = arith.constant 0 : i32
        %dma_start3A_51 = tpu.memref_slice %arg9[%run_scoped3A, %dma_start3A, %dma_start3A_50] : memref<10x80x32xf32, #tpu.memory_space<vmem>> -> memref<1x80x32xf32, #tpu.memory_space<vmem>>
        %dma_start3A_52 = tpu.memref_squeeze %dma_start3A_51 : memref<1x80x32xf32, #tpu.memory_space<vmem>> -> memref<80x32xf32, #tpu.memory_space<vmem>>
        %dma_start3A_53 = arith.constant 0 : i32
        %dma_start3A_54 = tpu.memref_slice %arg12[%add3A_46, %dma_start3A_53] : memref<10000x32xf32, #tpu.memory_space<vmem_shared>> -> memref<80x32xf32, #tpu.memory_space<vmem_shared>>
        %dma_start3A_55 = arith.constant 0 : i32
        %dma_start3A_56 = tpu.memref_slice %arg12[%add3A_46, %dma_start3A_55] : memref<10000x32xf32, #tpu.memory_space<vmem_shared>> -> memref<80x32xf32, #tpu.memory_space<vmem_shared>>
        %dma_start3A_57 = arith.constant 0 : i32
        %dma_start3A_58 = arith.constant 0 : i32
        %dma_start3A_59 = tpu.memref_slice %arg9[%run_scoped3A, %dma_start3A_57, %dma_start3A_58] : memref<10x80x32xf32, #tpu.memory_space<vmem>> -> memref<1x80x32xf32, #tpu.memory_space<vmem>>
        %dma_start3A_60 = tpu.memref_squeeze %dma_start3A_59 : memref<1x80x32xf32, #tpu.memory_space<vmem>> -> memref<80x32xf32, #tpu.memory_space<vmem>>
        tpu.enqueue_dma source(%dma_start3A_60 : memref<80x32xf32, #tpu.memory_space<vmem>>) target(%dma_start3A_56 : memref<80x32xf32, #tpu.memory_space<vmem_shared>>) target_semaphore(%run_scoped3A_49 : memref<!tpu.dma_semaphore, #tpu.memory_space<semaphore_mem>>)
        %dma_wait3A = arith.constant 0 : i32
        %dma_wait3A_61 = arith.constant 0 : i32
        %dma_wait3A_62 = tpu.memref_slice %arg9[%run_scoped3A, %dma_wait3A, %dma_wait3A_61] : memref<10x80x32xf32, #tpu.memory_space<vmem>> -> memref<1x80x32xf32, #tpu.memory_space<vmem>>
        %dma_wait3A_63 = tpu.memref_squeeze %dma_wait3A_62 : memref<1x80x32xf32, #tpu.memory_space<vmem>> -> memref<80x32xf32, #tpu.memory_space<vmem>>
        %dma_wait3A_64 = arith.constant 0 : i32
        %dma_wait3A_65 = tpu.memref_slice %arg12[%add3A_46, %dma_wait3A_64] : memref<10000x32xf32, #tpu.memory_space<vmem_shared>> -> memref<80x32xf32, #tpu.memory_space<vmem_shared>>
        %dma_wait3A_66 = arith.constant 0 : i32
        %dma_wait3A_67 = tpu.memref_slice %arg12[%add3A_46, %dma_wait3A_66] : memref<10000x32xf32, #tpu.memory_space<vmem_shared>> -> memref<80x32xf32, #tpu.memory_space<vmem_shared>>
        %dma_wait3A_68 = arith.constant 0 : i32
        %dma_wait3A_69 = arith.constant 0 : i32
        %dma_wait3A_70 = tpu.memref_slice %arg9[%run_scoped3A, %dma_wait3A_68, %dma_wait3A_69] : memref<10x80x32xf32, #tpu.memory_space<vmem>> -> memref<1x80x32xf32, #tpu.memory_space<vmem>>
        %dma_wait3A_71 = tpu.memref_squeeze %dma_wait3A_70 : memref<1x80x32xf32, #tpu.memory_space<vmem>> -> memref<80x32xf32, #tpu.memory_space<vmem>>
        tpu.wait_dma2 semaphore(%run_scoped3A_49 : memref<!tpu.dma_semaphore, #tpu.memory_space<semaphore_mem>>) src(%dma_wait3A_71 : memref<80x32xf32, #tpu.memory_space<vmem>>) dst(%dma_wait3A_67 : memref<80x32xf32, #tpu.memory_space<vmem_shared>>)
        tpu.yield
      }) : () -> ()
      %run_scoped3A_47 = arith.constant 0 : i32
      "tpu.region"() ({
        %run_scoped3A_49 = tpu.sem_alloc : memref<!tpu.dma_semaphore, #tpu.memory_space<semaphore_mem>>
        %dma_start3A = arith.constant 0 : i32
        %dma_start3A_50 = arith.constant 0 : i32
        %dma_start3A_51 = tpu.memref_slice %arg10[%run_scoped3A_47, %dma_start3A, %dma_start3A_50] : memref<10x80x16xf32, #tpu.memory_space<vmem>> -> memref<1x80x16xf32, #tpu.memory_space<vmem>>
        %dma_start3A_52 = tpu.memref_squeeze %dma_start3A_51 : memref<1x80x16xf32, #tpu.memory_space<vmem>> -> memref<80x16xf32, #tpu.memory_space<vmem>>
        %dma_start3A_53 = arith.constant 0 : i32
        %dma_start3A_54 = tpu.memref_slice %arg13[%add3A_46, %dma_start3A_53] : memref<10000x16xf32, #tpu.memory_space<vmem_shared>> -> memref<80x16xf32, #tpu.memory_space<vmem_shared>>
        %dma_start3A_55 = arith.constant 0 : i32
        %dma_start3A_56 = tpu.memref_slice %arg13[%add3A_46, %dma_start3A_55] : memref<10000x16xf32, #tpu.memory_space<vmem_shared>> -> memref<80x16xf32, #tpu.memory_space<vmem_shared>>
        %dma_start3A_57 = arith.constant 0 : i32
        %dma_start3A_58 = arith.constant 0 : i32
        %dma_start3A_59 = tpu.memref_slice %arg10[%run_scoped3A_47, %dma_start3A_57, %dma_start3A_58] : memref<10x80x16xf32, #tpu.memory_space<vmem>> -> memref<1x80x16xf32, #tpu.memory_space<vmem>>
        %dma_start3A_60 = tpu.memref_squeeze %dma_start3A_59 : memref<1x80x16xf32, #tpu.memory_space<vmem>> -> memref<80x16xf32, #tpu.memory_space<vmem>>
        tpu.enqueue_dma source(%dma_start3A_60 : memref<80x16xf32, #tpu.memory_space<vmem>>) target(%dma_start3A_56 : memref<80x16xf32, #tpu.memory_space<vmem_shared>>) target_semaphore(%run_scoped3A_49 : memref<!tpu.dma_semaphore, #tpu.memory_space<semaphore_mem>>)
        %dma_wait3A = arith.constant 0 : i32
        %dma_wait3A_61 = arith.constant 0 : i32
        %dma_wait3A_62 = tpu.memref_slice %arg10[%run_scoped3A_47, %dma_wait3A, %dma_wait3A_61] : memref<10x80x16xf32, #tpu.memory_space<vmem>> -> memref<1x80x16xf32, #tpu.memory_space<vmem>>
        %dma_wait3A_63 = tpu.memref_squeeze %dma_wait3A_62 : memref<1x80x16xf32, #tpu.memory_space<vmem>> -> memref<80x16xf32, #tpu.memory_space<vmem>>
        %dma_wait3A_64 = arith.constant 0 : i32
        %dma_wait3A_65 = tpu.memref_slice %arg13[%add3A_46, %dma_wait3A_64] : memref<10000x16xf32, #tpu.memory_space<vmem_shared>> -> memref<80x16xf32, #tpu.memory_space<vmem_shared>>
        %dma_wait3A_66 = arith.constant 0 : i32
        %dma_wait3A_67 = tpu.memref_slice %arg13[%add3A_46, %dma_wait3A_66] : memref<10000x16xf32, #tpu.memory_space<vmem_shared>> -> memref<80x16xf32, #tpu.memory_space<vmem_shared>>
        %dma_wait3A_68 = arith.constant 0 : i32
        %dma_wait3A_69 = arith.constant 0 : i32
        %dma_wait3A_70 = tpu.memref_slice %arg10[%run_scoped3A_47, %dma_wait3A_68, %dma_wait3A_69] : memref<10x80x16xf32, #tpu.memory_space<vmem>> -> memref<1x80x16xf32, #tpu.memory_space<vmem>>
        %dma_wait3A_71 = tpu.memref_squeeze %dma_wait3A_70 : memref<1x80x16xf32, #tpu.memory_space<vmem>> -> memref<80x16xf32, #tpu.memory_space<vmem>>
        tpu.wait_dma2 semaphore(%run_scoped3A_49 : memref<!tpu.dma_semaphore, #tpu.memory_space<semaphore_mem>>) src(%dma_wait3A_71 : memref<80x16xf32, #tpu.memory_space<vmem>>) dst(%dma_wait3A_67 : memref<80x16xf32, #tpu.memory_space<vmem_shared>>)
        tpu.yield
      }) : () -> ()
      %while3A_48 = arith.constant 0 : i32
      scf.yield %while3A_48 : i32
    }
    %barrier3A = arith.constant 0 : index
    tpu.barrier barrier_id(%barrier3A)
    %scan3A_23 = arith.constant 0 : i32
    %scan3A_24 = arith.constant 0 : i32
    %scan3A_25 = arith.constant 25 : i32
    %scan3A_26 = arith.addi %scan3A_24, %scan3A_25 : i32
    %scan3A_27 = arith.constant 1 : i32
    %scan3A_28 = scf.for %scan3A_40 = %scan3A_24 to %scan3A_26 step %scan3A_27 iter_args(%scan3A_41 = %scan3A_23) -> (i32)  : i32 {
      %mul3A_42 = arith.constant 10 : i32
      %mul3A_43 = arith.muli %scan3A_40, %mul3A_42 : i32
      %add3A_44 = arith.addi %mul3A_2, %mul3A_43 : i32
      %add3A_45 = arith.constant 0 : i32
      %add3A_46 = arith.addi %add3A_44, %add3A_45 : i32
      %run_scoped3A = arith.constant 0 : i32
      "tpu.region"() ({
        %run_scoped3A_1470 = tpu.sem_alloc : memref<!tpu.dma_semaphore, #tpu.memory_space<semaphore_mem>>
        %dma_start3A_1471 = arith.constant 0 : i32
        %dma_start3A_1472 = arith.constant 0 : i32
        %dma_start3A_1473 = tpu.memref_slice %arg8[%run_scoped3A, %dma_start3A_1471, %dma_start3A_1472] : memref<10x3x80xi32, #tpu.memory_space<vmem>> -> memref<1x3x80xi32, #tpu.memory_space<vmem>>
        %dma_start3A_1474 = tpu.memref_squeeze %dma_start3A_1473 : memref<1x3x80xi32, #tpu.memory_space<vmem>> -> memref<3x80xi32, #tpu.memory_space<vmem>>
        %dma_start3A_1475 = arith.constant 0 : i32
        %dma_start3A_1476 = arith.constant 0 : i32
        %dma_start3A_1477 = tpu.memref_slice %arg5[%add3A_46, %dma_start3A_1475, %dma_start3A_1476] : memref<8000x3x80xi32, #tpu.memory_space<hbm>> -> memref<1x3x80xi32, #tpu.memory_space<hbm>>
        %dma_start3A_1478 = tpu.memref_squeeze %dma_start3A_1477 : memref<1x3x80xi32, #tpu.memory_space<hbm>> -> memref<3x80xi32, #tpu.memory_space<hbm>>
        %dma_start3A_1479 = arith.constant 0 : i32
        %dma_start3A_1480 = arith.constant 0 : i32
        %dma_start3A_1481 = tpu.memref_slice %arg8[%run_scoped3A, %dma_start3A_1479, %dma_start3A_1480] : memref<10x3x80xi32, #tpu.memory_space<vmem>> -> memref<1x3x80xi32, #tpu.memory_space<vmem>>
        %dma_start3A_1482 = tpu.memref_squeeze %dma_start3A_1481 : memref<1x3x80xi32, #tpu.memory_space<vmem>> -> memref<3x80xi32, #tpu.memory_space<vmem>>
        %dma_start3A_1483 = arith.constant 0 : i32
        %dma_start3A_1484 = arith.constant 0 : i32
        %dma_start3A_1485 = tpu.memref_slice %arg5[%add3A_46, %dma_start3A_1483, %dma_start3A_1484] : memref<8000x3x80xi32, #tpu.memory_space<hbm>> -> memref<1x3x80xi32, #tpu.memory_space<hbm>>
        %dma_start3A_1486 = tpu.memref_squeeze %dma_start3A_1485 : memref<1x3x80xi32, #tpu.memory_space<hbm>> -> memref<3x80xi32, #tpu.memory_space<hbm>>
        tpu.enqueue_dma source(%dma_start3A_1486 : memref<3x80xi32, #tpu.memory_space<hbm>>) target(%dma_start3A_1482 : memref<3x80xi32, #tpu.memory_space<vmem>>) target_semaphore(%run_scoped3A_1470 : memref<!tpu.dma_semaphore, #tpu.memory_space<semaphore_mem>>)
        %dma_wait3A_1487 = arith.constant 0 : i32
        %dma_wait3A_1488 = arith.constant 0 : i32
        %dma_wait3A_1489 = tpu.memref_slice %arg8[%run_scoped3A, %dma_wait3A_1487, %dma_wait3A_1488] : memref<10x3x80xi32, #tpu.memory_space<vmem>> -> memref<1x3x80xi32, #tpu.memory_space<vmem>>
        %dma_wait3A_1490 = tpu.memref_squeeze %dma_wait3A_1489 : memref<1x3x80xi32, #tpu.memory_space<vmem>> -> memref<3x80xi32, #tpu.memory_space<vmem>>
        %dma_wait3A_1491 = arith.constant 0 : i32
        %dma_wait3A_1492 = arith.constant 0 : i32
        %dma_wait3A_1493 = tpu.memref_slice %arg5[%add3A_46, %dma_wait3A_1491, %dma_wait3A_1492] : memref<8000x3x80xi32, #tpu.memory_space<hbm>> -> memref<1x3x80xi32, #tpu.memory_space<hbm>>
        %dma_wait3A_1494 = tpu.memref_squeeze %dma_wait3A_1493 : memref<1x3x80xi32, #tpu.memory_space<hbm>> -> memref<3x80xi32, #tpu.memory_space<hbm>>
        %dma_wait3A_1495 = arith.constant 0 : i32
        %dma_wait3A_1496 = arith.constant 0 : i32
        %dma_wait3A_1497 = tpu.memref_slice %arg8[%run_scoped3A, %dma_wait3A_1495, %dma_wait3A_1496] : memref<10x3x80xi32, #tpu.memory_space<vmem>> -> memref<1x3x80xi32, #tpu.memory_space<vmem>>
        %dma_wait3A_1498 = tpu.memref_squeeze %dma_wait3A_1497 : memref<1x3x80xi32, #tpu.memory_space<vmem>> -> memref<3x80xi32, #tpu.memory_space<vmem>>
        %dma_wait3A_1499 = arith.constant 0 : i32
        %dma_wait3A_1500 = arith.constant 0 : i32
        %dma_wait3A_1501 = tpu.memref_slice %arg5[%add3A_46, %dma_wait3A_1499, %dma_wait3A_1500] : memref<8000x3x80xi32, #tpu.memory_space<hbm>> -> memref<1x3x80xi32, #tpu.memory_space<hbm>>
        %dma_wait3A_1502 = tpu.memref_squeeze %dma_wait3A_1501 : memref<1x3x80xi32, #tpu.memory_space<hbm>> -> memref<3x80xi32, #tpu.memory_space<hbm>>
        tpu.wait_dma2 semaphore(%run_scoped3A_1470 : memref<!tpu.dma_semaphore, #tpu.memory_space<semaphore_mem>>) src(%dma_wait3A_1502 : memref<3x80xi32, #tpu.memory_space<hbm>>) dst(%dma_wait3A_1498 : memref<3x80xi32, #tpu.memory_space<vmem>>)
        tpu.yield
      }) : () -> ()
      %dma_start3A = arith.constant 0 : i32
      %dma_start3A_47 = arith.constant 0 : i32
      %dma_start3A_48 = arith.constant 0 : i32
      %dma_start3A_49 = arith.constant 0 : i32
      %dma_start3A_50 = arith.constant 0 : i32
      %dma_start3A_51 = tpu.memref_slice %arg9[%dma_start3A_48, %dma_start3A_49, %dma_start3A_50] : memref<10x80x32xf32, #tpu.memory_space<vmem>> -> memref<1x80x32xf32, #tpu.memory_space<vmem>>
      %dma_start3A_52 = tpu.memref_squeeze %dma_start3A_51 : memref<1x80x32xf32, #tpu.memory_space<vmem>> -> memref<80x32xf32, #tpu.memory_space<vmem>>
      %dma_start3A_53 = arith.constant 0 : i32
      %dma_start3A_54 = tpu.memref_slice %arg8[%dma_start3A, %dma_start3A_47, %dma_start3A_53] : memref<10x3x80xi32, #tpu.memory_space<vmem>> -> memref<1x1x80xi32, #tpu.memory_space<vmem>>
      %dma_start3A_55 = tpu.memref_squeeze %dma_start3A_54 : memref<1x1x80xi32, #tpu.memory_space<vmem>> -> memref<80xi32, #tpu.memory_space<vmem>>
      %dma_start3A_56 = arith.constant 0 : i32
      %dma_start3A_57 = arith.constant 0 : i32
      %dma_start3A_58 = tpu.memref_slice %arg2[%dma_start3A_56, %dma_start3A_57] : memref<20000x32xf32, #tpu.memory_space<hbm>> -> memref<20000x32xf32, #tpu.memory_space<hbm>>
      tpu.enqueue_indirect_dma source(%dma_start3A_58 : memref<20000x32xf32, #tpu.memory_space<hbm>>) target(%dma_start3A_52 : memref<80x32xf32, #tpu.memory_space<vmem>>) offsets(%dma_start3A_55 : memref<80xi32, #tpu.memory_space<vmem>>) semaphore(%arg14 : memref<!tpu.dma_semaphore, #tpu.memory_space<semaphore_mem>>)
      %dma_start3A_59 = arith.constant 0 : i32
      %dma_start3A_60 = arith.constant 0 : i32
      %dma_start3A_61 = arith.constant 0 : i32
      %dma_start3A_62 = arith.constant 0 : i32
      %dma_start3A_63 = arith.constant 0 : i32
      %dma_start3A_64 = tpu.memref_slice %arg10[%dma_start3A_61, %dma_start3A_62, %dma_start3A_63] : memref<10x80x16xf32, #tpu.memory_space<vmem>> -> memref<1x80x16xf32, #tpu.memory_space<vmem>>
      %dma_start3A_65 = tpu.memref_squeeze %dma_start3A_64 : memref<1x80x16xf32, #tpu.memory_space<vmem>> -> memref<80x16xf32, #tpu.memory_space<vmem>>
      %dma_start3A_66 = arith.constant 0 : i32
      %dma_start3A_67 = tpu.memref_slice %arg8[%dma_start3A_59, %dma_start3A_60, %dma_start3A_66] : memref<10x3x80xi32, #tpu.memory_space<vmem>> -> memref<1x1x80xi32, #tpu.memory_space<vmem>>
      %dma_start3A_68 = tpu.memref_squeeze %dma_start3A_67 : memref<1x1x80xi32, #tpu.memory_space<vmem>> -> memref<80xi32, #tpu.memory_space<vmem>>
      %dma_start3A_69 = arith.constant 0 : i32
      %dma_start3A_70 = arith.constant 0 : i32
      %dma_start3A_71 = tpu.memref_slice %arg3[%dma_start3A_69, %dma_start3A_70] : memref<20000x16xf32, #tpu.memory_space<hbm>> -> memref<20000x16xf32, #tpu.memory_space<hbm>>
      tpu.enqueue_indirect_dma source(%dma_start3A_71 : memref<20000x16xf32, #tpu.memory_space<hbm>>) target(%dma_start3A_65 : memref<80x16xf32, #tpu.memory_space<vmem>>) offsets(%dma_start3A_68 : memref<80xi32, #tpu.memory_space<vmem>>) semaphore(%arg14 : memref<!tpu.dma_semaphore, #tpu.memory_space<semaphore_mem>>)
      %dma_start3A_72 = arith.constant 0 : i32
      %dma_start3A_73 = arith.constant 1 : i32
      %dma_start3A_74 = arith.constant 0 : i32
      %dma_start3A_75 = arith.constant 0 : i32
      %dma_start3A_76 = arith.constant 0 : i32
      %dma_start3A_77 = tpu.memref_slice %arg11[%dma_start3A_74, %dma_start3A_75, %dma_start3A_76] : memref<10x80x16xf32, #tpu.memory_space<vmem>> -> memref<1x80x16xf32, #tpu.memory_space<vmem>>
      %dma_start3A_78 = tpu.memref_squeeze %dma_start3A_77 : memref<1x80x16xf32, #tpu.memory_space<vmem>> -> memref<80x16xf32, #tpu.memory_space<vmem>>
      %dma_start3A_79 = arith.constant 0 : i32
      %dma_start3A_80 = tpu.memref_slice %arg8[%dma_start3A_72, %dma_start3A_73, %dma_start3A_79] : memref<10x3x80xi32, #tpu.memory_space<vmem>> -> memref<1x1x80xi32, #tpu.memory_space<vmem>>
      %dma_start3A_81 = tpu.memref_squeeze %dma_start3A_80 : memref<1x1x80xi32, #tpu.memory_space<vmem>> -> memref<80xi32, #tpu.memory_space<vmem>>
      %dma_start3A_82 = arith.constant 0 : i32
      %dma_start3A_83 = arith.constant 0 : i32
      %dma_start3A_84 = tpu.memref_slice %arg4[%dma_start3A_82, %dma_start3A_83] : memref<20000x16xf32, #tpu.memory_space<hbm>> -> memref<20000x16xf32, #tpu.memory_space<hbm>>
      tpu.enqueue_indirect_dma source(%dma_start3A_84 : memref<20000x16xf32, #tpu.memory_space<hbm>>) target(%dma_start3A_78 : memref<80x16xf32, #tpu.memory_space<vmem>>) offsets(%dma_start3A_81 : memref<80xi32, #tpu.memory_space<vmem>>) semaphore(%arg14 : memref<!tpu.dma_semaphore, #tpu.memory_space<semaphore_mem>>)
      %mul3A_85 = arith.constant 10 : i32
      %mul3A_86 = arith.muli %scan3A_40, %mul3A_85 : i32
      %add3A_87 = arith.addi %mul3A_2, %mul3A_86 : i32
      %add3A_88 = arith.constant 1 : i32
      %add3A_89 = arith.addi %add3A_87, %add3A_88 : i32
      %run_scoped3A_90 = arith.constant 1 : i32
      "tpu.region"() ({
        %run_scoped3A_1470 = tpu.sem_alloc : memref<!tpu.dma_semaphore, #tpu.memory_space<semaphore_mem>>
        %dma_start3A_1471 = arith.constant 0 : i32
        %dma_start3A_1472 = arith.constant 0 : i32
        %dma_start3A_1473 = tpu.memref_slice %arg8[%run_scoped3A_90, %dma_start3A_1471, %dma_start3A_1472] : memref<10x3x80xi32, #tpu.memory_space<vmem>> -> memref<1x3x80xi32, #tpu.memory_space<vmem>>
        %dma_start3A_1474 = tpu.memref_squeeze %dma_start3A_1473 : memref<1x3x80xi32, #tpu.memory_space<vmem>> -> memref<3x80xi32, #tpu.memory_space<vmem>>
        %dma_start3A_1475 = arith.constant 0 : i32
        %dma_start3A_1476 = arith.constant 0 : i32
        %dma_start3A_1477 = tpu.memref_slice %arg5[%add3A_89, %dma_start3A_1475, %dma_start3A_1476] : memref<8000x3x80xi32, #tpu.memory_space<hbm>> -> memref<1x3x80xi32, #tpu.memory_space<hbm>>
        %dma_start3A_1478 = tpu.memref_squeeze %dma_start3A_1477 : memref<1x3x80xi32, #tpu.memory_space<hbm>> -> memref<3x80xi32, #tpu.memory_space<hbm>>
        %dma_start3A_1479 = arith.constant 0 : i32
        %dma_start3A_1480 = arith.constant 0 : i32
        %dma_start3A_1481 = tpu.memref_slice %arg8[%run_scoped3A_90, %dma_start3A_1479, %dma_start3A_1480] : memref<10x3x80xi32, #tpu.memory_space<vmem>> -> memref<1x3x80xi32, #tpu.memory_space<vmem>>
        %dma_start3A_1482 = tpu.memref_squeeze %dma_start3A_1481 : memref<1x3x80xi32, #tpu.memory_space<vmem>> -> memref<3x80xi32, #tpu.memory_space<vmem>>
        %dma_start3A_1483 = arith.constant 0 : i32
        %dma_start3A_1484 = arith.constant 0 : i32
        %dma_start3A_1485 = tpu.memref_slice %arg5[%add3A_89, %dma_start3A_1483, %dma_start3A_1484] : memref<8000x3x80xi32, #tpu.memory_space<hbm>> -> memref<1x3x80xi32, #tpu.memory_space<hbm>>
        %dma_start3A_1486 = tpu.memref_squeeze %dma_start3A_1485 : memref<1x3x80xi32, #tpu.memory_space<hbm>> -> memref<3x80xi32, #tpu.memory_space<hbm>>
        tpu.enqueue_dma source(%dma_start3A_1486 : memref<3x80xi32, #tpu.memory_space<hbm>>) target(%dma_start3A_1482 : memref<3x80xi32, #tpu.memory_space<vmem>>) target_semaphore(%run_scoped3A_1470 : memref<!tpu.dma_semaphore, #tpu.memory_space<semaphore_mem>>)
        %dma_wait3A_1487 = arith.constant 0 : i32
        %dma_wait3A_1488 = arith.constant 0 : i32
        %dma_wait3A_1489 = tpu.memref_slice %arg8[%run_scoped3A_90, %dma_wait3A_1487, %dma_wait3A_1488] : memref<10x3x80xi32, #tpu.memory_space<vmem>> -> memref<1x3x80xi32, #tpu.memory_space<vmem>>
        %dma_wait3A_1490 = tpu.memref_squeeze %dma_wait3A_1489 : memref<1x3x80xi32, #tpu.memory_space<vmem>> -> memref<3x80xi32, #tpu.memory_space<vmem>>
        %dma_wait3A_1491 = arith.constant 0 : i32
        %dma_wait3A_1492 = arith.constant 0 : i32
        %dma_wait3A_1493 = tpu.memref_slice %arg5[%add3A_89, %dma_wait3A_1491, %dma_wait3A_1492] : memref<8000x3x80xi32, #tpu.memory_space<hbm>> -> memref<1x3x80xi32, #tpu.memory_space<hbm>>
        %dma_wait3A_1494 = tpu.memref_squeeze %dma_wait3A_1493 : memref<1x3x80xi32, #tpu.memory_space<hbm>> -> memref<3x80xi32, #tpu.memory_space<hbm>>
        %dma_wait3A_1495 = arith.constant 0 : i32
        %dma_wait3A_1496 = arith.constant 0 : i32
        %dma_wait3A_1497 = tpu.memref_slice %arg8[%run_scoped3A_90, %dma_wait3A_1495, %dma_wait3A_1496] : memref<10x3x80xi32, #tpu.memory_space<vmem>> -> memref<1x3x80xi32, #tpu.memory_space<vmem>>
        %dma_wait3A_1498 = tpu.memref_squeeze %dma_wait3A_1497 : memref<1x3x80xi32, #tpu.memory_space<vmem>> -> memref<3x80xi32, #tpu.memory_space<vmem>>
        %dma_wait3A_1499 = arith.constant 0 : i32
        %dma_wait3A_1500 = arith.constant 0 : i32
        %dma_wait3A_1501 = tpu.memref_slice %arg5[%add3A_89, %dma_wait3A_1499, %dma_wait3A_1500] : memref<8000x3x80xi32, #tpu.memory_space<hbm>> -> memref<1x3x80xi32, #tpu.memory_space<hbm>>
        %dma_wait3A_1502 = tpu.memref_squeeze %dma_wait3A_1501 : memref<1x3x80xi32, #tpu.memory_space<hbm>> -> memref<3x80xi32, #tpu.memory_space<hbm>>
        tpu.wait_dma2 semaphore(%run_scoped3A_1470 : memref<!tpu.dma_semaphore, #tpu.memory_space<semaphore_mem>>) src(%dma_wait3A_1502 : memref<3x80xi32, #tpu.memory_space<hbm>>) dst(%dma_wait3A_1498 : memref<3x80xi32, #tpu.memory_space<vmem>>)
        tpu.yield
      }) : () -> ()
      %dma_start3A_91 = arith.constant 1 : i32
      %dma_start3A_92 = arith.constant 0 : i32
      %dma_start3A_93 = arith.constant 1 : i32
      %dma_start3A_94 = arith.constant 0 : i32
      %dma_start3A_95 = arith.constant 0 : i32
      %dma_start3A_96 = tpu.memref_slice %arg9[%dma_start3A_93, %dma_start3A_94, %dma_start3A_95] : memref<10x80x32xf32, #tpu.memory_space<vmem>> -> memref<1x80x32xf32, #tpu.memory_space<vmem>>
      %dma_start3A_97 = tpu.memref_squeeze %dma_start3A_96 : memref<1x80x32xf32, #tpu.memory_space<vmem>> -> memref<80x32xf32, #tpu.memory_space<vmem>>
      %dma_start3A_98 = arith.constant 0 : i32
      %dma_start3A_99 = tpu.memref_slice %arg8[%dma_start3A_91, %dma_start3A_92, %dma_start3A_98] : memref<10x3x80xi32, #tpu.memory_space<vmem>> -> memref<1x1x80xi32, #tpu.memory_space<vmem>>
      %dma_start3A_100 = tpu.memref_squeeze %dma_start3A_99 : memref<1x1x80xi32, #tpu.memory_space<vmem>> -> memref<80xi32, #tpu.memory_space<vmem>>
      %dma_start3A_101 = arith.constant 0 : i32
      %dma_start3A_102 = arith.constant 0 : i32
      %dma_start3A_103 = tpu.memref_slice %arg2[%dma_start3A_101, %dma_start3A_102] : memref<20000x32xf32, #tpu.memory_space<hbm>> -> memref<20000x32xf32, #tpu.memory_space<hbm>>
      tpu.enqueue_indirect_dma source(%dma_start3A_103 : memref<20000x32xf32, #tpu.memory_space<hbm>>) target(%dma_start3A_97 : memref<80x32xf32, #tpu.memory_space<vmem>>) offsets(%dma_start3A_100 : memref<80xi32, #tpu.memory_space<vmem>>) semaphore(%arg15 : memref<!tpu.dma_semaphore, #tpu.memory_space<semaphore_mem>>)
      %dma_start3A_104 = arith.constant 1 : i32
      %dma_start3A_105 = arith.constant 0 : i32
      %dma_start3A_106 = arith.constant 1 : i32
      %dma_start3A_107 = arith.constant 0 : i32
      %dma_start3A_108 = arith.constant 0 : i32
      %dma_start3A_109 = tpu.memref_slice %arg10[%dma_start3A_106, %dma_start3A_107, %dma_start3A_108] : memref<10x80x16xf32, #tpu.memory_space<vmem>> -> memref<1x80x16xf32, #tpu.memory_space<vmem>>
      %dma_start3A_110 = tpu.memref_squeeze %dma_start3A_109 : memref<1x80x16xf32, #tpu.memory_space<vmem>> -> memref<80x16xf32, #tpu.memory_space<vmem>>
      %dma_start3A_111 = arith.constant 0 : i32
      %dma_start3A_112 = tpu.memref_slice %arg8[%dma_start3A_104, %dma_start3A_105, %dma_start3A_111] : memref<10x3x80xi32, #tpu.memory_space<vmem>> -> memref<1x1x80xi32, #tpu.memory_space<vmem>>
      %dma_start3A_113 = tpu.memref_squeeze %dma_start3A_112 : memref<1x1x80xi32, #tpu.memory_space<vmem>> -> memref<80xi32, #tpu.memory_space<vmem>>
      %dma_start3A_114 = arith.constant 0 : i32
      %dma_start3A_115 = arith.constant 0 : i32
      %dma_start3A_116 = tpu.memref_slice %arg3[%dma_start3A_114, %dma_start3A_115] : memref<20000x16xf32, #tpu.memory_space<hbm>> -> memref<20000x16xf32, #tpu.memory_space<hbm>>
      tpu.enqueue_indirect_dma source(%dma_start3A_116 : memref<20000x16xf32, #tpu.memory_space<hbm>>) target(%dma_start3A_110 : memref<80x16xf32, #tpu.memory_space<vmem>>) offsets(%dma_start3A_113 : memref<80xi32, #tpu.memory_space<vmem>>) semaphore(%arg15 : memref<!tpu.dma_semaphore, #tpu.memory_space<semaphore_mem>>)
      %dma_start3A_117 = arith.constant 1 : i32
      %dma_start3A_118 = arith.constant 1 : i32
      %dma_start3A_119 = arith.constant 1 : i32
      %dma_start3A_120 = arith.constant 0 : i32
      %dma_start3A_121 = arith.constant 0 : i32
      %dma_start3A_122 = tpu.memref_slice %arg11[%dma_start3A_119, %dma_start3A_120, %dma_start3A_121] : memref<10x80x16xf32, #tpu.memory_space<vmem>> -> memref<1x80x16xf32, #tpu.memory_space<vmem>>
      %dma_start3A_123 = tpu.memref_squeeze %dma_start3A_122 : memref<1x80x16xf32, #tpu.memory_space<vmem>> -> memref<80x16xf32, #tpu.memory_space<vmem>>
      %dma_start3A_124 = arith.constant 0 : i32
      %dma_start3A_125 = tpu.memref_slice %arg8[%dma_start3A_117, %dma_start3A_118, %dma_start3A_124] : memref<10x3x80xi32, #tpu.memory_space<vmem>> -> memref<1x1x80xi32, #tpu.memory_space<vmem>>
      %dma_start3A_126 = tpu.memref_squeeze %dma_start3A_125 : memref<1x1x80xi32, #tpu.memory_space<vmem>> -> memref<80xi32, #tpu.memory_space<vmem>>
      %dma_start3A_127 = arith.constant 0 : i32
      %dma_start3A_128 = arith.constant 0 : i32
      %dma_start3A_129 = tpu.memref_slice %arg4[%dma_start3A_127, %dma_start3A_128] : memref<20000x16xf32, #tpu.memory_space<hbm>> -> memref<20000x16xf32, #tpu.memory_space<hbm>>
      tpu.enqueue_indirect_dma source(%dma_start3A_129 : memref<20000x16xf32, #tpu.memory_space<hbm>>) target(%dma_start3A_123 : memref<80x16xf32, #tpu.memory_space<vmem>>) offsets(%dma_start3A_126 : memref<80xi32, #tpu.memory_space<vmem>>) semaphore(%arg15 : memref<!tpu.dma_semaphore, #tpu.memory_space<semaphore_mem>>)
      %mul3A_130 = arith.constant 10 : i32
      %mul3A_131 = arith.muli %scan3A_40, %mul3A_130 : i32
      %add3A_132 = arith.addi %mul3A_2, %mul3A_131 : i32
      %add3A_133 = arith.constant 2 : i32
      %add3A_134 = arith.addi %add3A_132, %add3A_133 : i32
      %run_scoped3A_135 = arith.constant 2 : i32
      "tpu.region"() ({
        %run_scoped3A_1470 = tpu.sem_alloc : memref<!tpu.dma_semaphore, #tpu.memory_space<semaphore_mem>>
        %dma_start3A_1471 = arith.constant 0 : i32
        %dma_start3A_1472 = arith.constant 0 : i32
        %dma_start3A_1473 = tpu.memref_slice %arg8[%run_scoped3A_135, %dma_start3A_1471, %dma_start3A_1472] : memref<10x3x80xi32, #tpu.memory_space<vmem>> -> memref<1x3x80xi32, #tpu.memory_space<vmem>>
        %dma_start3A_1474 = tpu.memref_squeeze %dma_start3A_1473 : memref<1x3x80xi32, #tpu.memory_space<vmem>> -> memref<3x80xi32, #tpu.memory_space<vmem>>
        %dma_start3A_1475 = arith.constant 0 : i32
        %dma_start3A_1476 = arith.constant 0 : i32
        %dma_start3A_1477 = tpu.memref_slice %arg5[%add3A_134, %dma_start3A_1475, %dma_start3A_1476] : memref<8000x3x80xi32, #tpu.memory_space<hbm>> -> memref<1x3x80xi32, #tpu.memory_space<hbm>>
        %dma_start3A_1478 = tpu.memref_squeeze %dma_start3A_1477 : memref<1x3x80xi32, #tpu.memory_space<hbm>> -> memref<3x80xi32, #tpu.memory_space<hbm>>
        %dma_start3A_1479 = arith.constant 0 : i32
        %dma_start3A_1480 = arith.constant 0 : i32
        %dma_start3A_1481 = tpu.memref_slice %arg8[%run_scoped3A_135, %dma_start3A_1479, %dma_start3A_1480] : memref<10x3x80xi32, #tpu.memory_space<vmem>> -> memref<1x3x80xi32, #tpu.memory_space<vmem>>
        %dma_start3A_1482 = tpu.memref_squeeze %dma_start3A_1481 : memref<1x3x80xi32, #tpu.memory_space<vmem>> -> memref<3x80xi32, #tpu.memory_space<vmem>>
        %dma_start3A_1483 = arith.constant 0 : i32
        %dma_start3A_1484 = arith.constant 0 : i32
        %dma_start3A_1485 = tpu.memref_slice %arg5[%add3A_134, %dma_start3A_1483, %dma_start3A_1484] : memref<8000x3x80xi32, #tpu.memory_space<hbm>> -> memref<1x3x80xi32, #tpu.memory_space<hbm>>
        %dma_start3A_1486 = tpu.memref_squeeze %dma_start3A_1485 : memref<1x3x80xi32, #tpu.memory_space<hbm>> -> memref<3x80xi32, #tpu.memory_space<hbm>>
        tpu.enqueue_dma source(%dma_start3A_1486 : memref<3x80xi32, #tpu.memory_space<hbm>>) target(%dma_start3A_1482 : memref<3x80xi32, #tpu.memory_space<vmem>>) target_semaphore(%run_scoped3A_1470 : memref<!tpu.dma_semaphore, #tpu.memory_space<semaphore_mem>>)
        %dma_wait3A_1487 = arith.constant 0 : i32
        %dma_wait3A_1488 = arith.constant 0 : i32
        %dma_wait3A_1489 = tpu.memref_slice %arg8[%run_scoped3A_135, %dma_wait3A_1487, %dma_wait3A_1488] : memref<10x3x80xi32, #tpu.memory_space<vmem>> -> memref<1x3x80xi32, #tpu.memory_space<vmem>>
        %dma_wait3A_1490 = tpu.memref_squeeze %dma_wait3A_1489 : memref<1x3x80xi32, #tpu.memory_space<vmem>> -> memref<3x80xi32, #tpu.memory_space<vmem>>
        %dma_wait3A_1491 = arith.constant 0 : i32
        %dma_wait3A_1492 = arith.constant 0 : i32
        %dma_wait3A_1493 = tpu.memref_slice %arg5[%add3A_134, %dma_wait3A_1491, %dma_wait3A_1492] : memref<8000x3x80xi32, #tpu.memory_space<hbm>> -> memref<1x3x80xi32, #tpu.memory_space<hbm>>
        %dma_wait3A_1494 = tpu.memref_squeeze %dma_wait3A_1493 : memref<1x3x80xi32, #tpu.memory_space<hbm>> -> memref<3x80xi32, #tpu.memory_space<hbm>>
        %dma_wait3A_1495 = arith.constant 0 : i32
        %dma_wait3A_1496 = arith.constant 0 : i32
        %dma_wait3A_1497 = tpu.memref_slice %arg8[%run_scoped3A_135, %dma_wait3A_1495, %dma_wait3A_1496] : memref<10x3x80xi32, #tpu.memory_space<vmem>> -> memref<1x3x80xi32, #tpu.memory_space<vmem>>
        %dma_wait3A_1498 = tpu.memref_squeeze %dma_wait3A_1497 : memref<1x3x80xi32, #tpu.memory_space<vmem>> -> memref<3x80xi32, #tpu.memory_space<vmem>>
        %dma_wait3A_1499 = arith.constant 0 : i32
        %dma_wait3A_1500 = arith.constant 0 : i32
        %dma_wait3A_1501 = tpu.memref_slice %arg5[%add3A_134, %dma_wait3A_1499, %dma_wait3A_1500] : memref<8000x3x80xi32, #tpu.memory_space<hbm>> -> memref<1x3x80xi32, #tpu.memory_space<hbm>>
        %dma_wait3A_1502 = tpu.memref_squeeze %dma_wait3A_1501 : memref<1x3x80xi32, #tpu.memory_space<hbm>> -> memref<3x80xi32, #tpu.memory_space<hbm>>
        tpu.wait_dma2 semaphore(%run_scoped3A_1470 : memref<!tpu.dma_semaphore, #tpu.memory_space<semaphore_mem>>) src(%dma_wait3A_1502 : memref<3x80xi32, #tpu.memory_space<hbm>>) dst(%dma_wait3A_1498 : memref<3x80xi32, #tpu.memory_space<vmem>>)
        tpu.yield
      }) : () -> ()
      %dma_start3A_136 = arith.constant 2 : i32
      %dma_start3A_137 = arith.constant 0 : i32
      %dma_start3A_138 = arith.constant 2 : i32
      %dma_start3A_139 = arith.constant 0 : i32
      %dma_start3A_140 = arith.constant 0 : i32
      %dma_start3A_141 = tpu.memref_slice %arg9[%dma_start3A_138, %dma_start3A_139, %dma_start3A_140] : memref<10x80x32xf32, #tpu.memory_space<vmem>> -> memref<1x80x32xf32, #tpu.memory_space<vmem>>
      %dma_start3A_142 = tpu.memref_squeeze %dma_start3A_141 : memref<1x80x32xf32, #tpu.memory_space<vmem>> -> memref<80x32xf32, #tpu.memory_space<vmem>>
      %dma_start3A_143 = arith.constant 0 : i32
      %dma_start3A_144 = tpu.memref_slice %arg8[%dma_start3A_136, %dma_start3A_137, %dma_start3A_143] : memref<10x3x80xi32, #tpu.memory_space<vmem>> -> memref<1x1x80xi32, #tpu.memory_space<vmem>>
      %dma_start3A_145 = tpu.memref_squeeze %dma_start3A_144 : memref<1x1x80xi32, #tpu.memory_space<vmem>> -> memref<80xi32, #tpu.memory_space<vmem>>
      %dma_start3A_146 = arith.constant 0 : i32
      %dma_start3A_147 = arith.constant 0 : i32
      %dma_start3A_148 = tpu.memref_slice %arg2[%dma_start3A_146, %dma_start3A_147] : memref<20000x32xf32, #tpu.memory_space<hbm>> -> memref<20000x32xf32, #tpu.memory_space<hbm>>
      tpu.enqueue_indirect_dma source(%dma_start3A_148 : memref<20000x32xf32, #tpu.memory_space<hbm>>) target(%dma_start3A_142 : memref<80x32xf32, #tpu.memory_space<vmem>>) offsets(%dma_start3A_145 : memref<80xi32, #tpu.memory_space<vmem>>) semaphore(%arg16 : memref<!tpu.dma_semaphore, #tpu.memory_space<semaphore_mem>>)
      %dma_start3A_149 = arith.constant 2 : i32
      %dma_start3A_150 = arith.constant 0 : i32
      %dma_start3A_151 = arith.constant 2 : i32
      %dma_start3A_152 = arith.constant 0 : i32
      %dma_start3A_153 = arith.constant 0 : i32
      %dma_start3A_154 = tpu.memref_slice %arg10[%dma_start3A_151, %dma_start3A_152, %dma_start3A_153] : memref<10x80x16xf32, #tpu.memory_space<vmem>> -> memref<1x80x16xf32, #tpu.memory_space<vmem>>
      %dma_start3A_155 = tpu.memref_squeeze %dma_start3A_154 : memref<1x80x16xf32, #tpu.memory_space<vmem>> -> memref<80x16xf32, #tpu.memory_space<vmem>>
      %dma_start3A_156 = arith.constant 0 : i32
      %dma_start3A_157 = tpu.memref_slice %arg8[%dma_start3A_149, %dma_start3A_150, %dma_start3A_156] : memref<10x3x80xi32, #tpu.memory_space<vmem>> -> memref<1x1x80xi32, #tpu.memory_space<vmem>>
      %dma_start3A_158 = tpu.memref_squeeze %dma_start3A_157 : memref<1x1x80xi32, #tpu.memory_space<vmem>> -> memref<80xi32, #tpu.memory_space<vmem>>
      %dma_start3A_159 = arith.constant 0 : i32
      %dma_start3A_160 = arith.constant 0 : i32
      %dma_start3A_161 = tpu.memref_slice %arg3[%dma_start3A_159, %dma_start3A_160] : memref<20000x16xf32, #tpu.memory_space<hbm>> -> memref<20000x16xf32, #tpu.memory_space<hbm>>
      tpu.enqueue_indirect_dma source(%dma_start3A_161 : memref<20000x16xf32, #tpu.memory_space<hbm>>) target(%dma_start3A_155 : memref<80x16xf32, #tpu.memory_space<vmem>>) offsets(%dma_start3A_158 : memref<80xi32, #tpu.memory_space<vmem>>) semaphore(%arg16 : memref<!tpu.dma_semaphore, #tpu.memory_space<semaphore_mem>>)
      %dma_start3A_162 = arith.constant 2 : i32
      %dma_start3A_163 = arith.constant 1 : i32
      %dma_start3A_164 = arith.constant 2 : i32
      %dma_start3A_165 = arith.constant 0 : i32
      %dma_start3A_166 = arith.constant 0 : i32
      %dma_start3A_167 = tpu.memref_slice %arg11[%dma_start3A_164, %dma_start3A_165, %dma_start3A_166] : memref<10x80x16xf32, #tpu.memory_space<vmem>> -> memref<1x80x16xf32, #tpu.memory_space<vmem>>
      %dma_start3A_168 = tpu.memref_squeeze %dma_start3A_167 : memref<1x80x16xf32, #tpu.memory_space<vmem>> -> memref<80x16xf32, #tpu.memory_space<vmem>>
      %dma_start3A_169 = arith.constant 0 : i32
      %dma_start3A_170 = tpu.memref_slice %arg8[%dma_start3A_162, %dma_start3A_163, %dma_start3A_169] : memref<10x3x80xi32, #tpu.memory_space<vmem>> -> memref<1x1x80xi32, #tpu.memory_space<vmem>>
      %dma_start3A_171 = tpu.memref_squeeze %dma_start3A_170 : memref<1x1x80xi32, #tpu.memory_space<vmem>> -> memref<80xi32, #tpu.memory_space<vmem>>
      %dma_start3A_172 = arith.constant 0 : i32
      %dma_start3A_173 = arith.constant 0 : i32
      %dma_start3A_174 = tpu.memref_slice %arg4[%dma_start3A_172, %dma_start3A_173] : memref<20000x16xf32, #tpu.memory_space<hbm>> -> memref<20000x16xf32, #tpu.memory_space<hbm>>
      tpu.enqueue_indirect_dma source(%dma_start3A_174 : memref<20000x16xf32, #tpu.memory_space<hbm>>) target(%dma_start3A_168 : memref<80x16xf32, #tpu.memory_space<vmem>>) offsets(%dma_start3A_171 : memref<80xi32, #tpu.memory_space<vmem>>) semaphore(%arg16 : memref<!tpu.dma_semaphore, #tpu.memory_space<semaphore_mem>>)
      %mul3A_175 = arith.constant 10 : i32
      %mul3A_176 = arith.muli %scan3A_40, %mul3A_175 : i32
      %add3A_177 = arith.addi %mul3A_2, %mul3A_176 : i32
      %add3A_178 = arith.constant 3 : i32
      %add3A_179 = arith.addi %add3A_177, %add3A_178 : i32
      %run_scoped3A_180 = arith.constant 3 : i32
      "tpu.region"() ({
        %run_scoped3A_1470 = tpu.sem_alloc : memref<!tpu.dma_semaphore, #tpu.memory_space<semaphore_mem>>
        %dma_start3A_1471 = arith.constant 0 : i32
        %dma_start3A_1472 = arith.constant 0 : i32
        %dma_start3A_1473 = tpu.memref_slice %arg8[%run_scoped3A_180, %dma_start3A_1471, %dma_start3A_1472] : memref<10x3x80xi32, #tpu.memory_space<vmem>> -> memref<1x3x80xi32, #tpu.memory_space<vmem>>
        %dma_start3A_1474 = tpu.memref_squeeze %dma_start3A_1473 : memref<1x3x80xi32, #tpu.memory_space<vmem>> -> memref<3x80xi32, #tpu.memory_space<vmem>>
        %dma_start3A_1475 = arith.constant 0 : i32
        %dma_start3A_1476 = arith.constant 0 : i32
        %dma_start3A_1477 = tpu.memref_slice %arg5[%add3A_179, %dma_start3A_1475, %dma_start3A_1476] : memref<8000x3x80xi32, #tpu.memory_space<hbm>> -> memref<1x3x80xi32, #tpu.memory_space<hbm>>
        %dma_start3A_1478 = tpu.memref_squeeze %dma_start3A_1477 : memref<1x3x80xi32, #tpu.memory_space<hbm>> -> memref<3x80xi32, #tpu.memory_space<hbm>>
        %dma_start3A_1479 = arith.constant 0 : i32
        %dma_start3A_1480 = arith.constant 0 : i32
        %dma_start3A_1481 = tpu.memref_slice %arg8[%run_scoped3A_180, %dma_start3A_1479, %dma_start3A_1480] : memref<10x3x80xi32, #tpu.memory_space<vmem>> -> memref<1x3x80xi32, #tpu.memory_space<vmem>>
        %dma_start3A_1482 = tpu.memref_squeeze %dma_start3A_1481 : memref<1x3x80xi32, #tpu.memory_space<vmem>> -> memref<3x80xi32, #tpu.memory_space<vmem>>
        %dma_start3A_1483 = arith.constant 0 : i32
        %dma_start3A_1484 = arith.constant 0 : i32
        %dma_start3A_1485 = tpu.memref_slice %arg5[%add3A_179, %dma_start3A_1483, %dma_start3A_1484] : memref<8000x3x80xi32, #tpu.memory_space<hbm>> -> memref<1x3x80xi32, #tpu.memory_space<hbm>>
        %dma_start3A_1486 = tpu.memref_squeeze %dma_start3A_1485 : memref<1x3x80xi32, #tpu.memory_space<hbm>> -> memref<3x80xi32, #tpu.memory_space<hbm>>
        tpu.enqueue_dma source(%dma_start3A_1486 : memref<3x80xi32, #tpu.memory_space<hbm>>) target(%dma_start3A_1482 : memref<3x80xi32, #tpu.memory_space<vmem>>) target_semaphore(%run_scoped3A_1470 : memref<!tpu.dma_semaphore, #tpu.memory_space<semaphore_mem>>)
        %dma_wait3A_1487 = arith.constant 0 : i32
        %dma_wait3A_1488 = arith.constant 0 : i32
        %dma_wait3A_1489 = tpu.memref_slice %arg8[%run_scoped3A_180, %dma_wait3A_1487, %dma_wait3A_1488] : memref<10x3x80xi32, #tpu.memory_space<vmem>> -> memref<1x3x80xi32, #tpu.memory_space<vmem>>
        %dma_wait3A_1490 = tpu.memref_squeeze %dma_wait3A_1489 : memref<1x3x80xi32, #tpu.memory_space<vmem>> -> memref<3x80xi32, #tpu.memory_space<vmem>>
        %dma_wait3A_1491 = arith.constant 0 : i32
        %dma_wait3A_1492 = arith.constant 0 : i32
        %dma_wait3A_1493 = tpu.memref_slice %arg5[%add3A_179, %dma_wait3A_1491, %dma_wait3A_1492] : memref<8000x3x80xi32, #tpu.memory_space<hbm>> -> memref<1x3x80xi32, #tpu.memory_space<hbm>>
        %dma_wait3A_1494 = tpu.memref_squeeze %dma_wait3A_1493 : memref<1x3x80xi32, #tpu.memory_space<hbm>> -> memref<3x80xi32, #tpu.memory_space<hbm>>
        %dma_wait3A_1495 = arith.constant 0 : i32
        %dma_wait3A_1496 = arith.constant 0 : i32
        %dma_wait3A_1497 = tpu.memref_slice %arg8[%run_scoped3A_180, %dma_wait3A_1495, %dma_wait3A_1496] : memref<10x3x80xi32, #tpu.memory_space<vmem>> -> memref<1x3x80xi32, #tpu.memory_space<vmem>>
        %dma_wait3A_1498 = tpu.memref_squeeze %dma_wait3A_1497 : memref<1x3x80xi32, #tpu.memory_space<vmem>> -> memref<3x80xi32, #tpu.memory_space<vmem>>
        %dma_wait3A_1499 = arith.constant 0 : i32
        %dma_wait3A_1500 = arith.constant 0 : i32
        %dma_wait3A_1501 = tpu.memref_slice %arg5[%add3A_179, %dma_wait3A_1499, %dma_wait3A_1500] : memref<8000x3x80xi32, #tpu.memory_space<hbm>> -> memref<1x3x80xi32, #tpu.memory_space<hbm>>
        %dma_wait3A_1502 = tpu.memref_squeeze %dma_wait3A_1501 : memref<1x3x80xi32, #tpu.memory_space<hbm>> -> memref<3x80xi32, #tpu.memory_space<hbm>>
        tpu.wait_dma2 semaphore(%run_scoped3A_1470 : memref<!tpu.dma_semaphore, #tpu.memory_space<semaphore_mem>>) src(%dma_wait3A_1502 : memref<3x80xi32, #tpu.memory_space<hbm>>) dst(%dma_wait3A_1498 : memref<3x80xi32, #tpu.memory_space<vmem>>)
        tpu.yield
      }) : () -> ()
      %dma_start3A_181 = arith.constant 3 : i32
      %dma_start3A_182 = arith.constant 0 : i32
      %dma_start3A_183 = arith.constant 3 : i32
      %dma_start3A_184 = arith.constant 0 : i32
      %dma_start3A_185 = arith.constant 0 : i32
      %dma_start3A_186 = tpu.memref_slice %arg9[%dma_start3A_183, %dma_start3A_184, %dma_start3A_185] : memref<10x80x32xf32, #tpu.memory_space<vmem>> -> memref<1x80x32xf32, #tpu.memory_space<vmem>>
      %dma_start3A_187 = tpu.memref_squeeze %dma_start3A_186 : memref<1x80x32xf32, #tpu.memory_space<vmem>> -> memref<80x32xf32, #tpu.memory_space<vmem>>
      %dma_start3A_188 = arith.constant 0 : i32
      %dma_start3A_189 = tpu.memref_slice %arg8[%dma_start3A_181, %dma_start3A_182, %dma_start3A_188] : memref<10x3x80xi32, #tpu.memory_space<vmem>> -> memref<1x1x80xi32, #tpu.memory_space<vmem>>
      %dma_start3A_190 = tpu.memref_squeeze %dma_start3A_189 : memref<1x1x80xi32, #tpu.memory_space<vmem>> -> memref<80xi32, #tpu.memory_space<vmem>>
      %dma_start3A_191 = arith.constant 0 : i32
      %dma_start3A_192 = arith.constant 0 : i32
      %dma_start3A_193 = tpu.memref_slice %arg2[%dma_start3A_191, %dma_start3A_192] : memref<20000x32xf32, #tpu.memory_space<hbm>> -> memref<20000x32xf32, #tpu.memory_space<hbm>>
      tpu.enqueue_indirect_dma source(%dma_start3A_193 : memref<20000x32xf32, #tpu.memory_space<hbm>>) target(%dma_start3A_187 : memref<80x32xf32, #tpu.memory_space<vmem>>) offsets(%dma_start3A_190 : memref<80xi32, #tpu.memory_space<vmem>>) semaphore(%arg17 : memref<!tpu.dma_semaphore, #tpu.memory_space<semaphore_mem>>)
      %dma_start3A_194 = arith.constant 3 : i32
      %dma_start3A_195 = arith.constant 0 : i32
      %dma_start3A_196 = arith.constant 3 : i32
      %dma_start3A_197 = arith.constant 0 : i32
      %dma_start3A_198 = arith.constant 0 : i32
      %dma_start3A_199 = tpu.memref_slice %arg10[%dma_start3A_196, %dma_start3A_197, %dma_start3A_198] : memref<10x80x16xf32, #tpu.memory_space<vmem>> -> memref<1x80x16xf32, #tpu.memory_space<vmem>>
      %dma_start3A_200 = tpu.memref_squeeze %dma_start3A_199 : memref<1x80x16xf32, #tpu.memory_space<vmem>> -> memref<80x16xf32, #tpu.memory_space<vmem>>
      %dma_start3A_201 = arith.constant 0 : i32
      %dma_start3A_202 = tpu.memref_slice %arg8[%dma_start3A_194, %dma_start3A_195, %dma_start3A_201] : memref<10x3x80xi32, #tpu.memory_space<vmem>> -> memref<1x1x80xi32, #tpu.memory_space<vmem>>
      %dma_start3A_203 = tpu.memref_squeeze %dma_start3A_202 : memref<1x1x80xi32, #tpu.memory_space<vmem>> -> memref<80xi32, #tpu.memory_space<vmem>>
      %dma_start3A_204 = arith.constant 0 : i32
      %dma_start3A_205 = arith.constant 0 : i32
      %dma_start3A_206 = tpu.memref_slice %arg3[%dma_start3A_204, %dma_start3A_205] : memref<20000x16xf32, #tpu.memory_space<hbm>> -> memref<20000x16xf32, #tpu.memory_space<hbm>>
      tpu.enqueue_indirect_dma source(%dma_start3A_206 : memref<20000x16xf32, #tpu.memory_space<hbm>>) target(%dma_start3A_200 : memref<80x16xf32, #tpu.memory_space<vmem>>) offsets(%dma_start3A_203 : memref<80xi32, #tpu.memory_space<vmem>>) semaphore(%arg17 : memref<!tpu.dma_semaphore, #tpu.memory_space<semaphore_mem>>)
      %dma_start3A_207 = arith.constant 3 : i32
      %dma_start3A_208 = arith.constant 1 : i32
      %dma_start3A_209 = arith.constant 3 : i32
      %dma_start3A_210 = arith.constant 0 : i32
      %dma_start3A_211 = arith.constant 0 : i32
      %dma_start3A_212 = tpu.memref_slice %arg11[%dma_start3A_209, %dma_start3A_210, %dma_start3A_211] : memref<10x80x16xf32, #tpu.memory_space<vmem>> -> memref<1x80x16xf32, #tpu.memory_space<vmem>>
      %dma_start3A_213 = tpu.memref_squeeze %dma_start3A_212 : memref<1x80x16xf32, #tpu.memory_space<vmem>> -> memref<80x16xf32, #tpu.memory_space<vmem>>
      %dma_start3A_214 = arith.constant 0 : i32
      %dma_start3A_215 = tpu.memref_slice %arg8[%dma_start3A_207, %dma_start3A_208, %dma_start3A_214] : memref<10x3x80xi32, #tpu.memory_space<vmem>> -> memref<1x1x80xi32, #tpu.memory_space<vmem>>
      %dma_start3A_216 = tpu.memref_squeeze %dma_start3A_215 : memref<1x1x80xi32, #tpu.memory_space<vmem>> -> memref<80xi32, #tpu.memory_space<vmem>>
      %dma_start3A_217 = arith.constant 0 : i32
      %dma_start3A_218 = arith.constant 0 : i32
      %dma_start3A_219 = tpu.memref_slice %arg4[%dma_start3A_217, %dma_start3A_218] : memref<20000x16xf32, #tpu.memory_space<hbm>> -> memref<20000x16xf32, #tpu.memory_space<hbm>>
      tpu.enqueue_indirect_dma source(%dma_start3A_219 : memref<20000x16xf32, #tpu.memory_space<hbm>>) target(%dma_start3A_213 : memref<80x16xf32, #tpu.memory_space<vmem>>) offsets(%dma_start3A_216 : memref<80xi32, #tpu.memory_space<vmem>>) semaphore(%arg17 : memref<!tpu.dma_semaphore, #tpu.memory_space<semaphore_mem>>)
      %mul3A_220 = arith.constant 10 : i32
      %mul3A_221 = arith.muli %scan3A_40, %mul3A_220 : i32
      %add3A_222 = arith.addi %mul3A_2, %mul3A_221 : i32
      %add3A_223 = arith.constant 4 : i32
      %add3A_224 = arith.addi %add3A_222, %add3A_223 : i32
      %run_scoped3A_225 = arith.constant 4 : i32
      "tpu.region"() ({
        %run_scoped3A_1470 = tpu.sem_alloc : memref<!tpu.dma_semaphore, #tpu.memory_space<semaphore_mem>>
        %dma_start3A_1471 = arith.constant 0 : i32
        %dma_start3A_1472 = arith.constant 0 : i32
        %dma_start3A_1473 = tpu.memref_slice %arg8[%run_scoped3A_225, %dma_start3A_1471, %dma_start3A_1472] : memref<10x3x80xi32, #tpu.memory_space<vmem>> -> memref<1x3x80xi32, #tpu.memory_space<vmem>>
        %dma_start3A_1474 = tpu.memref_squeeze %dma_start3A_1473 : memref<1x3x80xi32, #tpu.memory_space<vmem>> -> memref<3x80xi32, #tpu.memory_space<vmem>>
        %dma_start3A_1475 = arith.constant 0 : i32
        %dma_start3A_1476 = arith.constant 0 : i32
        %dma_start3A_1477 = tpu.memref_slice %arg5[%add3A_224, %dma_start3A_1475, %dma_start3A_1476] : memref<8000x3x80xi32, #tpu.memory_space<hbm>> -> memref<1x3x80xi32, #tpu.memory_space<hbm>>
        %dma_start3A_1478 = tpu.memref_squeeze %dma_start3A_1477 : memref<1x3x80xi32, #tpu.memory_space<hbm>> -> memref<3x80xi32, #tpu.memory_space<hbm>>
        %dma_start3A_1479 = arith.constant 0 : i32
        %dma_start3A_1480 = arith.constant 0 : i32
        %dma_start3A_1481 = tpu.memref_slice %arg8[%run_scoped3A_225, %dma_start3A_1479, %dma_start3A_1480] : memref<10x3x80xi32, #tpu.memory_space<vmem>> -> memref<1x3x80xi32, #tpu.memory_space<vmem>>
        %dma_start3A_1482 = tpu.memref_squeeze %dma_start3A_1481 : memref<1x3x80xi32, #tpu.memory_space<vmem>> -> memref<3x80xi32, #tpu.memory_space<vmem>>
        %dma_start3A_1483 = arith.constant 0 : i32
        %dma_start3A_1484 = arith.constant 0 : i32
        %dma_start3A_1485 = tpu.memref_slice %arg5[%add3A_224, %dma_start3A_1483, %dma_start3A_1484] : memref<8000x3x80xi32, #tpu.memory_space<hbm>> -> memref<1x3x80xi32, #tpu.memory_space<hbm>>
        %dma_start3A_1486 = tpu.memref_squeeze %dma_start3A_1485 : memref<1x3x80xi32, #tpu.memory_space<hbm>> -> memref<3x80xi32, #tpu.memory_space<hbm>>
        tpu.enqueue_dma source(%dma_start3A_1486 : memref<3x80xi32, #tpu.memory_space<hbm>>) target(%dma_start3A_1482 : memref<3x80xi32, #tpu.memory_space<vmem>>) target_semaphore(%run_scoped3A_1470 : memref<!tpu.dma_semaphore, #tpu.memory_space<semaphore_mem>>)
        %dma_wait3A_1487 = arith.constant 0 : i32
        %dma_wait3A_1488 = arith.constant 0 : i32
        %dma_wait3A_1489 = tpu.memref_slice %arg8[%run_scoped3A_225, %dma_wait3A_1487, %dma_wait3A_1488] : memref<10x3x80xi32, #tpu.memory_space<vmem>> -> memref<1x3x80xi32, #tpu.memory_space<vmem>>
        %dma_wait3A_1490 = tpu.memref_squeeze %dma_wait3A_1489 : memref<1x3x80xi32, #tpu.memory_space<vmem>> -> memref<3x80xi32, #tpu.memory_space<vmem>>
        %dma_wait3A_1491 = arith.constant 0 : i32
        %dma_wait3A_1492 = arith.constant 0 : i32
        %dma_wait3A_1493 = tpu.memref_slice %arg5[%add3A_224, %dma_wait3A_1491, %dma_wait3A_1492] : memref<8000x3x80xi32, #tpu.memory_space<hbm>> -> memref<1x3x80xi32, #tpu.memory_space<hbm>>
        %dma_wait3A_1494 = tpu.memref_squeeze %dma_wait3A_1493 : memref<1x3x80xi32, #tpu.memory_space<hbm>> -> memref<3x80xi32, #tpu.memory_space<hbm>>
        %dma_wait3A_1495 = arith.constant 0 : i32
        %dma_wait3A_1496 = arith.constant 0 : i32
        %dma_wait3A_1497 = tpu.memref_slice %arg8[%run_scoped3A_225, %dma_wait3A_1495, %dma_wait3A_1496] : memref<10x3x80xi32, #tpu.memory_space<vmem>> -> memref<1x3x80xi32, #tpu.memory_space<vmem>>
        %dma_wait3A_1498 = tpu.memref_squeeze %dma_wait3A_1497 : memref<1x3x80xi32, #tpu.memory_space<vmem>> -> memref<3x80xi32, #tpu.memory_space<vmem>>
        %dma_wait3A_1499 = arith.constant 0 : i32
        %dma_wait3A_1500 = arith.constant 0 : i32
        %dma_wait3A_1501 = tpu.memref_slice %arg5[%add3A_224, %dma_wait3A_1499, %dma_wait3A_1500] : memref<8000x3x80xi32, #tpu.memory_space<hbm>> -> memref<1x3x80xi32, #tpu.memory_space<hbm>>
        %dma_wait3A_1502 = tpu.memref_squeeze %dma_wait3A_1501 : memref<1x3x80xi32, #tpu.memory_space<hbm>> -> memref<3x80xi32, #tpu.memory_space<hbm>>
        tpu.wait_dma2 semaphore(%run_scoped3A_1470 : memref<!tpu.dma_semaphore, #tpu.memory_space<semaphore_mem>>) src(%dma_wait3A_1502 : memref<3x80xi32, #tpu.memory_space<hbm>>) dst(%dma_wait3A_1498 : memref<3x80xi32, #tpu.memory_space<vmem>>)
        tpu.yield
      }) : () -> ()
      %dma_start3A_226 = arith.constant 4 : i32
      %dma_start3A_227 = arith.constant 0 : i32
      %dma_start3A_228 = arith.constant 4 : i32
      %dma_start3A_229 = arith.constant 0 : i32
      %dma_start3A_230 = arith.constant 0 : i32
      %dma_start3A_231 = tpu.memref_slice %arg9[%dma_start3A_228, %dma_start3A_229, %dma_start3A_230] : memref<10x80x32xf32, #tpu.memory_space<vmem>> -> memref<1x80x32xf32, #tpu.memory_space<vmem>>
      %dma_start3A_232 = tpu.memref_squeeze %dma_start3A_231 : memref<1x80x32xf32, #tpu.memory_space<vmem>> -> memref<80x32xf32, #tpu.memory_space<vmem>>
      %dma_start3A_233 = arith.constant 0 : i32
      %dma_start3A_234 = tpu.memref_slice %arg8[%dma_start3A_226, %dma_start3A_227, %dma_start3A_233] : memref<10x3x80xi32, #tpu.memory_space<vmem>> -> memref<1x1x80xi32, #tpu.memory_space<vmem>>
      %dma_start3A_235 = tpu.memref_squeeze %dma_start3A_234 : memref<1x1x80xi32, #tpu.memory_space<vmem>> -> memref<80xi32, #tpu.memory_space<vmem>>
      %dma_start3A_236 = arith.constant 0 : i32
      %dma_start3A_237 = arith.constant 0 : i32
      %dma_start3A_238 = tpu.memref_slice %arg2[%dma_start3A_236, %dma_start3A_237] : memref<20000x32xf32, #tpu.memory_space<hbm>> -> memref<20000x32xf32, #tpu.memory_space<hbm>>
      tpu.enqueue_indirect_dma source(%dma_start3A_238 : memref<20000x32xf32, #tpu.memory_space<hbm>>) target(%dma_start3A_232 : memref<80x32xf32, #tpu.memory_space<vmem>>) offsets(%dma_start3A_235 : memref<80xi32, #tpu.memory_space<vmem>>) semaphore(%arg18 : memref<!tpu.dma_semaphore, #tpu.memory_space<semaphore_mem>>)
      %dma_start3A_239 = arith.constant 4 : i32
      %dma_start3A_240 = arith.constant 0 : i32
      %dma_start3A_241 = arith.constant 4 : i32
      %dma_start3A_242 = arith.constant 0 : i32
      %dma_start3A_243 = arith.constant 0 : i32
      %dma_start3A_244 = tpu.memref_slice %arg10[%dma_start3A_241, %dma_start3A_242, %dma_start3A_243] : memref<10x80x16xf32, #tpu.memory_space<vmem>> -> memref<1x80x16xf32, #tpu.memory_space<vmem>>
      %dma_start3A_245 = tpu.memref_squeeze %dma_start3A_244 : memref<1x80x16xf32, #tpu.memory_space<vmem>> -> memref<80x16xf32, #tpu.memory_space<vmem>>
      %dma_start3A_246 = arith.constant 0 : i32
      %dma_start3A_247 = tpu.memref_slice %arg8[%dma_start3A_239, %dma_start3A_240, %dma_start3A_246] : memref<10x3x80xi32, #tpu.memory_space<vmem>> -> memref<1x1x80xi32, #tpu.memory_space<vmem>>
      %dma_start3A_248 = tpu.memref_squeeze %dma_start3A_247 : memref<1x1x80xi32, #tpu.memory_space<vmem>> -> memref<80xi32, #tpu.memory_space<vmem>>
      %dma_start3A_249 = arith.constant 0 : i32
      %dma_start3A_250 = arith.constant 0 : i32
      %dma_start3A_251 = tpu.memref_slice %arg3[%dma_start3A_249, %dma_start3A_250] : memref<20000x16xf32, #tpu.memory_space<hbm>> -> memref<20000x16xf32, #tpu.memory_space<hbm>>
      tpu.enqueue_indirect_dma source(%dma_start3A_251 : memref<20000x16xf32, #tpu.memory_space<hbm>>) target(%dma_start3A_245 : memref<80x16xf32, #tpu.memory_space<vmem>>) offsets(%dma_start3A_248 : memref<80xi32, #tpu.memory_space<vmem>>) semaphore(%arg18 : memref<!tpu.dma_semaphore, #tpu.memory_space<semaphore_mem>>)
      %dma_start3A_252 = arith.constant 4 : i32
      %dma_start3A_253 = arith.constant 1 : i32
      %dma_start3A_254 = arith.constant 4 : i32
      %dma_start3A_255 = arith.constant 0 : i32
      %dma_start3A_256 = arith.constant 0 : i32
      %dma_start3A_257 = tpu.memref_slice %arg11[%dma_start3A_254, %dma_start3A_255, %dma_start3A_256] : memref<10x80x16xf32, #tpu.memory_space<vmem>> -> memref<1x80x16xf32, #tpu.memory_space<vmem>>
      %dma_start3A_258 = tpu.memref_squeeze %dma_start3A_257 : memref<1x80x16xf32, #tpu.memory_space<vmem>> -> memref<80x16xf32, #tpu.memory_space<vmem>>
      %dma_start3A_259 = arith.constant 0 : i32
      %dma_start3A_260 = tpu.memref_slice %arg8[%dma_start3A_252, %dma_start3A_253, %dma_start3A_259] : memref<10x3x80xi32, #tpu.memory_space<vmem>> -> memref<1x1x80xi32, #tpu.memory_space<vmem>>
      %dma_start3A_261 = tpu.memref_squeeze %dma_start3A_260 : memref<1x1x80xi32, #tpu.memory_space<vmem>> -> memref<80xi32, #tpu.memory_space<vmem>>
      %dma_start3A_262 = arith.constant 0 : i32
      %dma_start3A_263 = arith.constant 0 : i32
      %dma_start3A_264 = tpu.memref_slice %arg4[%dma_start3A_262, %dma_start3A_263] : memref<20000x16xf32, #tpu.memory_space<hbm>> -> memref<20000x16xf32, #tpu.memory_space<hbm>>
      tpu.enqueue_indirect_dma source(%dma_start3A_264 : memref<20000x16xf32, #tpu.memory_space<hbm>>) target(%dma_start3A_258 : memref<80x16xf32, #tpu.memory_space<vmem>>) offsets(%dma_start3A_261 : memref<80xi32, #tpu.memory_space<vmem>>) semaphore(%arg18 : memref<!tpu.dma_semaphore, #tpu.memory_space<semaphore_mem>>)
      %mul3A_265 = arith.constant 10 : i32
      %mul3A_266 = arith.muli %scan3A_40, %mul3A_265 : i32
      %add3A_267 = arith.addi %mul3A_2, %mul3A_266 : i32
      %add3A_268 = arith.constant 5 : i32
      %add3A_269 = arith.addi %add3A_267, %add3A_268 : i32
      %run_scoped3A_270 = arith.constant 5 : i32
      "tpu.region"() ({
        %run_scoped3A_1470 = tpu.sem_alloc : memref<!tpu.dma_semaphore, #tpu.memory_space<semaphore_mem>>
        %dma_start3A_1471 = arith.constant 0 : i32
        %dma_start3A_1472 = arith.constant 0 : i32
        %dma_start3A_1473 = tpu.memref_slice %arg8[%run_scoped3A_270, %dma_start3A_1471, %dma_start3A_1472] : memref<10x3x80xi32, #tpu.memory_space<vmem>> -> memref<1x3x80xi32, #tpu.memory_space<vmem>>
        %dma_start3A_1474 = tpu.memref_squeeze %dma_start3A_1473 : memref<1x3x80xi32, #tpu.memory_space<vmem>> -> memref<3x80xi32, #tpu.memory_space<vmem>>
        %dma_start3A_1475 = arith.constant 0 : i32
        %dma_start3A_1476 = arith.constant 0 : i32
        %dma_start3A_1477 = tpu.memref_slice %arg5[%add3A_269, %dma_start3A_1475, %dma_start3A_1476] : memref<8000x3x80xi32, #tpu.memory_space<hbm>> -> memref<1x3x80xi32, #tpu.memory_space<hbm>>
        %dma_start3A_1478 = tpu.memref_squeeze %dma_start3A_1477 : memref<1x3x80xi32, #tpu.memory_space<hbm>> -> memref<3x80xi32, #tpu.memory_space<hbm>>
        %dma_start3A_1479 = arith.constant 0 : i32
        %dma_start3A_1480 = arith.constant 0 : i32
        %dma_start3A_1481 = tpu.memref_slice %arg8[%run_scoped3A_270, %dma_start3A_1479, %dma_start3A_1480] : memref<10x3x80xi32, #tpu.memory_space<vmem>> -> memref<1x3x80xi32, #tpu.memory_space<vmem>>
        %dma_start3A_1482 = tpu.memref_squeeze %dma_start3A_1481 : memref<1x3x80xi32, #tpu.memory_space<vmem>> -> memref<3x80xi32, #tpu.memory_space<vmem>>
        %dma_start3A_1483 = arith.constant 0 : i32
        %dma_start3A_1484 = arith.constant 0 : i32
        %dma_start3A_1485 = tpu.memref_slice %arg5[%add3A_269, %dma_start3A_1483, %dma_start3A_1484] : memref<8000x3x80xi32, #tpu.memory_space<hbm>> -> memref<1x3x80xi32, #tpu.memory_space<hbm>>
        %dma_start3A_1486 = tpu.memref_squeeze %dma_start3A_1485 : memref<1x3x80xi32, #tpu.memory_space<hbm>> -> memref<3x80xi32, #tpu.memory_space<hbm>>
        tpu.enqueue_dma source(%dma_start3A_1486 : memref<3x80xi32, #tpu.memory_space<hbm>>) target(%dma_start3A_1482 : memref<3x80xi32, #tpu.memory_space<vmem>>) target_semaphore(%run_scoped3A_1470 : memref<!tpu.dma_semaphore, #tpu.memory_space<semaphore_mem>>)
        %dma_wait3A_1487 = arith.constant 0 : i32
        %dma_wait3A_1488 = arith.constant 0 : i32
        %dma_wait3A_1489 = tpu.memref_slice %arg8[%run_scoped3A_270, %dma_wait3A_1487, %dma_wait3A_1488] : memref<10x3x80xi32, #tpu.memory_space<vmem>> -> memref<1x3x80xi32, #tpu.memory_space<vmem>>
        %dma_wait3A_1490 = tpu.memref_squeeze %dma_wait3A_1489 : memref<1x3x80xi32, #tpu.memory_space<vmem>> -> memref<3x80xi32, #tpu.memory_space<vmem>>
        %dma_wait3A_1491 = arith.constant 0 : i32
        %dma_wait3A_1492 = arith.constant 0 : i32
        %dma_wait3A_1493 = tpu.memref_slice %arg5[%add3A_269, %dma_wait3A_1491, %dma_wait3A_1492] : memref<8000x3x80xi32, #tpu.memory_space<hbm>> -> memref<1x3x80xi32, #tpu.memory_space<hbm>>
        %dma_wait3A_1494 = tpu.memref_squeeze %dma_wait3A_1493 : memref<1x3x80xi32, #tpu.memory_space<hbm>> -> memref<3x80xi32, #tpu.memory_space<hbm>>
        %dma_wait3A_1495 = arith.constant 0 : i32
        %dma_wait3A_1496 = arith.constant 0 : i32
        %dma_wait3A_1497 = tpu.memref_slice %arg8[%run_scoped3A_270, %dma_wait3A_1495, %dma_wait3A_1496] : memref<10x3x80xi32, #tpu.memory_space<vmem>> -> memref<1x3x80xi32, #tpu.memory_space<vmem>>
        %dma_wait3A_1498 = tpu.memref_squeeze %dma_wait3A_1497 : memref<1x3x80xi32, #tpu.memory_space<vmem>> -> memref<3x80xi32, #tpu.memory_space<vmem>>
        %dma_wait3A_1499 = arith.constant 0 : i32
        %dma_wait3A_1500 = arith.constant 0 : i32
        %dma_wait3A_1501 = tpu.memref_slice %arg5[%add3A_269, %dma_wait3A_1499, %dma_wait3A_1500] : memref<8000x3x80xi32, #tpu.memory_space<hbm>> -> memref<1x3x80xi32, #tpu.memory_space<hbm>>
        %dma_wait3A_1502 = tpu.memref_squeeze %dma_wait3A_1501 : memref<1x3x80xi32, #tpu.memory_space<hbm>> -> memref<3x80xi32, #tpu.memory_space<hbm>>
        tpu.wait_dma2 semaphore(%run_scoped3A_1470 : memref<!tpu.dma_semaphore, #tpu.memory_space<semaphore_mem>>) src(%dma_wait3A_1502 : memref<3x80xi32, #tpu.memory_space<hbm>>) dst(%dma_wait3A_1498 : memref<3x80xi32, #tpu.memory_space<vmem>>)
        tpu.yield
      }) : () -> ()
      %dma_start3A_271 = arith.constant 5 : i32
      %dma_start3A_272 = arith.constant 0 : i32
      %dma_start3A_273 = arith.constant 5 : i32
      %dma_start3A_274 = arith.constant 0 : i32
      %dma_start3A_275 = arith.constant 0 : i32
      %dma_start3A_276 = tpu.memref_slice %arg9[%dma_start3A_273, %dma_start3A_274, %dma_start3A_275] : memref<10x80x32xf32, #tpu.memory_space<vmem>> -> memref<1x80x32xf32, #tpu.memory_space<vmem>>
      %dma_start3A_277 = tpu.memref_squeeze %dma_start3A_276 : memref<1x80x32xf32, #tpu.memory_space<vmem>> -> memref<80x32xf32, #tpu.memory_space<vmem>>
      %dma_start3A_278 = arith.constant 0 : i32
      %dma_start3A_279 = tpu.memref_slice %arg8[%dma_start3A_271, %dma_start3A_272, %dma_start3A_278] : memref<10x3x80xi32, #tpu.memory_space<vmem>> -> memref<1x1x80xi32, #tpu.memory_space<vmem>>
      %dma_start3A_280 = tpu.memref_squeeze %dma_start3A_279 : memref<1x1x80xi32, #tpu.memory_space<vmem>> -> memref<80xi32, #tpu.memory_space<vmem>>
      %dma_start3A_281 = arith.constant 0 : i32
      %dma_start3A_282 = arith.constant 0 : i32
      %dma_start3A_283 = tpu.memref_slice %arg2[%dma_start3A_281, %dma_start3A_282] : memref<20000x32xf32, #tpu.memory_space<hbm>> -> memref<20000x32xf32, #tpu.memory_space<hbm>>
      tpu.enqueue_indirect_dma source(%dma_start3A_283 : memref<20000x32xf32, #tpu.memory_space<hbm>>) target(%dma_start3A_277 : memref<80x32xf32, #tpu.memory_space<vmem>>) offsets(%dma_start3A_280 : memref<80xi32, #tpu.memory_space<vmem>>) semaphore(%arg19 : memref<!tpu.dma_semaphore, #tpu.memory_space<semaphore_mem>>)
      %dma_start3A_284 = arith.constant 5 : i32
      %dma_start3A_285 = arith.constant 0 : i32
      %dma_start3A_286 = arith.constant 5 : i32
      %dma_start3A_287 = arith.constant 0 : i32
      %dma_start3A_288 = arith.constant 0 : i32
      %dma_start3A_289 = tpu.memref_slice %arg10[%dma_start3A_286, %dma_start3A_287, %dma_start3A_288] : memref<10x80x16xf32, #tpu.memory_space<vmem>> -> memref<1x80x16xf32, #tpu.memory_space<vmem>>
      %dma_start3A_290 = tpu.memref_squeeze %dma_start3A_289 : memref<1x80x16xf32, #tpu.memory_space<vmem>> -> memref<80x16xf32, #tpu.memory_space<vmem>>
      %dma_start3A_291 = arith.constant 0 : i32
      %dma_start3A_292 = tpu.memref_slice %arg8[%dma_start3A_284, %dma_start3A_285, %dma_start3A_291] : memref<10x3x80xi32, #tpu.memory_space<vmem>> -> memref<1x1x80xi32, #tpu.memory_space<vmem>>
      %dma_start3A_293 = tpu.memref_squeeze %dma_start3A_292 : memref<1x1x80xi32, #tpu.memory_space<vmem>> -> memref<80xi32, #tpu.memory_space<vmem>>
      %dma_start3A_294 = arith.constant 0 : i32
      %dma_start3A_295 = arith.constant 0 : i32
      %dma_start3A_296 = tpu.memref_slice %arg3[%dma_start3A_294, %dma_start3A_295] : memref<20000x16xf32, #tpu.memory_space<hbm>> -> memref<20000x16xf32, #tpu.memory_space<hbm>>
      tpu.enqueue_indirect_dma source(%dma_start3A_296 : memref<20000x16xf32, #tpu.memory_space<hbm>>) target(%dma_start3A_290 : memref<80x16xf32, #tpu.memory_space<vmem>>) offsets(%dma_start3A_293 : memref<80xi32, #tpu.memory_space<vmem>>) semaphore(%arg19 : memref<!tpu.dma_semaphore, #tpu.memory_space<semaphore_mem>>)
      %dma_start3A_297 = arith.constant 5 : i32
      %dma_start3A_298 = arith.constant 1 : i32
      %dma_start3A_299 = arith.constant 5 : i32
      %dma_start3A_300 = arith.constant 0 : i32
      %dma_start3A_301 = arith.constant 0 : i32
      %dma_start3A_302 = tpu.memref_slice %arg11[%dma_start3A_299, %dma_start3A_300, %dma_start3A_301] : memref<10x80x16xf32, #tpu.memory_space<vmem>> -> memref<1x80x16xf32, #tpu.memory_space<vmem>>
      %dma_start3A_303 = tpu.memref_squeeze %dma_start3A_302 : memref<1x80x16xf32, #tpu.memory_space<vmem>> -> memref<80x16xf32, #tpu.memory_space<vmem>>
      %dma_start3A_304 = arith.constant 0 : i32
      %dma_start3A_305 = tpu.memref_slice %arg8[%dma_start3A_297, %dma_start3A_298, %dma_start3A_304] : memref<10x3x80xi32, #tpu.memory_space<vmem>> -> memref<1x1x80xi32, #tpu.memory_space<vmem>>
      %dma_start3A_306 = tpu.memref_squeeze %dma_start3A_305 : memref<1x1x80xi32, #tpu.memory_space<vmem>> -> memref<80xi32, #tpu.memory_space<vmem>>
      %dma_start3A_307 = arith.constant 0 : i32
      %dma_start3A_308 = arith.constant 0 : i32
      %dma_start3A_309 = tpu.memref_slice %arg4[%dma_start3A_307, %dma_start3A_308] : memref<20000x16xf32, #tpu.memory_space<hbm>> -> memref<20000x16xf32, #tpu.memory_space<hbm>>
      tpu.enqueue_indirect_dma source(%dma_start3A_309 : memref<20000x16xf32, #tpu.memory_space<hbm>>) target(%dma_start3A_303 : memref<80x16xf32, #tpu.memory_space<vmem>>) offsets(%dma_start3A_306 : memref<80xi32, #tpu.memory_space<vmem>>) semaphore(%arg19 : memref<!tpu.dma_semaphore, #tpu.memory_space<semaphore_mem>>)
      %mul3A_310 = arith.constant 10 : i32
      %mul3A_311 = arith.muli %scan3A_40, %mul3A_310 : i32
      %add3A_312 = arith.addi %mul3A_2, %mul3A_311 : i32
      %add3A_313 = arith.constant 6 : i32
      %add3A_314 = arith.addi %add3A_312, %add3A_313 : i32
      %run_scoped3A_315 = arith.constant 6 : i32
      "tpu.region"() ({
        %run_scoped3A_1470 = tpu.sem_alloc : memref<!tpu.dma_semaphore, #tpu.memory_space<semaphore_mem>>
        %dma_start3A_1471 = arith.constant 0 : i32
        %dma_start3A_1472 = arith.constant 0 : i32
        %dma_start3A_1473 = tpu.memref_slice %arg8[%run_scoped3A_315, %dma_start3A_1471, %dma_start3A_1472] : memref<10x3x80xi32, #tpu.memory_space<vmem>> -> memref<1x3x80xi32, #tpu.memory_space<vmem>>
        %dma_start3A_1474 = tpu.memref_squeeze %dma_start3A_1473 : memref<1x3x80xi32, #tpu.memory_space<vmem>> -> memref<3x80xi32, #tpu.memory_space<vmem>>
        %dma_start3A_1475 = arith.constant 0 : i32
        %dma_start3A_1476 = arith.constant 0 : i32
        %dma_start3A_1477 = tpu.memref_slice %arg5[%add3A_314, %dma_start3A_1475, %dma_start3A_1476] : memref<8000x3x80xi32, #tpu.memory_space<hbm>> -> memref<1x3x80xi32, #tpu.memory_space<hbm>>
        %dma_start3A_1478 = tpu.memref_squeeze %dma_start3A_1477 : memref<1x3x80xi32, #tpu.memory_space<hbm>> -> memref<3x80xi32, #tpu.memory_space<hbm>>
        %dma_start3A_1479 = arith.constant 0 : i32
        %dma_start3A_1480 = arith.constant 0 : i32
        %dma_start3A_1481 = tpu.memref_slice %arg8[%run_scoped3A_315, %dma_start3A_1479, %dma_start3A_1480] : memref<10x3x80xi32, #tpu.memory_space<vmem>> -> memref<1x3x80xi32, #tpu.memory_space<vmem>>
        %dma_start3A_1482 = tpu.memref_squeeze %dma_start3A_1481 : memref<1x3x80xi32, #tpu.memory_space<vmem>> -> memref<3x80xi32, #tpu.memory_space<vmem>>
        %dma_start3A_1483 = arith.constant 0 : i32
        %dma_start3A_1484 = arith.constant 0 : i32
        %dma_start3A_1485 = tpu.memref_slice %arg5[%add3A_314, %dma_start3A_1483, %dma_start3A_1484] : memref<8000x3x80xi32, #tpu.memory_space<hbm>> -> memref<1x3x80xi32, #tpu.memory_space<hbm>>
        %dma_start3A_1486 = tpu.memref_squeeze %dma_start3A_1485 : memref<1x3x80xi32, #tpu.memory_space<hbm>> -> memref<3x80xi32, #tpu.memory_space<hbm>>
        tpu.enqueue_dma source(%dma_start3A_1486 : memref<3x80xi32, #tpu.memory_space<hbm>>) target(%dma_start3A_1482 : memref<3x80xi32, #tpu.memory_space<vmem>>) target_semaphore(%run_scoped3A_1470 : memref<!tpu.dma_semaphore, #tpu.memory_space<semaphore_mem>>)
        %dma_wait3A_1487 = arith.constant 0 : i32
        %dma_wait3A_1488 = arith.constant 0 : i32
        %dma_wait3A_1489 = tpu.memref_slice %arg8[%run_scoped3A_315, %dma_wait3A_1487, %dma_wait3A_1488] : memref<10x3x80xi32, #tpu.memory_space<vmem>> -> memref<1x3x80xi32, #tpu.memory_space<vmem>>
        %dma_wait3A_1490 = tpu.memref_squeeze %dma_wait3A_1489 : memref<1x3x80xi32, #tpu.memory_space<vmem>> -> memref<3x80xi32, #tpu.memory_space<vmem>>
        %dma_wait3A_1491 = arith.constant 0 : i32
        %dma_wait3A_1492 = arith.constant 0 : i32
        %dma_wait3A_1493 = tpu.memref_slice %arg5[%add3A_314, %dma_wait3A_1491, %dma_wait3A_1492] : memref<8000x3x80xi32, #tpu.memory_space<hbm>> -> memref<1x3x80xi32, #tpu.memory_space<hbm>>
        %dma_wait3A_1494 = tpu.memref_squeeze %dma_wait3A_1493 : memref<1x3x80xi32, #tpu.memory_space<hbm>> -> memref<3x80xi32, #tpu.memory_space<hbm>>
        %dma_wait3A_1495 = arith.constant 0 : i32
        %dma_wait3A_1496 = arith.constant 0 : i32
        %dma_wait3A_1497 = tpu.memref_slice %arg8[%run_scoped3A_315, %dma_wait3A_1495, %dma_wait3A_1496] : memref<10x3x80xi32, #tpu.memory_space<vmem>> -> memref<1x3x80xi32, #tpu.memory_space<vmem>>
        %dma_wait3A_1498 = tpu.memref_squeeze %dma_wait3A_1497 : memref<1x3x80xi32, #tpu.memory_space<vmem>> -> memref<3x80xi32, #tpu.memory_space<vmem>>
        %dma_wait3A_1499 = arith.constant 0 : i32
        %dma_wait3A_1500 = arith.constant 0 : i32
        %dma_wait3A_1501 = tpu.memref_slice %arg5[%add3A_314, %dma_wait3A_1499, %dma_wait3A_1500] : memref<8000x3x80xi32, #tpu.memory_space<hbm>> -> memref<1x3x80xi32, #tpu.memory_space<hbm>>
        %dma_wait3A_1502 = tpu.memref_squeeze %dma_wait3A_1501 : memref<1x3x80xi32, #tpu.memory_space<hbm>> -> memref<3x80xi32, #tpu.memory_space<hbm>>
        tpu.wait_dma2 semaphore(%run_scoped3A_1470 : memref<!tpu.dma_semaphore, #tpu.memory_space<semaphore_mem>>) src(%dma_wait3A_1502 : memref<3x80xi32, #tpu.memory_space<hbm>>) dst(%dma_wait3A_1498 : memref<3x80xi32, #tpu.memory_space<vmem>>)
        tpu.yield
      }) : () -> ()
      %dma_start3A_316 = arith.constant 6 : i32
      %dma_start3A_317 = arith.constant 0 : i32
      %dma_start3A_318 = arith.constant 6 : i32
      %dma_start3A_319 = arith.constant 0 : i32
      %dma_start3A_320 = arith.constant 0 : i32
      %dma_start3A_321 = tpu.memref_slice %arg9[%dma_start3A_318, %dma_start3A_319, %dma_start3A_320] : memref<10x80x32xf32, #tpu.memory_space<vmem>> -> memref<1x80x32xf32, #tpu.memory_space<vmem>>
      %dma_start3A_322 = tpu.memref_squeeze %dma_start3A_321 : memref<1x80x32xf32, #tpu.memory_space<vmem>> -> memref<80x32xf32, #tpu.memory_space<vmem>>
      %dma_start3A_323 = arith.constant 0 : i32
      %dma_start3A_324 = tpu.memref_slice %arg8[%dma_start3A_316, %dma_start3A_317, %dma_start3A_323] : memref<10x3x80xi32, #tpu.memory_space<vmem>> -> memref<1x1x80xi32, #tpu.memory_space<vmem>>
      %dma_start3A_325 = tpu.memref_squeeze %dma_start3A_324 : memref<1x1x80xi32, #tpu.memory_space<vmem>> -> memref<80xi32, #tpu.memory_space<vmem>>
      %dma_start3A_326 = arith.constant 0 : i32
      %dma_start3A_327 = arith.constant 0 : i32
      %dma_start3A_328 = tpu.memref_slice %arg2[%dma_start3A_326, %dma_start3A_327] : memref<20000x32xf32, #tpu.memory_space<hbm>> -> memref<20000x32xf32, #tpu.memory_space<hbm>>
      tpu.enqueue_indirect_dma source(%dma_start3A_328 : memref<20000x32xf32, #tpu.memory_space<hbm>>) target(%dma_start3A_322 : memref<80x32xf32, #tpu.memory_space<vmem>>) offsets(%dma_start3A_325 : memref<80xi32, #tpu.memory_space<vmem>>) semaphore(%arg20 : memref<!tpu.dma_semaphore, #tpu.memory_space<semaphore_mem>>)
      %dma_start3A_329 = arith.constant 6 : i32
      %dma_start3A_330 = arith.constant 0 : i32
      %dma_start3A_331 = arith.constant 6 : i32
      %dma_start3A_332 = arith.constant 0 : i32
      %dma_start3A_333 = arith.constant 0 : i32
      %dma_start3A_334 = tpu.memref_slice %arg10[%dma_start3A_331, %dma_start3A_332, %dma_start3A_333] : memref<10x80x16xf32, #tpu.memory_space<vmem>> -> memref<1x80x16xf32, #tpu.memory_space<vmem>>
      %dma_start3A_335 = tpu.memref_squeeze %dma_start3A_334 : memref<1x80x16xf32, #tpu.memory_space<vmem>> -> memref<80x16xf32, #tpu.memory_space<vmem>>
      %dma_start3A_336 = arith.constant 0 : i32
      %dma_start3A_337 = tpu.memref_slice %arg8[%dma_start3A_329, %dma_start3A_330, %dma_start3A_336] : memref<10x3x80xi32, #tpu.memory_space<vmem>> -> memref<1x1x80xi32, #tpu.memory_space<vmem>>
      %dma_start3A_338 = tpu.memref_squeeze %dma_start3A_337 : memref<1x1x80xi32, #tpu.memory_space<vmem>> -> memref<80xi32, #tpu.memory_space<vmem>>
      %dma_start3A_339 = arith.constant 0 : i32
      %dma_start3A_340 = arith.constant 0 : i32
      %dma_start3A_341 = tpu.memref_slice %arg3[%dma_start3A_339, %dma_start3A_340] : memref<20000x16xf32, #tpu.memory_space<hbm>> -> memref<20000x16xf32, #tpu.memory_space<hbm>>
      tpu.enqueue_indirect_dma source(%dma_start3A_341 : memref<20000x16xf32, #tpu.memory_space<hbm>>) target(%dma_start3A_335 : memref<80x16xf32, #tpu.memory_space<vmem>>) offsets(%dma_start3A_338 : memref<80xi32, #tpu.memory_space<vmem>>) semaphore(%arg20 : memref<!tpu.dma_semaphore, #tpu.memory_space<semaphore_mem>>)
      %dma_start3A_342 = arith.constant 6 : i32
      %dma_start3A_343 = arith.constant 1 : i32
      %dma_start3A_344 = arith.constant 6 : i32
      %dma_start3A_345 = arith.constant 0 : i32
      %dma_start3A_346 = arith.constant 0 : i32
      %dma_start3A_347 = tpu.memref_slice %arg11[%dma_start3A_344, %dma_start3A_345, %dma_start3A_346] : memref<10x80x16xf32, #tpu.memory_space<vmem>> -> memref<1x80x16xf32, #tpu.memory_space<vmem>>
      %dma_start3A_348 = tpu.memref_squeeze %dma_start3A_347 : memref<1x80x16xf32, #tpu.memory_space<vmem>> -> memref<80x16xf32, #tpu.memory_space<vmem>>
      %dma_start3A_349 = arith.constant 0 : i32
      %dma_start3A_350 = tpu.memref_slice %arg8[%dma_start3A_342, %dma_start3A_343, %dma_start3A_349] : memref<10x3x80xi32, #tpu.memory_space<vmem>> -> memref<1x1x80xi32, #tpu.memory_space<vmem>>
      %dma_start3A_351 = tpu.memref_squeeze %dma_start3A_350 : memref<1x1x80xi32, #tpu.memory_space<vmem>> -> memref<80xi32, #tpu.memory_space<vmem>>
      %dma_start3A_352 = arith.constant 0 : i32
      %dma_start3A_353 = arith.constant 0 : i32
      %dma_start3A_354 = tpu.memref_slice %arg4[%dma_start3A_352, %dma_start3A_353] : memref<20000x16xf32, #tpu.memory_space<hbm>> -> memref<20000x16xf32, #tpu.memory_space<hbm>>
      tpu.enqueue_indirect_dma source(%dma_start3A_354 : memref<20000x16xf32, #tpu.memory_space<hbm>>) target(%dma_start3A_348 : memref<80x16xf32, #tpu.memory_space<vmem>>) offsets(%dma_start3A_351 : memref<80xi32, #tpu.memory_space<vmem>>) semaphore(%arg20 : memref<!tpu.dma_semaphore, #tpu.memory_space<semaphore_mem>>)
      %mul3A_355 = arith.constant 10 : i32
      %mul3A_356 = arith.muli %scan3A_40, %mul3A_355 : i32
      %add3A_357 = arith.addi %mul3A_2, %mul3A_356 : i32
      %add3A_358 = arith.constant 7 : i32
      %add3A_359 = arith.addi %add3A_357, %add3A_358 : i32
      %run_scoped3A_360 = arith.constant 7 : i32
      "tpu.region"() ({
        %run_scoped3A_1470 = tpu.sem_alloc : memref<!tpu.dma_semaphore, #tpu.memory_space<semaphore_mem>>
        %dma_start3A_1471 = arith.constant 0 : i32
        %dma_start3A_1472 = arith.constant 0 : i32
        %dma_start3A_1473 = tpu.memref_slice %arg8[%run_scoped3A_360, %dma_start3A_1471, %dma_start3A_1472] : memref<10x3x80xi32, #tpu.memory_space<vmem>> -> memref<1x3x80xi32, #tpu.memory_space<vmem>>
        %dma_start3A_1474 = tpu.memref_squeeze %dma_start3A_1473 : memref<1x3x80xi32, #tpu.memory_space<vmem>> -> memref<3x80xi32, #tpu.memory_space<vmem>>
        %dma_start3A_1475 = arith.constant 0 : i32
        %dma_start3A_1476 = arith.constant 0 : i32
        %dma_start3A_1477 = tpu.memref_slice %arg5[%add3A_359, %dma_start3A_1475, %dma_start3A_1476] : memref<8000x3x80xi32, #tpu.memory_space<hbm>> -> memref<1x3x80xi32, #tpu.memory_space<hbm>>
        %dma_start3A_1478 = tpu.memref_squeeze %dma_start3A_1477 : memref<1x3x80xi32, #tpu.memory_space<hbm>> -> memref<3x80xi32, #tpu.memory_space<hbm>>
        %dma_start3A_1479 = arith.constant 0 : i32
        %dma_start3A_1480 = arith.constant 0 : i32
        %dma_start3A_1481 = tpu.memref_slice %arg8[%run_scoped3A_360, %dma_start3A_1479, %dma_start3A_1480] : memref<10x3x80xi32, #tpu.memory_space<vmem>> -> memref<1x3x80xi32, #tpu.memory_space<vmem>>
        %dma_start3A_1482 = tpu.memref_squeeze %dma_start3A_1481 : memref<1x3x80xi32, #tpu.memory_space<vmem>> -> memref<3x80xi32, #tpu.memory_space<vmem>>
        %dma_start3A_1483 = arith.constant 0 : i32
        %dma_start3A_1484 = arith.constant 0 : i32
        %dma_start3A_1485 = tpu.memref_slice %arg5[%add3A_359, %dma_start3A_1483, %dma_start3A_1484] : memref<8000x3x80xi32, #tpu.memory_space<hbm>> -> memref<1x3x80xi32, #tpu.memory_space<hbm>>
        %dma_start3A_1486 = tpu.memref_squeeze %dma_start3A_1485 : memref<1x3x80xi32, #tpu.memory_space<hbm>> -> memref<3x80xi32, #tpu.memory_space<hbm>>
        tpu.enqueue_dma source(%dma_start3A_1486 : memref<3x80xi32, #tpu.memory_space<hbm>>) target(%dma_start3A_1482 : memref<3x80xi32, #tpu.memory_space<vmem>>) target_semaphore(%run_scoped3A_1470 : memref<!tpu.dma_semaphore, #tpu.memory_space<semaphore_mem>>)
        %dma_wait3A_1487 = arith.constant 0 : i32
        %dma_wait3A_1488 = arith.constant 0 : i32
        %dma_wait3A_1489 = tpu.memref_slice %arg8[%run_scoped3A_360, %dma_wait3A_1487, %dma_wait3A_1488] : memref<10x3x80xi32, #tpu.memory_space<vmem>> -> memref<1x3x80xi32, #tpu.memory_space<vmem>>
        %dma_wait3A_1490 = tpu.memref_squeeze %dma_wait3A_1489 : memref<1x3x80xi32, #tpu.memory_space<vmem>> -> memref<3x80xi32, #tpu.memory_space<vmem>>
        %dma_wait3A_1491 = arith.constant 0 : i32
        %dma_wait3A_1492 = arith.constant 0 : i32
        %dma_wait3A_1493 = tpu.memref_slice %arg5[%add3A_359, %dma_wait3A_1491, %dma_wait3A_1492] : memref<8000x3x80xi32, #tpu.memory_space<hbm>> -> memref<1x3x80xi32, #tpu.memory_space<hbm>>
        %dma_wait3A_1494 = tpu.memref_squeeze %dma_wait3A_1493 : memref<1x3x80xi32, #tpu.memory_space<hbm>> -> memref<3x80xi32, #tpu.memory_space<hbm>>
        %dma_wait3A_1495 = arith.constant 0 : i32
        %dma_wait3A_1496 = arith.constant 0 : i32
        %dma_wait3A_1497 = tpu.memref_slice %arg8[%run_scoped3A_360, %dma_wait3A_1495, %dma_wait3A_1496] : memref<10x3x80xi32, #tpu.memory_space<vmem>> -> memref<1x3x80xi32, #tpu.memory_space<vmem>>
        %dma_wait3A_1498 = tpu.memref_squeeze %dma_wait3A_1497 : memref<1x3x80xi32, #tpu.memory_space<vmem>> -> memref<3x80xi32, #tpu.memory_space<vmem>>
        %dma_wait3A_1499 = arith.constant 0 : i32
        %dma_wait3A_1500 = arith.constant 0 : i32
        %dma_wait3A_1501 = tpu.memref_slice %arg5[%add3A_359, %dma_wait3A_1499, %dma_wait3A_1500] : memref<8000x3x80xi32, #tpu.memory_space<hbm>> -> memref<1x3x80xi32, #tpu.memory_space<hbm>>
        %dma_wait3A_1502 = tpu.memref_squeeze %dma_wait3A_1501 : memref<1x3x80xi32, #tpu.memory_space<hbm>> -> memref<3x80xi32, #tpu.memory_space<hbm>>
        tpu.wait_dma2 semaphore(%run_scoped3A_1470 : memref<!tpu.dma_semaphore, #tpu.memory_space<semaphore_mem>>) src(%dma_wait3A_1502 : memref<3x80xi32, #tpu.memory_space<hbm>>) dst(%dma_wait3A_1498 : memref<3x80xi32, #tpu.memory_space<vmem>>)
        tpu.yield
      }) : () -> ()
      %dma_start3A_361 = arith.constant 7 : i32
      %dma_start3A_362 = arith.constant 0 : i32
      %dma_start3A_363 = arith.constant 7 : i32
      %dma_start3A_364 = arith.constant 0 : i32
      %dma_start3A_365 = arith.constant 0 : i32
      %dma_start3A_366 = tpu.memref_slice %arg9[%dma_start3A_363, %dma_start3A_364, %dma_start3A_365] : memref<10x80x32xf32, #tpu.memory_space<vmem>> -> memref<1x80x32xf32, #tpu.memory_space<vmem>>
      %dma_start3A_367 = tpu.memref_squeeze %dma_start3A_366 : memref<1x80x32xf32, #tpu.memory_space<vmem>> -> memref<80x32xf32, #tpu.memory_space<vmem>>
      %dma_start3A_368 = arith.constant 0 : i32
      %dma_start3A_369 = tpu.memref_slice %arg8[%dma_start3A_361, %dma_start3A_362, %dma_start3A_368] : memref<10x3x80xi32, #tpu.memory_space<vmem>> -> memref<1x1x80xi32, #tpu.memory_space<vmem>>
      %dma_start3A_370 = tpu.memref_squeeze %dma_start3A_369 : memref<1x1x80xi32, #tpu.memory_space<vmem>> -> memref<80xi32, #tpu.memory_space<vmem>>
      %dma_start3A_371 = arith.constant 0 : i32
      %dma_start3A_372 = arith.constant 0 : i32
      %dma_start3A_373 = tpu.memref_slice %arg2[%dma_start3A_371, %dma_start3A_372] : memref<20000x32xf32, #tpu.memory_space<hbm>> -> memref<20000x32xf32, #tpu.memory_space<hbm>>
      tpu.enqueue_indirect_dma source(%dma_start3A_373 : memref<20000x32xf32, #tpu.memory_space<hbm>>) target(%dma_start3A_367 : memref<80x32xf32, #tpu.memory_space<vmem>>) offsets(%dma_start3A_370 : memref<80xi32, #tpu.memory_space<vmem>>) semaphore(%arg21 : memref<!tpu.dma_semaphore, #tpu.memory_space<semaphore_mem>>)
      %dma_start3A_374 = arith.constant 7 : i32
      %dma_start3A_375 = arith.constant 0 : i32
      %dma_start3A_376 = arith.constant 7 : i32
      %dma_start3A_377 = arith.constant 0 : i32
      %dma_start3A_378 = arith.constant 0 : i32
      %dma_start3A_379 = tpu.memref_slice %arg10[%dma_start3A_376, %dma_start3A_377, %dma_start3A_378] : memref<10x80x16xf32, #tpu.memory_space<vmem>> -> memref<1x80x16xf32, #tpu.memory_space<vmem>>
      %dma_start3A_380 = tpu.memref_squeeze %dma_start3A_379 : memref<1x80x16xf32, #tpu.memory_space<vmem>> -> memref<80x16xf32, #tpu.memory_space<vmem>>
      %dma_start3A_381 = arith.constant 0 : i32
      %dma_start3A_382 = tpu.memref_slice %arg8[%dma_start3A_374, %dma_start3A_375, %dma_start3A_381] : memref<10x3x80xi32, #tpu.memory_space<vmem>> -> memref<1x1x80xi32, #tpu.memory_space<vmem>>
      %dma_start3A_383 = tpu.memref_squeeze %dma_start3A_382 : memref<1x1x80xi32, #tpu.memory_space<vmem>> -> memref<80xi32, #tpu.memory_space<vmem>>
      %dma_start3A_384 = arith.constant 0 : i32
      %dma_start3A_385 = arith.constant 0 : i32
      %dma_start3A_386 = tpu.memref_slice %arg3[%dma_start3A_384, %dma_start3A_385] : memref<20000x16xf32, #tpu.memory_space<hbm>> -> memref<20000x16xf32, #tpu.memory_space<hbm>>
      tpu.enqueue_indirect_dma source(%dma_start3A_386 : memref<20000x16xf32, #tpu.memory_space<hbm>>) target(%dma_start3A_380 : memref<80x16xf32, #tpu.memory_space<vmem>>) offsets(%dma_start3A_383 : memref<80xi32, #tpu.memory_space<vmem>>) semaphore(%arg21 : memref<!tpu.dma_semaphore, #tpu.memory_space<semaphore_mem>>)
      %dma_start3A_387 = arith.constant 7 : i32
      %dma_start3A_388 = arith.constant 1 : i32
      %dma_start3A_389 = arith.constant 7 : i32
      %dma_start3A_390 = arith.constant 0 : i32
      %dma_start3A_391 = arith.constant 0 : i32
      %dma_start3A_392 = tpu.memref_slice %arg11[%dma_start3A_389, %dma_start3A_390, %dma_start3A_391] : memref<10x80x16xf32, #tpu.memory_space<vmem>> -> memref<1x80x16xf32, #tpu.memory_space<vmem>>
      %dma_start3A_393 = tpu.memref_squeeze %dma_start3A_392 : memref<1x80x16xf32, #tpu.memory_space<vmem>> -> memref<80x16xf32, #tpu.memory_space<vmem>>
      %dma_start3A_394 = arith.constant 0 : i32
      %dma_start3A_395 = tpu.memref_slice %arg8[%dma_start3A_387, %dma_start3A_388, %dma_start3A_394] : memref<10x3x80xi32, #tpu.memory_space<vmem>> -> memref<1x1x80xi32, #tpu.memory_space<vmem>>
      %dma_start3A_396 = tpu.memref_squeeze %dma_start3A_395 : memref<1x1x80xi32, #tpu.memory_space<vmem>> -> memref<80xi32, #tpu.memory_space<vmem>>
      %dma_start3A_397 = arith.constant 0 : i32
      %dma_start3A_398 = arith.constant 0 : i32
      %dma_start3A_399 = tpu.memref_slice %arg4[%dma_start3A_397, %dma_start3A_398] : memref<20000x16xf32, #tpu.memory_space<hbm>> -> memref<20000x16xf32, #tpu.memory_space<hbm>>
      tpu.enqueue_indirect_dma source(%dma_start3A_399 : memref<20000x16xf32, #tpu.memory_space<hbm>>) target(%dma_start3A_393 : memref<80x16xf32, #tpu.memory_space<vmem>>) offsets(%dma_start3A_396 : memref<80xi32, #tpu.memory_space<vmem>>) semaphore(%arg21 : memref<!tpu.dma_semaphore, #tpu.memory_space<semaphore_mem>>)
      %mul3A_400 = arith.constant 10 : i32
      %mul3A_401 = arith.muli %scan3A_40, %mul3A_400 : i32
      %add3A_402 = arith.addi %mul3A_2, %mul3A_401 : i32
      %add3A_403 = arith.constant 8 : i32
      %add3A_404 = arith.addi %add3A_402, %add3A_403 : i32
      %run_scoped3A_405 = arith.constant 8 : i32
      "tpu.region"() ({
        %run_scoped3A_1470 = tpu.sem_alloc : memref<!tpu.dma_semaphore, #tpu.memory_space<semaphore_mem>>
        %dma_start3A_1471 = arith.constant 0 : i32
        %dma_start3A_1472 = arith.constant 0 : i32
        %dma_start3A_1473 = tpu.memref_slice %arg8[%run_scoped3A_405, %dma_start3A_1471, %dma_start3A_1472] : memref<10x3x80xi32, #tpu.memory_space<vmem>> -> memref<1x3x80xi32, #tpu.memory_space<vmem>>
        %dma_start3A_1474 = tpu.memref_squeeze %dma_start3A_1473 : memref<1x3x80xi32, #tpu.memory_space<vmem>> -> memref<3x80xi32, #tpu.memory_space<vmem>>
        %dma_start3A_1475 = arith.constant 0 : i32
        %dma_start3A_1476 = arith.constant 0 : i32
        %dma_start3A_1477 = tpu.memref_slice %arg5[%add3A_404, %dma_start3A_1475, %dma_start3A_1476] : memref<8000x3x80xi32, #tpu.memory_space<hbm>> -> memref<1x3x80xi32, #tpu.memory_space<hbm>>
        %dma_start3A_1478 = tpu.memref_squeeze %dma_start3A_1477 : memref<1x3x80xi32, #tpu.memory_space<hbm>> -> memref<3x80xi32, #tpu.memory_space<hbm>>
        %dma_start3A_1479 = arith.constant 0 : i32
        %dma_start3A_1480 = arith.constant 0 : i32
        %dma_start3A_1481 = tpu.memref_slice %arg8[%run_scoped3A_405, %dma_start3A_1479, %dma_start3A_1480] : memref<10x3x80xi32, #tpu.memory_space<vmem>> -> memref<1x3x80xi32, #tpu.memory_space<vmem>>
        %dma_start3A_1482 = tpu.memref_squeeze %dma_start3A_1481 : memref<1x3x80xi32, #tpu.memory_space<vmem>> -> memref<3x80xi32, #tpu.memory_space<vmem>>
        %dma_start3A_1483 = arith.constant 0 : i32
        %dma_start3A_1484 = arith.constant 0 : i32
        %dma_start3A_1485 = tpu.memref_slice %arg5[%add3A_404, %dma_start3A_1483, %dma_start3A_1484] : memref<8000x3x80xi32, #tpu.memory_space<hbm>> -> memref<1x3x80xi32, #tpu.memory_space<hbm>>
        %dma_start3A_1486 = tpu.memref_squeeze %dma_start3A_1485 : memref<1x3x80xi32, #tpu.memory_space<hbm>> -> memref<3x80xi32, #tpu.memory_space<hbm>>
        tpu.enqueue_dma source(%dma_start3A_1486 : memref<3x80xi32, #tpu.memory_space<hbm>>) target(%dma_start3A_1482 : memref<3x80xi32, #tpu.memory_space<vmem>>) target_semaphore(%run_scoped3A_1470 : memref<!tpu.dma_semaphore, #tpu.memory_space<semaphore_mem>>)
        %dma_wait3A_1487 = arith.constant 0 : i32
        %dma_wait3A_1488 = arith.constant 0 : i32
        %dma_wait3A_1489 = tpu.memref_slice %arg8[%run_scoped3A_405, %dma_wait3A_1487, %dma_wait3A_1488] : memref<10x3x80xi32, #tpu.memory_space<vmem>> -> memref<1x3x80xi32, #tpu.memory_space<vmem>>
        %dma_wait3A_1490 = tpu.memref_squeeze %dma_wait3A_1489 : memref<1x3x80xi32, #tpu.memory_space<vmem>> -> memref<3x80xi32, #tpu.memory_space<vmem>>
        %dma_wait3A_1491 = arith.constant 0 : i32
        %dma_wait3A_1492 = arith.constant 0 : i32
        %dma_wait3A_1493 = tpu.memref_slice %arg5[%add3A_404, %dma_wait3A_1491, %dma_wait3A_1492] : memref<8000x3x80xi32, #tpu.memory_space<hbm>> -> memref<1x3x80xi32, #tpu.memory_space<hbm>>
        %dma_wait3A_1494 = tpu.memref_squeeze %dma_wait3A_1493 : memref<1x3x80xi32, #tpu.memory_space<hbm>> -> memref<3x80xi32, #tpu.memory_space<hbm>>
        %dma_wait3A_1495 = arith.constant 0 : i32
        %dma_wait3A_1496 = arith.constant 0 : i32
        %dma_wait3A_1497 = tpu.memref_slice %arg8[%run_scoped3A_405, %dma_wait3A_1495, %dma_wait3A_1496] : memref<10x3x80xi32, #tpu.memory_space<vmem>> -> memref<1x3x80xi32, #tpu.memory_space<vmem>>
        %dma_wait3A_1498 = tpu.memref_squeeze %dma_wait3A_1497 : memref<1x3x80xi32, #tpu.memory_space<vmem>> -> memref<3x80xi32, #tpu.memory_space<vmem>>
        %dma_wait3A_1499 = arith.constant 0 : i32
        %dma_wait3A_1500 = arith.constant 0 : i32
        %dma_wait3A_1501 = tpu.memref_slice %arg5[%add3A_404, %dma_wait3A_1499, %dma_wait3A_1500] : memref<8000x3x80xi32, #tpu.memory_space<hbm>> -> memref<1x3x80xi32, #tpu.memory_space<hbm>>
        %dma_wait3A_1502 = tpu.memref_squeeze %dma_wait3A_1501 : memref<1x3x80xi32, #tpu.memory_space<hbm>> -> memref<3x80xi32, #tpu.memory_space<hbm>>
        tpu.wait_dma2 semaphore(%run_scoped3A_1470 : memref<!tpu.dma_semaphore, #tpu.memory_space<semaphore_mem>>) src(%dma_wait3A_1502 : memref<3x80xi32, #tpu.memory_space<hbm>>) dst(%dma_wait3A_1498 : memref<3x80xi32, #tpu.memory_space<vmem>>)
        tpu.yield
      }) : () -> ()
      %dma_start3A_406 = arith.constant 8 : i32
      %dma_start3A_407 = arith.constant 0 : i32
      %dma_start3A_408 = arith.constant 8 : i32
      %dma_start3A_409 = arith.constant 0 : i32
      %dma_start3A_410 = arith.constant 0 : i32
      %dma_start3A_411 = tpu.memref_slice %arg9[%dma_start3A_408, %dma_start3A_409, %dma_start3A_410] : memref<10x80x32xf32, #tpu.memory_space<vmem>> -> memref<1x80x32xf32, #tpu.memory_space<vmem>>
      %dma_start3A_412 = tpu.memref_squeeze %dma_start3A_411 : memref<1x80x32xf32, #tpu.memory_space<vmem>> -> memref<80x32xf32, #tpu.memory_space<vmem>>
      %dma_start3A_413 = arith.constant 0 : i32
      %dma_start3A_414 = tpu.memref_slice %arg8[%dma_start3A_406, %dma_start3A_407, %dma_start3A_413] : memref<10x3x80xi32, #tpu.memory_space<vmem>> -> memref<1x1x80xi32, #tpu.memory_space<vmem>>
      %dma_start3A_415 = tpu.memref_squeeze %dma_start3A_414 : memref<1x1x80xi32, #tpu.memory_space<vmem>> -> memref<80xi32, #tpu.memory_space<vmem>>
      %dma_start3A_416 = arith.constant 0 : i32
      %dma_start3A_417 = arith.constant 0 : i32
      %dma_start3A_418 = tpu.memref_slice %arg2[%dma_start3A_416, %dma_start3A_417] : memref<20000x32xf32, #tpu.memory_space<hbm>> -> memref<20000x32xf32, #tpu.memory_space<hbm>>
      tpu.enqueue_indirect_dma source(%dma_start3A_418 : memref<20000x32xf32, #tpu.memory_space<hbm>>) target(%dma_start3A_412 : memref<80x32xf32, #tpu.memory_space<vmem>>) offsets(%dma_start3A_415 : memref<80xi32, #tpu.memory_space<vmem>>) semaphore(%arg22 : memref<!tpu.dma_semaphore, #tpu.memory_space<semaphore_mem>>)
      %dma_start3A_419 = arith.constant 8 : i32
      %dma_start3A_420 = arith.constant 0 : i32
      %dma_start3A_421 = arith.constant 8 : i32
      %dma_start3A_422 = arith.constant 0 : i32
      %dma_start3A_423 = arith.constant 0 : i32
      %dma_start3A_424 = tpu.memref_slice %arg10[%dma_start3A_421, %dma_start3A_422, %dma_start3A_423] : memref<10x80x16xf32, #tpu.memory_space<vmem>> -> memref<1x80x16xf32, #tpu.memory_space<vmem>>
      %dma_start3A_425 = tpu.memref_squeeze %dma_start3A_424 : memref<1x80x16xf32, #tpu.memory_space<vmem>> -> memref<80x16xf32, #tpu.memory_space<vmem>>
      %dma_start3A_426 = arith.constant 0 : i32
      %dma_start3A_427 = tpu.memref_slice %arg8[%dma_start3A_419, %dma_start3A_420, %dma_start3A_426] : memref<10x3x80xi32, #tpu.memory_space<vmem>> -> memref<1x1x80xi32, #tpu.memory_space<vmem>>
      %dma_start3A_428 = tpu.memref_squeeze %dma_start3A_427 : memref<1x1x80xi32, #tpu.memory_space<vmem>> -> memref<80xi32, #tpu.memory_space<vmem>>
      %dma_start3A_429 = arith.constant 0 : i32
      %dma_start3A_430 = arith.constant 0 : i32
      %dma_start3A_431 = tpu.memref_slice %arg3[%dma_start3A_429, %dma_start3A_430] : memref<20000x16xf32, #tpu.memory_space<hbm>> -> memref<20000x16xf32, #tpu.memory_space<hbm>>
      tpu.enqueue_indirect_dma source(%dma_start3A_431 : memref<20000x16xf32, #tpu.memory_space<hbm>>) target(%dma_start3A_425 : memref<80x16xf32, #tpu.memory_space<vmem>>) offsets(%dma_start3A_428 : memref<80xi32, #tpu.memory_space<vmem>>) semaphore(%arg22 : memref<!tpu.dma_semaphore, #tpu.memory_space<semaphore_mem>>)
      %dma_start3A_432 = arith.constant 8 : i32
      %dma_start3A_433 = arith.constant 1 : i32
      %dma_start3A_434 = arith.constant 8 : i32
      %dma_start3A_435 = arith.constant 0 : i32
      %dma_start3A_436 = arith.constant 0 : i32
      %dma_start3A_437 = tpu.memref_slice %arg11[%dma_start3A_434, %dma_start3A_435, %dma_start3A_436] : memref<10x80x16xf32, #tpu.memory_space<vmem>> -> memref<1x80x16xf32, #tpu.memory_space<vmem>>
      %dma_start3A_438 = tpu.memref_squeeze %dma_start3A_437 : memref<1x80x16xf32, #tpu.memory_space<vmem>> -> memref<80x16xf32, #tpu.memory_space<vmem>>
      %dma_start3A_439 = arith.constant 0 : i32
      %dma_start3A_440 = tpu.memref_slice %arg8[%dma_start3A_432, %dma_start3A_433, %dma_start3A_439] : memref<10x3x80xi32, #tpu.memory_space<vmem>> -> memref<1x1x80xi32, #tpu.memory_space<vmem>>
      %dma_start3A_441 = tpu.memref_squeeze %dma_start3A_440 : memref<1x1x80xi32, #tpu.memory_space<vmem>> -> memref<80xi32, #tpu.memory_space<vmem>>
      %dma_start3A_442 = arith.constant 0 : i32
      %dma_start3A_443 = arith.constant 0 : i32
      %dma_start3A_444 = tpu.memref_slice %arg4[%dma_start3A_442, %dma_start3A_443] : memref<20000x16xf32, #tpu.memory_space<hbm>> -> memref<20000x16xf32, #tpu.memory_space<hbm>>
      tpu.enqueue_indirect_dma source(%dma_start3A_444 : memref<20000x16xf32, #tpu.memory_space<hbm>>) target(%dma_start3A_438 : memref<80x16xf32, #tpu.memory_space<vmem>>) offsets(%dma_start3A_441 : memref<80xi32, #tpu.memory_space<vmem>>) semaphore(%arg22 : memref<!tpu.dma_semaphore, #tpu.memory_space<semaphore_mem>>)
      %mul3A_445 = arith.constant 10 : i32
      %mul3A_446 = arith.muli %scan3A_40, %mul3A_445 : i32
      %add3A_447 = arith.addi %mul3A_2, %mul3A_446 : i32
      %add3A_448 = arith.constant 9 : i32
      %add3A_449 = arith.addi %add3A_447, %add3A_448 : i32
      %run_scoped3A_450 = arith.constant 9 : i32
      "tpu.region"() ({
        %run_scoped3A_1470 = tpu.sem_alloc : memref<!tpu.dma_semaphore, #tpu.memory_space<semaphore_mem>>
        %dma_start3A_1471 = arith.constant 0 : i32
        %dma_start3A_1472 = arith.constant 0 : i32
        %dma_start3A_1473 = tpu.memref_slice %arg8[%run_scoped3A_450, %dma_start3A_1471, %dma_start3A_1472] : memref<10x3x80xi32, #tpu.memory_space<vmem>> -> memref<1x3x80xi32, #tpu.memory_space<vmem>>
        %dma_start3A_1474 = tpu.memref_squeeze %dma_start3A_1473 : memref<1x3x80xi32, #tpu.memory_space<vmem>> -> memref<3x80xi32, #tpu.memory_space<vmem>>
        %dma_start3A_1475 = arith.constant 0 : i32
        %dma_start3A_1476 = arith.constant 0 : i32
        %dma_start3A_1477 = tpu.memref_slice %arg5[%add3A_449, %dma_start3A_1475, %dma_start3A_1476] : memref<8000x3x80xi32, #tpu.memory_space<hbm>> -> memref<1x3x80xi32, #tpu.memory_space<hbm>>
        %dma_start3A_1478 = tpu.memref_squeeze %dma_start3A_1477 : memref<1x3x80xi32, #tpu.memory_space<hbm>> -> memref<3x80xi32, #tpu.memory_space<hbm>>
        %dma_start3A_1479 = arith.constant 0 : i32
        %dma_start3A_1480 = arith.constant 0 : i32
        %dma_start3A_1481 = tpu.memref_slice %arg8[%run_scoped3A_450, %dma_start3A_1479, %dma_start3A_1480] : memref<10x3x80xi32, #tpu.memory_space<vmem>> -> memref<1x3x80xi32, #tpu.memory_space<vmem>>
        %dma_start3A_1482 = tpu.memref_squeeze %dma_start3A_1481 : memref<1x3x80xi32, #tpu.memory_space<vmem>> -> memref<3x80xi32, #tpu.memory_space<vmem>>
        %dma_start3A_1483 = arith.constant 0 : i32
        %dma_start3A_1484 = arith.constant 0 : i32
        %dma_start3A_1485 = tpu.memref_slice %arg5[%add3A_449, %dma_start3A_1483, %dma_start3A_1484] : memref<8000x3x80xi32, #tpu.memory_space<hbm>> -> memref<1x3x80xi32, #tpu.memory_space<hbm>>
        %dma_start3A_1486 = tpu.memref_squeeze %dma_start3A_1485 : memref<1x3x80xi32, #tpu.memory_space<hbm>> -> memref<3x80xi32, #tpu.memory_space<hbm>>
        tpu.enqueue_dma source(%dma_start3A_1486 : memref<3x80xi32, #tpu.memory_space<hbm>>) target(%dma_start3A_1482 : memref<3x80xi32, #tpu.memory_space<vmem>>) target_semaphore(%run_scoped3A_1470 : memref<!tpu.dma_semaphore, #tpu.memory_space<semaphore_mem>>)
        %dma_wait3A_1487 = arith.constant 0 : i32
        %dma_wait3A_1488 = arith.constant 0 : i32
        %dma_wait3A_1489 = tpu.memref_slice %arg8[%run_scoped3A_450, %dma_wait3A_1487, %dma_wait3A_1488] : memref<10x3x80xi32, #tpu.memory_space<vmem>> -> memref<1x3x80xi32, #tpu.memory_space<vmem>>
        %dma_wait3A_1490 = tpu.memref_squeeze %dma_wait3A_1489 : memref<1x3x80xi32, #tpu.memory_space<vmem>> -> memref<3x80xi32, #tpu.memory_space<vmem>>
        %dma_wait3A_1491 = arith.constant 0 : i32
        %dma_wait3A_1492 = arith.constant 0 : i32
        %dma_wait3A_1493 = tpu.memref_slice %arg5[%add3A_449, %dma_wait3A_1491, %dma_wait3A_1492] : memref<8000x3x80xi32, #tpu.memory_space<hbm>> -> memref<1x3x80xi32, #tpu.memory_space<hbm>>
        %dma_wait3A_1494 = tpu.memref_squeeze %dma_wait3A_1493 : memref<1x3x80xi32, #tpu.memory_space<hbm>> -> memref<3x80xi32, #tpu.memory_space<hbm>>
        %dma_wait3A_1495 = arith.constant 0 : i32
        %dma_wait3A_1496 = arith.constant 0 : i32
        %dma_wait3A_1497 = tpu.memref_slice %arg8[%run_scoped3A_450, %dma_wait3A_1495, %dma_wait3A_1496] : memref<10x3x80xi32, #tpu.memory_space<vmem>> -> memref<1x3x80xi32, #tpu.memory_space<vmem>>
        %dma_wait3A_1498 = tpu.memref_squeeze %dma_wait3A_1497 : memref<1x3x80xi32, #tpu.memory_space<vmem>> -> memref<3x80xi32, #tpu.memory_space<vmem>>
        %dma_wait3A_1499 = arith.constant 0 : i32
        %dma_wait3A_1500 = arith.constant 0 : i32
        %dma_wait3A_1501 = tpu.memref_slice %arg5[%add3A_449, %dma_wait3A_1499, %dma_wait3A_1500] : memref<8000x3x80xi32, #tpu.memory_space<hbm>> -> memref<1x3x80xi32, #tpu.memory_space<hbm>>
        %dma_wait3A_1502 = tpu.memref_squeeze %dma_wait3A_1501 : memref<1x3x80xi32, #tpu.memory_space<hbm>> -> memref<3x80xi32, #tpu.memory_space<hbm>>
        tpu.wait_dma2 semaphore(%run_scoped3A_1470 : memref<!tpu.dma_semaphore, #tpu.memory_space<semaphore_mem>>) src(%dma_wait3A_1502 : memref<3x80xi32, #tpu.memory_space<hbm>>) dst(%dma_wait3A_1498 : memref<3x80xi32, #tpu.memory_space<vmem>>)
        tpu.yield
      }) : () -> ()
      %dma_start3A_451 = arith.constant 9 : i32
      %dma_start3A_452 = arith.constant 0 : i32
      %dma_start3A_453 = arith.constant 9 : i32
      %dma_start3A_454 = arith.constant 0 : i32
      %dma_start3A_455 = arith.constant 0 : i32
      %dma_start3A_456 = tpu.memref_slice %arg9[%dma_start3A_453, %dma_start3A_454, %dma_start3A_455] : memref<10x80x32xf32, #tpu.memory_space<vmem>> -> memref<1x80x32xf32, #tpu.memory_space<vmem>>
      %dma_start3A_457 = tpu.memref_squeeze %dma_start3A_456 : memref<1x80x32xf32, #tpu.memory_space<vmem>> -> memref<80x32xf32, #tpu.memory_space<vmem>>
      %dma_start3A_458 = arith.constant 0 : i32
      %dma_start3A_459 = tpu.memref_slice %arg8[%dma_start3A_451, %dma_start3A_452, %dma_start3A_458] : memref<10x3x80xi32, #tpu.memory_space<vmem>> -> memref<1x1x80xi32, #tpu.memory_space<vmem>>
      %dma_start3A_460 = tpu.memref_squeeze %dma_start3A_459 : memref<1x1x80xi32, #tpu.memory_space<vmem>> -> memref<80xi32, #tpu.memory_space<vmem>>
      %dma_start3A_461 = arith.constant 0 : i32
      %dma_start3A_462 = arith.constant 0 : i32
      %dma_start3A_463 = tpu.memref_slice %arg2[%dma_start3A_461, %dma_start3A_462] : memref<20000x32xf32, #tpu.memory_space<hbm>> -> memref<20000x32xf32, #tpu.memory_space<hbm>>
      tpu.enqueue_indirect_dma source(%dma_start3A_463 : memref<20000x32xf32, #tpu.memory_space<hbm>>) target(%dma_start3A_457 : memref<80x32xf32, #tpu.memory_space<vmem>>) offsets(%dma_start3A_460 : memref<80xi32, #tpu.memory_space<vmem>>) semaphore(%arg23 : memref<!tpu.dma_semaphore, #tpu.memory_space<semaphore_mem>>)
      %dma_start3A_464 = arith.constant 9 : i32
      %dma_start3A_465 = arith.constant 0 : i32
      %dma_start3A_466 = arith.constant 9 : i32
      %dma_start3A_467 = arith.constant 0 : i32
      %dma_start3A_468 = arith.constant 0 : i32
      %dma_start3A_469 = tpu.memref_slice %arg10[%dma_start3A_466, %dma_start3A_467, %dma_start3A_468] : memref<10x80x16xf32, #tpu.memory_space<vmem>> -> memref<1x80x16xf32, #tpu.memory_space<vmem>>
      %dma_start3A_470 = tpu.memref_squeeze %dma_start3A_469 : memref<1x80x16xf32, #tpu.memory_space<vmem>> -> memref<80x16xf32, #tpu.memory_space<vmem>>
      %dma_start3A_471 = arith.constant 0 : i32
      %dma_start3A_472 = tpu.memref_slice %arg8[%dma_start3A_464, %dma_start3A_465, %dma_start3A_471] : memref<10x3x80xi32, #tpu.memory_space<vmem>> -> memref<1x1x80xi32, #tpu.memory_space<vmem>>
      %dma_start3A_473 = tpu.memref_squeeze %dma_start3A_472 : memref<1x1x80xi32, #tpu.memory_space<vmem>> -> memref<80xi32, #tpu.memory_space<vmem>>
      %dma_start3A_474 = arith.constant 0 : i32
      %dma_start3A_475 = arith.constant 0 : i32
      %dma_start3A_476 = tpu.memref_slice %arg3[%dma_start3A_474, %dma_start3A_475] : memref<20000x16xf32, #tpu.memory_space<hbm>> -> memref<20000x16xf32, #tpu.memory_space<hbm>>
      tpu.enqueue_indirect_dma source(%dma_start3A_476 : memref<20000x16xf32, #tpu.memory_space<hbm>>) target(%dma_start3A_470 : memref<80x16xf32, #tpu.memory_space<vmem>>) offsets(%dma_start3A_473 : memref<80xi32, #tpu.memory_space<vmem>>) semaphore(%arg23 : memref<!tpu.dma_semaphore, #tpu.memory_space<semaphore_mem>>)
      %dma_start3A_477 = arith.constant 9 : i32
      %dma_start3A_478 = arith.constant 1 : i32
      %dma_start3A_479 = arith.constant 9 : i32
      %dma_start3A_480 = arith.constant 0 : i32
      %dma_start3A_481 = arith.constant 0 : i32
      %dma_start3A_482 = tpu.memref_slice %arg11[%dma_start3A_479, %dma_start3A_480, %dma_start3A_481] : memref<10x80x16xf32, #tpu.memory_space<vmem>> -> memref<1x80x16xf32, #tpu.memory_space<vmem>>
      %dma_start3A_483 = tpu.memref_squeeze %dma_start3A_482 : memref<1x80x16xf32, #tpu.memory_space<vmem>> -> memref<80x16xf32, #tpu.memory_space<vmem>>
      %dma_start3A_484 = arith.constant 0 : i32
      %dma_start3A_485 = tpu.memref_slice %arg8[%dma_start3A_477, %dma_start3A_478, %dma_start3A_484] : memref<10x3x80xi32, #tpu.memory_space<vmem>> -> memref<1x1x80xi32, #tpu.memory_space<vmem>>
      %dma_start3A_486 = tpu.memref_squeeze %dma_start3A_485 : memref<1x1x80xi32, #tpu.memory_space<vmem>> -> memref<80xi32, #tpu.memory_space<vmem>>
      %dma_start3A_487 = arith.constant 0 : i32
      %dma_start3A_488 = arith.constant 0 : i32
      %dma_start3A_489 = tpu.memref_slice %arg4[%dma_start3A_487, %dma_start3A_488] : memref<20000x16xf32, #tpu.memory_space<hbm>> -> memref<20000x16xf32, #tpu.memory_space<hbm>>
      tpu.enqueue_indirect_dma source(%dma_start3A_489 : memref<20000x16xf32, #tpu.memory_space<hbm>>) target(%dma_start3A_483 : memref<80x16xf32, #tpu.memory_space<vmem>>) offsets(%dma_start3A_486 : memref<80xi32, #tpu.memory_space<vmem>>) semaphore(%arg23 : memref<!tpu.dma_semaphore, #tpu.memory_space<semaphore_mem>>)
      %dma_wait3A = arith.constant 0 : i32
      %dma_wait3A_490 = arith.constant 0 : i32
      %dma_wait3A_491 = arith.constant 0 : i32
      %dma_wait3A_492 = arith.constant 0 : i32
      %dma_wait3A_493 = arith.constant 0 : i32
      %dma_wait3A_494 = tpu.memref_slice %arg9[%dma_wait3A_491, %dma_wait3A_492, %dma_wait3A_493] : memref<10x80x32xf32, #tpu.memory_space<vmem>> -> memref<1x80x32xf32, #tpu.memory_space<vmem>>
      %dma_wait3A_495 = tpu.memref_squeeze %dma_wait3A_494 : memref<1x80x32xf32, #tpu.memory_space<vmem>> -> memref<80x32xf32, #tpu.memory_space<vmem>>
      %dma_wait3A_496 = arith.constant 0 : i32
      %dma_wait3A_497 = tpu.memref_slice %arg8[%dma_wait3A, %dma_wait3A_490, %dma_wait3A_496] : memref<10x3x80xi32, #tpu.memory_space<vmem>> -> memref<1x1x80xi32, #tpu.memory_space<vmem>>
      %dma_wait3A_498 = tpu.memref_squeeze %dma_wait3A_497 : memref<1x1x80xi32, #tpu.memory_space<vmem>> -> memref<80xi32, #tpu.memory_space<vmem>>
      %dma_wait3A_499 = arith.constant 0 : i32
      %dma_wait3A_500 = arith.constant 0 : i32
      %dma_wait3A_501 = tpu.memref_slice %arg2[%dma_wait3A_499, %dma_wait3A_500] : memref<20000x32xf32, #tpu.memory_space<hbm>> -> memref<20000x32xf32, #tpu.memory_space<hbm>>
      tpu.wait_indirect_dma semaphore(%arg14 : memref<!tpu.dma_semaphore, #tpu.memory_space<semaphore_mem>>) src(%dma_wait3A_501 : memref<20000x32xf32, #tpu.memory_space<hbm>>) dst(%dma_wait3A_495 : memref<80x32xf32, #tpu.memory_space<vmem>>)
      %dma_wait3A_502 = arith.constant 0 : i32
      %dma_wait3A_503 = arith.constant 0 : i32
      %dma_wait3A_504 = arith.constant 0 : i32
      %dma_wait3A_505 = arith.constant 0 : i32
      %dma_wait3A_506 = arith.constant 0 : i32
      %dma_wait3A_507 = tpu.memref_slice %arg10[%dma_wait3A_504, %dma_wait3A_505, %dma_wait3A_506] : memref<10x80x16xf32, #tpu.memory_space<vmem>> -> memref<1x80x16xf32, #tpu.memory_space<vmem>>
      %dma_wait3A_508 = tpu.memref_squeeze %dma_wait3A_507 : memref<1x80x16xf32, #tpu.memory_space<vmem>> -> memref<80x16xf32, #tpu.memory_space<vmem>>
      %dma_wait3A_509 = arith.constant 0 : i32
      %dma_wait3A_510 = tpu.memref_slice %arg8[%dma_wait3A_502, %dma_wait3A_503, %dma_wait3A_509] : memref<10x3x80xi32, #tpu.memory_space<vmem>> -> memref<1x1x80xi32, #tpu.memory_space<vmem>>
      %dma_wait3A_511 = tpu.memref_squeeze %dma_wait3A_510 : memref<1x1x80xi32, #tpu.memory_space<vmem>> -> memref<80xi32, #tpu.memory_space<vmem>>
      %dma_wait3A_512 = arith.constant 0 : i32
      %dma_wait3A_513 = arith.constant 0 : i32
      %dma_wait3A_514 = tpu.memref_slice %arg3[%dma_wait3A_512, %dma_wait3A_513] : memref<20000x16xf32, #tpu.memory_space<hbm>> -> memref<20000x16xf32, #tpu.memory_space<hbm>>
      tpu.wait_indirect_dma semaphore(%arg14 : memref<!tpu.dma_semaphore, #tpu.memory_space<semaphore_mem>>) src(%dma_wait3A_514 : memref<20000x16xf32, #tpu.memory_space<hbm>>) dst(%dma_wait3A_508 : memref<80x16xf32, #tpu.memory_space<vmem>>)
      %dma_wait3A_515 = arith.constant 0 : i32
      %dma_wait3A_516 = arith.constant 1 : i32
      %dma_wait3A_517 = arith.constant 0 : i32
      %dma_wait3A_518 = arith.constant 0 : i32
      %dma_wait3A_519 = arith.constant 0 : i32
      %dma_wait3A_520 = tpu.memref_slice %arg11[%dma_wait3A_517, %dma_wait3A_518, %dma_wait3A_519] : memref<10x80x16xf32, #tpu.memory_space<vmem>> -> memref<1x80x16xf32, #tpu.memory_space<vmem>>
      %dma_wait3A_521 = tpu.memref_squeeze %dma_wait3A_520 : memref<1x80x16xf32, #tpu.memory_space<vmem>> -> memref<80x16xf32, #tpu.memory_space<vmem>>
      %dma_wait3A_522 = arith.constant 0 : i32
      %dma_wait3A_523 = tpu.memref_slice %arg8[%dma_wait3A_515, %dma_wait3A_516, %dma_wait3A_522] : memref<10x3x80xi32, #tpu.memory_space<vmem>> -> memref<1x1x80xi32, #tpu.memory_space<vmem>>
      %dma_wait3A_524 = tpu.memref_squeeze %dma_wait3A_523 : memref<1x1x80xi32, #tpu.memory_space<vmem>> -> memref<80xi32, #tpu.memory_space<vmem>>
      %dma_wait3A_525 = arith.constant 0 : i32
      %dma_wait3A_526 = arith.constant 0 : i32
      %dma_wait3A_527 = tpu.memref_slice %arg4[%dma_wait3A_525, %dma_wait3A_526] : memref<20000x16xf32, #tpu.memory_space<hbm>> -> memref<20000x16xf32, #tpu.memory_space<hbm>>
      tpu.wait_indirect_dma semaphore(%arg14 : memref<!tpu.dma_semaphore, #tpu.memory_space<semaphore_mem>>) src(%dma_wait3A_527 : memref<20000x16xf32, #tpu.memory_space<hbm>>) dst(%dma_wait3A_521 : memref<80x16xf32, #tpu.memory_space<vmem>>)
      %scan3A_528 = arith.constant 0 : i32
      %scan3A_529 = arith.constant 0 : i32
      %scan3A_530 = arith.constant 80 : i32
      %scan3A_531 = arith.addi %scan3A_529, %scan3A_530 : i32
      %scan3A_532 = arith.constant 1 : i32
      %scan3A_533 = scf.for %scan3A_1470 = %scan3A_529 to %scan3A_531 step %scan3A_532 iter_args(%scan3A_1471 = %scan3A_528) -> (i32)  : i32 {
        %get3A = arith.constant 0 : i32
        %get3A_1472 = arith.index_cast %get3A : i32 to index
        %get3A_1473 = arith.index_cast %scan3A_1470 : i32 to index
        %get3A_1474 = arith.constant 0 : index
        %get3A_1475 = tpu.vector_load %arg10[%get3A_1472, %get3A_1473, %get3A_1474] {strides = array<i32>} : memref<10x80x16xf32, #tpu.memory_space<vmem>>, vector<1x1x16xf32>,
        %get3A_1476 = vector.shape_cast %get3A_1475 : vector<1x1x16xf32> to vector<16xf32>
        %get3A_1477 = arith.constant 0 : i32
        %get3A_1478 = arith.index_cast %get3A_1477 : i32 to index
        %get3A_1479 = arith.index_cast %scan3A_1470 : i32 to index
        %get3A_1480 = arith.constant 0 : index
        %get3A_1481 = tpu.vector_load %arg11[%get3A_1478, %get3A_1479, %get3A_1480] {strides = array<i32>} : memref<10x80x16xf32, #tpu.memory_space<vmem>>, vector<1x1x16xf32>,
        %get3A_1482 = vector.shape_cast %get3A_1481 : vector<1x1x16xf32> to vector<16xf32>
        %add3A_1483 = arith.addf %get3A_1476, %get3A_1482 : vector<16xf32>
        %mul3A_1484 = arith.constant 2.000000e-01 : f32
        %mul3A_1485 = vector.broadcast %mul3A_1484 : f32 to vector<16xf32>
        %mul3A_1486 = arith.mulf %mul3A_1485, %add3A_1483 : vector<16xf32>
        %max3A = arith.maximumf %add3A_1483, %mul3A_1486 : vector<16xf32>
        %exp3A = math.exp %max3A : vector<16xf32>
        %swap3A = arith.constant 0 : i32
        %swap3A_1487 = arith.index_cast %swap3A : i32 to index
        %swap3A_1488 = arith.index_cast %scan3A_1470 : i32 to index
        %swap3A_1489 = arith.constant 0 : index
        %swap3A_1490 = tpu.vector_load %arg10[%swap3A_1487, %swap3A_1488, %swap3A_1489] {strides = array<i32>} : memref<10x80x16xf32, #tpu.memory_space<vmem>>, vector<1x1x16xf32>,
        %swap3A_1491 = vector.shape_cast %swap3A_1490 : vector<1x1x16xf32> to vector<16xf32>
        %swap3A_1492 = vector.shape_cast %exp3A : vector<16xf32> to vector<1x1x16xf32>
        tpu.vector_store %arg10[%swap3A_1487, %swap3A_1488, %swap3A_1489], %swap3A_1492 {strides = array<i32>} : memref<10x80x16xf32, #tpu.memory_space<vmem>>, vector<1x1x16xf32>,
        %broadcast_in_dim3A_1493 = arith.constant 0 : i32
        %broadcast_in_dim3A_1494 = vector.broadcast %broadcast_in_dim3A_1493 : i32 to vector<16xi32>
        %lt3A_1495 = arith.constant 0 : i32
        %lt3A_1496 = vector.broadcast %lt3A_1495 : i32 to vector<16xi32>
        %lt3A_1497 = arith.cmpi slt, %broadcast_in_dim3A_1494, %lt3A_1496 : vector<16xi32>
        %add3A_1498 = arith.constant 16 : i32
        %add3A_1499 = vector.broadcast %add3A_1498 : i32 to vector<16xi32>
        %add3A_1500 = arith.addi %broadcast_in_dim3A_1494, %add3A_1499 : vector<16xi32>
        %select_n3A_1501 = arith.select %lt3A_1497, %add3A_1500, %broadcast_in_dim3A_1494 : vector<16xi1>, vector<16xi32>
        %broadcast_in_dim3A_1502 = vector.shape_cast %select_n3A_1501 : vector<16xi32> to vector<16x1xi32>
        %gather3A = vector.shape_cast %broadcast_in_dim3A_1502 : vector<16x1xi32> to vector<16xi32>
        %gather3A_1503 = tpu.dynamic_gather %exp3A[%gather3A] in [0] : vector<16xf32>, vector<16xi32> -> vector<16xf32>
        %get3A_1504 = arith.constant 0 : i32
        %get3A_1505 = arith.index_cast %get3A_1504 : i32 to index
        %get3A_1506 = arith.index_cast %scan3A_1470 : i32 to index
        %get3A_1507 = arith.constant 0 : index
        %get3A_1508 = tpu.vector_load %arg9[%get3A_1505, %get3A_1506, %get3A_1507] {strides = array<i32>} : memref<10x80x32xf32, #tpu.memory_space<vmem>>, vector<1x1x16xf32>,
        %get3A_1509 = vector.shape_cast %get3A_1508 : vector<1x1x16xf32> to vector<16xf32>
        %mul3A_1510 = arith.mulf %get3A_1509, %gather3A_1503 : vector<16xf32>
        %swap3A_1511 = arith.constant 0 : i32
        %swap3A_1512 = arith.index_cast %swap3A_1511 : i32 to index
        %swap3A_1513 = arith.index_cast %scan3A_1470 : i32 to index
        %swap3A_1514 = arith.constant 0 : index
        %swap3A_1515 = tpu.vector_load %arg9[%swap3A_1512, %swap3A_1513, %swap3A_1514] {strides = array<i32>} : memref<10x80x32xf32, #tpu.memory_space<vmem>>, vector<1x1x16xf32>,
        %swap3A_1516 = vector.shape_cast %swap3A_1515 : vector<1x1x16xf32> to vector<16xf32>
        %swap3A_1517 = vector.shape_cast %mul3A_1510 : vector<16xf32> to vector<1x1x16xf32>
        tpu.vector_store %arg9[%swap3A_1512, %swap3A_1513, %swap3A_1514], %swap3A_1517 {strides = array<i32>} : memref<10x80x32xf32, #tpu.memory_space<vmem>>, vector<1x1x16xf32>,
        %get3A_1518 = arith.constant 0 : i32
        %get3A_1519 = arith.index_cast %get3A_1518 : i32 to index
        %get3A_1520 = arith.index_cast %scan3A_1470 : i32 to index
        %get3A_1521 = arith.constant 16 : index
        %get3A_1522 = tpu.vector_load %arg9[%get3A_1519, %get3A_1520, %get3A_1521] {strides = array<i32>} : memref<10x80x32xf32, #tpu.memory_space<vmem>>, vector<1x1x16xf32>,
        %get3A_1523 = vector.shape_cast %get3A_1522 : vector<1x1x16xf32> to vector<16xf32>
        %mul3A_1524 = arith.mulf %get3A_1523, %gather3A_1503 : vector<16xf32>
        %swap3A_1525 = arith.constant 0 : i32
        %swap3A_1526 = arith.index_cast %swap3A_1525 : i32 to index
        %swap3A_1527 = arith.index_cast %scan3A_1470 : i32 to index
        %swap3A_1528 = arith.constant 16 : index
        %swap3A_1529 = tpu.vector_load %arg9[%swap3A_1526, %swap3A_1527, %swap3A_1528] {strides = array<i32>} : memref<10x80x32xf32, #tpu.memory_space<vmem>>, vector<1x1x16xf32>,
        %swap3A_1530 = vector.shape_cast %swap3A_1529 : vector<1x1x16xf32> to vector<16xf32>
        %swap3A_1531 = vector.shape_cast %mul3A_1524 : vector<16xf32> to vector<1x1x16xf32>
        tpu.vector_store %arg9[%swap3A_1526, %swap3A_1527, %swap3A_1528], %swap3A_1531 {strides = array<i32>} : memref<10x80x32xf32, #tpu.memory_space<vmem>>, vector<1x1x16xf32>,
        %scan3A_1532 = arith.constant 0 : i32
        scf.yield %scan3A_1532 : i32
      }
      %scan3A_534 = arith.constant 80 : i32
      %dma_start3A_535 = arith.constant 0 : i32
      %dma_start3A_536 = arith.constant 0 : i32
      %dma_start3A_537 = arith.constant 2 : i32
      %dma_start3A_538 = arith.constant 0 : i32
      %dma_start3A_539 = arith.constant 0 : i32
      %dma_start3A_540 = tpu.memref_slice %arg9[%dma_start3A_535, %dma_start3A_538, %dma_start3A_539] : memref<10x80x32xf32, #tpu.memory_space<vmem>> -> memref<1x80x32xf32, #tpu.memory_space<vmem>>
      %dma_start3A_541 = tpu.memref_squeeze %dma_start3A_540 : memref<1x80x32xf32, #tpu.memory_space<vmem>> -> memref<80x32xf32, #tpu.memory_space<vmem>>
      %dma_start3A_542 = arith.constant 0 : i32
      %dma_start3A_543 = tpu.memref_slice %arg8[%dma_start3A_536, %dma_start3A_537, %dma_start3A_542] : memref<10x3x80xi32, #tpu.memory_space<vmem>> -> memref<1x1x80xi32, #tpu.memory_space<vmem>>
      %dma_start3A_544 = tpu.memref_squeeze %dma_start3A_543 : memref<1x1x80xi32, #tpu.memory_space<vmem>> -> memref<80xi32, #tpu.memory_space<vmem>>
      %dma_start3A_545 = arith.constant 0 : i32
      %dma_start3A_546 = arith.constant 0 : i32
      %dma_start3A_547 = tpu.memref_slice %arg12[%dma_start3A_545, %dma_start3A_546] : memref<10000x32xf32, #tpu.memory_space<vmem_shared>> -> memref<10000x32xf32, #tpu.memory_space<vmem_shared>>
      tpu.enqueue_indirect_dma source(%dma_start3A_541 : memref<80x32xf32, #tpu.memory_space<vmem>>) target(%dma_start3A_547 : memref<10000x32xf32, #tpu.memory_space<vmem_shared>>) offsets(%dma_start3A_544 : memref<80xi32, #tpu.memory_space<vmem>>) semaphore(%arg24 : memref<!tpu.dma_semaphore, #tpu.memory_space<semaphore_mem>>) {add = true}
      %dma_start3A_548 = arith.constant 0 : i32
      %dma_start3A_549 = arith.constant 0 : i32
      %dma_start3A_550 = arith.constant 2 : i32
      %dma_start3A_551 = arith.constant 0 : i32
      %dma_start3A_552 = arith.constant 0 : i32
      %dma_start3A_553 = tpu.memref_slice %arg10[%dma_start3A_548, %dma_start3A_551, %dma_start3A_552] : memref<10x80x16xf32, #tpu.memory_space<vmem>> -> memref<1x80x16xf32, #tpu.memory_space<vmem>>
      %dma_start3A_554 = tpu.memref_squeeze %dma_start3A_553 : memref<1x80x16xf32, #tpu.memory_space<vmem>> -> memref<80x16xf32, #tpu.memory_space<vmem>>
      %dma_start3A_555 = arith.constant 0 : i32
      %dma_start3A_556 = tpu.memref_slice %arg8[%dma_start3A_549, %dma_start3A_550, %dma_start3A_555] : memref<10x3x80xi32, #tpu.memory_space<vmem>> -> memref<1x1x80xi32, #tpu.memory_space<vmem>>
      %dma_start3A_557 = tpu.memref_squeeze %dma_start3A_556 : memref<1x1x80xi32, #tpu.memory_space<vmem>> -> memref<80xi32, #tpu.memory_space<vmem>>
      %dma_start3A_558 = arith.constant 0 : i32
      %dma_start3A_559 = arith.constant 0 : i32
      %dma_start3A_560 = tpu.memref_slice %arg13[%dma_start3A_558, %dma_start3A_559] : memref<10000x16xf32, #tpu.memory_space<vmem_shared>> -> memref<10000x16xf32, #tpu.memory_space<vmem_shared>>
      tpu.enqueue_indirect_dma source(%dma_start3A_554 : memref<80x16xf32, #tpu.memory_space<vmem>>) target(%dma_start3A_560 : memref<10000x16xf32, #tpu.memory_space<vmem_shared>>) offsets(%dma_start3A_557 : memref<80xi32, #tpu.memory_space<vmem>>) semaphore(%arg24 : memref<!tpu.dma_semaphore, #tpu.memory_space<semaphore_mem>>) {add = true}
      %dma_wait3A_561 = arith.constant 1 : i32
      %dma_wait3A_562 = arith.constant 0 : i32
      %dma_wait3A_563 = arith.constant 1 : i32
      %dma_wait3A_564 = arith.constant 0 : i32
      %dma_wait3A_565 = arith.constant 0 : i32
      %dma_wait3A_566 = tpu.memref_slice %arg9[%dma_wait3A_563, %dma_wait3A_564, %dma_wait3A_565] : memref<10x80x32xf32, #tpu.memory_space<vmem>> -> memref<1x80x32xf32, #tpu.memory_space<vmem>>
      %dma_wait3A_567 = tpu.memref_squeeze %dma_wait3A_566 : memref<1x80x32xf32, #tpu.memory_space<vmem>> -> memref<80x32xf32, #tpu.memory_space<vmem>>
      %dma_wait3A_568 = arith.constant 0 : i32
      %dma_wait3A_569 = tpu.memref_slice %arg8[%dma_wait3A_561, %dma_wait3A_562, %dma_wait3A_568] : memref<10x3x80xi32, #tpu.memory_space<vmem>> -> memref<1x1x80xi32, #tpu.memory_space<vmem>>
      %dma_wait3A_570 = tpu.memref_squeeze %dma_wait3A_569 : memref<1x1x80xi32, #tpu.memory_space<vmem>> -> memref<80xi32, #tpu.memory_space<vmem>>
      %dma_wait3A_571 = arith.constant 0 : i32
      %dma_wait3A_572 = arith.constant 0 : i32
      %dma_wait3A_573 = tpu.memref_slice %arg2[%dma_wait3A_571, %dma_wait3A_572] : memref<20000x32xf32, #tpu.memory_space<hbm>> -> memref<20000x32xf32, #tpu.memory_space<hbm>>
      tpu.wait_indirect_dma semaphore(%arg15 : memref<!tpu.dma_semaphore, #tpu.memory_space<semaphore_mem>>) src(%dma_wait3A_573 : memref<20000x32xf32, #tpu.memory_space<hbm>>) dst(%dma_wait3A_567 : memref<80x32xf32, #tpu.memory_space<vmem>>)
      %dma_wait3A_574 = arith.constant 1 : i32
      %dma_wait3A_575 = arith.constant 0 : i32
      %dma_wait3A_576 = arith.constant 1 : i32
      %dma_wait3A_577 = arith.constant 0 : i32
      %dma_wait3A_578 = arith.constant 0 : i32
      %dma_wait3A_579 = tpu.memref_slice %arg10[%dma_wait3A_576, %dma_wait3A_577, %dma_wait3A_578] : memref<10x80x16xf32, #tpu.memory_space<vmem>> -> memref<1x80x16xf32, #tpu.memory_space<vmem>>
      %dma_wait3A_580 = tpu.memref_squeeze %dma_wait3A_579 : memref<1x80x16xf32, #tpu.memory_space<vmem>> -> memref<80x16xf32, #tpu.memory_space<vmem>>
      %dma_wait3A_581 = arith.constant 0 : i32
      %dma_wait3A_582 = tpu.memref_slice %arg8[%dma_wait3A_574, %dma_wait3A_575, %dma_wait3A_581] : memref<10x3x80xi32, #tpu.memory_space<vmem>> -> memref<1x1x80xi32, #tpu.memory_space<vmem>>
      %dma_wait3A_583 = tpu.memref_squeeze %dma_wait3A_582 : memref<1x1x80xi32, #tpu.memory_space<vmem>> -> memref<80xi32, #tpu.memory_space<vmem>>
      %dma_wait3A_584 = arith.constant 0 : i32
      %dma_wait3A_585 = arith.constant 0 : i32
      %dma_wait3A_586 = tpu.memref_slice %arg3[%dma_wait3A_584, %dma_wait3A_585] : memref<20000x16xf32, #tpu.memory_space<hbm>> -> memref<20000x16xf32, #tpu.memory_space<hbm>>
      tpu.wait_indirect_dma semaphore(%arg15 : memref<!tpu.dma_semaphore, #tpu.memory_space<semaphore_mem>>) src(%dma_wait3A_586 : memref<20000x16xf32, #tpu.memory_space<hbm>>) dst(%dma_wait3A_580 : memref<80x16xf32, #tpu.memory_space<vmem>>)
      %dma_wait3A_587 = arith.constant 1 : i32
      %dma_wait3A_588 = arith.constant 1 : i32
      %dma_wait3A_589 = arith.constant 1 : i32
      %dma_wait3A_590 = arith.constant 0 : i32
      %dma_wait3A_591 = arith.constant 0 : i32
      %dma_wait3A_592 = tpu.memref_slice %arg11[%dma_wait3A_589, %dma_wait3A_590, %dma_wait3A_591] : memref<10x80x16xf32, #tpu.memory_space<vmem>> -> memref<1x80x16xf32, #tpu.memory_space<vmem>>
      %dma_wait3A_593 = tpu.memref_squeeze %dma_wait3A_592 : memref<1x80x16xf32, #tpu.memory_space<vmem>> -> memref<80x16xf32, #tpu.memory_space<vmem>>
      %dma_wait3A_594 = arith.constant 0 : i32
      %dma_wait3A_595 = tpu.memref_slice %arg8[%dma_wait3A_587, %dma_wait3A_588, %dma_wait3A_594] : memref<10x3x80xi32, #tpu.memory_space<vmem>> -> memref<1x1x80xi32, #tpu.memory_space<vmem>>
      %dma_wait3A_596 = tpu.memref_squeeze %dma_wait3A_595 : memref<1x1x80xi32, #tpu.memory_space<vmem>> -> memref<80xi32, #tpu.memory_space<vmem>>
      %dma_wait3A_597 = arith.constant 0 : i32
      %dma_wait3A_598 = arith.constant 0 : i32
      %dma_wait3A_599 = tpu.memref_slice %arg4[%dma_wait3A_597, %dma_wait3A_598] : memref<20000x16xf32, #tpu.memory_space<hbm>> -> memref<20000x16xf32, #tpu.memory_space<hbm>>
      tpu.wait_indirect_dma semaphore(%arg15 : memref<!tpu.dma_semaphore, #tpu.memory_space<semaphore_mem>>) src(%dma_wait3A_599 : memref<20000x16xf32, #tpu.memory_space<hbm>>) dst(%dma_wait3A_593 : memref<80x16xf32, #tpu.memory_space<vmem>>)
      %scan3A_600 = arith.constant 0 : i32
      %scan3A_601 = arith.constant 0 : i32
      %scan3A_602 = arith.constant 80 : i32
      %scan3A_603 = arith.addi %scan3A_601, %scan3A_602 : i32
      %scan3A_604 = arith.constant 1 : i32
      %scan3A_605 = scf.for %scan3A_1470 = %scan3A_601 to %scan3A_603 step %scan3A_604 iter_args(%scan3A_1471 = %scan3A_600) -> (i32)  : i32 {
        %get3A = arith.constant 1 : i32
        %get3A_1472 = arith.index_cast %get3A : i32 to index
        %get3A_1473 = arith.index_cast %scan3A_1470 : i32 to index
        %get3A_1474 = arith.constant 0 : index
        %get3A_1475 = tpu.vector_load %arg10[%get3A_1472, %get3A_1473, %get3A_1474] {strides = array<i32>} : memref<10x80x16xf32, #tpu.memory_space<vmem>>, vector<1x1x16xf32>,
        %get3A_1476 = vector.shape_cast %get3A_1475 : vector<1x1x16xf32> to vector<16xf32>
        %get3A_1477 = arith.constant 1 : i32
        %get3A_1478 = arith.index_cast %get3A_1477 : i32 to index
        %get3A_1479 = arith.index_cast %scan3A_1470 : i32 to index
        %get3A_1480 = arith.constant 0 : index
        %get3A_1481 = tpu.vector_load %arg11[%get3A_1478, %get3A_1479, %get3A_1480] {strides = array<i32>} : memref<10x80x16xf32, #tpu.memory_space<vmem>>, vector<1x1x16xf32>,
        %get3A_1482 = vector.shape_cast %get3A_1481 : vector<1x1x16xf32> to vector<16xf32>
        %add3A_1483 = arith.addf %get3A_1476, %get3A_1482 : vector<16xf32>
        %mul3A_1484 = arith.constant 2.000000e-01 : f32
        %mul3A_1485 = vector.broadcast %mul3A_1484 : f32 to vector<16xf32>
        %mul3A_1486 = arith.mulf %mul3A_1485, %add3A_1483 : vector<16xf32>
        %max3A = arith.maximumf %add3A_1483, %mul3A_1486 : vector<16xf32>
        %exp3A = math.exp %max3A : vector<16xf32>
        %swap3A = arith.constant 1 : i32
        %swap3A_1487 = arith.index_cast %swap3A : i32 to index
        %swap3A_1488 = arith.index_cast %scan3A_1470 : i32 to index
        %swap3A_1489 = arith.constant 0 : index
        %swap3A_1490 = tpu.vector_load %arg10[%swap3A_1487, %swap3A_1488, %swap3A_1489] {strides = array<i32>} : memref<10x80x16xf32, #tpu.memory_space<vmem>>, vector<1x1x16xf32>,
        %swap3A_1491 = vector.shape_cast %swap3A_1490 : vector<1x1x16xf32> to vector<16xf32>
        %swap3A_1492 = vector.shape_cast %exp3A : vector<16xf32> to vector<1x1x16xf32>
        tpu.vector_store %arg10[%swap3A_1487, %swap3A_1488, %swap3A_1489], %swap3A_1492 {strides = array<i32>} : memref<10x80x16xf32, #tpu.memory_space<vmem>>, vector<1x1x16xf32>,
        %broadcast_in_dim3A_1493 = arith.constant 0 : i32
        %broadcast_in_dim3A_1494 = vector.broadcast %broadcast_in_dim3A_1493 : i32 to vector<16xi32>
        %lt3A_1495 = arith.constant 0 : i32
        %lt3A_1496 = vector.broadcast %lt3A_1495 : i32 to vector<16xi32>
        %lt3A_1497 = arith.cmpi slt, %broadcast_in_dim3A_1494, %lt3A_1496 : vector<16xi32>
        %add3A_1498 = arith.constant 16 : i32
        %add3A_1499 = vector.broadcast %add3A_1498 : i32 to vector<16xi32>
        %add3A_1500 = arith.addi %broadcast_in_dim3A_1494, %add3A_1499 : vector<16xi32>
        %select_n3A_1501 = arith.select %lt3A_1497, %add3A_1500, %broadcast_in_dim3A_1494 : vector<16xi1>, vector<16xi32>
        %broadcast_in_dim3A_1502 = vector.shape_cast %select_n3A_1501 : vector<16xi32> to vector<16x1xi32>
        %gather3A = vector.shape_cast %broadcast_in_dim3A_1502 : vector<16x1xi32> to vector<16xi32>
        %gather3A_1503 = tpu.dynamic_gather %exp3A[%gather3A] in [0] : vector<16xf32>, vector<16xi32> -> vector<16xf32>
        %get3A_1504 = arith.constant 1 : i32
        %get3A_1505 = arith.index_cast %get3A_1504 : i32 to index
        %get3A_1506 = arith.index_cast %scan3A_1470 : i32 to index
        %get3A_1507 = arith.constant 0 : index
        %get3A_1508 = tpu.vector_load %arg9[%get3A_1505, %get3A_1506, %get3A_1507] {strides = array<i32>} : memref<10x80x32xf32, #tpu.memory_space<vmem>>, vector<1x1x16xf32>,
        %get3A_1509 = vector.shape_cast %get3A_1508 : vector<1x1x16xf32> to vector<16xf32>
        %mul3A_1510 = arith.mulf %get3A_1509, %gather3A_1503 : vector<16xf32>
        %swap3A_1511 = arith.constant 1 : i32
        %swap3A_1512 = arith.index_cast %swap3A_1511 : i32 to index
        %swap3A_1513 = arith.index_cast %scan3A_1470 : i32 to index
        %swap3A_1514 = arith.constant 0 : index
        %swap3A_1515 = tpu.vector_load %arg9[%swap3A_1512, %swap3A_1513, %swap3A_1514] {strides = array<i32>} : memref<10x80x32xf32, #tpu.memory_space<vmem>>, vector<1x1x16xf32>,
        %swap3A_1516 = vector.shape_cast %swap3A_1515 : vector<1x1x16xf32> to vector<16xf32>
        %swap3A_1517 = vector.shape_cast %mul3A_1510 : vector<16xf32> to vector<1x1x16xf32>
        tpu.vector_store %arg9[%swap3A_1512, %swap3A_1513, %swap3A_1514], %swap3A_1517 {strides = array<i32>} : memref<10x80x32xf32, #tpu.memory_space<vmem>>, vector<1x1x16xf32>,
        %get3A_1518 = arith.constant 1 : i32
        %get3A_1519 = arith.index_cast %get3A_1518 : i32 to index
        %get3A_1520 = arith.index_cast %scan3A_1470 : i32 to index
        %get3A_1521 = arith.constant 16 : index
        %get3A_1522 = tpu.vector_load %arg9[%get3A_1519, %get3A_1520, %get3A_1521] {strides = array<i32>} : memref<10x80x32xf32, #tpu.memory_space<vmem>>, vector<1x1x16xf32>,
        %get3A_1523 = vector.shape_cast %get3A_1522 : vector<1x1x16xf32> to vector<16xf32>
        %mul3A_1524 = arith.mulf %get3A_1523, %gather3A_1503 : vector<16xf32>
        %swap3A_1525 = arith.constant 1 : i32
        %swap3A_1526 = arith.index_cast %swap3A_1525 : i32 to index
        %swap3A_1527 = arith.index_cast %scan3A_1470 : i32 to index
        %swap3A_1528 = arith.constant 16 : index
        %swap3A_1529 = tpu.vector_load %arg9[%swap3A_1526, %swap3A_1527, %swap3A_1528] {strides = array<i32>} : memref<10x80x32xf32, #tpu.memory_space<vmem>>, vector<1x1x16xf32>,
        %swap3A_1530 = vector.shape_cast %swap3A_1529 : vector<1x1x16xf32> to vector<16xf32>
        %swap3A_1531 = vector.shape_cast %mul3A_1524 : vector<16xf32> to vector<1x1x16xf32>
        tpu.vector_store %arg9[%swap3A_1526, %swap3A_1527, %swap3A_1528], %swap3A_1531 {strides = array<i32>} : memref<10x80x32xf32, #tpu.memory_space<vmem>>, vector<1x1x16xf32>,
        %scan3A_1532 = arith.constant 0 : i32
        scf.yield %scan3A_1532 : i32
      }
      %scan3A_606 = arith.constant 80 : i32
      %dma_start3A_607 = arith.constant 1 : i32
      %dma_start3A_608 = arith.constant 1 : i32
      %dma_start3A_609 = arith.constant 2 : i32
      %dma_start3A_610 = arith.constant 0 : i32
      %dma_start3A_611 = arith.constant 0 : i32
      %dma_start3A_612 = tpu.memref_slice %arg9[%dma_start3A_607, %dma_start3A_610, %dma_start3A_611] : memref<10x80x32xf32, #tpu.memory_space<vmem>> -> memref<1x80x32xf32, #tpu.memory_space<vmem>>
      %dma_start3A_613 = tpu.memref_squeeze %dma_start3A_612 : memref<1x80x32xf32, #tpu.memory_space<vmem>> -> memref<80x32xf32, #tpu.memory_space<vmem>>
      %dma_start3A_614 = arith.constant 0 : i32
      %dma_start3A_615 = tpu.memref_slice %arg8[%dma_start3A_608, %dma_start3A_609, %dma_start3A_614] : memref<10x3x80xi32, #tpu.memory_space<vmem>> -> memref<1x1x80xi32, #tpu.memory_space<vmem>>
      %dma_start3A_616 = tpu.memref_squeeze %dma_start3A_615 : memref<1x1x80xi32, #tpu.memory_space<vmem>> -> memref<80xi32, #tpu.memory_space<vmem>>
      %dma_start3A_617 = arith.constant 0 : i32
      %dma_start3A_618 = arith.constant 0 : i32
      %dma_start3A_619 = tpu.memref_slice %arg12[%dma_start3A_617, %dma_start3A_618] : memref<10000x32xf32, #tpu.memory_space<vmem_shared>> -> memref<10000x32xf32, #tpu.memory_space<vmem_shared>>
      tpu.enqueue_indirect_dma source(%dma_start3A_613 : memref<80x32xf32, #tpu.memory_space<vmem>>) target(%dma_start3A_619 : memref<10000x32xf32, #tpu.memory_space<vmem_shared>>) offsets(%dma_start3A_616 : memref<80xi32, #tpu.memory_space<vmem>>) semaphore(%arg25 : memref<!tpu.dma_semaphore, #tpu.memory_space<semaphore_mem>>) {add = true}
      %dma_start3A_620 = arith.constant 1 : i32
      %dma_start3A_621 = arith.constant 1 : i32
      %dma_start3A_622 = arith.constant 2 : i32
      %dma_start3A_623 = arith.constant 0 : i32
      %dma_start3A_624 = arith.constant 0 : i32
      %dma_start3A_625 = tpu.memref_slice %arg10[%dma_start3A_620, %dma_start3A_623, %dma_start3A_624] : memref<10x80x16xf32, #tpu.memory_space<vmem>> -> memref<1x80x16xf32, #tpu.memory_space<vmem>>
      %dma_start3A_626 = tpu.memref_squeeze %dma_start3A_625 : memref<1x80x16xf32, #tpu.memory_space<vmem>> -> memref<80x16xf32, #tpu.memory_space<vmem>>
      %dma_start3A_627 = arith.constant 0 : i32
      %dma_start3A_628 = tpu.memref_slice %arg8[%dma_start3A_621, %dma_start3A_622, %dma_start3A_627] : memref<10x3x80xi32, #tpu.memory_space<vmem>> -> memref<1x1x80xi32, #tpu.memory_space<vmem>>
      %dma_start3A_629 = tpu.memref_squeeze %dma_start3A_628 : memref<1x1x80xi32, #tpu.memory_space<vmem>> -> memref<80xi32, #tpu.memory_space<vmem>>
      %dma_start3A_630 = arith.constant 0 : i32
      %dma_start3A_631 = arith.constant 0 : i32
      %dma_start3A_632 = tpu.memref_slice %arg13[%dma_start3A_630, %dma_start3A_631] : memref<10000x16xf32, #tpu.memory_space<vmem_shared>> -> memref<10000x16xf32, #tpu.memory_space<vmem_shared>>
      tpu.enqueue_indirect_dma source(%dma_start3A_626 : memref<80x16xf32, #tpu.memory_space<vmem>>) target(%dma_start3A_632 : memref<10000x16xf32, #tpu.memory_space<vmem_shared>>) offsets(%dma_start3A_629 : memref<80xi32, #tpu.memory_space<vmem>>) semaphore(%arg25 : memref<!tpu.dma_semaphore, #tpu.memory_space<semaphore_mem>>) {add = true}
      %dma_wait3A_633 = arith.constant 2 : i32
      %dma_wait3A_634 = arith.constant 0 : i32
      %dma_wait3A_635 = arith.constant 2 : i32
      %dma_wait3A_636 = arith.constant 0 : i32
      %dma_wait3A_637 = arith.constant 0 : i32
      %dma_wait3A_638 = tpu.memref_slice %arg9[%dma_wait3A_635, %dma_wait3A_636, %dma_wait3A_637] : memref<10x80x32xf32, #tpu.memory_space<vmem>> -> memref<1x80x32xf32, #tpu.memory_space<vmem>>
      %dma_wait3A_639 = tpu.memref_squeeze %dma_wait3A_638 : memref<1x80x32xf32, #tpu.memory_space<vmem>> -> memref<80x32xf32, #tpu.memory_space<vmem>>
      %dma_wait3A_640 = arith.constant 0 : i32
      %dma_wait3A_641 = tpu.memref_slice %arg8[%dma_wait3A_633, %dma_wait3A_634, %dma_wait3A_640] : memref<10x3x80xi32, #tpu.memory_space<vmem>> -> memref<1x1x80xi32, #tpu.memory_space<vmem>>
      %dma_wait3A_642 = tpu.memref_squeeze %dma_wait3A_641 : memref<1x1x80xi32, #tpu.memory_space<vmem>> -> memref<80xi32, #tpu.memory_space<vmem>>
      %dma_wait3A_643 = arith.constant 0 : i32
      %dma_wait3A_644 = arith.constant 0 : i32
      %dma_wait3A_645 = tpu.memref_slice %arg2[%dma_wait3A_643, %dma_wait3A_644] : memref<20000x32xf32, #tpu.memory_space<hbm>> -> memref<20000x32xf32, #tpu.memory_space<hbm>>
      tpu.wait_indirect_dma semaphore(%arg16 : memref<!tpu.dma_semaphore, #tpu.memory_space<semaphore_mem>>) src(%dma_wait3A_645 : memref<20000x32xf32, #tpu.memory_space<hbm>>) dst(%dma_wait3A_639 : memref<80x32xf32, #tpu.memory_space<vmem>>)
      %dma_wait3A_646 = arith.constant 2 : i32
      %dma_wait3A_647 = arith.constant 0 : i32
      %dma_wait3A_648 = arith.constant 2 : i32
      %dma_wait3A_649 = arith.constant 0 : i32
      %dma_wait3A_650 = arith.constant 0 : i32
      %dma_wait3A_651 = tpu.memref_slice %arg10[%dma_wait3A_648, %dma_wait3A_649, %dma_wait3A_650] : memref<10x80x16xf32, #tpu.memory_space<vmem>> -> memref<1x80x16xf32, #tpu.memory_space<vmem>>
      %dma_wait3A_652 = tpu.memref_squeeze %dma_wait3A_651 : memref<1x80x16xf32, #tpu.memory_space<vmem>> -> memref<80x16xf32, #tpu.memory_space<vmem>>
      %dma_wait3A_653 = arith.constant 0 : i32
      %dma_wait3A_654 = tpu.memref_slice %arg8[%dma_wait3A_646, %dma_wait3A_647, %dma_wait3A_653] : memref<10x3x80xi32, #tpu.memory_space<vmem>> -> memref<1x1x80xi32, #tpu.memory_space<vmem>>
      %dma_wait3A_655 = tpu.memref_squeeze %dma_wait3A_654 : memref<1x1x80xi32, #tpu.memory_space<vmem>> -> memref<80xi32, #tpu.memory_space<vmem>>
      %dma_wait3A_656 = arith.constant 0 : i32
      %dma_wait3A_657 = arith.constant 0 : i32
      %dma_wait3A_658 = tpu.memref_slice %arg3[%dma_wait3A_656, %dma_wait3A_657] : memref<20000x16xf32, #tpu.memory_space<hbm>> -> memref<20000x16xf32, #tpu.memory_space<hbm>>
      tpu.wait_indirect_dma semaphore(%arg16 : memref<!tpu.dma_semaphore, #tpu.memory_space<semaphore_mem>>) src(%dma_wait3A_658 : memref<20000x16xf32, #tpu.memory_space<hbm>>) dst(%dma_wait3A_652 : memref<80x16xf32, #tpu.memory_space<vmem>>)
      %dma_wait3A_659 = arith.constant 2 : i32
      %dma_wait3A_660 = arith.constant 1 : i32
      %dma_wait3A_661 = arith.constant 2 : i32
      %dma_wait3A_662 = arith.constant 0 : i32
      %dma_wait3A_663 = arith.constant 0 : i32
      %dma_wait3A_664 = tpu.memref_slice %arg11[%dma_wait3A_661, %dma_wait3A_662, %dma_wait3A_663] : memref<10x80x16xf32, #tpu.memory_space<vmem>> -> memref<1x80x16xf32, #tpu.memory_space<vmem>>
      %dma_wait3A_665 = tpu.memref_squeeze %dma_wait3A_664 : memref<1x80x16xf32, #tpu.memory_space<vmem>> -> memref<80x16xf32, #tpu.memory_space<vmem>>
      %dma_wait3A_666 = arith.constant 0 : i32
      %dma_wait3A_667 = tpu.memref_slice %arg8[%dma_wait3A_659, %dma_wait3A_660, %dma_wait3A_666] : memref<10x3x80xi32, #tpu.memory_space<vmem>> -> memref<1x1x80xi32, #tpu.memory_space<vmem>>
      %dma_wait3A_668 = tpu.memref_squeeze %dma_wait3A_667 : memref<1x1x80xi32, #tpu.memory_space<vmem>> -> memref<80xi32, #tpu.memory_space<vmem>>
      %dma_wait3A_669 = arith.constant 0 : i32
      %dma_wait3A_670 = arith.constant 0 : i32
      %dma_wait3A_671 = tpu.memref_slice %arg4[%dma_wait3A_669, %dma_wait3A_670] : memref<20000x16xf32, #tpu.memory_space<hbm>> -> memref<20000x16xf32, #tpu.memory_space<hbm>>
      tpu.wait_indirect_dma semaphore(%arg16 : memref<!tpu.dma_semaphore, #tpu.memory_space<semaphore_mem>>) src(%dma_wait3A_671 : memref<20000x16xf32, #tpu.memory_space<hbm>>) dst(%dma_wait3A_665 : memref<80x16xf32, #tpu.memory_space<vmem>>)
      %scan3A_672 = arith.constant 0 : i32
      %scan3A_673 = arith.constant 0 : i32
      %scan3A_674 = arith.constant 80 : i32
      %scan3A_675 = arith.addi %scan3A_673, %scan3A_674 : i32
      %scan3A_676 = arith.constant 1 : i32
      %scan3A_677 = scf.for %scan3A_1470 = %scan3A_673 to %scan3A_675 step %scan3A_676 iter_args(%scan3A_1471 = %scan3A_672) -> (i32)  : i32 {
        %get3A = arith.constant 2 : i32
        %get3A_1472 = arith.index_cast %get3A : i32 to index
        %get3A_1473 = arith.index_cast %scan3A_1470 : i32 to index
        %get3A_1474 = arith.constant 0 : index
        %get3A_1475 = tpu.vector_load %arg10[%get3A_1472, %get3A_1473, %get3A_1474] {strides = array<i32>} : memref<10x80x16xf32, #tpu.memory_space<vmem>>, vector<1x1x16xf32>,
        %get3A_1476 = vector.shape_cast %get3A_1475 : vector<1x1x16xf32> to vector<16xf32>
        %get3A_1477 = arith.constant 2 : i32
        %get3A_1478 = arith.index_cast %get3A_1477 : i32 to index
        %get3A_1479 = arith.index_cast %scan3A_1470 : i32 to index
        %get3A_1480 = arith.constant 0 : index
        %get3A_1481 = tpu.vector_load %arg11[%get3A_1478, %get3A_1479, %get3A_1480] {strides = array<i32>} : memref<10x80x16xf32, #tpu.memory_space<vmem>>, vector<1x1x16xf32>,
        %get3A_1482 = vector.shape_cast %get3A_1481 : vector<1x1x16xf32> to vector<16xf32>
        %add3A_1483 = arith.addf %get3A_1476, %get3A_1482 : vector<16xf32>
        %mul3A_1484 = arith.constant 2.000000e-01 : f32
        %mul3A_1485 = vector.broadcast %mul3A_1484 : f32 to vector<16xf32>
        %mul3A_1486 = arith.mulf %mul3A_1485, %add3A_1483 : vector<16xf32>
        %max3A = arith.maximumf %add3A_1483, %mul3A_1486 : vector<16xf32>
        %exp3A = math.exp %max3A : vector<16xf32>
        %swap3A = arith.constant 2 : i32
        %swap3A_1487 = arith.index_cast %swap3A : i32 to index
        %swap3A_1488 = arith.index_cast %scan3A_1470 : i32 to index
        %swap3A_1489 = arith.constant 0 : index
        %swap3A_1490 = tpu.vector_load %arg10[%swap3A_1487, %swap3A_1488, %swap3A_1489] {strides = array<i32>} : memref<10x80x16xf32, #tpu.memory_space<vmem>>, vector<1x1x16xf32>,
        %swap3A_1491 = vector.shape_cast %swap3A_1490 : vector<1x1x16xf32> to vector<16xf32>
        %swap3A_1492 = vector.shape_cast %exp3A : vector<16xf32> to vector<1x1x16xf32>
        tpu.vector_store %arg10[%swap3A_1487, %swap3A_1488, %swap3A_1489], %swap3A_1492 {strides = array<i32>} : memref<10x80x16xf32, #tpu.memory_space<vmem>>, vector<1x1x16xf32>,
        %broadcast_in_dim3A_1493 = arith.constant 0 : i32
        %broadcast_in_dim3A_1494 = vector.broadcast %broadcast_in_dim3A_1493 : i32 to vector<16xi32>
        %lt3A_1495 = arith.constant 0 : i32
        %lt3A_1496 = vector.broadcast %lt3A_1495 : i32 to vector<16xi32>
        %lt3A_1497 = arith.cmpi slt, %broadcast_in_dim3A_1494, %lt3A_1496 : vector<16xi32>
        %add3A_1498 = arith.constant 16 : i32
        %add3A_1499 = vector.broadcast %add3A_1498 : i32 to vector<16xi32>
        %add3A_1500 = arith.addi %broadcast_in_dim3A_1494, %add3A_1499 : vector<16xi32>
        %select_n3A_1501 = arith.select %lt3A_1497, %add3A_1500, %broadcast_in_dim3A_1494 : vector<16xi1>, vector<16xi32>
        %broadcast_in_dim3A_1502 = vector.shape_cast %select_n3A_1501 : vector<16xi32> to vector<16x1xi32>
        %gather3A = vector.shape_cast %broadcast_in_dim3A_1502 : vector<16x1xi32> to vector<16xi32>
        %gather3A_1503 = tpu.dynamic_gather %exp3A[%gather3A] in [0] : vector<16xf32>, vector<16xi32> -> vector<16xf32>
        %get3A_1504 = arith.constant 2 : i32
        %get3A_1505 = arith.index_cast %get3A_1504 : i32 to index
        %get3A_1506 = arith.index_cast %scan3A_1470 : i32 to index
        %get3A_1507 = arith.constant 0 : index
        %get3A_1508 = tpu.vector_load %arg9[%get3A_1505, %get3A_1506, %get3A_1507] {strides = array<i32>} : memref<10x80x32xf32, #tpu.memory_space<vmem>>, vector<1x1x16xf32>,
        %get3A_1509 = vector.shape_cast %get3A_1508 : vector<1x1x16xf32> to vector<16xf32>
        %mul3A_1510 = arith.mulf %get3A_1509, %gather3A_1503 : vector<16xf32>
        %swap3A_1511 = arith.constant 2 : i32
        %swap3A_1512 = arith.index_cast %swap3A_1511 : i32 to index
        %swap3A_1513 = arith.index_cast %scan3A_1470 : i32 to index
        %swap3A_1514 = arith.constant 0 : index
        %swap3A_1515 = tpu.vector_load %arg9[%swap3A_1512, %swap3A_1513, %swap3A_1514] {strides = array<i32>} : memref<10x80x32xf32, #tpu.memory_space<vmem>>, vector<1x1x16xf32>,
        %swap3A_1516 = vector.shape_cast %swap3A_1515 : vector<1x1x16xf32> to vector<16xf32>
        %swap3A_1517 = vector.shape_cast %mul3A_1510 : vector<16xf32> to vector<1x1x16xf32>
        tpu.vector_store %arg9[%swap3A_1512, %swap3A_1513, %swap3A_1514], %swap3A_1517 {strides = array<i32>} : memref<10x80x32xf32, #tpu.memory_space<vmem>>, vector<1x1x16xf32>,
        %get3A_1518 = arith.constant 2 : i32
        %get3A_1519 = arith.index_cast %get3A_1518 : i32 to index
        %get3A_1520 = arith.index_cast %scan3A_1470 : i32 to index
        %get3A_1521 = arith.constant 16 : index
        %get3A_1522 = tpu.vector_load %arg9[%get3A_1519, %get3A_1520, %get3A_1521] {strides = array<i32>} : memref<10x80x32xf32, #tpu.memory_space<vmem>>, vector<1x1x16xf32>,
        %get3A_1523 = vector.shape_cast %get3A_1522 : vector<1x1x16xf32> to vector<16xf32>
        %mul3A_1524 = arith.mulf %get3A_1523, %gather3A_1503 : vector<16xf32>
        %swap3A_1525 = arith.constant 2 : i32
        %swap3A_1526 = arith.index_cast %swap3A_1525 : i32 to index
        %swap3A_1527 = arith.index_cast %scan3A_1470 : i32 to index
        %swap3A_1528 = arith.constant 16 : index
        %swap3A_1529 = tpu.vector_load %arg9[%swap3A_1526, %swap3A_1527, %swap3A_1528] {strides = array<i32>} : memref<10x80x32xf32, #tpu.memory_space<vmem>>, vector<1x1x16xf32>,
        %swap3A_1530 = vector.shape_cast %swap3A_1529 : vector<1x1x16xf32> to vector<16xf32>
        %swap3A_1531 = vector.shape_cast %mul3A_1524 : vector<16xf32> to vector<1x1x16xf32>
        tpu.vector_store %arg9[%swap3A_1526, %swap3A_1527, %swap3A_1528], %swap3A_1531 {strides = array<i32>} : memref<10x80x32xf32, #tpu.memory_space<vmem>>, vector<1x1x16xf32>,
        %scan3A_1532 = arith.constant 0 : i32
        scf.yield %scan3A_1532 : i32
      }
      %scan3A_678 = arith.constant 80 : i32
      %dma_start3A_679 = arith.constant 2 : i32
      %dma_start3A_680 = arith.constant 2 : i32
      %dma_start3A_681 = arith.constant 2 : i32
      %dma_start3A_682 = arith.constant 0 : i32
      %dma_start3A_683 = arith.constant 0 : i32
      %dma_start3A_684 = tpu.memref_slice %arg9[%dma_start3A_679, %dma_start3A_682, %dma_start3A_683] : memref<10x80x32xf32, #tpu.memory_space<vmem>> -> memref<1x80x32xf32, #tpu.memory_space<vmem>>
      %dma_start3A_685 = tpu.memref_squeeze %dma_start3A_684 : memref<1x80x32xf32, #tpu.memory_space<vmem>> -> memref<80x32xf32, #tpu.memory_space<vmem>>
      %dma_start3A_686 = arith.constant 0 : i32
      %dma_start3A_687 = tpu.memref_slice %arg8[%dma_start3A_680, %dma_start3A_681, %dma_start3A_686] : memref<10x3x80xi32, #tpu.memory_space<vmem>> -> memref<1x1x80xi32, #tpu.memory_space<vmem>>
      %dma_start3A_688 = tpu.memref_squeeze %dma_start3A_687 : memref<1x1x80xi32, #tpu.memory_space<vmem>> -> memref<80xi32, #tpu.memory_space<vmem>>
      %dma_start3A_689 = arith.constant 0 : i32
      %dma_start3A_690 = arith.constant 0 : i32
      %dma_start3A_691 = tpu.memref_slice %arg12[%dma_start3A_689, %dma_start3A_690] : memref<10000x32xf32, #tpu.memory_space<vmem_shared>> -> memref<10000x32xf32, #tpu.memory_space<vmem_shared>>
      tpu.enqueue_indirect_dma source(%dma_start3A_685 : memref<80x32xf32, #tpu.memory_space<vmem>>) target(%dma_start3A_691 : memref<10000x32xf32, #tpu.memory_space<vmem_shared>>) offsets(%dma_start3A_688 : memref<80xi32, #tpu.memory_space<vmem>>) semaphore(%arg26 : memref<!tpu.dma_semaphore, #tpu.memory_space<semaphore_mem>>) {add = true}
      %dma_start3A_692 = arith.constant 2 : i32
      %dma_start3A_693 = arith.constant 2 : i32
      %dma_start3A_694 = arith.constant 2 : i32
      %dma_start3A_695 = arith.constant 0 : i32
      %dma_start3A_696 = arith.constant 0 : i32
      %dma_start3A_697 = tpu.memref_slice %arg10[%dma_start3A_692, %dma_start3A_695, %dma_start3A_696] : memref<10x80x16xf32, #tpu.memory_space<vmem>> -> memref<1x80x16xf32, #tpu.memory_space<vmem>>
      %dma_start3A_698 = tpu.memref_squeeze %dma_start3A_697 : memref<1x80x16xf32, #tpu.memory_space<vmem>> -> memref<80x16xf32, #tpu.memory_space<vmem>>
      %dma_start3A_699 = arith.constant 0 : i32
      %dma_start3A_700 = tpu.memref_slice %arg8[%dma_start3A_693, %dma_start3A_694, %dma_start3A_699] : memref<10x3x80xi32, #tpu.memory_space<vmem>> -> memref<1x1x80xi32, #tpu.memory_space<vmem>>
      %dma_start3A_701 = tpu.memref_squeeze %dma_start3A_700 : memref<1x1x80xi32, #tpu.memory_space<vmem>> -> memref<80xi32, #tpu.memory_space<vmem>>
      %dma_start3A_702 = arith.constant 0 : i32
      %dma_start3A_703 = arith.constant 0 : i32
      %dma_start3A_704 = tpu.memref_slice %arg13[%dma_start3A_702, %dma_start3A_703] : memref<10000x16xf32, #tpu.memory_space<vmem_shared>> -> memref<10000x16xf32, #tpu.memory_space<vmem_shared>>
      tpu.enqueue_indirect_dma source(%dma_start3A_698 : memref<80x16xf32, #tpu.memory_space<vmem>>) target(%dma_start3A_704 : memref<10000x16xf32, #tpu.memory_space<vmem_shared>>) offsets(%dma_start3A_701 : memref<80xi32, #tpu.memory_space<vmem>>) semaphore(%arg26 : memref<!tpu.dma_semaphore, #tpu.memory_space<semaphore_mem>>) {add = true}
      %dma_wait3A_705 = arith.constant 3 : i32
      %dma_wait3A_706 = arith.constant 0 : i32
      %dma_wait3A_707 = arith.constant 3 : i32
      %dma_wait3A_708 = arith.constant 0 : i32
      %dma_wait3A_709 = arith.constant 0 : i32
      %dma_wait3A_710 = tpu.memref_slice %arg9[%dma_wait3A_707, %dma_wait3A_708, %dma_wait3A_709] : memref<10x80x32xf32, #tpu.memory_space<vmem>> -> memref<1x80x32xf32, #tpu.memory_space<vmem>>
      %dma_wait3A_711 = tpu.memref_squeeze %dma_wait3A_710 : memref<1x80x32xf32, #tpu.memory_space<vmem>> -> memref<80x32xf32, #tpu.memory_space<vmem>>
      %dma_wait3A_712 = arith.constant 0 : i32
      %dma_wait3A_713 = tpu.memref_slice %arg8[%dma_wait3A_705, %dma_wait3A_706, %dma_wait3A_712] : memref<10x3x80xi32, #tpu.memory_space<vmem>> -> memref<1x1x80xi32, #tpu.memory_space<vmem>>
      %dma_wait3A_714 = tpu.memref_squeeze %dma_wait3A_713 : memref<1x1x80xi32, #tpu.memory_space<vmem>> -> memref<80xi32, #tpu.memory_space<vmem>>
      %dma_wait3A_715 = arith.constant 0 : i32
      %dma_wait3A_716 = arith.constant 0 : i32
      %dma_wait3A_717 = tpu.memref_slice %arg2[%dma_wait3A_715, %dma_wait3A_716] : memref<20000x32xf32, #tpu.memory_space<hbm>> -> memref<20000x32xf32, #tpu.memory_space<hbm>>
      tpu.wait_indirect_dma semaphore(%arg17 : memref<!tpu.dma_semaphore, #tpu.memory_space<semaphore_mem>>) src(%dma_wait3A_717 : memref<20000x32xf32, #tpu.memory_space<hbm>>) dst(%dma_wait3A_711 : memref<80x32xf32, #tpu.memory_space<vmem>>)
      %dma_wait3A_718 = arith.constant 3 : i32
      %dma_wait3A_719 = arith.constant 0 : i32
      %dma_wait3A_720 = arith.constant 3 : i32
      %dma_wait3A_721 = arith.constant 0 : i32
      %dma_wait3A_722 = arith.constant 0 : i32
      %dma_wait3A_723 = tpu.memref_slice %arg10[%dma_wait3A_720, %dma_wait3A_721, %dma_wait3A_722] : memref<10x80x16xf32, #tpu.memory_space<vmem>> -> memref<1x80x16xf32, #tpu.memory_space<vmem>>
      %dma_wait3A_724 = tpu.memref_squeeze %dma_wait3A_723 : memref<1x80x16xf32, #tpu.memory_space<vmem>> -> memref<80x16xf32, #tpu.memory_space<vmem>>
      %dma_wait3A_725 = arith.constant 0 : i32
      %dma_wait3A_726 = tpu.memref_slice %arg8[%dma_wait3A_718, %dma_wait3A_719, %dma_wait3A_725] : memref<10x3x80xi32, #tpu.memory_space<vmem>> -> memref<1x1x80xi32, #tpu.memory_space<vmem>>
      %dma_wait3A_727 = tpu.memref_squeeze %dma_wait3A_726 : memref<1x1x80xi32, #tpu.memory_space<vmem>> -> memref<80xi32, #tpu.memory_space<vmem>>
      %dma_wait3A_728 = arith.constant 0 : i32
      %dma_wait3A_729 = arith.constant 0 : i32
      %dma_wait3A_730 = tpu.memref_slice %arg3[%dma_wait3A_728, %dma_wait3A_729] : memref<20000x16xf32, #tpu.memory_space<hbm>> -> memref<20000x16xf32, #tpu.memory_space<hbm>>
      tpu.wait_indirect_dma semaphore(%arg17 : memref<!tpu.dma_semaphore, #tpu.memory_space<semaphore_mem>>) src(%dma_wait3A_730 : memref<20000x16xf32, #tpu.memory_space<hbm>>) dst(%dma_wait3A_724 : memref<80x16xf32, #tpu.memory_space<vmem>>)
      %dma_wait3A_731 = arith.constant 3 : i32
      %dma_wait3A_732 = arith.constant 1 : i32
      %dma_wait3A_733 = arith.constant 3 : i32
      %dma_wait3A_734 = arith.constant 0 : i32
      %dma_wait3A_735 = arith.constant 0 : i32
      %dma_wait3A_736 = tpu.memref_slice %arg11[%dma_wait3A_733, %dma_wait3A_734, %dma_wait3A_735] : memref<10x80x16xf32, #tpu.memory_space<vmem>> -> memref<1x80x16xf32, #tpu.memory_space<vmem>>
      %dma_wait3A_737 = tpu.memref_squeeze %dma_wait3A_736 : memref<1x80x16xf32, #tpu.memory_space<vmem>> -> memref<80x16xf32, #tpu.memory_space<vmem>>
      %dma_wait3A_738 = arith.constant 0 : i32
      %dma_wait3A_739 = tpu.memref_slice %arg8[%dma_wait3A_731, %dma_wait3A_732, %dma_wait3A_738] : memref<10x3x80xi32, #tpu.memory_space<vmem>> -> memref<1x1x80xi32, #tpu.memory_space<vmem>>
      %dma_wait3A_740 = tpu.memref_squeeze %dma_wait3A_739 : memref<1x1x80xi32, #tpu.memory_space<vmem>> -> memref<80xi32, #tpu.memory_space<vmem>>
      %dma_wait3A_741 = arith.constant 0 : i32
      %dma_wait3A_742 = arith.constant 0 : i32
      %dma_wait3A_743 = tpu.memref_slice %arg4[%dma_wait3A_741, %dma_wait3A_742] : memref<20000x16xf32, #tpu.memory_space<hbm>> -> memref<20000x16xf32, #tpu.memory_space<hbm>>
      tpu.wait_indirect_dma semaphore(%arg17 : memref<!tpu.dma_semaphore, #tpu.memory_space<semaphore_mem>>) src(%dma_wait3A_743 : memref<20000x16xf32, #tpu.memory_space<hbm>>) dst(%dma_wait3A_737 : memref<80x16xf32, #tpu.memory_space<vmem>>)
      %scan3A_744 = arith.constant 0 : i32
      %scan3A_745 = arith.constant 0 : i32
      %scan3A_746 = arith.constant 80 : i32
      %scan3A_747 = arith.addi %scan3A_745, %scan3A_746 : i32
      %scan3A_748 = arith.constant 1 : i32
      %scan3A_749 = scf.for %scan3A_1470 = %scan3A_745 to %scan3A_747 step %scan3A_748 iter_args(%scan3A_1471 = %scan3A_744) -> (i32)  : i32 {
        %get3A = arith.constant 3 : i32
        %get3A_1472 = arith.index_cast %get3A : i32 to index
        %get3A_1473 = arith.index_cast %scan3A_1470 : i32 to index
        %get3A_1474 = arith.constant 0 : index
        %get3A_1475 = tpu.vector_load %arg10[%get3A_1472, %get3A_1473, %get3A_1474] {strides = array<i32>} : memref<10x80x16xf32, #tpu.memory_space<vmem>>, vector<1x1x16xf32>,
        %get3A_1476 = vector.shape_cast %get3A_1475 : vector<1x1x16xf32> to vector<16xf32>
        %get3A_1477 = arith.constant 3 : i32
        %get3A_1478 = arith.index_cast %get3A_1477 : i32 to index
        %get3A_1479 = arith.index_cast %scan3A_1470 : i32 to index
        %get3A_1480 = arith.constant 0 : index
        %get3A_1481 = tpu.vector_load %arg11[%get3A_1478, %get3A_1479, %get3A_1480] {strides = array<i32>} : memref<10x80x16xf32, #tpu.memory_space<vmem>>, vector<1x1x16xf32>,
        %get3A_1482 = vector.shape_cast %get3A_1481 : vector<1x1x16xf32> to vector<16xf32>
        %add3A_1483 = arith.addf %get3A_1476, %get3A_1482 : vector<16xf32>
        %mul3A_1484 = arith.constant 2.000000e-01 : f32
        %mul3A_1485 = vector.broadcast %mul3A_1484 : f32 to vector<16xf32>
        %mul3A_1486 = arith.mulf %mul3A_1485, %add3A_1483 : vector<16xf32>
        %max3A = arith.maximumf %add3A_1483, %mul3A_1486 : vector<16xf32>
        %exp3A = math.exp %max3A : vector<16xf32>
        %swap3A = arith.constant 3 : i32
        %swap3A_1487 = arith.index_cast %swap3A : i32 to index
        %swap3A_1488 = arith.index_cast %scan3A_1470 : i32 to index
        %swap3A_1489 = arith.constant 0 : index
        %swap3A_1490 = tpu.vector_load %arg10[%swap3A_1487, %swap3A_1488, %swap3A_1489] {strides = array<i32>} : memref<10x80x16xf32, #tpu.memory_space<vmem>>, vector<1x1x16xf32>,
        %swap3A_1491 = vector.shape_cast %swap3A_1490 : vector<1x1x16xf32> to vector<16xf32>
        %swap3A_1492 = vector.shape_cast %exp3A : vector<16xf32> to vector<1x1x16xf32>
        tpu.vector_store %arg10[%swap3A_1487, %swap3A_1488, %swap3A_1489], %swap3A_1492 {strides = array<i32>} : memref<10x80x16xf32, #tpu.memory_space<vmem>>, vector<1x1x16xf32>,
        %broadcast_in_dim3A_1493 = arith.constant 0 : i32
        %broadcast_in_dim3A_1494 = vector.broadcast %broadcast_in_dim3A_1493 : i32 to vector<16xi32>
        %lt3A_1495 = arith.constant 0 : i32
        %lt3A_1496 = vector.broadcast %lt3A_1495 : i32 to vector<16xi32>
        %lt3A_1497 = arith.cmpi slt, %broadcast_in_dim3A_1494, %lt3A_1496 : vector<16xi32>
        %add3A_1498 = arith.constant 16 : i32
        %add3A_1499 = vector.broadcast %add3A_1498 : i32 to vector<16xi32>
        %add3A_1500 = arith.addi %broadcast_in_dim3A_1494, %add3A_1499 : vector<16xi32>
        %select_n3A_1501 = arith.select %lt3A_1497, %add3A_1500, %broadcast_in_dim3A_1494 : vector<16xi1>, vector<16xi32>
        %broadcast_in_dim3A_1502 = vector.shape_cast %select_n3A_1501 : vector<16xi32> to vector<16x1xi32>
        %gather3A = vector.shape_cast %broadcast_in_dim3A_1502 : vector<16x1xi32> to vector<16xi32>
        %gather3A_1503 = tpu.dynamic_gather %exp3A[%gather3A] in [0] : vector<16xf32>, vector<16xi32> -> vector<16xf32>
        %get3A_1504 = arith.constant 3 : i32
        %get3A_1505 = arith.index_cast %get3A_1504 : i32 to index
        %get3A_1506 = arith.index_cast %scan3A_1470 : i32 to index
        %get3A_1507 = arith.constant 0 : index
        %get3A_1508 = tpu.vector_load %arg9[%get3A_1505, %get3A_1506, %get3A_1507] {strides = array<i32>} : memref<10x80x32xf32, #tpu.memory_space<vmem>>, vector<1x1x16xf32>,
        %get3A_1509 = vector.shape_cast %get3A_1508 : vector<1x1x16xf32> to vector<16xf32>
        %mul3A_1510 = arith.mulf %get3A_1509, %gather3A_1503 : vector<16xf32>
        %swap3A_1511 = arith.constant 3 : i32
        %swap3A_1512 = arith.index_cast %swap3A_1511 : i32 to index
        %swap3A_1513 = arith.index_cast %scan3A_1470 : i32 to index
        %swap3A_1514 = arith.constant 0 : index
        %swap3A_1515 = tpu.vector_load %arg9[%swap3A_1512, %swap3A_1513, %swap3A_1514] {strides = array<i32>} : memref<10x80x32xf32, #tpu.memory_space<vmem>>, vector<1x1x16xf32>,
        %swap3A_1516 = vector.shape_cast %swap3A_1515 : vector<1x1x16xf32> to vector<16xf32>
        %swap3A_1517 = vector.shape_cast %mul3A_1510 : vector<16xf32> to vector<1x1x16xf32>
        tpu.vector_store %arg9[%swap3A_1512, %swap3A_1513, %swap3A_1514], %swap3A_1517 {strides = array<i32>} : memref<10x80x32xf32, #tpu.memory_space<vmem>>, vector<1x1x16xf32>,
        %get3A_1518 = arith.constant 3 : i32
        %get3A_1519 = arith.index_cast %get3A_1518 : i32 to index
        %get3A_1520 = arith.index_cast %scan3A_1470 : i32 to index
        %get3A_1521 = arith.constant 16 : index
        %get3A_1522 = tpu.vector_load %arg9[%get3A_1519, %get3A_1520, %get3A_1521] {strides = array<i32>} : memref<10x80x32xf32, #tpu.memory_space<vmem>>, vector<1x1x16xf32>,
        %get3A_1523 = vector.shape_cast %get3A_1522 : vector<1x1x16xf32> to vector<16xf32>
        %mul3A_1524 = arith.mulf %get3A_1523, %gather3A_1503 : vector<16xf32>
        %swap3A_1525 = arith.constant 3 : i32
        %swap3A_1526 = arith.index_cast %swap3A_1525 : i32 to index
        %swap3A_1527 = arith.index_cast %scan3A_1470 : i32 to index
        %swap3A_1528 = arith.constant 16 : index
        %swap3A_1529 = tpu.vector_load %arg9[%swap3A_1526, %swap3A_1527, %swap3A_1528] {strides = array<i32>} : memref<10x80x32xf32, #tpu.memory_space<vmem>>, vector<1x1x16xf32>,
        %swap3A_1530 = vector.shape_cast %swap3A_1529 : vector<1x1x16xf32> to vector<16xf32>
        %swap3A_1531 = vector.shape_cast %mul3A_1524 : vector<16xf32> to vector<1x1x16xf32>
        tpu.vector_store %arg9[%swap3A_1526, %swap3A_1527, %swap3A_1528], %swap3A_1531 {strides = array<i32>} : memref<10x80x32xf32, #tpu.memory_space<vmem>>, vector<1x1x16xf32>,
        %scan3A_1532 = arith.constant 0 : i32
        scf.yield %scan3A_1532 : i32
      }
      %scan3A_750 = arith.constant 80 : i32
      %dma_start3A_751 = arith.constant 3 : i32
      %dma_start3A_752 = arith.constant 3 : i32
      %dma_start3A_753 = arith.constant 2 : i32
      %dma_start3A_754 = arith.constant 0 : i32
      %dma_start3A_755 = arith.constant 0 : i32
      %dma_start3A_756 = tpu.memref_slice %arg9[%dma_start3A_751, %dma_start3A_754, %dma_start3A_755] : memref<10x80x32xf32, #tpu.memory_space<vmem>> -> memref<1x80x32xf32, #tpu.memory_space<vmem>>
      %dma_start3A_757 = tpu.memref_squeeze %dma_start3A_756 : memref<1x80x32xf32, #tpu.memory_space<vmem>> -> memref<80x32xf32, #tpu.memory_space<vmem>>
      %dma_start3A_758 = arith.constant 0 : i32
      %dma_start3A_759 = tpu.memref_slice %arg8[%dma_start3A_752, %dma_start3A_753, %dma_start3A_758] : memref<10x3x80xi32, #tpu.memory_space<vmem>> -> memref<1x1x80xi32, #tpu.memory_space<vmem>>
      %dma_start3A_760 = tpu.memref_squeeze %dma_start3A_759 : memref<1x1x80xi32, #tpu.memory_space<vmem>> -> memref<80xi32, #tpu.memory_space<vmem>>
      %dma_start3A_761 = arith.constant 0 : i32
      %dma_start3A_762 = arith.constant 0 : i32
      %dma_start3A_763 = tpu.memref_slice %arg12[%dma_start3A_761, %dma_start3A_762] : memref<10000x32xf32, #tpu.memory_space<vmem_shared>> -> memref<10000x32xf32, #tpu.memory_space<vmem_shared>>
      tpu.enqueue_indirect_dma source(%dma_start3A_757 : memref<80x32xf32, #tpu.memory_space<vmem>>) target(%dma_start3A_763 : memref<10000x32xf32, #tpu.memory_space<vmem_shared>>) offsets(%dma_start3A_760 : memref<80xi32, #tpu.memory_space<vmem>>) semaphore(%arg27 : memref<!tpu.dma_semaphore, #tpu.memory_space<semaphore_mem>>) {add = true}
      %dma_start3A_764 = arith.constant 3 : i32
      %dma_start3A_765 = arith.constant 3 : i32
      %dma_start3A_766 = arith.constant 2 : i32
      %dma_start3A_767 = arith.constant 0 : i32
      %dma_start3A_768 = arith.constant 0 : i32
      %dma_start3A_769 = tpu.memref_slice %arg10[%dma_start3A_764, %dma_start3A_767, %dma_start3A_768] : memref<10x80x16xf32, #tpu.memory_space<vmem>> -> memref<1x80x16xf32, #tpu.memory_space<vmem>>
      %dma_start3A_770 = tpu.memref_squeeze %dma_start3A_769 : memref<1x80x16xf32, #tpu.memory_space<vmem>> -> memref<80x16xf32, #tpu.memory_space<vmem>>
      %dma_start3A_771 = arith.constant 0 : i32
      %dma_start3A_772 = tpu.memref_slice %arg8[%dma_start3A_765, %dma_start3A_766, %dma_start3A_771] : memref<10x3x80xi32, #tpu.memory_space<vmem>> -> memref<1x1x80xi32, #tpu.memory_space<vmem>>
      %dma_start3A_773 = tpu.memref_squeeze %dma_start3A_772 : memref<1x1x80xi32, #tpu.memory_space<vmem>> -> memref<80xi32, #tpu.memory_space<vmem>>
      %dma_start3A_774 = arith.constant 0 : i32
      %dma_start3A_775 = arith.constant 0 : i32
      %dma_start3A_776 = tpu.memref_slice %arg13[%dma_start3A_774, %dma_start3A_775] : memref<10000x16xf32, #tpu.memory_space<vmem_shared>> -> memref<10000x16xf32, #tpu.memory_space<vmem_shared>>
      tpu.enqueue_indirect_dma source(%dma_start3A_770 : memref<80x16xf32, #tpu.memory_space<vmem>>) target(%dma_start3A_776 : memref<10000x16xf32, #tpu.memory_space<vmem_shared>>) offsets(%dma_start3A_773 : memref<80xi32, #tpu.memory_space<vmem>>) semaphore(%arg27 : memref<!tpu.dma_semaphore, #tpu.memory_space<semaphore_mem>>) {add = true}
      %dma_wait3A_777 = arith.constant 4 : i32
      %dma_wait3A_778 = arith.constant 0 : i32
      %dma_wait3A_779 = arith.constant 4 : i32
      %dma_wait3A_780 = arith.constant 0 : i32
      %dma_wait3A_781 = arith.constant 0 : i32
      %dma_wait3A_782 = tpu.memref_slice %arg9[%dma_wait3A_779, %dma_wait3A_780, %dma_wait3A_781] : memref<10x80x32xf32, #tpu.memory_space<vmem>> -> memref<1x80x32xf32, #tpu.memory_space<vmem>>
      %dma_wait3A_783 = tpu.memref_squeeze %dma_wait3A_782 : memref<1x80x32xf32, #tpu.memory_space<vmem>> -> memref<80x32xf32, #tpu.memory_space<vmem>>
      %dma_wait3A_784 = arith.constant 0 : i32
      %dma_wait3A_785 = tpu.memref_slice %arg8[%dma_wait3A_777, %dma_wait3A_778, %dma_wait3A_784] : memref<10x3x80xi32, #tpu.memory_space<vmem>> -> memref<1x1x80xi32, #tpu.memory_space<vmem>>
      %dma_wait3A_786 = tpu.memref_squeeze %dma_wait3A_785 : memref<1x1x80xi32, #tpu.memory_space<vmem>> -> memref<80xi32, #tpu.memory_space<vmem>>
      %dma_wait3A_787 = arith.constant 0 : i32
      %dma_wait3A_788 = arith.constant 0 : i32
      %dma_wait3A_789 = tpu.memref_slice %arg2[%dma_wait3A_787, %dma_wait3A_788] : memref<20000x32xf32, #tpu.memory_space<hbm>> -> memref<20000x32xf32, #tpu.memory_space<hbm>>
      tpu.wait_indirect_dma semaphore(%arg18 : memref<!tpu.dma_semaphore, #tpu.memory_space<semaphore_mem>>) src(%dma_wait3A_789 : memref<20000x32xf32, #tpu.memory_space<hbm>>) dst(%dma_wait3A_783 : memref<80x32xf32, #tpu.memory_space<vmem>>)
      %dma_wait3A_790 = arith.constant 4 : i32
      %dma_wait3A_791 = arith.constant 0 : i32
      %dma_wait3A_792 = arith.constant 4 : i32
      %dma_wait3A_793 = arith.constant 0 : i32
      %dma_wait3A_794 = arith.constant 0 : i32
      %dma_wait3A_795 = tpu.memref_slice %arg10[%dma_wait3A_792, %dma_wait3A_793, %dma_wait3A_794] : memref<10x80x16xf32, #tpu.memory_space<vmem>> -> memref<1x80x16xf32, #tpu.memory_space<vmem>>
      %dma_wait3A_796 = tpu.memref_squeeze %dma_wait3A_795 : memref<1x80x16xf32, #tpu.memory_space<vmem>> -> memref<80x16xf32, #tpu.memory_space<vmem>>
      %dma_wait3A_797 = arith.constant 0 : i32
      %dma_wait3A_798 = tpu.memref_slice %arg8[%dma_wait3A_790, %dma_wait3A_791, %dma_wait3A_797] : memref<10x3x80xi32, #tpu.memory_space<vmem>> -> memref<1x1x80xi32, #tpu.memory_space<vmem>>
      %dma_wait3A_799 = tpu.memref_squeeze %dma_wait3A_798 : memref<1x1x80xi32, #tpu.memory_space<vmem>> -> memref<80xi32, #tpu.memory_space<vmem>>
      %dma_wait3A_800 = arith.constant 0 : i32
      %dma_wait3A_801 = arith.constant 0 : i32
      %dma_wait3A_802 = tpu.memref_slice %arg3[%dma_wait3A_800, %dma_wait3A_801] : memref<20000x16xf32, #tpu.memory_space<hbm>> -> memref<20000x16xf32, #tpu.memory_space<hbm>>
      tpu.wait_indirect_dma semaphore(%arg18 : memref<!tpu.dma_semaphore, #tpu.memory_space<semaphore_mem>>) src(%dma_wait3A_802 : memref<20000x16xf32, #tpu.memory_space<hbm>>) dst(%dma_wait3A_796 : memref<80x16xf32, #tpu.memory_space<vmem>>)
      %dma_wait3A_803 = arith.constant 4 : i32
      %dma_wait3A_804 = arith.constant 1 : i32
      %dma_wait3A_805 = arith.constant 4 : i32
      %dma_wait3A_806 = arith.constant 0 : i32
      %dma_wait3A_807 = arith.constant 0 : i32
      %dma_wait3A_808 = tpu.memref_slice %arg11[%dma_wait3A_805, %dma_wait3A_806, %dma_wait3A_807] : memref<10x80x16xf32, #tpu.memory_space<vmem>> -> memref<1x80x16xf32, #tpu.memory_space<vmem>>
      %dma_wait3A_809 = tpu.memref_squeeze %dma_wait3A_808 : memref<1x80x16xf32, #tpu.memory_space<vmem>> -> memref<80x16xf32, #tpu.memory_space<vmem>>
      %dma_wait3A_810 = arith.constant 0 : i32
      %dma_wait3A_811 = tpu.memref_slice %arg8[%dma_wait3A_803, %dma_wait3A_804, %dma_wait3A_810] : memref<10x3x80xi32, #tpu.memory_space<vmem>> -> memref<1x1x80xi32, #tpu.memory_space<vmem>>
      %dma_wait3A_812 = tpu.memref_squeeze %dma_wait3A_811 : memref<1x1x80xi32, #tpu.memory_space<vmem>> -> memref<80xi32, #tpu.memory_space<vmem>>
      %dma_wait3A_813 = arith.constant 0 : i32
      %dma_wait3A_814 = arith.constant 0 : i32
      %dma_wait3A_815 = tpu.memref_slice %arg4[%dma_wait3A_813, %dma_wait3A_814] : memref<20000x16xf32, #tpu.memory_space<hbm>> -> memref<20000x16xf32, #tpu.memory_space<hbm>>
      tpu.wait_indirect_dma semaphore(%arg18 : memref<!tpu.dma_semaphore, #tpu.memory_space<semaphore_mem>>) src(%dma_wait3A_815 : memref<20000x16xf32, #tpu.memory_space<hbm>>) dst(%dma_wait3A_809 : memref<80x16xf32, #tpu.memory_space<vmem>>)
      %scan3A_816 = arith.constant 0 : i32
      %scan3A_817 = arith.constant 0 : i32
      %scan3A_818 = arith.constant 80 : i32
      %scan3A_819 = arith.addi %scan3A_817, %scan3A_818 : i32
      %scan3A_820 = arith.constant 1 : i32
      %scan3A_821 = scf.for %scan3A_1470 = %scan3A_817 to %scan3A_819 step %scan3A_820 iter_args(%scan3A_1471 = %scan3A_816) -> (i32)  : i32 {
        %get3A = arith.constant 4 : i32
        %get3A_1472 = arith.index_cast %get3A : i32 to index
        %get3A_1473 = arith.index_cast %scan3A_1470 : i32 to index
        %get3A_1474 = arith.constant 0 : index
        %get3A_1475 = tpu.vector_load %arg10[%get3A_1472, %get3A_1473, %get3A_1474] {strides = array<i32>} : memref<10x80x16xf32, #tpu.memory_space<vmem>>, vector<1x1x16xf32>,
        %get3A_1476 = vector.shape_cast %get3A_1475 : vector<1x1x16xf32> to vector<16xf32>
        %get3A_1477 = arith.constant 4 : i32
        %get3A_1478 = arith.index_cast %get3A_1477 : i32 to index
        %get3A_1479 = arith.index_cast %scan3A_1470 : i32 to index
        %get3A_1480 = arith.constant 0 : index
        %get3A_1481 = tpu.vector_load %arg11[%get3A_1478, %get3A_1479, %get3A_1480] {strides = array<i32>} : memref<10x80x16xf32, #tpu.memory_space<vmem>>, vector<1x1x16xf32>,
        %get3A_1482 = vector.shape_cast %get3A_1481 : vector<1x1x16xf32> to vector<16xf32>
        %add3A_1483 = arith.addf %get3A_1476, %get3A_1482 : vector<16xf32>
        %mul3A_1484 = arith.constant 2.000000e-01 : f32
        %mul3A_1485 = vector.broadcast %mul3A_1484 : f32 to vector<16xf32>
        %mul3A_1486 = arith.mulf %mul3A_1485, %add3A_1483 : vector<16xf32>
        %max3A = arith.maximumf %add3A_1483, %mul3A_1486 : vector<16xf32>
        %exp3A = math.exp %max3A : vector<16xf32>
        %swap3A = arith.constant 4 : i32
        %swap3A_1487 = arith.index_cast %swap3A : i32 to index
        %swap3A_1488 = arith.index_cast %scan3A_1470 : i32 to index
        %swap3A_1489 = arith.constant 0 : index
        %swap3A_1490 = tpu.vector_load %arg10[%swap3A_1487, %swap3A_1488, %swap3A_1489] {strides = array<i32>} : memref<10x80x16xf32, #tpu.memory_space<vmem>>, vector<1x1x16xf32>,
        %swap3A_1491 = vector.shape_cast %swap3A_1490 : vector<1x1x16xf32> to vector<16xf32>
        %swap3A_1492 = vector.shape_cast %exp3A : vector<16xf32> to vector<1x1x16xf32>
        tpu.vector_store %arg10[%swap3A_1487, %swap3A_1488, %swap3A_1489], %swap3A_1492 {strides = array<i32>} : memref<10x80x16xf32, #tpu.memory_space<vmem>>, vector<1x1x16xf32>,
        %broadcast_in_dim3A_1493 = arith.constant 0 : i32
        %broadcast_in_dim3A_1494 = vector.broadcast %broadcast_in_dim3A_1493 : i32 to vector<16xi32>
        %lt3A_1495 = arith.constant 0 : i32
        %lt3A_1496 = vector.broadcast %lt3A_1495 : i32 to vector<16xi32>
        %lt3A_1497 = arith.cmpi slt, %broadcast_in_dim3A_1494, %lt3A_1496 : vector<16xi32>
        %add3A_1498 = arith.constant 16 : i32
        %add3A_1499 = vector.broadcast %add3A_1498 : i32 to vector<16xi32>
        %add3A_1500 = arith.addi %broadcast_in_dim3A_1494, %add3A_1499 : vector<16xi32>
        %select_n3A_1501 = arith.select %lt3A_1497, %add3A_1500, %broadcast_in_dim3A_1494 : vector<16xi1>, vector<16xi32>
        %broadcast_in_dim3A_1502 = vector.shape_cast %select_n3A_1501 : vector<16xi32> to vector<16x1xi32>
        %gather3A = vector.shape_cast %broadcast_in_dim3A_1502 : vector<16x1xi32> to vector<16xi32>
        %gather3A_1503 = tpu.dynamic_gather %exp3A[%gather3A] in [0] : vector<16xf32>, vector<16xi32> -> vector<16xf32>
        %get3A_1504 = arith.constant 4 : i32
        %get3A_1505 = arith.index_cast %get3A_1504 : i32 to index
        %get3A_1506 = arith.index_cast %scan3A_1470 : i32 to index
        %get3A_1507 = arith.constant 0 : index
        %get3A_1508 = tpu.vector_load %arg9[%get3A_1505, %get3A_1506, %get3A_1507] {strides = array<i32>} : memref<10x80x32xf32, #tpu.memory_space<vmem>>, vector<1x1x16xf32>,
        %get3A_1509 = vector.shape_cast %get3A_1508 : vector<1x1x16xf32> to vector<16xf32>
        %mul3A_1510 = arith.mulf %get3A_1509, %gather3A_1503 : vector<16xf32>
        %swap3A_1511 = arith.constant 4 : i32
        %swap3A_1512 = arith.index_cast %swap3A_1511 : i32 to index
        %swap3A_1513 = arith.index_cast %scan3A_1470 : i32 to index
        %swap3A_1514 = arith.constant 0 : index
        %swap3A_1515 = tpu.vector_load %arg9[%swap3A_1512, %swap3A_1513, %swap3A_1514] {strides = array<i32>} : memref<10x80x32xf32, #tpu.memory_space<vmem>>, vector<1x1x16xf32>,
        %swap3A_1516 = vector.shape_cast %swap3A_1515 : vector<1x1x16xf32> to vector<16xf32>
        %swap3A_1517 = vector.shape_cast %mul3A_1510 : vector<16xf32> to vector<1x1x16xf32>
        tpu.vector_store %arg9[%swap3A_1512, %swap3A_1513, %swap3A_1514], %swap3A_1517 {strides = array<i32>} : memref<10x80x32xf32, #tpu.memory_space<vmem>>, vector<1x1x16xf32>,
        %get3A_1518 = arith.constant 4 : i32
        %get3A_1519 = arith.index_cast %get3A_1518 : i32 to index
        %get3A_1520 = arith.index_cast %scan3A_1470 : i32 to index
        %get3A_1521 = arith.constant 16 : index
        %get3A_1522 = tpu.vector_load %arg9[%get3A_1519, %get3A_1520, %get3A_1521] {strides = array<i32>} : memref<10x80x32xf32, #tpu.memory_space<vmem>>, vector<1x1x16xf32>,
        %get3A_1523 = vector.shape_cast %get3A_1522 : vector<1x1x16xf32> to vector<16xf32>
        %mul3A_1524 = arith.mulf %get3A_1523, %gather3A_1503 : vector<16xf32>
        %swap3A_1525 = arith.constant 4 : i32
        %swap3A_1526 = arith.index_cast %swap3A_1525 : i32 to index
        %swap3A_1527 = arith.index_cast %scan3A_1470 : i32 to index
        %swap3A_1528 = arith.constant 16 : index
        %swap3A_1529 = tpu.vector_load %arg9[%swap3A_1526, %swap3A_1527, %swap3A_1528] {strides = array<i32>} : memref<10x80x32xf32, #tpu.memory_space<vmem>>, vector<1x1x16xf32>,
        %swap3A_1530 = vector.shape_cast %swap3A_1529 : vector<1x1x16xf32> to vector<16xf32>
        %swap3A_1531 = vector.shape_cast %mul3A_1524 : vector<16xf32> to vector<1x1x16xf32>
        tpu.vector_store %arg9[%swap3A_1526, %swap3A_1527, %swap3A_1528], %swap3A_1531 {strides = array<i32>} : memref<10x80x32xf32, #tpu.memory_space<vmem>>, vector<1x1x16xf32>,
        %scan3A_1532 = arith.constant 0 : i32
        scf.yield %scan3A_1532 : i32
      }
      %scan3A_822 = arith.constant 80 : i32
      %dma_start3A_823 = arith.constant 4 : i32
      %dma_start3A_824 = arith.constant 4 : i32
      %dma_start3A_825 = arith.constant 2 : i32
      %dma_start3A_826 = arith.constant 0 : i32
      %dma_start3A_827 = arith.constant 0 : i32
      %dma_start3A_828 = tpu.memref_slice %arg9[%dma_start3A_823, %dma_start3A_826, %dma_start3A_827] : memref<10x80x32xf32, #tpu.memory_space<vmem>> -> memref<1x80x32xf32, #tpu.memory_space<vmem>>
      %dma_start3A_829 = tpu.memref_squeeze %dma_start3A_828 : memref<1x80x32xf32, #tpu.memory_space<vmem>> -> memref<80x32xf32, #tpu.memory_space<vmem>>
      %dma_start3A_830 = arith.constant 0 : i32
      %dma_start3A_831 = tpu.memref_slice %arg8[%dma_start3A_824, %dma_start3A_825, %dma_start3A_830] : memref<10x3x80xi32, #tpu.memory_space<vmem>> -> memref<1x1x80xi32, #tpu.memory_space<vmem>>
      %dma_start3A_832 = tpu.memref_squeeze %dma_start3A_831 : memref<1x1x80xi32, #tpu.memory_space<vmem>> -> memref<80xi32, #tpu.memory_space<vmem>>
      %dma_start3A_833 = arith.constant 0 : i32
      %dma_start3A_834 = arith.constant 0 : i32
      %dma_start3A_835 = tpu.memref_slice %arg12[%dma_start3A_833, %dma_start3A_834] : memref<10000x32xf32, #tpu.memory_space<vmem_shared>> -> memref<10000x32xf32, #tpu.memory_space<vmem_shared>>
      tpu.enqueue_indirect_dma source(%dma_start3A_829 : memref<80x32xf32, #tpu.memory_space<vmem>>) target(%dma_start3A_835 : memref<10000x32xf32, #tpu.memory_space<vmem_shared>>) offsets(%dma_start3A_832 : memref<80xi32, #tpu.memory_space<vmem>>) semaphore(%arg28 : memref<!tpu.dma_semaphore, #tpu.memory_space<semaphore_mem>>) {add = true}
      %dma_start3A_836 = arith.constant 4 : i32
      %dma_start3A_837 = arith.constant 4 : i32
      %dma_start3A_838 = arith.constant 2 : i32
      %dma_start3A_839 = arith.constant 0 : i32
      %dma_start3A_840 = arith.constant 0 : i32
      %dma_start3A_841 = tpu.memref_slice %arg10[%dma_start3A_836, %dma_start3A_839, %dma_start3A_840] : memref<10x80x16xf32, #tpu.memory_space<vmem>> -> memref<1x80x16xf32, #tpu.memory_space<vmem>>
      %dma_start3A_842 = tpu.memref_squeeze %dma_start3A_841 : memref<1x80x16xf32, #tpu.memory_space<vmem>> -> memref<80x16xf32, #tpu.memory_space<vmem>>
      %dma_start3A_843 = arith.constant 0 : i32
      %dma_start3A_844 = tpu.memref_slice %arg8[%dma_start3A_837, %dma_start3A_838, %dma_start3A_843] : memref<10x3x80xi32, #tpu.memory_space<vmem>> -> memref<1x1x80xi32, #tpu.memory_space<vmem>>
      %dma_start3A_845 = tpu.memref_squeeze %dma_start3A_844 : memref<1x1x80xi32, #tpu.memory_space<vmem>> -> memref<80xi32, #tpu.memory_space<vmem>>
      %dma_start3A_846 = arith.constant 0 : i32
      %dma_start3A_847 = arith.constant 0 : i32
      %dma_start3A_848 = tpu.memref_slice %arg13[%dma_start3A_846, %dma_start3A_847] : memref<10000x16xf32, #tpu.memory_space<vmem_shared>> -> memref<10000x16xf32, #tpu.memory_space<vmem_shared>>
      tpu.enqueue_indirect_dma source(%dma_start3A_842 : memref<80x16xf32, #tpu.memory_space<vmem>>) target(%dma_start3A_848 : memref<10000x16xf32, #tpu.memory_space<vmem_shared>>) offsets(%dma_start3A_845 : memref<80xi32, #tpu.memory_space<vmem>>) semaphore(%arg28 : memref<!tpu.dma_semaphore, #tpu.memory_space<semaphore_mem>>) {add = true}
      %dma_wait3A_849 = arith.constant 5 : i32
      %dma_wait3A_850 = arith.constant 0 : i32
      %dma_wait3A_851 = arith.constant 5 : i32
      %dma_wait3A_852 = arith.constant 0 : i32
      %dma_wait3A_853 = arith.constant 0 : i32
      %dma_wait3A_854 = tpu.memref_slice %arg9[%dma_wait3A_851, %dma_wait3A_852, %dma_wait3A_853] : memref<10x80x32xf32, #tpu.memory_space<vmem>> -> memref<1x80x32xf32, #tpu.memory_space<vmem>>
      %dma_wait3A_855 = tpu.memref_squeeze %dma_wait3A_854 : memref<1x80x32xf32, #tpu.memory_space<vmem>> -> memref<80x32xf32, #tpu.memory_space<vmem>>
      %dma_wait3A_856 = arith.constant 0 : i32
      %dma_wait3A_857 = tpu.memref_slice %arg8[%dma_wait3A_849, %dma_wait3A_850, %dma_wait3A_856] : memref<10x3x80xi32, #tpu.memory_space<vmem>> -> memref<1x1x80xi32, #tpu.memory_space<vmem>>
      %dma_wait3A_858 = tpu.memref_squeeze %dma_wait3A_857 : memref<1x1x80xi32, #tpu.memory_space<vmem>> -> memref<80xi32, #tpu.memory_space<vmem>>
      %dma_wait3A_859 = arith.constant 0 : i32
      %dma_wait3A_860 = arith.constant 0 : i32
      %dma_wait3A_861 = tpu.memref_slice %arg2[%dma_wait3A_859, %dma_wait3A_860] : memref<20000x32xf32, #tpu.memory_space<hbm>> -> memref<20000x32xf32, #tpu.memory_space<hbm>>
      tpu.wait_indirect_dma semaphore(%arg19 : memref<!tpu.dma_semaphore, #tpu.memory_space<semaphore_mem>>) src(%dma_wait3A_861 : memref<20000x32xf32, #tpu.memory_space<hbm>>) dst(%dma_wait3A_855 : memref<80x32xf32, #tpu.memory_space<vmem>>)
      %dma_wait3A_862 = arith.constant 5 : i32
      %dma_wait3A_863 = arith.constant 0 : i32
      %dma_wait3A_864 = arith.constant 5 : i32
      %dma_wait3A_865 = arith.constant 0 : i32
      %dma_wait3A_866 = arith.constant 0 : i32
      %dma_wait3A_867 = tpu.memref_slice %arg10[%dma_wait3A_864, %dma_wait3A_865, %dma_wait3A_866] : memref<10x80x16xf32, #tpu.memory_space<vmem>> -> memref<1x80x16xf32, #tpu.memory_space<vmem>>
      %dma_wait3A_868 = tpu.memref_squeeze %dma_wait3A_867 : memref<1x80x16xf32, #tpu.memory_space<vmem>> -> memref<80x16xf32, #tpu.memory_space<vmem>>
      %dma_wait3A_869 = arith.constant 0 : i32
      %dma_wait3A_870 = tpu.memref_slice %arg8[%dma_wait3A_862, %dma_wait3A_863, %dma_wait3A_869] : memref<10x3x80xi32, #tpu.memory_space<vmem>> -> memref<1x1x80xi32, #tpu.memory_space<vmem>>
      %dma_wait3A_871 = tpu.memref_squeeze %dma_wait3A_870 : memref<1x1x80xi32, #tpu.memory_space<vmem>> -> memref<80xi32, #tpu.memory_space<vmem>>
      %dma_wait3A_872 = arith.constant 0 : i32
      %dma_wait3A_873 = arith.constant 0 : i32
      %dma_wait3A_874 = tpu.memref_slice %arg3[%dma_wait3A_872, %dma_wait3A_873] : memref<20000x16xf32, #tpu.memory_space<hbm>> -> memref<20000x16xf32, #tpu.memory_space<hbm>>
      tpu.wait_indirect_dma semaphore(%arg19 : memref<!tpu.dma_semaphore, #tpu.memory_space<semaphore_mem>>) src(%dma_wait3A_874 : memref<20000x16xf32, #tpu.memory_space<hbm>>) dst(%dma_wait3A_868 : memref<80x16xf32, #tpu.memory_space<vmem>>)
      %dma_wait3A_875 = arith.constant 5 : i32
      %dma_wait3A_876 = arith.constant 1 : i32
      %dma_wait3A_877 = arith.constant 5 : i32
      %dma_wait3A_878 = arith.constant 0 : i32
      %dma_wait3A_879 = arith.constant 0 : i32
      %dma_wait3A_880 = tpu.memref_slice %arg11[%dma_wait3A_877, %dma_wait3A_878, %dma_wait3A_879] : memref<10x80x16xf32, #tpu.memory_space<vmem>> -> memref<1x80x16xf32, #tpu.memory_space<vmem>>
      %dma_wait3A_881 = tpu.memref_squeeze %dma_wait3A_880 : memref<1x80x16xf32, #tpu.memory_space<vmem>> -> memref<80x16xf32, #tpu.memory_space<vmem>>
      %dma_wait3A_882 = arith.constant 0 : i32
      %dma_wait3A_883 = tpu.memref_slice %arg8[%dma_wait3A_875, %dma_wait3A_876, %dma_wait3A_882] : memref<10x3x80xi32, #tpu.memory_space<vmem>> -> memref<1x1x80xi32, #tpu.memory_space<vmem>>
      %dma_wait3A_884 = tpu.memref_squeeze %dma_wait3A_883 : memref<1x1x80xi32, #tpu.memory_space<vmem>> -> memref<80xi32, #tpu.memory_space<vmem>>
      %dma_wait3A_885 = arith.constant 0 : i32
      %dma_wait3A_886 = arith.constant 0 : i32
      %dma_wait3A_887 = tpu.memref_slice %arg4[%dma_wait3A_885, %dma_wait3A_886] : memref<20000x16xf32, #tpu.memory_space<hbm>> -> memref<20000x16xf32, #tpu.memory_space<hbm>>
      tpu.wait_indirect_dma semaphore(%arg19 : memref<!tpu.dma_semaphore, #tpu.memory_space<semaphore_mem>>) src(%dma_wait3A_887 : memref<20000x16xf32, #tpu.memory_space<hbm>>) dst(%dma_wait3A_881 : memref<80x16xf32, #tpu.memory_space<vmem>>)
      %scan3A_888 = arith.constant 0 : i32
      %scan3A_889 = arith.constant 0 : i32
      %scan3A_890 = arith.constant 80 : i32
      %scan3A_891 = arith.addi %scan3A_889, %scan3A_890 : i32
      %scan3A_892 = arith.constant 1 : i32
      %scan3A_893 = scf.for %scan3A_1470 = %scan3A_889 to %scan3A_891 step %scan3A_892 iter_args(%scan3A_1471 = %scan3A_888) -> (i32)  : i32 {
        %get3A = arith.constant 5 : i32
        %get3A_1472 = arith.index_cast %get3A : i32 to index
        %get3A_1473 = arith.index_cast %scan3A_1470 : i32 to index
        %get3A_1474 = arith.constant 0 : index
        %get3A_1475 = tpu.vector_load %arg10[%get3A_1472, %get3A_1473, %get3A_1474] {strides = array<i32>} : memref<10x80x16xf32, #tpu.memory_space<vmem>>, vector<1x1x16xf32>,
        %get3A_1476 = vector.shape_cast %get3A_1475 : vector<1x1x16xf32> to vector<16xf32>
        %get3A_1477 = arith.constant 5 : i32
        %get3A_1478 = arith.index_cast %get3A_1477 : i32 to index
        %get3A_1479 = arith.index_cast %scan3A_1470 : i32 to index
        %get3A_1480 = arith.constant 0 : index
        %get3A_1481 = tpu.vector_load %arg11[%get3A_1478, %get3A_1479, %get3A_1480] {strides = array<i32>} : memref<10x80x16xf32, #tpu.memory_space<vmem>>, vector<1x1x16xf32>,
        %get3A_1482 = vector.shape_cast %get3A_1481 : vector<1x1x16xf32> to vector<16xf32>
        %add3A_1483 = arith.addf %get3A_1476, %get3A_1482 : vector<16xf32>
        %mul3A_1484 = arith.constant 2.000000e-01 : f32
        %mul3A_1485 = vector.broadcast %mul3A_1484 : f32 to vector<16xf32>
        %mul3A_1486 = arith.mulf %mul3A_1485, %add3A_1483 : vector<16xf32>
        %max3A = arith.maximumf %add3A_1483, %mul3A_1486 : vector<16xf32>
        %exp3A = math.exp %max3A : vector<16xf32>
        %swap3A = arith.constant 5 : i32
        %swap3A_1487 = arith.index_cast %swap3A : i32 to index
        %swap3A_1488 = arith.index_cast %scan3A_1470 : i32 to index
        %swap3A_1489 = arith.constant 0 : index
        %swap3A_1490 = tpu.vector_load %arg10[%swap3A_1487, %swap3A_1488, %swap3A_1489] {strides = array<i32>} : memref<10x80x16xf32, #tpu.memory_space<vmem>>, vector<1x1x16xf32>,
        %swap3A_1491 = vector.shape_cast %swap3A_1490 : vector<1x1x16xf32> to vector<16xf32>
        %swap3A_1492 = vector.shape_cast %exp3A : vector<16xf32> to vector<1x1x16xf32>
        tpu.vector_store %arg10[%swap3A_1487, %swap3A_1488, %swap3A_1489], %swap3A_1492 {strides = array<i32>} : memref<10x80x16xf32, #tpu.memory_space<vmem>>, vector<1x1x16xf32>,
        %broadcast_in_dim3A_1493 = arith.constant 0 : i32
        %broadcast_in_dim3A_1494 = vector.broadcast %broadcast_in_dim3A_1493 : i32 to vector<16xi32>
        %lt3A_1495 = arith.constant 0 : i32
        %lt3A_1496 = vector.broadcast %lt3A_1495 : i32 to vector<16xi32>
        %lt3A_1497 = arith.cmpi slt, %broadcast_in_dim3A_1494, %lt3A_1496 : vector<16xi32>
        %add3A_1498 = arith.constant 16 : i32
        %add3A_1499 = vector.broadcast %add3A_1498 : i32 to vector<16xi32>
        %add3A_1500 = arith.addi %broadcast_in_dim3A_1494, %add3A_1499 : vector<16xi32>
        %select_n3A_1501 = arith.select %lt3A_1497, %add3A_1500, %broadcast_in_dim3A_1494 : vector<16xi1>, vector<16xi32>
        %broadcast_in_dim3A_1502 = vector.shape_cast %select_n3A_1501 : vector<16xi32> to vector<16x1xi32>
        %gather3A = vector.shape_cast %broadcast_in_dim3A_1502 : vector<16x1xi32> to vector<16xi32>
        %gather3A_1503 = tpu.dynamic_gather %exp3A[%gather3A] in [0] : vector<16xf32>, vector<16xi32> -> vector<16xf32>
        %get3A_1504 = arith.constant 5 : i32
        %get3A_1505 = arith.index_cast %get3A_1504 : i32 to index
        %get3A_1506 = arith.index_cast %scan3A_1470 : i32 to index
        %get3A_1507 = arith.constant 0 : index
        %get3A_1508 = tpu.vector_load %arg9[%get3A_1505, %get3A_1506, %get3A_1507] {strides = array<i32>} : memref<10x80x32xf32, #tpu.memory_space<vmem>>, vector<1x1x16xf32>,
        %get3A_1509 = vector.shape_cast %get3A_1508 : vector<1x1x16xf32> to vector<16xf32>
        %mul3A_1510 = arith.mulf %get3A_1509, %gather3A_1503 : vector<16xf32>
        %swap3A_1511 = arith.constant 5 : i32
        %swap3A_1512 = arith.index_cast %swap3A_1511 : i32 to index
        %swap3A_1513 = arith.index_cast %scan3A_1470 : i32 to index
        %swap3A_1514 = arith.constant 0 : index
        %swap3A_1515 = tpu.vector_load %arg9[%swap3A_1512, %swap3A_1513, %swap3A_1514] {strides = array<i32>} : memref<10x80x32xf32, #tpu.memory_space<vmem>>, vector<1x1x16xf32>,
        %swap3A_1516 = vector.shape_cast %swap3A_1515 : vector<1x1x16xf32> to vector<16xf32>
        %swap3A_1517 = vector.shape_cast %mul3A_1510 : vector<16xf32> to vector<1x1x16xf32>
        tpu.vector_store %arg9[%swap3A_1512, %swap3A_1513, %swap3A_1514], %swap3A_1517 {strides = array<i32>} : memref<10x80x32xf32, #tpu.memory_space<vmem>>, vector<1x1x16xf32>,
        %get3A_1518 = arith.constant 5 : i32
        %get3A_1519 = arith.index_cast %get3A_1518 : i32 to index
        %get3A_1520 = arith.index_cast %scan3A_1470 : i32 to index
        %get3A_1521 = arith.constant 16 : index
        %get3A_1522 = tpu.vector_load %arg9[%get3A_1519, %get3A_1520, %get3A_1521] {strides = array<i32>} : memref<10x80x32xf32, #tpu.memory_space<vmem>>, vector<1x1x16xf32>,
        %get3A_1523 = vector.shape_cast %get3A_1522 : vector<1x1x16xf32> to vector<16xf32>
        %mul3A_1524 = arith.mulf %get3A_1523, %gather3A_1503 : vector<16xf32>
        %swap3A_1525 = arith.constant 5 : i32
        %swap3A_1526 = arith.index_cast %swap3A_1525 : i32 to index
        %swap3A_1527 = arith.index_cast %scan3A_1470 : i32 to index
        %swap3A_1528 = arith.constant 16 : index
        %swap3A_1529 = tpu.vector_load %arg9[%swap3A_1526, %swap3A_1527, %swap3A_1528] {strides = array<i32>} : memref<10x80x32xf32, #tpu.memory_space<vmem>>, vector<1x1x16xf32>,
        %swap3A_1530 = vector.shape_cast %swap3A_1529 : vector<1x1x16xf32> to vector<16xf32>
        %swap3A_1531 = vector.shape_cast %mul3A_1524 : vector<16xf32> to vector<1x1x16xf32>
        tpu.vector_store %arg9[%swap3A_1526, %swap3A_1527, %swap3A_1528], %swap3A_1531 {strides = array<i32>} : memref<10x80x32xf32, #tpu.memory_space<vmem>>, vector<1x1x16xf32>,
        %scan3A_1532 = arith.constant 0 : i32
        scf.yield %scan3A_1532 : i32
      }
      %scan3A_894 = arith.constant 80 : i32
      %dma_start3A_895 = arith.constant 5 : i32
      %dma_start3A_896 = arith.constant 5 : i32
      %dma_start3A_897 = arith.constant 2 : i32
      %dma_start3A_898 = arith.constant 0 : i32
      %dma_start3A_899 = arith.constant 0 : i32
      %dma_start3A_900 = tpu.memref_slice %arg9[%dma_start3A_895, %dma_start3A_898, %dma_start3A_899] : memref<10x80x32xf32, #tpu.memory_space<vmem>> -> memref<1x80x32xf32, #tpu.memory_space<vmem>>
      %dma_start3A_901 = tpu.memref_squeeze %dma_start3A_900 : memref<1x80x32xf32, #tpu.memory_space<vmem>> -> memref<80x32xf32, #tpu.memory_space<vmem>>
      %dma_start3A_902 = arith.constant 0 : i32
      %dma_start3A_903 = tpu.memref_slice %arg8[%dma_start3A_896, %dma_start3A_897, %dma_start3A_902] : memref<10x3x80xi32, #tpu.memory_space<vmem>> -> memref<1x1x80xi32, #tpu.memory_space<vmem>>
      %dma_start3A_904 = tpu.memref_squeeze %dma_start3A_903 : memref<1x1x80xi32, #tpu.memory_space<vmem>> -> memref<80xi32, #tpu.memory_space<vmem>>
      %dma_start3A_905 = arith.constant 0 : i32
      %dma_start3A_906 = arith.constant 0 : i32
      %dma_start3A_907 = tpu.memref_slice %arg12[%dma_start3A_905, %dma_start3A_906] : memref<10000x32xf32, #tpu.memory_space<vmem_shared>> -> memref<10000x32xf32, #tpu.memory_space<vmem_shared>>
      tpu.enqueue_indirect_dma source(%dma_start3A_901 : memref<80x32xf32, #tpu.memory_space<vmem>>) target(%dma_start3A_907 : memref<10000x32xf32, #tpu.memory_space<vmem_shared>>) offsets(%dma_start3A_904 : memref<80xi32, #tpu.memory_space<vmem>>) semaphore(%arg29 : memref<!tpu.dma_semaphore, #tpu.memory_space<semaphore_mem>>) {add = true}
      %dma_start3A_908 = arith.constant 5 : i32
      %dma_start3A_909 = arith.constant 5 : i32
      %dma_start3A_910 = arith.constant 2 : i32
      %dma_start3A_911 = arith.constant 0 : i32
      %dma_start3A_912 = arith.constant 0 : i32
      %dma_start3A_913 = tpu.memref_slice %arg10[%dma_start3A_908, %dma_start3A_911, %dma_start3A_912] : memref<10x80x16xf32, #tpu.memory_space<vmem>> -> memref<1x80x16xf32, #tpu.memory_space<vmem>>
      %dma_start3A_914 = tpu.memref_squeeze %dma_start3A_913 : memref<1x80x16xf32, #tpu.memory_space<vmem>> -> memref<80x16xf32, #tpu.memory_space<vmem>>
      %dma_start3A_915 = arith.constant 0 : i32
      %dma_start3A_916 = tpu.memref_slice %arg8[%dma_start3A_909, %dma_start3A_910, %dma_start3A_915] : memref<10x3x80xi32, #tpu.memory_space<vmem>> -> memref<1x1x80xi32, #tpu.memory_space<vmem>>
      %dma_start3A_917 = tpu.memref_squeeze %dma_start3A_916 : memref<1x1x80xi32, #tpu.memory_space<vmem>> -> memref<80xi32, #tpu.memory_space<vmem>>
      %dma_start3A_918 = arith.constant 0 : i32
      %dma_start3A_919 = arith.constant 0 : i32
      %dma_start3A_920 = tpu.memref_slice %arg13[%dma_start3A_918, %dma_start3A_919] : memref<10000x16xf32, #tpu.memory_space<vmem_shared>> -> memref<10000x16xf32, #tpu.memory_space<vmem_shared>>
      tpu.enqueue_indirect_dma source(%dma_start3A_914 : memref<80x16xf32, #tpu.memory_space<vmem>>) target(%dma_start3A_920 : memref<10000x16xf32, #tpu.memory_space<vmem_shared>>) offsets(%dma_start3A_917 : memref<80xi32, #tpu.memory_space<vmem>>) semaphore(%arg29 : memref<!tpu.dma_semaphore, #tpu.memory_space<semaphore_mem>>) {add = true}
      %dma_wait3A_921 = arith.constant 6 : i32
      %dma_wait3A_922 = arith.constant 0 : i32
      %dma_wait3A_923 = arith.constant 6 : i32
      %dma_wait3A_924 = arith.constant 0 : i32
      %dma_wait3A_925 = arith.constant 0 : i32
      %dma_wait3A_926 = tpu.memref_slice %arg9[%dma_wait3A_923, %dma_wait3A_924, %dma_wait3A_925] : memref<10x80x32xf32, #tpu.memory_space<vmem>> -> memref<1x80x32xf32, #tpu.memory_space<vmem>>
      %dma_wait3A_927 = tpu.memref_squeeze %dma_wait3A_926 : memref<1x80x32xf32, #tpu.memory_space<vmem>> -> memref<80x32xf32, #tpu.memory_space<vmem>>
      %dma_wait3A_928 = arith.constant 0 : i32
      %dma_wait3A_929 = tpu.memref_slice %arg8[%dma_wait3A_921, %dma_wait3A_922, %dma_wait3A_928] : memref<10x3x80xi32, #tpu.memory_space<vmem>> -> memref<1x1x80xi32, #tpu.memory_space<vmem>>
      %dma_wait3A_930 = tpu.memref_squeeze %dma_wait3A_929 : memref<1x1x80xi32, #tpu.memory_space<vmem>> -> memref<80xi32, #tpu.memory_space<vmem>>
      %dma_wait3A_931 = arith.constant 0 : i32
      %dma_wait3A_932 = arith.constant 0 : i32
      %dma_wait3A_933 = tpu.memref_slice %arg2[%dma_wait3A_931, %dma_wait3A_932] : memref<20000x32xf32, #tpu.memory_space<hbm>> -> memref<20000x32xf32, #tpu.memory_space<hbm>>
      tpu.wait_indirect_dma semaphore(%arg20 : memref<!tpu.dma_semaphore, #tpu.memory_space<semaphore_mem>>) src(%dma_wait3A_933 : memref<20000x32xf32, #tpu.memory_space<hbm>>) dst(%dma_wait3A_927 : memref<80x32xf32, #tpu.memory_space<vmem>>)
      %dma_wait3A_934 = arith.constant 6 : i32
      %dma_wait3A_935 = arith.constant 0 : i32
      %dma_wait3A_936 = arith.constant 6 : i32
      %dma_wait3A_937 = arith.constant 0 : i32
      %dma_wait3A_938 = arith.constant 0 : i32
      %dma_wait3A_939 = tpu.memref_slice %arg10[%dma_wait3A_936, %dma_wait3A_937, %dma_wait3A_938] : memref<10x80x16xf32, #tpu.memory_space<vmem>> -> memref<1x80x16xf32, #tpu.memory_space<vmem>>
      %dma_wait3A_940 = tpu.memref_squeeze %dma_wait3A_939 : memref<1x80x16xf32, #tpu.memory_space<vmem>> -> memref<80x16xf32, #tpu.memory_space<vmem>>
      %dma_wait3A_941 = arith.constant 0 : i32
      %dma_wait3A_942 = tpu.memref_slice %arg8[%dma_wait3A_934, %dma_wait3A_935, %dma_wait3A_941] : memref<10x3x80xi32, #tpu.memory_space<vmem>> -> memref<1x1x80xi32, #tpu.memory_space<vmem>>
      %dma_wait3A_943 = tpu.memref_squeeze %dma_wait3A_942 : memref<1x1x80xi32, #tpu.memory_space<vmem>> -> memref<80xi32, #tpu.memory_space<vmem>>
      %dma_wait3A_944 = arith.constant 0 : i32
      %dma_wait3A_945 = arith.constant 0 : i32
      %dma_wait3A_946 = tpu.memref_slice %arg3[%dma_wait3A_944, %dma_wait3A_945] : memref<20000x16xf32, #tpu.memory_space<hbm>> -> memref<20000x16xf32, #tpu.memory_space<hbm>>
      tpu.wait_indirect_dma semaphore(%arg20 : memref<!tpu.dma_semaphore, #tpu.memory_space<semaphore_mem>>) src(%dma_wait3A_946 : memref<20000x16xf32, #tpu.memory_space<hbm>>) dst(%dma_wait3A_940 : memref<80x16xf32, #tpu.memory_space<vmem>>)
      %dma_wait3A_947 = arith.constant 6 : i32
      %dma_wait3A_948 = arith.constant 1 : i32
      %dma_wait3A_949 = arith.constant 6 : i32
      %dma_wait3A_950 = arith.constant 0 : i32
      %dma_wait3A_951 = arith.constant 0 : i32
      %dma_wait3A_952 = tpu.memref_slice %arg11[%dma_wait3A_949, %dma_wait3A_950, %dma_wait3A_951] : memref<10x80x16xf32, #tpu.memory_space<vmem>> -> memref<1x80x16xf32, #tpu.memory_space<vmem>>
      %dma_wait3A_953 = tpu.memref_squeeze %dma_wait3A_952 : memref<1x80x16xf32, #tpu.memory_space<vmem>> -> memref<80x16xf32, #tpu.memory_space<vmem>>
      %dma_wait3A_954 = arith.constant 0 : i32
      %dma_wait3A_955 = tpu.memref_slice %arg8[%dma_wait3A_947, %dma_wait3A_948, %dma_wait3A_954] : memref<10x3x80xi32, #tpu.memory_space<vmem>> -> memref<1x1x80xi32, #tpu.memory_space<vmem>>
      %dma_wait3A_956 = tpu.memref_squeeze %dma_wait3A_955 : memref<1x1x80xi32, #tpu.memory_space<vmem>> -> memref<80xi32, #tpu.memory_space<vmem>>
      %dma_wait3A_957 = arith.constant 0 : i32
      %dma_wait3A_958 = arith.constant 0 : i32
      %dma_wait3A_959 = tpu.memref_slice %arg4[%dma_wait3A_957, %dma_wait3A_958] : memref<20000x16xf32, #tpu.memory_space<hbm>> -> memref<20000x16xf32, #tpu.memory_space<hbm>>
      tpu.wait_indirect_dma semaphore(%arg20 : memref<!tpu.dma_semaphore, #tpu.memory_space<semaphore_mem>>) src(%dma_wait3A_959 : memref<20000x16xf32, #tpu.memory_space<hbm>>) dst(%dma_wait3A_953 : memref<80x16xf32, #tpu.memory_space<vmem>>)
      %scan3A_960 = arith.constant 0 : i32
      %scan3A_961 = arith.constant 0 : i32
      %scan3A_962 = arith.constant 80 : i32
      %scan3A_963 = arith.addi %scan3A_961, %scan3A_962 : i32
      %scan3A_964 = arith.constant 1 : i32
      %scan3A_965 = scf.for %scan3A_1470 = %scan3A_961 to %scan3A_963 step %scan3A_964 iter_args(%scan3A_1471 = %scan3A_960) -> (i32)  : i32 {
        %get3A = arith.constant 6 : i32
        %get3A_1472 = arith.index_cast %get3A : i32 to index
        %get3A_1473 = arith.index_cast %scan3A_1470 : i32 to index
        %get3A_1474 = arith.constant 0 : index
        %get3A_1475 = tpu.vector_load %arg10[%get3A_1472, %get3A_1473, %get3A_1474] {strides = array<i32>} : memref<10x80x16xf32, #tpu.memory_space<vmem>>, vector<1x1x16xf32>,
        %get3A_1476 = vector.shape_cast %get3A_1475 : vector<1x1x16xf32> to vector<16xf32>
        %get3A_1477 = arith.constant 6 : i32
        %get3A_1478 = arith.index_cast %get3A_1477 : i32 to index
        %get3A_1479 = arith.index_cast %scan3A_1470 : i32 to index
        %get3A_1480 = arith.constant 0 : index
        %get3A_1481 = tpu.vector_load %arg11[%get3A_1478, %get3A_1479, %get3A_1480] {strides = array<i32>} : memref<10x80x16xf32, #tpu.memory_space<vmem>>, vector<1x1x16xf32>,
        %get3A_1482 = vector.shape_cast %get3A_1481 : vector<1x1x16xf32> to vector<16xf32>
        %add3A_1483 = arith.addf %get3A_1476, %get3A_1482 : vector<16xf32>
        %mul3A_1484 = arith.constant 2.000000e-01 : f32
        %mul3A_1485 = vector.broadcast %mul3A_1484 : f32 to vector<16xf32>
        %mul3A_1486 = arith.mulf %mul3A_1485, %add3A_1483 : vector<16xf32>
        %max3A = arith.maximumf %add3A_1483, %mul3A_1486 : vector<16xf32>
        %exp3A = math.exp %max3A : vector<16xf32>
        %swap3A = arith.constant 6 : i32
        %swap3A_1487 = arith.index_cast %swap3A : i32 to index
        %swap3A_1488 = arith.index_cast %scan3A_1470 : i32 to index
        %swap3A_1489 = arith.constant 0 : index
        %swap3A_1490 = tpu.vector_load %arg10[%swap3A_1487, %swap3A_1488, %swap3A_1489] {strides = array<i32>} : memref<10x80x16xf32, #tpu.memory_space<vmem>>, vector<1x1x16xf32>,
        %swap3A_1491 = vector.shape_cast %swap3A_1490 : vector<1x1x16xf32> to vector<16xf32>
        %swap3A_1492 = vector.shape_cast %exp3A : vector<16xf32> to vector<1x1x16xf32>
        tpu.vector_store %arg10[%swap3A_1487, %swap3A_1488, %swap3A_1489], %swap3A_1492 {strides = array<i32>} : memref<10x80x16xf32, #tpu.memory_space<vmem>>, vector<1x1x16xf32>,
        %broadcast_in_dim3A_1493 = arith.constant 0 : i32
        %broadcast_in_dim3A_1494 = vector.broadcast %broadcast_in_dim3A_1493 : i32 to vector<16xi32>
        %lt3A_1495 = arith.constant 0 : i32
        %lt3A_1496 = vector.broadcast %lt3A_1495 : i32 to vector<16xi32>
        %lt3A_1497 = arith.cmpi slt, %broadcast_in_dim3A_1494, %lt3A_1496 : vector<16xi32>
        %add3A_1498 = arith.constant 16 : i32
        %add3A_1499 = vector.broadcast %add3A_1498 : i32 to vector<16xi32>
        %add3A_1500 = arith.addi %broadcast_in_dim3A_1494, %add3A_1499 : vector<16xi32>
        %select_n3A_1501 = arith.select %lt3A_1497, %add3A_1500, %broadcast_in_dim3A_1494 : vector<16xi1>, vector<16xi32>
        %broadcast_in_dim3A_1502 = vector.shape_cast %select_n3A_1501 : vector<16xi32> to vector<16x1xi32>
        %gather3A = vector.shape_cast %broadcast_in_dim3A_1502 : vector<16x1xi32> to vector<16xi32>
        %gather3A_1503 = tpu.dynamic_gather %exp3A[%gather3A] in [0] : vector<16xf32>, vector<16xi32> -> vector<16xf32>
        %get3A_1504 = arith.constant 6 : i32
        %get3A_1505 = arith.index_cast %get3A_1504 : i32 to index
        %get3A_1506 = arith.index_cast %scan3A_1470 : i32 to index
        %get3A_1507 = arith.constant 0 : index
        %get3A_1508 = tpu.vector_load %arg9[%get3A_1505, %get3A_1506, %get3A_1507] {strides = array<i32>} : memref<10x80x32xf32, #tpu.memory_space<vmem>>, vector<1x1x16xf32>,
        %get3A_1509 = vector.shape_cast %get3A_1508 : vector<1x1x16xf32> to vector<16xf32>
        %mul3A_1510 = arith.mulf %get3A_1509, %gather3A_1503 : vector<16xf32>
        %swap3A_1511 = arith.constant 6 : i32
        %swap3A_1512 = arith.index_cast %swap3A_1511 : i32 to index
        %swap3A_1513 = arith.index_cast %scan3A_1470 : i32 to index
        %swap3A_1514 = arith.constant 0 : index
        %swap3A_1515 = tpu.vector_load %arg9[%swap3A_1512, %swap3A_1513, %swap3A_1514] {strides = array<i32>} : memref<10x80x32xf32, #tpu.memory_space<vmem>>, vector<1x1x16xf32>,
        %swap3A_1516 = vector.shape_cast %swap3A_1515 : vector<1x1x16xf32> to vector<16xf32>
        %swap3A_1517 = vector.shape_cast %mul3A_1510 : vector<16xf32> to vector<1x1x16xf32>
        tpu.vector_store %arg9[%swap3A_1512, %swap3A_1513, %swap3A_1514], %swap3A_1517 {strides = array<i32>} : memref<10x80x32xf32, #tpu.memory_space<vmem>>, vector<1x1x16xf32>,
        %get3A_1518 = arith.constant 6 : i32
        %get3A_1519 = arith.index_cast %get3A_1518 : i32 to index
        %get3A_1520 = arith.index_cast %scan3A_1470 : i32 to index
        %get3A_1521 = arith.constant 16 : index
        %get3A_1522 = tpu.vector_load %arg9[%get3A_1519, %get3A_1520, %get3A_1521] {strides = array<i32>} : memref<10x80x32xf32, #tpu.memory_space<vmem>>, vector<1x1x16xf32>,
        %get3A_1523 = vector.shape_cast %get3A_1522 : vector<1x1x16xf32> to vector<16xf32>
        %mul3A_1524 = arith.mulf %get3A_1523, %gather3A_1503 : vector<16xf32>
        %swap3A_1525 = arith.constant 6 : i32
        %swap3A_1526 = arith.index_cast %swap3A_1525 : i32 to index
        %swap3A_1527 = arith.index_cast %scan3A_1470 : i32 to index
        %swap3A_1528 = arith.constant 16 : index
        %swap3A_1529 = tpu.vector_load %arg9[%swap3A_1526, %swap3A_1527, %swap3A_1528] {strides = array<i32>} : memref<10x80x32xf32, #tpu.memory_space<vmem>>, vector<1x1x16xf32>,
        %swap3A_1530 = vector.shape_cast %swap3A_1529 : vector<1x1x16xf32> to vector<16xf32>
        %swap3A_1531 = vector.shape_cast %mul3A_1524 : vector<16xf32> to vector<1x1x16xf32>
        tpu.vector_store %arg9[%swap3A_1526, %swap3A_1527, %swap3A_1528], %swap3A_1531 {strides = array<i32>} : memref<10x80x32xf32, #tpu.memory_space<vmem>>, vector<1x1x16xf32>,
        %scan3A_1532 = arith.constant 0 : i32
        scf.yield %scan3A_1532 : i32
      }
      %scan3A_966 = arith.constant 80 : i32
      %dma_start3A_967 = arith.constant 6 : i32
      %dma_start3A_968 = arith.constant 6 : i32
      %dma_start3A_969 = arith.constant 2 : i32
      %dma_start3A_970 = arith.constant 0 : i32
      %dma_start3A_971 = arith.constant 0 : i32
      %dma_start3A_972 = tpu.memref_slice %arg9[%dma_start3A_967, %dma_start3A_970, %dma_start3A_971] : memref<10x80x32xf32, #tpu.memory_space<vmem>> -> memref<1x80x32xf32, #tpu.memory_space<vmem>>
      %dma_start3A_973 = tpu.memref_squeeze %dma_start3A_972 : memref<1x80x32xf32, #tpu.memory_space<vmem>> -> memref<80x32xf32, #tpu.memory_space<vmem>>
      %dma_start3A_974 = arith.constant 0 : i32
      %dma_start3A_975 = tpu.memref_slice %arg8[%dma_start3A_968, %dma_start3A_969, %dma_start3A_974] : memref<10x3x80xi32, #tpu.memory_space<vmem>> -> memref<1x1x80xi32, #tpu.memory_space<vmem>>
      %dma_start3A_976 = tpu.memref_squeeze %dma_start3A_975 : memref<1x1x80xi32, #tpu.memory_space<vmem>> -> memref<80xi32, #tpu.memory_space<vmem>>
      %dma_start3A_977 = arith.constant 0 : i32
      %dma_start3A_978 = arith.constant 0 : i32
      %dma_start3A_979 = tpu.memref_slice %arg12[%dma_start3A_977, %dma_start3A_978] : memref<10000x32xf32, #tpu.memory_space<vmem_shared>> -> memref<10000x32xf32, #tpu.memory_space<vmem_shared>>
      tpu.enqueue_indirect_dma source(%dma_start3A_973 : memref<80x32xf32, #tpu.memory_space<vmem>>) target(%dma_start3A_979 : memref<10000x32xf32, #tpu.memory_space<vmem_shared>>) offsets(%dma_start3A_976 : memref<80xi32, #tpu.memory_space<vmem>>) semaphore(%arg30 : memref<!tpu.dma_semaphore, #tpu.memory_space<semaphore_mem>>) {add = true}
      %dma_start3A_980 = arith.constant 6 : i32
      %dma_start3A_981 = arith.constant 6 : i32
      %dma_start3A_982 = arith.constant 2 : i32
      %dma_start3A_983 = arith.constant 0 : i32
      %dma_start3A_984 = arith.constant 0 : i32
      %dma_start3A_985 = tpu.memref_slice %arg10[%dma_start3A_980, %dma_start3A_983, %dma_start3A_984] : memref<10x80x16xf32, #tpu.memory_space<vmem>> -> memref<1x80x16xf32, #tpu.memory_space<vmem>>
      %dma_start3A_986 = tpu.memref_squeeze %dma_start3A_985 : memref<1x80x16xf32, #tpu.memory_space<vmem>> -> memref<80x16xf32, #tpu.memory_space<vmem>>
      %dma_start3A_987 = arith.constant 0 : i32
      %dma_start3A_988 = tpu.memref_slice %arg8[%dma_start3A_981, %dma_start3A_982, %dma_start3A_987] : memref<10x3x80xi32, #tpu.memory_space<vmem>> -> memref<1x1x80xi32, #tpu.memory_space<vmem>>
      %dma_start3A_989 = tpu.memref_squeeze %dma_start3A_988 : memref<1x1x80xi32, #tpu.memory_space<vmem>> -> memref<80xi32, #tpu.memory_space<vmem>>
      %dma_start3A_990 = arith.constant 0 : i32
      %dma_start3A_991 = arith.constant 0 : i32
      %dma_start3A_992 = tpu.memref_slice %arg13[%dma_start3A_990, %dma_start3A_991] : memref<10000x16xf32, #tpu.memory_space<vmem_shared>> -> memref<10000x16xf32, #tpu.memory_space<vmem_shared>>
      tpu.enqueue_indirect_dma source(%dma_start3A_986 : memref<80x16xf32, #tpu.memory_space<vmem>>) target(%dma_start3A_992 : memref<10000x16xf32, #tpu.memory_space<vmem_shared>>) offsets(%dma_start3A_989 : memref<80xi32, #tpu.memory_space<vmem>>) semaphore(%arg30 : memref<!tpu.dma_semaphore, #tpu.memory_space<semaphore_mem>>) {add = true}
      %dma_wait3A_993 = arith.constant 7 : i32
      %dma_wait3A_994 = arith.constant 0 : i32
      %dma_wait3A_995 = arith.constant 7 : i32
      %dma_wait3A_996 = arith.constant 0 : i32
      %dma_wait3A_997 = arith.constant 0 : i32
      %dma_wait3A_998 = tpu.memref_slice %arg9[%dma_wait3A_995, %dma_wait3A_996, %dma_wait3A_997] : memref<10x80x32xf32, #tpu.memory_space<vmem>> -> memref<1x80x32xf32, #tpu.memory_space<vmem>>
      %dma_wait3A_999 = tpu.memref_squeeze %dma_wait3A_998 : memref<1x80x32xf32, #tpu.memory_space<vmem>> -> memref<80x32xf32, #tpu.memory_space<vmem>>
      %dma_wait3A_1000 = arith.constant 0 : i32
      %dma_wait3A_1001 = tpu.memref_slice %arg8[%dma_wait3A_993, %dma_wait3A_994, %dma_wait3A_1000] : memref<10x3x80xi32, #tpu.memory_space<vmem>> -> memref<1x1x80xi32, #tpu.memory_space<vmem>>
      %dma_wait3A_1002 = tpu.memref_squeeze %dma_wait3A_1001 : memref<1x1x80xi32, #tpu.memory_space<vmem>> -> memref<80xi32, #tpu.memory_space<vmem>>
      %dma_wait3A_1003 = arith.constant 0 : i32
      %dma_wait3A_1004 = arith.constant 0 : i32
      %dma_wait3A_1005 = tpu.memref_slice %arg2[%dma_wait3A_1003, %dma_wait3A_1004] : memref<20000x32xf32, #tpu.memory_space<hbm>> -> memref<20000x32xf32, #tpu.memory_space<hbm>>
      tpu.wait_indirect_dma semaphore(%arg21 : memref<!tpu.dma_semaphore, #tpu.memory_space<semaphore_mem>>) src(%dma_wait3A_1005 : memref<20000x32xf32, #tpu.memory_space<hbm>>) dst(%dma_wait3A_999 : memref<80x32xf32, #tpu.memory_space<vmem>>)
      %dma_wait3A_1006 = arith.constant 7 : i32
      %dma_wait3A_1007 = arith.constant 0 : i32
      %dma_wait3A_1008 = arith.constant 7 : i32
      %dma_wait3A_1009 = arith.constant 0 : i32
      %dma_wait3A_1010 = arith.constant 0 : i32
      %dma_wait3A_1011 = tpu.memref_slice %arg10[%dma_wait3A_1008, %dma_wait3A_1009, %dma_wait3A_1010] : memref<10x80x16xf32, #tpu.memory_space<vmem>> -> memref<1x80x16xf32, #tpu.memory_space<vmem>>
      %dma_wait3A_1012 = tpu.memref_squeeze %dma_wait3A_1011 : memref<1x80x16xf32, #tpu.memory_space<vmem>> -> memref<80x16xf32, #tpu.memory_space<vmem>>
      %dma_wait3A_1013 = arith.constant 0 : i32
      %dma_wait3A_1014 = tpu.memref_slice %arg8[%dma_wait3A_1006, %dma_wait3A_1007, %dma_wait3A_1013] : memref<10x3x80xi32, #tpu.memory_space<vmem>> -> memref<1x1x80xi32, #tpu.memory_space<vmem>>
      %dma_wait3A_1015 = tpu.memref_squeeze %dma_wait3A_1014 : memref<1x1x80xi32, #tpu.memory_space<vmem>> -> memref<80xi32, #tpu.memory_space<vmem>>
      %dma_wait3A_1016 = arith.constant 0 : i32
      %dma_wait3A_1017 = arith.constant 0 : i32
      %dma_wait3A_1018 = tpu.memref_slice %arg3[%dma_wait3A_1016, %dma_wait3A_1017] : memref<20000x16xf32, #tpu.memory_space<hbm>> -> memref<20000x16xf32, #tpu.memory_space<hbm>>
      tpu.wait_indirect_dma semaphore(%arg21 : memref<!tpu.dma_semaphore, #tpu.memory_space<semaphore_mem>>) src(%dma_wait3A_1018 : memref<20000x16xf32, #tpu.memory_space<hbm>>) dst(%dma_wait3A_1012 : memref<80x16xf32, #tpu.memory_space<vmem>>)
      %dma_wait3A_1019 = arith.constant 7 : i32
      %dma_wait3A_1020 = arith.constant 1 : i32
      %dma_wait3A_1021 = arith.constant 7 : i32
      %dma_wait3A_1022 = arith.constant 0 : i32
      %dma_wait3A_1023 = arith.constant 0 : i32
      %dma_wait3A_1024 = tpu.memref_slice %arg11[%dma_wait3A_1021, %dma_wait3A_1022, %dma_wait3A_1023] : memref<10x80x16xf32, #tpu.memory_space<vmem>> -> memref<1x80x16xf32, #tpu.memory_space<vmem>>
      %dma_wait3A_1025 = tpu.memref_squeeze %dma_wait3A_1024 : memref<1x80x16xf32, #tpu.memory_space<vmem>> -> memref<80x16xf32, #tpu.memory_space<vmem>>
      %dma_wait3A_1026 = arith.constant 0 : i32
      %dma_wait3A_1027 = tpu.memref_slice %arg8[%dma_wait3A_1019, %dma_wait3A_1020, %dma_wait3A_1026] : memref<10x3x80xi32, #tpu.memory_space<vmem>> -> memref<1x1x80xi32, #tpu.memory_space<vmem>>
      %dma_wait3A_1028 = tpu.memref_squeeze %dma_wait3A_1027 : memref<1x1x80xi32, #tpu.memory_space<vmem>> -> memref<80xi32, #tpu.memory_space<vmem>>
      %dma_wait3A_1029 = arith.constant 0 : i32
      %dma_wait3A_1030 = arith.constant 0 : i32
      %dma_wait3A_1031 = tpu.memref_slice %arg4[%dma_wait3A_1029, %dma_wait3A_1030] : memref<20000x16xf32, #tpu.memory_space<hbm>> -> memref<20000x16xf32, #tpu.memory_space<hbm>>
      tpu.wait_indirect_dma semaphore(%arg21 : memref<!tpu.dma_semaphore, #tpu.memory_space<semaphore_mem>>) src(%dma_wait3A_1031 : memref<20000x16xf32, #tpu.memory_space<hbm>>) dst(%dma_wait3A_1025 : memref<80x16xf32, #tpu.memory_space<vmem>>)
      %scan3A_1032 = arith.constant 0 : i32
      %scan3A_1033 = arith.constant 0 : i32
      %scan3A_1034 = arith.constant 80 : i32
      %scan3A_1035 = arith.addi %scan3A_1033, %scan3A_1034 : i32
      %scan3A_1036 = arith.constant 1 : i32
      %scan3A_1037 = scf.for %scan3A_1470 = %scan3A_1033 to %scan3A_1035 step %scan3A_1036 iter_args(%scan3A_1471 = %scan3A_1032) -> (i32)  : i32 {
        %get3A = arith.constant 7 : i32
        %get3A_1472 = arith.index_cast %get3A : i32 to index
        %get3A_1473 = arith.index_cast %scan3A_1470 : i32 to index
        %get3A_1474 = arith.constant 0 : index
        %get3A_1475 = tpu.vector_load %arg10[%get3A_1472, %get3A_1473, %get3A_1474] {strides = array<i32>} : memref<10x80x16xf32, #tpu.memory_space<vmem>>, vector<1x1x16xf32>,
        %get3A_1476 = vector.shape_cast %get3A_1475 : vector<1x1x16xf32> to vector<16xf32>
        %get3A_1477 = arith.constant 7 : i32
        %get3A_1478 = arith.index_cast %get3A_1477 : i32 to index
        %get3A_1479 = arith.index_cast %scan3A_1470 : i32 to index
        %get3A_1480 = arith.constant 0 : index
        %get3A_1481 = tpu.vector_load %arg11[%get3A_1478, %get3A_1479, %get3A_1480] {strides = array<i32>} : memref<10x80x16xf32, #tpu.memory_space<vmem>>, vector<1x1x16xf32>,
        %get3A_1482 = vector.shape_cast %get3A_1481 : vector<1x1x16xf32> to vector<16xf32>
        %add3A_1483 = arith.addf %get3A_1476, %get3A_1482 : vector<16xf32>
        %mul3A_1484 = arith.constant 2.000000e-01 : f32
        %mul3A_1485 = vector.broadcast %mul3A_1484 : f32 to vector<16xf32>
        %mul3A_1486 = arith.mulf %mul3A_1485, %add3A_1483 : vector<16xf32>
        %max3A = arith.maximumf %add3A_1483, %mul3A_1486 : vector<16xf32>
        %exp3A = math.exp %max3A : vector<16xf32>
        %swap3A = arith.constant 7 : i32
        %swap3A_1487 = arith.index_cast %swap3A : i32 to index
        %swap3A_1488 = arith.index_cast %scan3A_1470 : i32 to index
        %swap3A_1489 = arith.constant 0 : index
        %swap3A_1490 = tpu.vector_load %arg10[%swap3A_1487, %swap3A_1488, %swap3A_1489] {strides = array<i32>} : memref<10x80x16xf32, #tpu.memory_space<vmem>>, vector<1x1x16xf32>,
        %swap3A_1491 = vector.shape_cast %swap3A_1490 : vector<1x1x16xf32> to vector<16xf32>
        %swap3A_1492 = vector.shape_cast %exp3A : vector<16xf32> to vector<1x1x16xf32>
        tpu.vector_store %arg10[%swap3A_1487, %swap3A_1488, %swap3A_1489], %swap3A_1492 {strides = array<i32>} : memref<10x80x16xf32, #tpu.memory_space<vmem>>, vector<1x1x16xf32>,
        %broadcast_in_dim3A_1493 = arith.constant 0 : i32
        %broadcast_in_dim3A_1494 = vector.broadcast %broadcast_in_dim3A_1493 : i32 to vector<16xi32>
        %lt3A_1495 = arith.constant 0 : i32
        %lt3A_1496 = vector.broadcast %lt3A_1495 : i32 to vector<16xi32>
        %lt3A_1497 = arith.cmpi slt, %broadcast_in_dim3A_1494, %lt3A_1496 : vector<16xi32>
        %add3A_1498 = arith.constant 16 : i32
        %add3A_1499 = vector.broadcast %add3A_1498 : i32 to vector<16xi32>
        %add3A_1500 = arith.addi %broadcast_in_dim3A_1494, %add3A_1499 : vector<16xi32>
        %select_n3A_1501 = arith.select %lt3A_1497, %add3A_1500, %broadcast_in_dim3A_1494 : vector<16xi1>, vector<16xi32>
        %broadcast_in_dim3A_1502 = vector.shape_cast %select_n3A_1501 : vector<16xi32> to vector<16x1xi32>
        %gather3A = vector.shape_cast %broadcast_in_dim3A_1502 : vector<16x1xi32> to vector<16xi32>
        %gather3A_1503 = tpu.dynamic_gather %exp3A[%gather3A] in [0] : vector<16xf32>, vector<16xi32> -> vector<16xf32>
        %get3A_1504 = arith.constant 7 : i32
        %get3A_1505 = arith.index_cast %get3A_1504 : i32 to index
        %get3A_1506 = arith.index_cast %scan3A_1470 : i32 to index
        %get3A_1507 = arith.constant 0 : index
        %get3A_1508 = tpu.vector_load %arg9[%get3A_1505, %get3A_1506, %get3A_1507] {strides = array<i32>} : memref<10x80x32xf32, #tpu.memory_space<vmem>>, vector<1x1x16xf32>,
        %get3A_1509 = vector.shape_cast %get3A_1508 : vector<1x1x16xf32> to vector<16xf32>
        %mul3A_1510 = arith.mulf %get3A_1509, %gather3A_1503 : vector<16xf32>
        %swap3A_1511 = arith.constant 7 : i32
        %swap3A_1512 = arith.index_cast %swap3A_1511 : i32 to index
        %swap3A_1513 = arith.index_cast %scan3A_1470 : i32 to index
        %swap3A_1514 = arith.constant 0 : index
        %swap3A_1515 = tpu.vector_load %arg9[%swap3A_1512, %swap3A_1513, %swap3A_1514] {strides = array<i32>} : memref<10x80x32xf32, #tpu.memory_space<vmem>>, vector<1x1x16xf32>,
        %swap3A_1516 = vector.shape_cast %swap3A_1515 : vector<1x1x16xf32> to vector<16xf32>
        %swap3A_1517 = vector.shape_cast %mul3A_1510 : vector<16xf32> to vector<1x1x16xf32>
        tpu.vector_store %arg9[%swap3A_1512, %swap3A_1513, %swap3A_1514], %swap3A_1517 {strides = array<i32>} : memref<10x80x32xf32, #tpu.memory_space<vmem>>, vector<1x1x16xf32>,
        %get3A_1518 = arith.constant 7 : i32
        %get3A_1519 = arith.index_cast %get3A_1518 : i32 to index
        %get3A_1520 = arith.index_cast %scan3A_1470 : i32 to index
        %get3A_1521 = arith.constant 16 : index
        %get3A_1522 = tpu.vector_load %arg9[%get3A_1519, %get3A_1520, %get3A_1521] {strides = array<i32>} : memref<10x80x32xf32, #tpu.memory_space<vmem>>, vector<1x1x16xf32>,
        %get3A_1523 = vector.shape_cast %get3A_1522 : vector<1x1x16xf32> to vector<16xf32>
        %mul3A_1524 = arith.mulf %get3A_1523, %gather3A_1503 : vector<16xf32>
        %swap3A_1525 = arith.constant 7 : i32
        %swap3A_1526 = arith.index_cast %swap3A_1525 : i32 to index
        %swap3A_1527 = arith.index_cast %scan3A_1470 : i32 to index
        %swap3A_1528 = arith.constant 16 : index
        %swap3A_1529 = tpu.vector_load %arg9[%swap3A_1526, %swap3A_1527, %swap3A_1528] {strides = array<i32>} : memref<10x80x32xf32, #tpu.memory_space<vmem>>, vector<1x1x16xf32>,
        %swap3A_1530 = vector.shape_cast %swap3A_1529 : vector<1x1x16xf32> to vector<16xf32>
        %swap3A_1531 = vector.shape_cast %mul3A_1524 : vector<16xf32> to vector<1x1x16xf32>
        tpu.vector_store %arg9[%swap3A_1526, %swap3A_1527, %swap3A_1528], %swap3A_1531 {strides = array<i32>} : memref<10x80x32xf32, #tpu.memory_space<vmem>>, vector<1x1x16xf32>,
        %scan3A_1532 = arith.constant 0 : i32
        scf.yield %scan3A_1532 : i32
      }
      %scan3A_1038 = arith.constant 80 : i32
      %dma_start3A_1039 = arith.constant 7 : i32
      %dma_start3A_1040 = arith.constant 7 : i32
      %dma_start3A_1041 = arith.constant 2 : i32
      %dma_start3A_1042 = arith.constant 0 : i32
      %dma_start3A_1043 = arith.constant 0 : i32
      %dma_start3A_1044 = tpu.memref_slice %arg9[%dma_start3A_1039, %dma_start3A_1042, %dma_start3A_1043] : memref<10x80x32xf32, #tpu.memory_space<vmem>> -> memref<1x80x32xf32, #tpu.memory_space<vmem>>
      %dma_start3A_1045 = tpu.memref_squeeze %dma_start3A_1044 : memref<1x80x32xf32, #tpu.memory_space<vmem>> -> memref<80x32xf32, #tpu.memory_space<vmem>>
      %dma_start3A_1046 = arith.constant 0 : i32
      %dma_start3A_1047 = tpu.memref_slice %arg8[%dma_start3A_1040, %dma_start3A_1041, %dma_start3A_1046] : memref<10x3x80xi32, #tpu.memory_space<vmem>> -> memref<1x1x80xi32, #tpu.memory_space<vmem>>
      %dma_start3A_1048 = tpu.memref_squeeze %dma_start3A_1047 : memref<1x1x80xi32, #tpu.memory_space<vmem>> -> memref<80xi32, #tpu.memory_space<vmem>>
      %dma_start3A_1049 = arith.constant 0 : i32
      %dma_start3A_1050 = arith.constant 0 : i32
      %dma_start3A_1051 = tpu.memref_slice %arg12[%dma_start3A_1049, %dma_start3A_1050] : memref<10000x32xf32, #tpu.memory_space<vmem_shared>> -> memref<10000x32xf32, #tpu.memory_space<vmem_shared>>
      tpu.enqueue_indirect_dma source(%dma_start3A_1045 : memref<80x32xf32, #tpu.memory_space<vmem>>) target(%dma_start3A_1051 : memref<10000x32xf32, #tpu.memory_space<vmem_shared>>) offsets(%dma_start3A_1048 : memref<80xi32, #tpu.memory_space<vmem>>) semaphore(%arg31 : memref<!tpu.dma_semaphore, #tpu.memory_space<semaphore_mem>>) {add = true}
      %dma_start3A_1052 = arith.constant 7 : i32
      %dma_start3A_1053 = arith.constant 7 : i32
      %dma_start3A_1054 = arith.constant 2 : i32
      %dma_start3A_1055 = arith.constant 0 : i32
      %dma_start3A_1056 = arith.constant 0 : i32
      %dma_start3A_1057 = tpu.memref_slice %arg10[%dma_start3A_1052, %dma_start3A_1055, %dma_start3A_1056] : memref<10x80x16xf32, #tpu.memory_space<vmem>> -> memref<1x80x16xf32, #tpu.memory_space<vmem>>
      %dma_start3A_1058 = tpu.memref_squeeze %dma_start3A_1057 : memref<1x80x16xf32, #tpu.memory_space<vmem>> -> memref<80x16xf32, #tpu.memory_space<vmem>>
      %dma_start3A_1059 = arith.constant 0 : i32
      %dma_start3A_1060 = tpu.memref_slice %arg8[%dma_start3A_1053, %dma_start3A_1054, %dma_start3A_1059] : memref<10x3x80xi32, #tpu.memory_space<vmem>> -> memref<1x1x80xi32, #tpu.memory_space<vmem>>
      %dma_start3A_1061 = tpu.memref_squeeze %dma_start3A_1060 : memref<1x1x80xi32, #tpu.memory_space<vmem>> -> memref<80xi32, #tpu.memory_space<vmem>>
      %dma_start3A_1062 = arith.constant 0 : i32
      %dma_start3A_1063 = arith.constant 0 : i32
      %dma_start3A_1064 = tpu.memref_slice %arg13[%dma_start3A_1062, %dma_start3A_1063] : memref<10000x16xf32, #tpu.memory_space<vmem_shared>> -> memref<10000x16xf32, #tpu.memory_space<vmem_shared>>
      tpu.enqueue_indirect_dma source(%dma_start3A_1058 : memref<80x16xf32, #tpu.memory_space<vmem>>) target(%dma_start3A_1064 : memref<10000x16xf32, #tpu.memory_space<vmem_shared>>) offsets(%dma_start3A_1061 : memref<80xi32, #tpu.memory_space<vmem>>) semaphore(%arg31 : memref<!tpu.dma_semaphore, #tpu.memory_space<semaphore_mem>>) {add = true}
      %dma_wait3A_1065 = arith.constant 8 : i32
      %dma_wait3A_1066 = arith.constant 0 : i32
      %dma_wait3A_1067 = arith.constant 8 : i32
      %dma_wait3A_1068 = arith.constant 0 : i32
      %dma_wait3A_1069 = arith.constant 0 : i32
      %dma_wait3A_1070 = tpu.memref_slice %arg9[%dma_wait3A_1067, %dma_wait3A_1068, %dma_wait3A_1069] : memref<10x80x32xf32, #tpu.memory_space<vmem>> -> memref<1x80x32xf32, #tpu.memory_space<vmem>>
      %dma_wait3A_1071 = tpu.memref_squeeze %dma_wait3A_1070 : memref<1x80x32xf32, #tpu.memory_space<vmem>> -> memref<80x32xf32, #tpu.memory_space<vmem>>
      %dma_wait3A_1072 = arith.constant 0 : i32
      %dma_wait3A_1073 = tpu.memref_slice %arg8[%dma_wait3A_1065, %dma_wait3A_1066, %dma_wait3A_1072] : memref<10x3x80xi32, #tpu.memory_space<vmem>> -> memref<1x1x80xi32, #tpu.memory_space<vmem>>
      %dma_wait3A_1074 = tpu.memref_squeeze %dma_wait3A_1073 : memref<1x1x80xi32, #tpu.memory_space<vmem>> -> memref<80xi32, #tpu.memory_space<vmem>>
      %dma_wait3A_1075 = arith.constant 0 : i32
      %dma_wait3A_1076 = arith.constant 0 : i32
      %dma_wait3A_1077 = tpu.memref_slice %arg2[%dma_wait3A_1075, %dma_wait3A_1076] : memref<20000x32xf32, #tpu.memory_space<hbm>> -> memref<20000x32xf32, #tpu.memory_space<hbm>>
      tpu.wait_indirect_dma semaphore(%arg22 : memref<!tpu.dma_semaphore, #tpu.memory_space<semaphore_mem>>) src(%dma_wait3A_1077 : memref<20000x32xf32, #tpu.memory_space<hbm>>) dst(%dma_wait3A_1071 : memref<80x32xf32, #tpu.memory_space<vmem>>)
      %dma_wait3A_1078 = arith.constant 8 : i32
      %dma_wait3A_1079 = arith.constant 0 : i32
      %dma_wait3A_1080 = arith.constant 8 : i32
      %dma_wait3A_1081 = arith.constant 0 : i32
      %dma_wait3A_1082 = arith.constant 0 : i32
      %dma_wait3A_1083 = tpu.memref_slice %arg10[%dma_wait3A_1080, %dma_wait3A_1081, %dma_wait3A_1082] : memref<10x80x16xf32, #tpu.memory_space<vmem>> -> memref<1x80x16xf32, #tpu.memory_space<vmem>>
      %dma_wait3A_1084 = tpu.memref_squeeze %dma_wait3A_1083 : memref<1x80x16xf32, #tpu.memory_space<vmem>> -> memref<80x16xf32, #tpu.memory_space<vmem>>
      %dma_wait3A_1085 = arith.constant 0 : i32
      %dma_wait3A_1086 = tpu.memref_slice %arg8[%dma_wait3A_1078, %dma_wait3A_1079, %dma_wait3A_1085] : memref<10x3x80xi32, #tpu.memory_space<vmem>> -> memref<1x1x80xi32, #tpu.memory_space<vmem>>
      %dma_wait3A_1087 = tpu.memref_squeeze %dma_wait3A_1086 : memref<1x1x80xi32, #tpu.memory_space<vmem>> -> memref<80xi32, #tpu.memory_space<vmem>>
      %dma_wait3A_1088 = arith.constant 0 : i32
      %dma_wait3A_1089 = arith.constant 0 : i32
      %dma_wait3A_1090 = tpu.memref_slice %arg3[%dma_wait3A_1088, %dma_wait3A_1089] : memref<20000x16xf32, #tpu.memory_space<hbm>> -> memref<20000x16xf32, #tpu.memory_space<hbm>>
      tpu.wait_indirect_dma semaphore(%arg22 : memref<!tpu.dma_semaphore, #tpu.memory_space<semaphore_mem>>) src(%dma_wait3A_1090 : memref<20000x16xf32, #tpu.memory_space<hbm>>) dst(%dma_wait3A_1084 : memref<80x16xf32, #tpu.memory_space<vmem>>)
      %dma_wait3A_1091 = arith.constant 8 : i32
      %dma_wait3A_1092 = arith.constant 1 : i32
      %dma_wait3A_1093 = arith.constant 8 : i32
      %dma_wait3A_1094 = arith.constant 0 : i32
      %dma_wait3A_1095 = arith.constant 0 : i32
      %dma_wait3A_1096 = tpu.memref_slice %arg11[%dma_wait3A_1093, %dma_wait3A_1094, %dma_wait3A_1095] : memref<10x80x16xf32, #tpu.memory_space<vmem>> -> memref<1x80x16xf32, #tpu.memory_space<vmem>>
      %dma_wait3A_1097 = tpu.memref_squeeze %dma_wait3A_1096 : memref<1x80x16xf32, #tpu.memory_space<vmem>> -> memref<80x16xf32, #tpu.memory_space<vmem>>
      %dma_wait3A_1098 = arith.constant 0 : i32
      %dma_wait3A_1099 = tpu.memref_slice %arg8[%dma_wait3A_1091, %dma_wait3A_1092, %dma_wait3A_1098] : memref<10x3x80xi32, #tpu.memory_space<vmem>> -> memref<1x1x80xi32, #tpu.memory_space<vmem>>
      %dma_wait3A_1100 = tpu.memref_squeeze %dma_wait3A_1099 : memref<1x1x80xi32, #tpu.memory_space<vmem>> -> memref<80xi32, #tpu.memory_space<vmem>>
      %dma_wait3A_1101 = arith.constant 0 : i32
      %dma_wait3A_1102 = arith.constant 0 : i32
      %dma_wait3A_1103 = tpu.memref_slice %arg4[%dma_wait3A_1101, %dma_wait3A_1102] : memref<20000x16xf32, #tpu.memory_space<hbm>> -> memref<20000x16xf32, #tpu.memory_space<hbm>>
      tpu.wait_indirect_dma semaphore(%arg22 : memref<!tpu.dma_semaphore, #tpu.memory_space<semaphore_mem>>) src(%dma_wait3A_1103 : memref<20000x16xf32, #tpu.memory_space<hbm>>) dst(%dma_wait3A_1097 : memref<80x16xf32, #tpu.memory_space<vmem>>)
      %scan3A_1104 = arith.constant 0 : i32
      %scan3A_1105 = arith.constant 0 : i32
      %scan3A_1106 = arith.constant 80 : i32
      %scan3A_1107 = arith.addi %scan3A_1105, %scan3A_1106 : i32
      %scan3A_1108 = arith.constant 1 : i32
      %scan3A_1109 = scf.for %scan3A_1470 = %scan3A_1105 to %scan3A_1107 step %scan3A_1108 iter_args(%scan3A_1471 = %scan3A_1104) -> (i32)  : i32 {
        %get3A = arith.constant 8 : i32
        %get3A_1472 = arith.index_cast %get3A : i32 to index
        %get3A_1473 = arith.index_cast %scan3A_1470 : i32 to index
        %get3A_1474 = arith.constant 0 : index
        %get3A_1475 = tpu.vector_load %arg10[%get3A_1472, %get3A_1473, %get3A_1474] {strides = array<i32>} : memref<10x80x16xf32, #tpu.memory_space<vmem>>, vector<1x1x16xf32>,
        %get3A_1476 = vector.shape_cast %get3A_1475 : vector<1x1x16xf32> to vector<16xf32>
        %get3A_1477 = arith.constant 8 : i32
        %get3A_1478 = arith.index_cast %get3A_1477 : i32 to index
        %get3A_1479 = arith.index_cast %scan3A_1470 : i32 to index
        %get3A_1480 = arith.constant 0 : index
        %get3A_1481 = tpu.vector_load %arg11[%get3A_1478, %get3A_1479, %get3A_1480] {strides = array<i32>} : memref<10x80x16xf32, #tpu.memory_space<vmem>>, vector<1x1x16xf32>,
        %get3A_1482 = vector.shape_cast %get3A_1481 : vector<1x1x16xf32> to vector<16xf32>
        %add3A_1483 = arith.addf %get3A_1476, %get3A_1482 : vector<16xf32>
        %mul3A_1484 = arith.constant 2.000000e-01 : f32
        %mul3A_1485 = vector.broadcast %mul3A_1484 : f32 to vector<16xf32>
        %mul3A_1486 = arith.mulf %mul3A_1485, %add3A_1483 : vector<16xf32>
        %max3A = arith.maximumf %add3A_1483, %mul3A_1486 : vector<16xf32>
        %exp3A = math.exp %max3A : vector<16xf32>
        %swap3A = arith.constant 8 : i32
        %swap3A_1487 = arith.index_cast %swap3A : i32 to index
        %swap3A_1488 = arith.index_cast %scan3A_1470 : i32 to index
        %swap3A_1489 = arith.constant 0 : index
        %swap3A_1490 = tpu.vector_load %arg10[%swap3A_1487, %swap3A_1488, %swap3A_1489] {strides = array<i32>} : memref<10x80x16xf32, #tpu.memory_space<vmem>>, vector<1x1x16xf32>,
        %swap3A_1491 = vector.shape_cast %swap3A_1490 : vector<1x1x16xf32> to vector<16xf32>
        %swap3A_1492 = vector.shape_cast %exp3A : vector<16xf32> to vector<1x1x16xf32>
        tpu.vector_store %arg10[%swap3A_1487, %swap3A_1488, %swap3A_1489], %swap3A_1492 {strides = array<i32>} : memref<10x80x16xf32, #tpu.memory_space<vmem>>, vector<1x1x16xf32>,
        %broadcast_in_dim3A_1493 = arith.constant 0 : i32
        %broadcast_in_dim3A_1494 = vector.broadcast %broadcast_in_dim3A_1493 : i32 to vector<16xi32>
        %lt3A_1495 = arith.constant 0 : i32
        %lt3A_1496 = vector.broadcast %lt3A_1495 : i32 to vector<16xi32>
        %lt3A_1497 = arith.cmpi slt, %broadcast_in_dim3A_1494, %lt3A_1496 : vector<16xi32>
        %add3A_1498 = arith.constant 16 : i32
        %add3A_1499 = vector.broadcast %add3A_1498 : i32 to vector<16xi32>
        %add3A_1500 = arith.addi %broadcast_in_dim3A_1494, %add3A_1499 : vector<16xi32>
        %select_n3A_1501 = arith.select %lt3A_1497, %add3A_1500, %broadcast_in_dim3A_1494 : vector<16xi1>, vector<16xi32>
        %broadcast_in_dim3A_1502 = vector.shape_cast %select_n3A_1501 : vector<16xi32> to vector<16x1xi32>
        %gather3A = vector.shape_cast %broadcast_in_dim3A_1502 : vector<16x1xi32> to vector<16xi32>
        %gather3A_1503 = tpu.dynamic_gather %exp3A[%gather3A] in [0] : vector<16xf32>, vector<16xi32> -> vector<16xf32>
        %get3A_1504 = arith.constant 8 : i32
        %get3A_1505 = arith.index_cast %get3A_1504 : i32 to index
        %get3A_1506 = arith.index_cast %scan3A_1470 : i32 to index
        %get3A_1507 = arith.constant 0 : index
        %get3A_1508 = tpu.vector_load %arg9[%get3A_1505, %get3A_1506, %get3A_1507] {strides = array<i32>} : memref<10x80x32xf32, #tpu.memory_space<vmem>>, vector<1x1x16xf32>,
        %get3A_1509 = vector.shape_cast %get3A_1508 : vector<1x1x16xf32> to vector<16xf32>
        %mul3A_1510 = arith.mulf %get3A_1509, %gather3A_1503 : vector<16xf32>
        %swap3A_1511 = arith.constant 8 : i32
        %swap3A_1512 = arith.index_cast %swap3A_1511 : i32 to index
        %swap3A_1513 = arith.index_cast %scan3A_1470 : i32 to index
        %swap3A_1514 = arith.constant 0 : index
        %swap3A_1515 = tpu.vector_load %arg9[%swap3A_1512, %swap3A_1513, %swap3A_1514] {strides = array<i32>} : memref<10x80x32xf32, #tpu.memory_space<vmem>>, vector<1x1x16xf32>,
        %swap3A_1516 = vector.shape_cast %swap3A_1515 : vector<1x1x16xf32> to vector<16xf32>
        %swap3A_1517 = vector.shape_cast %mul3A_1510 : vector<16xf32> to vector<1x1x16xf32>
        tpu.vector_store %arg9[%swap3A_1512, %swap3A_1513, %swap3A_1514], %swap3A_1517 {strides = array<i32>} : memref<10x80x32xf32, #tpu.memory_space<vmem>>, vector<1x1x16xf32>,
        %get3A_1518 = arith.constant 8 : i32
        %get3A_1519 = arith.index_cast %get3A_1518 : i32 to index
        %get3A_1520 = arith.index_cast %scan3A_1470 : i32 to index
        %get3A_1521 = arith.constant 16 : index
        %get3A_1522 = tpu.vector_load %arg9[%get3A_1519, %get3A_1520, %get3A_1521] {strides = array<i32>} : memref<10x80x32xf32, #tpu.memory_space<vmem>>, vector<1x1x16xf32>,
        %get3A_1523 = vector.shape_cast %get3A_1522 : vector<1x1x16xf32> to vector<16xf32>
        %mul3A_1524 = arith.mulf %get3A_1523, %gather3A_1503 : vector<16xf32>
        %swap3A_1525 = arith.constant 8 : i32
        %swap3A_1526 = arith.index_cast %swap3A_1525 : i32 to index
        %swap3A_1527 = arith.index_cast %scan3A_1470 : i32 to index
        %swap3A_1528 = arith.constant 16 : index
        %swap3A_1529 = tpu.vector_load %arg9[%swap3A_1526, %swap3A_1527, %swap3A_1528] {strides = array<i32>} : memref<10x80x32xf32, #tpu.memory_space<vmem>>, vector<1x1x16xf32>,
        %swap3A_1530 = vector.shape_cast %swap3A_1529 : vector<1x1x16xf32> to vector<16xf32>
        %swap3A_1531 = vector.shape_cast %mul3A_1524 : vector<16xf32> to vector<1x1x16xf32>
        tpu.vector_store %arg9[%swap3A_1526, %swap3A_1527, %swap3A_1528], %swap3A_1531 {strides = array<i32>} : memref<10x80x32xf32, #tpu.memory_space<vmem>>, vector<1x1x16xf32>,
        %scan3A_1532 = arith.constant 0 : i32
        scf.yield %scan3A_1532 : i32
      }
      %scan3A_1110 = arith.constant 80 : i32
      %dma_start3A_1111 = arith.constant 8 : i32
      %dma_start3A_1112 = arith.constant 8 : i32
      %dma_start3A_1113 = arith.constant 2 : i32
      %dma_start3A_1114 = arith.constant 0 : i32
      %dma_start3A_1115 = arith.constant 0 : i32
      %dma_start3A_1116 = tpu.memref_slice %arg9[%dma_start3A_1111, %dma_start3A_1114, %dma_start3A_1115] : memref<10x80x32xf32, #tpu.memory_space<vmem>> -> memref<1x80x32xf32, #tpu.memory_space<vmem>>
      %dma_start3A_1117 = tpu.memref_squeeze %dma_start3A_1116 : memref<1x80x32xf32, #tpu.memory_space<vmem>> -> memref<80x32xf32, #tpu.memory_space<vmem>>
      %dma_start3A_1118 = arith.constant 0 : i32
      %dma_start3A_1119 = tpu.memref_slice %arg8[%dma_start3A_1112, %dma_start3A_1113, %dma_start3A_1118] : memref<10x3x80xi32, #tpu.memory_space<vmem>> -> memref<1x1x80xi32, #tpu.memory_space<vmem>>
      %dma_start3A_1120 = tpu.memref_squeeze %dma_start3A_1119 : memref<1x1x80xi32, #tpu.memory_space<vmem>> -> memref<80xi32, #tpu.memory_space<vmem>>
      %dma_start3A_1121 = arith.constant 0 : i32
      %dma_start3A_1122 = arith.constant 0 : i32
      %dma_start3A_1123 = tpu.memref_slice %arg12[%dma_start3A_1121, %dma_start3A_1122] : memref<10000x32xf32, #tpu.memory_space<vmem_shared>> -> memref<10000x32xf32, #tpu.memory_space<vmem_shared>>
      tpu.enqueue_indirect_dma source(%dma_start3A_1117 : memref<80x32xf32, #tpu.memory_space<vmem>>) target(%dma_start3A_1123 : memref<10000x32xf32, #tpu.memory_space<vmem_shared>>) offsets(%dma_start3A_1120 : memref<80xi32, #tpu.memory_space<vmem>>) semaphore(%arg32 : memref<!tpu.dma_semaphore, #tpu.memory_space<semaphore_mem>>) {add = true}
      %dma_start3A_1124 = arith.constant 8 : i32
      %dma_start3A_1125 = arith.constant 8 : i32
      %dma_start3A_1126 = arith.constant 2 : i32
      %dma_start3A_1127 = arith.constant 0 : i32
      %dma_start3A_1128 = arith.constant 0 : i32
      %dma_start3A_1129 = tpu.memref_slice %arg10[%dma_start3A_1124, %dma_start3A_1127, %dma_start3A_1128] : memref<10x80x16xf32, #tpu.memory_space<vmem>> -> memref<1x80x16xf32, #tpu.memory_space<vmem>>
      %dma_start3A_1130 = tpu.memref_squeeze %dma_start3A_1129 : memref<1x80x16xf32, #tpu.memory_space<vmem>> -> memref<80x16xf32, #tpu.memory_space<vmem>>
      %dma_start3A_1131 = arith.constant 0 : i32
      %dma_start3A_1132 = tpu.memref_slice %arg8[%dma_start3A_1125, %dma_start3A_1126, %dma_start3A_1131] : memref<10x3x80xi32, #tpu.memory_space<vmem>> -> memref<1x1x80xi32, #tpu.memory_space<vmem>>
      %dma_start3A_1133 = tpu.memref_squeeze %dma_start3A_1132 : memref<1x1x80xi32, #tpu.memory_space<vmem>> -> memref<80xi32, #tpu.memory_space<vmem>>
      %dma_start3A_1134 = arith.constant 0 : i32
      %dma_start3A_1135 = arith.constant 0 : i32
      %dma_start3A_1136 = tpu.memref_slice %arg13[%dma_start3A_1134, %dma_start3A_1135] : memref<10000x16xf32, #tpu.memory_space<vmem_shared>> -> memref<10000x16xf32, #tpu.memory_space<vmem_shared>>
      tpu.enqueue_indirect_dma source(%dma_start3A_1130 : memref<80x16xf32, #tpu.memory_space<vmem>>) target(%dma_start3A_1136 : memref<10000x16xf32, #tpu.memory_space<vmem_shared>>) offsets(%dma_start3A_1133 : memref<80xi32, #tpu.memory_space<vmem>>) semaphore(%arg32 : memref<!tpu.dma_semaphore, #tpu.memory_space<semaphore_mem>>) {add = true}
      %dma_wait3A_1137 = arith.constant 9 : i32
      %dma_wait3A_1138 = arith.constant 0 : i32
      %dma_wait3A_1139 = arith.constant 9 : i32
      %dma_wait3A_1140 = arith.constant 0 : i32
      %dma_wait3A_1141 = arith.constant 0 : i32
      %dma_wait3A_1142 = tpu.memref_slice %arg9[%dma_wait3A_1139, %dma_wait3A_1140, %dma_wait3A_1141] : memref<10x80x32xf32, #tpu.memory_space<vmem>> -> memref<1x80x32xf32, #tpu.memory_space<vmem>>
      %dma_wait3A_1143 = tpu.memref_squeeze %dma_wait3A_1142 : memref<1x80x32xf32, #tpu.memory_space<vmem>> -> memref<80x32xf32, #tpu.memory_space<vmem>>
      %dma_wait3A_1144 = arith.constant 0 : i32
      %dma_wait3A_1145 = tpu.memref_slice %arg8[%dma_wait3A_1137, %dma_wait3A_1138, %dma_wait3A_1144] : memref<10x3x80xi32, #tpu.memory_space<vmem>> -> memref<1x1x80xi32, #tpu.memory_space<vmem>>
      %dma_wait3A_1146 = tpu.memref_squeeze %dma_wait3A_1145 : memref<1x1x80xi32, #tpu.memory_space<vmem>> -> memref<80xi32, #tpu.memory_space<vmem>>
      %dma_wait3A_1147 = arith.constant 0 : i32
      %dma_wait3A_1148 = arith.constant 0 : i32
      %dma_wait3A_1149 = tpu.memref_slice %arg2[%dma_wait3A_1147, %dma_wait3A_1148] : memref<20000x32xf32, #tpu.memory_space<hbm>> -> memref<20000x32xf32, #tpu.memory_space<hbm>>
      tpu.wait_indirect_dma semaphore(%arg23 : memref<!tpu.dma_semaphore, #tpu.memory_space<semaphore_mem>>) src(%dma_wait3A_1149 : memref<20000x32xf32, #tpu.memory_space<hbm>>) dst(%dma_wait3A_1143 : memref<80x32xf32, #tpu.memory_space<vmem>>)
      %dma_wait3A_1150 = arith.constant 9 : i32
      %dma_wait3A_1151 = arith.constant 0 : i32
      %dma_wait3A_1152 = arith.constant 9 : i32
      %dma_wait3A_1153 = arith.constant 0 : i32
      %dma_wait3A_1154 = arith.constant 0 : i32
      %dma_wait3A_1155 = tpu.memref_slice %arg10[%dma_wait3A_1152, %dma_wait3A_1153, %dma_wait3A_1154] : memref<10x80x16xf32, #tpu.memory_space<vmem>> -> memref<1x80x16xf32, #tpu.memory_space<vmem>>
      %dma_wait3A_1156 = tpu.memref_squeeze %dma_wait3A_1155 : memref<1x80x16xf32, #tpu.memory_space<vmem>> -> memref<80x16xf32, #tpu.memory_space<vmem>>
      %dma_wait3A_1157 = arith.constant 0 : i32
      %dma_wait3A_1158 = tpu.memref_slice %arg8[%dma_wait3A_1150, %dma_wait3A_1151, %dma_wait3A_1157] : memref<10x3x80xi32, #tpu.memory_space<vmem>> -> memref<1x1x80xi32, #tpu.memory_space<vmem>>
      %dma_wait3A_1159 = tpu.memref_squeeze %dma_wait3A_1158 : memref<1x1x80xi32, #tpu.memory_space<vmem>> -> memref<80xi32, #tpu.memory_space<vmem>>
      %dma_wait3A_1160 = arith.constant 0 : i32
      %dma_wait3A_1161 = arith.constant 0 : i32
      %dma_wait3A_1162 = tpu.memref_slice %arg3[%dma_wait3A_1160, %dma_wait3A_1161] : memref<20000x16xf32, #tpu.memory_space<hbm>> -> memref<20000x16xf32, #tpu.memory_space<hbm>>
      tpu.wait_indirect_dma semaphore(%arg23 : memref<!tpu.dma_semaphore, #tpu.memory_space<semaphore_mem>>) src(%dma_wait3A_1162 : memref<20000x16xf32, #tpu.memory_space<hbm>>) dst(%dma_wait3A_1156 : memref<80x16xf32, #tpu.memory_space<vmem>>)
      %dma_wait3A_1163 = arith.constant 9 : i32
      %dma_wait3A_1164 = arith.constant 1 : i32
      %dma_wait3A_1165 = arith.constant 9 : i32
      %dma_wait3A_1166 = arith.constant 0 : i32
      %dma_wait3A_1167 = arith.constant 0 : i32
      %dma_wait3A_1168 = tpu.memref_slice %arg11[%dma_wait3A_1165, %dma_wait3A_1166, %dma_wait3A_1167] : memref<10x80x16xf32, #tpu.memory_space<vmem>> -> memref<1x80x16xf32, #tpu.memory_space<vmem>>
      %dma_wait3A_1169 = tpu.memref_squeeze %dma_wait3A_1168 : memref<1x80x16xf32, #tpu.memory_space<vmem>> -> memref<80x16xf32, #tpu.memory_space<vmem>>
      %dma_wait3A_1170 = arith.constant 0 : i32
      %dma_wait3A_1171 = tpu.memref_slice %arg8[%dma_wait3A_1163, %dma_wait3A_1164, %dma_wait3A_1170] : memref<10x3x80xi32, #tpu.memory_space<vmem>> -> memref<1x1x80xi32, #tpu.memory_space<vmem>>
      %dma_wait3A_1172 = tpu.memref_squeeze %dma_wait3A_1171 : memref<1x1x80xi32, #tpu.memory_space<vmem>> -> memref<80xi32, #tpu.memory_space<vmem>>
      %dma_wait3A_1173 = arith.constant 0 : i32
      %dma_wait3A_1174 = arith.constant 0 : i32
      %dma_wait3A_1175 = tpu.memref_slice %arg4[%dma_wait3A_1173, %dma_wait3A_1174] : memref<20000x16xf32, #tpu.memory_space<hbm>> -> memref<20000x16xf32, #tpu.memory_space<hbm>>
      tpu.wait_indirect_dma semaphore(%arg23 : memref<!tpu.dma_semaphore, #tpu.memory_space<semaphore_mem>>) src(%dma_wait3A_1175 : memref<20000x16xf32, #tpu.memory_space<hbm>>) dst(%dma_wait3A_1169 : memref<80x16xf32, #tpu.memory_space<vmem>>)
      %scan3A_1176 = arith.constant 0 : i32
      %scan3A_1177 = arith.constant 0 : i32
      %scan3A_1178 = arith.constant 80 : i32
      %scan3A_1179 = arith.addi %scan3A_1177, %scan3A_1178 : i32
      %scan3A_1180 = arith.constant 1 : i32
      %scan3A_1181 = scf.for %scan3A_1470 = %scan3A_1177 to %scan3A_1179 step %scan3A_1180 iter_args(%scan3A_1471 = %scan3A_1176) -> (i32)  : i32 {
        %get3A = arith.constant 9 : i32
        %get3A_1472 = arith.index_cast %get3A : i32 to index
        %get3A_1473 = arith.index_cast %scan3A_1470 : i32 to index
        %get3A_1474 = arith.constant 0 : index
        %get3A_1475 = tpu.vector_load %arg10[%get3A_1472, %get3A_1473, %get3A_1474] {strides = array<i32>} : memref<10x80x16xf32, #tpu.memory_space<vmem>>, vector<1x1x16xf32>,
        %get3A_1476 = vector.shape_cast %get3A_1475 : vector<1x1x16xf32> to vector<16xf32>
        %get3A_1477 = arith.constant 9 : i32
        %get3A_1478 = arith.index_cast %get3A_1477 : i32 to index
        %get3A_1479 = arith.index_cast %scan3A_1470 : i32 to index
        %get3A_1480 = arith.constant 0 : index
        %get3A_1481 = tpu.vector_load %arg11[%get3A_1478, %get3A_1479, %get3A_1480] {strides = array<i32>} : memref<10x80x16xf32, #tpu.memory_space<vmem>>, vector<1x1x16xf32>,
        %get3A_1482 = vector.shape_cast %get3A_1481 : vector<1x1x16xf32> to vector<16xf32>
        %add3A_1483 = arith.addf %get3A_1476, %get3A_1482 : vector<16xf32>
        %mul3A_1484 = arith.constant 2.000000e-01 : f32
        %mul3A_1485 = vector.broadcast %mul3A_1484 : f32 to vector<16xf32>
        %mul3A_1486 = arith.mulf %mul3A_1485, %add3A_1483 : vector<16xf32>
        %max3A = arith.maximumf %add3A_1483, %mul3A_1486 : vector<16xf32>
        %exp3A = math.exp %max3A : vector<16xf32>
        %swap3A = arith.constant 9 : i32
        %swap3A_1487 = arith.index_cast %swap3A : i32 to index
        %swap3A_1488 = arith.index_cast %scan3A_1470 : i32 to index
        %swap3A_1489 = arith.constant 0 : index
        %swap3A_1490 = tpu.vector_load %arg10[%swap3A_1487, %swap3A_1488, %swap3A_1489] {strides = array<i32>} : memref<10x80x16xf32, #tpu.memory_space<vmem>>, vector<1x1x16xf32>,
        %swap3A_1491 = vector.shape_cast %swap3A_1490 : vector<1x1x16xf32> to vector<16xf32>
        %swap3A_1492 = vector.shape_cast %exp3A : vector<16xf32> to vector<1x1x16xf32>
        tpu.vector_store %arg10[%swap3A_1487, %swap3A_1488, %swap3A_1489], %swap3A_1492 {strides = array<i32>} : memref<10x80x16xf32, #tpu.memory_space<vmem>>, vector<1x1x16xf32>,
        %broadcast_in_dim3A_1493 = arith.constant 0 : i32
        %broadcast_in_dim3A_1494 = vector.broadcast %broadcast_in_dim3A_1493 : i32 to vector<16xi32>
        %lt3A_1495 = arith.constant 0 : i32
        %lt3A_1496 = vector.broadcast %lt3A_1495 : i32 to vector<16xi32>
        %lt3A_1497 = arith.cmpi slt, %broadcast_in_dim3A_1494, %lt3A_1496 : vector<16xi32>
        %add3A_1498 = arith.constant 16 : i32
        %add3A_1499 = vector.broadcast %add3A_1498 : i32 to vector<16xi32>
        %add3A_1500 = arith.addi %broadcast_in_dim3A_1494, %add3A_1499 : vector<16xi32>
        %select_n3A_1501 = arith.select %lt3A_1497, %add3A_1500, %broadcast_in_dim3A_1494 : vector<16xi1>, vector<16xi32>
        %broadcast_in_dim3A_1502 = vector.shape_cast %select_n3A_1501 : vector<16xi32> to vector<16x1xi32>
        %gather3A = vector.shape_cast %broadcast_in_dim3A_1502 : vector<16x1xi32> to vector<16xi32>
        %gather3A_1503 = tpu.dynamic_gather %exp3A[%gather3A] in [0] : vector<16xf32>, vector<16xi32> -> vector<16xf32>
        %get3A_1504 = arith.constant 9 : i32
        %get3A_1505 = arith.index_cast %get3A_1504 : i32 to index
        %get3A_1506 = arith.index_cast %scan3A_1470 : i32 to index
        %get3A_1507 = arith.constant 0 : index
        %get3A_1508 = tpu.vector_load %arg9[%get3A_1505, %get3A_1506, %get3A_1507] {strides = array<i32>} : memref<10x80x32xf32, #tpu.memory_space<vmem>>, vector<1x1x16xf32>,
        %get3A_1509 = vector.shape_cast %get3A_1508 : vector<1x1x16xf32> to vector<16xf32>
        %mul3A_1510 = arith.mulf %get3A_1509, %gather3A_1503 : vector<16xf32>
        %swap3A_1511 = arith.constant 9 : i32
        %swap3A_1512 = arith.index_cast %swap3A_1511 : i32 to index
        %swap3A_1513 = arith.index_cast %scan3A_1470 : i32 to index
        %swap3A_1514 = arith.constant 0 : index
        %swap3A_1515 = tpu.vector_load %arg9[%swap3A_1512, %swap3A_1513, %swap3A_1514] {strides = array<i32>} : memref<10x80x32xf32, #tpu.memory_space<vmem>>, vector<1x1x16xf32>,
        %swap3A_1516 = vector.shape_cast %swap3A_1515 : vector<1x1x16xf32> to vector<16xf32>
        %swap3A_1517 = vector.shape_cast %mul3A_1510 : vector<16xf32> to vector<1x1x16xf32>
        tpu.vector_store %arg9[%swap3A_1512, %swap3A_1513, %swap3A_1514], %swap3A_1517 {strides = array<i32>} : memref<10x80x32xf32, #tpu.memory_space<vmem>>, vector<1x1x16xf32>,
        %get3A_1518 = arith.constant 9 : i32
        %get3A_1519 = arith.index_cast %get3A_1518 : i32 to index
        %get3A_1520 = arith.index_cast %scan3A_1470 : i32 to index
        %get3A_1521 = arith.constant 16 : index
        %get3A_1522 = tpu.vector_load %arg9[%get3A_1519, %get3A_1520, %get3A_1521] {strides = array<i32>} : memref<10x80x32xf32, #tpu.memory_space<vmem>>, vector<1x1x16xf32>,
        %get3A_1523 = vector.shape_cast %get3A_1522 : vector<1x1x16xf32> to vector<16xf32>
        %mul3A_1524 = arith.mulf %get3A_1523, %gather3A_1503 : vector<16xf32>
        %swap3A_1525 = arith.constant 9 : i32
        %swap3A_1526 = arith.index_cast %swap3A_1525 : i32 to index
        %swap3A_1527 = arith.index_cast %scan3A_1470 : i32 to index
        %swap3A_1528 = arith.constant 16 : index
        %swap3A_1529 = tpu.vector_load %arg9[%swap3A_1526, %swap3A_1527, %swap3A_1528] {strides = array<i32>} : memref<10x80x32xf32, #tpu.memory_space<vmem>>, vector<1x1x16xf32>,
        %swap3A_1530 = vector.shape_cast %swap3A_1529 : vector<1x1x16xf32> to vector<16xf32>
        %swap3A_1531 = vector.shape_cast %mul3A_1524 : vector<16xf32> to vector<1x1x16xf32>
        tpu.vector_store %arg9[%swap3A_1526, %swap3A_1527, %swap3A_1528], %swap3A_1531 {strides = array<i32>} : memref<10x80x32xf32, #tpu.memory_space<vmem>>, vector<1x1x16xf32>,
        %scan3A_1532 = arith.constant 0 : i32
        scf.yield %scan3A_1532 : i32
      }
      %scan3A_1182 = arith.constant 80 : i32
      %dma_start3A_1183 = arith.constant 9 : i32
      %dma_start3A_1184 = arith.constant 9 : i32
      %dma_start3A_1185 = arith.constant 2 : i32
      %dma_start3A_1186 = arith.constant 0 : i32
      %dma_start3A_1187 = arith.constant 0 : i32
      %dma_start3A_1188 = tpu.memref_slice %arg9[%dma_start3A_1183, %dma_start3A_1186, %dma_start3A_1187] : memref<10x80x32xf32, #tpu.memory_space<vmem>> -> memref<1x80x32xf32, #tpu.memory_space<vmem>>
      %dma_start3A_1189 = tpu.memref_squeeze %dma_start3A_1188 : memref<1x80x32xf32, #tpu.memory_space<vmem>> -> memref<80x32xf32, #tpu.memory_space<vmem>>
      %dma_start3A_1190 = arith.constant 0 : i32
      %dma_start3A_1191 = tpu.memref_slice %arg8[%dma_start3A_1184, %dma_start3A_1185, %dma_start3A_1190] : memref<10x3x80xi32, #tpu.memory_space<vmem>> -> memref<1x1x80xi32, #tpu.memory_space<vmem>>
      %dma_start3A_1192 = tpu.memref_squeeze %dma_start3A_1191 : memref<1x1x80xi32, #tpu.memory_space<vmem>> -> memref<80xi32, #tpu.memory_space<vmem>>
      %dma_start3A_1193 = arith.constant 0 : i32
      %dma_start3A_1194 = arith.constant 0 : i32
      %dma_start3A_1195 = tpu.memref_slice %arg12[%dma_start3A_1193, %dma_start3A_1194] : memref<10000x32xf32, #tpu.memory_space<vmem_shared>> -> memref<10000x32xf32, #tpu.memory_space<vmem_shared>>
      tpu.enqueue_indirect_dma source(%dma_start3A_1189 : memref<80x32xf32, #tpu.memory_space<vmem>>) target(%dma_start3A_1195 : memref<10000x32xf32, #tpu.memory_space<vmem_shared>>) offsets(%dma_start3A_1192 : memref<80xi32, #tpu.memory_space<vmem>>) semaphore(%arg33 : memref<!tpu.dma_semaphore, #tpu.memory_space<semaphore_mem>>) {add = true}
      %dma_start3A_1196 = arith.constant 9 : i32
      %dma_start3A_1197 = arith.constant 9 : i32
      %dma_start3A_1198 = arith.constant 2 : i32
      %dma_start3A_1199 = arith.constant 0 : i32
      %dma_start3A_1200 = arith.constant 0 : i32
      %dma_start3A_1201 = tpu.memref_slice %arg10[%dma_start3A_1196, %dma_start3A_1199, %dma_start3A_1200] : memref<10x80x16xf32, #tpu.memory_space<vmem>> -> memref<1x80x16xf32, #tpu.memory_space<vmem>>
      %dma_start3A_1202 = tpu.memref_squeeze %dma_start3A_1201 : memref<1x80x16xf32, #tpu.memory_space<vmem>> -> memref<80x16xf32, #tpu.memory_space<vmem>>
      %dma_start3A_1203 = arith.constant 0 : i32
      %dma_start3A_1204 = tpu.memref_slice %arg8[%dma_start3A_1197, %dma_start3A_1198, %dma_start3A_1203] : memref<10x3x80xi32, #tpu.memory_space<vmem>> -> memref<1x1x80xi32, #tpu.memory_space<vmem>>
      %dma_start3A_1205 = tpu.memref_squeeze %dma_start3A_1204 : memref<1x1x80xi32, #tpu.memory_space<vmem>> -> memref<80xi32, #tpu.memory_space<vmem>>
      %dma_start3A_1206 = arith.constant 0 : i32
      %dma_start3A_1207 = arith.constant 0 : i32
      %dma_start3A_1208 = tpu.memref_slice %arg13[%dma_start3A_1206, %dma_start3A_1207] : memref<10000x16xf32, #tpu.memory_space<vmem_shared>> -> memref<10000x16xf32, #tpu.memory_space<vmem_shared>>
      tpu.enqueue_indirect_dma source(%dma_start3A_1202 : memref<80x16xf32, #tpu.memory_space<vmem>>) target(%dma_start3A_1208 : memref<10000x16xf32, #tpu.memory_space<vmem_shared>>) offsets(%dma_start3A_1205 : memref<80xi32, #tpu.memory_space<vmem>>) semaphore(%arg33 : memref<!tpu.dma_semaphore, #tpu.memory_space<semaphore_mem>>) {add = true}
      %dma_wait3A_1209 = arith.constant 0 : i32
      %dma_wait3A_1210 = arith.constant 0 : i32
      %dma_wait3A_1211 = arith.constant 2 : i32
      %dma_wait3A_1212 = arith.constant 0 : i32
      %dma_wait3A_1213 = arith.constant 0 : i32
      %dma_wait3A_1214 = tpu.memref_slice %arg9[%dma_wait3A_1209, %dma_wait3A_1212, %dma_wait3A_1213] : memref<10x80x32xf32, #tpu.memory_space<vmem>> -> memref<1x80x32xf32, #tpu.memory_space<vmem>>
      %dma_wait3A_1215 = tpu.memref_squeeze %dma_wait3A_1214 : memref<1x80x32xf32, #tpu.memory_space<vmem>> -> memref<80x32xf32, #tpu.memory_space<vmem>>
      %dma_wait3A_1216 = arith.constant 0 : i32
      %dma_wait3A_1217 = tpu.memref_slice %arg8[%dma_wait3A_1210, %dma_wait3A_1211, %dma_wait3A_1216] : memref<10x3x80xi32, #tpu.memory_space<vmem>> -> memref<1x1x80xi32, #tpu.memory_space<vmem>>
      %dma_wait3A_1218 = tpu.memref_squeeze %dma_wait3A_1217 : memref<1x1x80xi32, #tpu.memory_space<vmem>> -> memref<80xi32, #tpu.memory_space<vmem>>
      %dma_wait3A_1219 = arith.constant 0 : i32
      %dma_wait3A_1220 = arith.constant 0 : i32
      %dma_wait3A_1221 = tpu.memref_slice %arg12[%dma_wait3A_1219, %dma_wait3A_1220] : memref<10000x32xf32, #tpu.memory_space<vmem_shared>> -> memref<10000x32xf32, #tpu.memory_space<vmem_shared>>
      tpu.wait_indirect_dma semaphore(%arg24 : memref<!tpu.dma_semaphore, #tpu.memory_space<semaphore_mem>>) src(%dma_wait3A_1215 : memref<80x32xf32, #tpu.memory_space<vmem>>) dst(%dma_wait3A_1221 : memref<10000x32xf32, #tpu.memory_space<vmem_shared>>)
      %dma_wait3A_1222 = arith.constant 0 : i32
      %dma_wait3A_1223 = arith.constant 0 : i32
      %dma_wait3A_1224 = arith.constant 2 : i32
      %dma_wait3A_1225 = arith.constant 0 : i32
      %dma_wait3A_1226 = arith.constant 0 : i32
      %dma_wait3A_1227 = tpu.memref_slice %arg10[%dma_wait3A_1222, %dma_wait3A_1225, %dma_wait3A_1226] : memref<10x80x16xf32, #tpu.memory_space<vmem>> -> memref<1x80x16xf32, #tpu.memory_space<vmem>>
      %dma_wait3A_1228 = tpu.memref_squeeze %dma_wait3A_1227 : memref<1x80x16xf32, #tpu.memory_space<vmem>> -> memref<80x16xf32, #tpu.memory_space<vmem>>
      %dma_wait3A_1229 = arith.constant 0 : i32
      %dma_wait3A_1230 = tpu.memref_slice %arg8[%dma_wait3A_1223, %dma_wait3A_1224, %dma_wait3A_1229] : memref<10x3x80xi32, #tpu.memory_space<vmem>> -> memref<1x1x80xi32, #tpu.memory_space<vmem>>
      %dma_wait3A_1231 = tpu.memref_squeeze %dma_wait3A_1230 : memref<1x1x80xi32, #tpu.memory_space<vmem>> -> memref<80xi32, #tpu.memory_space<vmem>>
      %dma_wait3A_1232 = arith.constant 0 : i32
      %dma_wait3A_1233 = arith.constant 0 : i32
      %dma_wait3A_1234 = tpu.memref_slice %arg13[%dma_wait3A_1232, %dma_wait3A_1233] : memref<10000x16xf32, #tpu.memory_space<vmem_shared>> -> memref<10000x16xf32, #tpu.memory_space<vmem_shared>>
      tpu.wait_indirect_dma semaphore(%arg24 : memref<!tpu.dma_semaphore, #tpu.memory_space<semaphore_mem>>) src(%dma_wait3A_1228 : memref<80x16xf32, #tpu.memory_space<vmem>>) dst(%dma_wait3A_1234 : memref<10000x16xf32, #tpu.memory_space<vmem_shared>>)
      %dma_wait3A_1235 = arith.constant 1 : i32
      %dma_wait3A_1236 = arith.constant 1 : i32
      %dma_wait3A_1237 = arith.constant 2 : i32
      %dma_wait3A_1238 = arith.constant 0 : i32
      %dma_wait3A_1239 = arith.constant 0 : i32
      %dma_wait3A_1240 = tpu.memref_slice %arg9[%dma_wait3A_1235, %dma_wait3A_1238, %dma_wait3A_1239] : memref<10x80x32xf32, #tpu.memory_space<vmem>> -> memref<1x80x32xf32, #tpu.memory_space<vmem>>
      %dma_wait3A_1241 = tpu.memref_squeeze %dma_wait3A_1240 : memref<1x80x32xf32, #tpu.memory_space<vmem>> -> memref<80x32xf32, #tpu.memory_space<vmem>>
      %dma_wait3A_1242 = arith.constant 0 : i32
      %dma_wait3A_1243 = tpu.memref_slice %arg8[%dma_wait3A_1236, %dma_wait3A_1237, %dma_wait3A_1242] : memref<10x3x80xi32, #tpu.memory_space<vmem>> -> memref<1x1x80xi32, #tpu.memory_space<vmem>>
      %dma_wait3A_1244 = tpu.memref_squeeze %dma_wait3A_1243 : memref<1x1x80xi32, #tpu.memory_space<vmem>> -> memref<80xi32, #tpu.memory_space<vmem>>
      %dma_wait3A_1245 = arith.constant 0 : i32
      %dma_wait3A_1246 = arith.constant 0 : i32
      %dma_wait3A_1247 = tpu.memref_slice %arg12[%dma_wait3A_1245, %dma_wait3A_1246] : memref<10000x32xf32, #tpu.memory_space<vmem_shared>> -> memref<10000x32xf32, #tpu.memory_space<vmem_shared>>
      tpu.wait_indirect_dma semaphore(%arg25 : memref<!tpu.dma_semaphore, #tpu.memory_space<semaphore_mem>>) src(%dma_wait3A_1241 : memref<80x32xf32, #tpu.memory_space<vmem>>) dst(%dma_wait3A_1247 : memref<10000x32xf32, #tpu.memory_space<vmem_shared>>)
      %dma_wait3A_1248 = arith.constant 1 : i32
      %dma_wait3A_1249 = arith.constant 1 : i32
      %dma_wait3A_1250 = arith.constant 2 : i32
      %dma_wait3A_1251 = arith.constant 0 : i32
      %dma_wait3A_1252 = arith.constant 0 : i32
      %dma_wait3A_1253 = tpu.memref_slice %arg10[%dma_wait3A_1248, %dma_wait3A_1251, %dma_wait3A_1252] : memref<10x80x16xf32, #tpu.memory_space<vmem>> -> memref<1x80x16xf32, #tpu.memory_space<vmem>>
      %dma_wait3A_1254 = tpu.memref_squeeze %dma_wait3A_1253 : memref<1x80x16xf32, #tpu.memory_space<vmem>> -> memref<80x16xf32, #tpu.memory_space<vmem>>
      %dma_wait3A_1255 = arith.constant 0 : i32
      %dma_wait3A_1256 = tpu.memref_slice %arg8[%dma_wait3A_1249, %dma_wait3A_1250, %dma_wait3A_1255] : memref<10x3x80xi32, #tpu.memory_space<vmem>> -> memref<1x1x80xi32, #tpu.memory_space<vmem>>
      %dma_wait3A_1257 = tpu.memref_squeeze %dma_wait3A_1256 : memref<1x1x80xi32, #tpu.memory_space<vmem>> -> memref<80xi32, #tpu.memory_space<vmem>>
      %dma_wait3A_1258 = arith.constant 0 : i32
      %dma_wait3A_1259 = arith.constant 0 : i32
      %dma_wait3A_1260 = tpu.memref_slice %arg13[%dma_wait3A_1258, %dma_wait3A_1259] : memref<10000x16xf32, #tpu.memory_space<vmem_shared>> -> memref<10000x16xf32, #tpu.memory_space<vmem_shared>>
      tpu.wait_indirect_dma semaphore(%arg25 : memref<!tpu.dma_semaphore, #tpu.memory_space<semaphore_mem>>) src(%dma_wait3A_1254 : memref<80x16xf32, #tpu.memory_space<vmem>>) dst(%dma_wait3A_1260 : memref<10000x16xf32, #tpu.memory_space<vmem_shared>>)
      %dma_wait3A_1261 = arith.constant 2 : i32
      %dma_wait3A_1262 = arith.constant 2 : i32
      %dma_wait3A_1263 = arith.constant 2 : i32
      %dma_wait3A_1264 = arith.constant 0 : i32
      %dma_wait3A_1265 = arith.constant 0 : i32
      %dma_wait3A_1266 = tpu.memref_slice %arg9[%dma_wait3A_1261, %dma_wait3A_1264, %dma_wait3A_1265] : memref<10x80x32xf32, #tpu.memory_space<vmem>> -> memref<1x80x32xf32, #tpu.memory_space<vmem>>
      %dma_wait3A_1267 = tpu.memref_squeeze %dma_wait3A_1266 : memref<1x80x32xf32, #tpu.memory_space<vmem>> -> memref<80x32xf32, #tpu.memory_space<vmem>>
      %dma_wait3A_1268 = arith.constant 0 : i32
      %dma_wait3A_1269 = tpu.memref_slice %arg8[%dma_wait3A_1262, %dma_wait3A_1263, %dma_wait3A_1268] : memref<10x3x80xi32, #tpu.memory_space<vmem>> -> memref<1x1x80xi32, #tpu.memory_space<vmem>>
      %dma_wait3A_1270 = tpu.memref_squeeze %dma_wait3A_1269 : memref<1x1x80xi32, #tpu.memory_space<vmem>> -> memref<80xi32, #tpu.memory_space<vmem>>
      %dma_wait3A_1271 = arith.constant 0 : i32
      %dma_wait3A_1272 = arith.constant 0 : i32
      %dma_wait3A_1273 = tpu.memref_slice %arg12[%dma_wait3A_1271, %dma_wait3A_1272] : memref<10000x32xf32, #tpu.memory_space<vmem_shared>> -> memref<10000x32xf32, #tpu.memory_space<vmem_shared>>
      tpu.wait_indirect_dma semaphore(%arg26 : memref<!tpu.dma_semaphore, #tpu.memory_space<semaphore_mem>>) src(%dma_wait3A_1267 : memref<80x32xf32, #tpu.memory_space<vmem>>) dst(%dma_wait3A_1273 : memref<10000x32xf32, #tpu.memory_space<vmem_shared>>)
      %dma_wait3A_1274 = arith.constant 2 : i32
      %dma_wait3A_1275 = arith.constant 2 : i32
      %dma_wait3A_1276 = arith.constant 2 : i32
      %dma_wait3A_1277 = arith.constant 0 : i32
      %dma_wait3A_1278 = arith.constant 0 : i32
      %dma_wait3A_1279 = tpu.memref_slice %arg10[%dma_wait3A_1274, %dma_wait3A_1277, %dma_wait3A_1278] : memref<10x80x16xf32, #tpu.memory_space<vmem>> -> memref<1x80x16xf32, #tpu.memory_space<vmem>>
      %dma_wait3A_1280 = tpu.memref_squeeze %dma_wait3A_1279 : memref<1x80x16xf32, #tpu.memory_space<vmem>> -> memref<80x16xf32, #tpu.memory_space<vmem>>
      %dma_wait3A_1281 = arith.constant 0 : i32
      %dma_wait3A_1282 = tpu.memref_slice %arg8[%dma_wait3A_1275, %dma_wait3A_1276, %dma_wait3A_1281] : memref<10x3x80xi32, #tpu.memory_space<vmem>> -> memref<1x1x80xi32, #tpu.memory_space<vmem>>
      %dma_wait3A_1283 = tpu.memref_squeeze %dma_wait3A_1282 : memref<1x1x80xi32, #tpu.memory_space<vmem>> -> memref<80xi32, #tpu.memory_space<vmem>>
      %dma_wait3A_1284 = arith.constant 0 : i32
      %dma_wait3A_1285 = arith.constant 0 : i32
      %dma_wait3A_1286 = tpu.memref_slice %arg13[%dma_wait3A_1284, %dma_wait3A_1285] : memref<10000x16xf32, #tpu.memory_space<vmem_shared>> -> memref<10000x16xf32, #tpu.memory_space<vmem_shared>>
      tpu.wait_indirect_dma semaphore(%arg26 : memref<!tpu.dma_semaphore, #tpu.memory_space<semaphore_mem>>) src(%dma_wait3A_1280 : memref<80x16xf32, #tpu.memory_space<vmem>>) dst(%dma_wait3A_1286 : memref<10000x16xf32, #tpu.memory_space<vmem_shared>>)
      %dma_wait3A_1287 = arith.constant 3 : i32
      %dma_wait3A_1288 = arith.constant 3 : i32
      %dma_wait3A_1289 = arith.constant 2 : i32
      %dma_wait3A_1290 = arith.constant 0 : i32
      %dma_wait3A_1291 = arith.constant 0 : i32
      %dma_wait3A_1292 = tpu.memref_slice %arg9[%dma_wait3A_1287, %dma_wait3A_1290, %dma_wait3A_1291] : memref<10x80x32xf32, #tpu.memory_space<vmem>> -> memref<1x80x32xf32, #tpu.memory_space<vmem>>
      %dma_wait3A_1293 = tpu.memref_squeeze %dma_wait3A_1292 : memref<1x80x32xf32, #tpu.memory_space<vmem>> -> memref<80x32xf32, #tpu.memory_space<vmem>>
      %dma_wait3A_1294 = arith.constant 0 : i32
      %dma_wait3A_1295 = tpu.memref_slice %arg8[%dma_wait3A_1288, %dma_wait3A_1289, %dma_wait3A_1294] : memref<10x3x80xi32, #tpu.memory_space<vmem>> -> memref<1x1x80xi32, #tpu.memory_space<vmem>>
      %dma_wait3A_1296 = tpu.memref_squeeze %dma_wait3A_1295 : memref<1x1x80xi32, #tpu.memory_space<vmem>> -> memref<80xi32, #tpu.memory_space<vmem>>
      %dma_wait3A_1297 = arith.constant 0 : i32
      %dma_wait3A_1298 = arith.constant 0 : i32
      %dma_wait3A_1299 = tpu.memref_slice %arg12[%dma_wait3A_1297, %dma_wait3A_1298] : memref<10000x32xf32, #tpu.memory_space<vmem_shared>> -> memref<10000x32xf32, #tpu.memory_space<vmem_shared>>
      tpu.wait_indirect_dma semaphore(%arg27 : memref<!tpu.dma_semaphore, #tpu.memory_space<semaphore_mem>>) src(%dma_wait3A_1293 : memref<80x32xf32, #tpu.memory_space<vmem>>) dst(%dma_wait3A_1299 : memref<10000x32xf32, #tpu.memory_space<vmem_shared>>)
      %dma_wait3A_1300 = arith.constant 3 : i32
      %dma_wait3A_1301 = arith.constant 3 : i32
      %dma_wait3A_1302 = arith.constant 2 : i32
      %dma_wait3A_1303 = arith.constant 0 : i32
      %dma_wait3A_1304 = arith.constant 0 : i32
      %dma_wait3A_1305 = tpu.memref_slice %arg10[%dma_wait3A_1300, %dma_wait3A_1303, %dma_wait3A_1304] : memref<10x80x16xf32, #tpu.memory_space<vmem>> -> memref<1x80x16xf32, #tpu.memory_space<vmem>>
      %dma_wait3A_1306 = tpu.memref_squeeze %dma_wait3A_1305 : memref<1x80x16xf32, #tpu.memory_space<vmem>> -> memref<80x16xf32, #tpu.memory_space<vmem>>
      %dma_wait3A_1307 = arith.constant 0 : i32
      %dma_wait3A_1308 = tpu.memref_slice %arg8[%dma_wait3A_1301, %dma_wait3A_1302, %dma_wait3A_1307] : memref<10x3x80xi32, #tpu.memory_space<vmem>> -> memref<1x1x80xi32, #tpu.memory_space<vmem>>
      %dma_wait3A_1309 = tpu.memref_squeeze %dma_wait3A_1308 : memref<1x1x80xi32, #tpu.memory_space<vmem>> -> memref<80xi32, #tpu.memory_space<vmem>>
      %dma_wait3A_1310 = arith.constant 0 : i32
      %dma_wait3A_1311 = arith.constant 0 : i32
      %dma_wait3A_1312 = tpu.memref_slice %arg13[%dma_wait3A_1310, %dma_wait3A_1311] : memref<10000x16xf32, #tpu.memory_space<vmem_shared>> -> memref<10000x16xf32, #tpu.memory_space<vmem_shared>>
      tpu.wait_indirect_dma semaphore(%arg27 : memref<!tpu.dma_semaphore, #tpu.memory_space<semaphore_mem>>) src(%dma_wait3A_1306 : memref<80x16xf32, #tpu.memory_space<vmem>>) dst(%dma_wait3A_1312 : memref<10000x16xf32, #tpu.memory_space<vmem_shared>>)
      %dma_wait3A_1313 = arith.constant 4 : i32
      %dma_wait3A_1314 = arith.constant 4 : i32
      %dma_wait3A_1315 = arith.constant 2 : i32
      %dma_wait3A_1316 = arith.constant 0 : i32
      %dma_wait3A_1317 = arith.constant 0 : i32
      %dma_wait3A_1318 = tpu.memref_slice %arg9[%dma_wait3A_1313, %dma_wait3A_1316, %dma_wait3A_1317] : memref<10x80x32xf32, #tpu.memory_space<vmem>> -> memref<1x80x32xf32, #tpu.memory_space<vmem>>
      %dma_wait3A_1319 = tpu.memref_squeeze %dma_wait3A_1318 : memref<1x80x32xf32, #tpu.memory_space<vmem>> -> memref<80x32xf32, #tpu.memory_space<vmem>>
      %dma_wait3A_1320 = arith.constant 0 : i32
      %dma_wait3A_1321 = tpu.memref_slice %arg8[%dma_wait3A_1314, %dma_wait3A_1315, %dma_wait3A_1320] : memref<10x3x80xi32, #tpu.memory_space<vmem>> -> memref<1x1x80xi32, #tpu.memory_space<vmem>>
      %dma_wait3A_1322 = tpu.memref_squeeze %dma_wait3A_1321 : memref<1x1x80xi32, #tpu.memory_space<vmem>> -> memref<80xi32, #tpu.memory_space<vmem>>
      %dma_wait3A_1323 = arith.constant 0 : i32
      %dma_wait3A_1324 = arith.constant 0 : i32
      %dma_wait3A_1325 = tpu.memref_slice %arg12[%dma_wait3A_1323, %dma_wait3A_1324] : memref<10000x32xf32, #tpu.memory_space<vmem_shared>> -> memref<10000x32xf32, #tpu.memory_space<vmem_shared>>
      tpu.wait_indirect_dma semaphore(%arg28 : memref<!tpu.dma_semaphore, #tpu.memory_space<semaphore_mem>>) src(%dma_wait3A_1319 : memref<80x32xf32, #tpu.memory_space<vmem>>) dst(%dma_wait3A_1325 : memref<10000x32xf32, #tpu.memory_space<vmem_shared>>)
      %dma_wait3A_1326 = arith.constant 4 : i32
      %dma_wait3A_1327 = arith.constant 4 : i32
      %dma_wait3A_1328 = arith.constant 2 : i32
      %dma_wait3A_1329 = arith.constant 0 : i32
      %dma_wait3A_1330 = arith.constant 0 : i32
      %dma_wait3A_1331 = tpu.memref_slice %arg10[%dma_wait3A_1326, %dma_wait3A_1329, %dma_wait3A_1330] : memref<10x80x16xf32, #tpu.memory_space<vmem>> -> memref<1x80x16xf32, #tpu.memory_space<vmem>>
      %dma_wait3A_1332 = tpu.memref_squeeze %dma_wait3A_1331 : memref<1x80x16xf32, #tpu.memory_space<vmem>> -> memref<80x16xf32, #tpu.memory_space<vmem>>
      %dma_wait3A_1333 = arith.constant 0 : i32
      %dma_wait3A_1334 = tpu.memref_slice %arg8[%dma_wait3A_1327, %dma_wait3A_1328, %dma_wait3A_1333] : memref<10x3x80xi32, #tpu.memory_space<vmem>> -> memref<1x1x80xi32, #tpu.memory_space<vmem>>
      %dma_wait3A_1335 = tpu.memref_squeeze %dma_wait3A_1334 : memref<1x1x80xi32, #tpu.memory_space<vmem>> -> memref<80xi32, #tpu.memory_space<vmem>>
      %dma_wait3A_1336 = arith.constant 0 : i32
      %dma_wait3A_1337 = arith.constant 0 : i32
      %dma_wait3A_1338 = tpu.memref_slice %arg13[%dma_wait3A_1336, %dma_wait3A_1337] : memref<10000x16xf32, #tpu.memory_space<vmem_shared>> -> memref<10000x16xf32, #tpu.memory_space<vmem_shared>>
      tpu.wait_indirect_dma semaphore(%arg28 : memref<!tpu.dma_semaphore, #tpu.memory_space<semaphore_mem>>) src(%dma_wait3A_1332 : memref<80x16xf32, #tpu.memory_space<vmem>>) dst(%dma_wait3A_1338 : memref<10000x16xf32, #tpu.memory_space<vmem_shared>>)
      %dma_wait3A_1339 = arith.constant 5 : i32
      %dma_wait3A_1340 = arith.constant 5 : i32
      %dma_wait3A_1341 = arith.constant 2 : i32
      %dma_wait3A_1342 = arith.constant 0 : i32
      %dma_wait3A_1343 = arith.constant 0 : i32
      %dma_wait3A_1344 = tpu.memref_slice %arg9[%dma_wait3A_1339, %dma_wait3A_1342, %dma_wait3A_1343] : memref<10x80x32xf32, #tpu.memory_space<vmem>> -> memref<1x80x32xf32, #tpu.memory_space<vmem>>
      %dma_wait3A_1345 = tpu.memref_squeeze %dma_wait3A_1344 : memref<1x80x32xf32, #tpu.memory_space<vmem>> -> memref<80x32xf32, #tpu.memory_space<vmem>>
      %dma_wait3A_1346 = arith.constant 0 : i32
      %dma_wait3A_1347 = tpu.memref_slice %arg8[%dma_wait3A_1340, %dma_wait3A_1341, %dma_wait3A_1346] : memref<10x3x80xi32, #tpu.memory_space<vmem>> -> memref<1x1x80xi32, #tpu.memory_space<vmem>>
      %dma_wait3A_1348 = tpu.memref_squeeze %dma_wait3A_1347 : memref<1x1x80xi32, #tpu.memory_space<vmem>> -> memref<80xi32, #tpu.memory_space<vmem>>
      %dma_wait3A_1349 = arith.constant 0 : i32
      %dma_wait3A_1350 = arith.constant 0 : i32
      %dma_wait3A_1351 = tpu.memref_slice %arg12[%dma_wait3A_1349, %dma_wait3A_1350] : memref<10000x32xf32, #tpu.memory_space<vmem_shared>> -> memref<10000x32xf32, #tpu.memory_space<vmem_shared>>
      tpu.wait_indirect_dma semaphore(%arg29 : memref<!tpu.dma_semaphore, #tpu.memory_space<semaphore_mem>>) src(%dma_wait3A_1345 : memref<80x32xf32, #tpu.memory_space<vmem>>) dst(%dma_wait3A_1351 : memref<10000x32xf32, #tpu.memory_space<vmem_shared>>)
      %dma_wait3A_1352 = arith.constant 5 : i32
      %dma_wait3A_1353 = arith.constant 5 : i32
      %dma_wait3A_1354 = arith.constant 2 : i32
      %dma_wait3A_1355 = arith.constant 0 : i32
      %dma_wait3A_1356 = arith.constant 0 : i32
      %dma_wait3A_1357 = tpu.memref_slice %arg10[%dma_wait3A_1352, %dma_wait3A_1355, %dma_wait3A_1356] : memref<10x80x16xf32, #tpu.memory_space<vmem>> -> memref<1x80x16xf32, #tpu.memory_space<vmem>>
      %dma_wait3A_1358 = tpu.memref_squeeze %dma_wait3A_1357 : memref<1x80x16xf32, #tpu.memory_space<vmem>> -> memref<80x16xf32, #tpu.memory_space<vmem>>
      %dma_wait3A_1359 = arith.constant 0 : i32
      %dma_wait3A_1360 = tpu.memref_slice %arg8[%dma_wait3A_1353, %dma_wait3A_1354, %dma_wait3A_1359] : memref<10x3x80xi32, #tpu.memory_space<vmem>> -> memref<1x1x80xi32, #tpu.memory_space<vmem>>
      %dma_wait3A_1361 = tpu.memref_squeeze %dma_wait3A_1360 : memref<1x1x80xi32, #tpu.memory_space<vmem>> -> memref<80xi32, #tpu.memory_space<vmem>>
      %dma_wait3A_1362 = arith.constant 0 : i32
      %dma_wait3A_1363 = arith.constant 0 : i32
      %dma_wait3A_1364 = tpu.memref_slice %arg13[%dma_wait3A_1362, %dma_wait3A_1363] : memref<10000x16xf32, #tpu.memory_space<vmem_shared>> -> memref<10000x16xf32, #tpu.memory_space<vmem_shared>>
      tpu.wait_indirect_dma semaphore(%arg29 : memref<!tpu.dma_semaphore, #tpu.memory_space<semaphore_mem>>) src(%dma_wait3A_1358 : memref<80x16xf32, #tpu.memory_space<vmem>>) dst(%dma_wait3A_1364 : memref<10000x16xf32, #tpu.memory_space<vmem_shared>>)
      %dma_wait3A_1365 = arith.constant 6 : i32
      %dma_wait3A_1366 = arith.constant 6 : i32
      %dma_wait3A_1367 = arith.constant 2 : i32
      %dma_wait3A_1368 = arith.constant 0 : i32
      %dma_wait3A_1369 = arith.constant 0 : i32
      %dma_wait3A_1370 = tpu.memref_slice %arg9[%dma_wait3A_1365, %dma_wait3A_1368, %dma_wait3A_1369] : memref<10x80x32xf32, #tpu.memory_space<vmem>> -> memref<1x80x32xf32, #tpu.memory_space<vmem>>
      %dma_wait3A_1371 = tpu.memref_squeeze %dma_wait3A_1370 : memref<1x80x32xf32, #tpu.memory_space<vmem>> -> memref<80x32xf32, #tpu.memory_space<vmem>>
      %dma_wait3A_1372 = arith.constant 0 : i32
      %dma_wait3A_1373 = tpu.memref_slice %arg8[%dma_wait3A_1366, %dma_wait3A_1367, %dma_wait3A_1372] : memref<10x3x80xi32, #tpu.memory_space<vmem>> -> memref<1x1x80xi32, #tpu.memory_space<vmem>>
      %dma_wait3A_1374 = tpu.memref_squeeze %dma_wait3A_1373 : memref<1x1x80xi32, #tpu.memory_space<vmem>> -> memref<80xi32, #tpu.memory_space<vmem>>
      %dma_wait3A_1375 = arith.constant 0 : i32
      %dma_wait3A_1376 = arith.constant 0 : i32
      %dma_wait3A_1377 = tpu.memref_slice %arg12[%dma_wait3A_1375, %dma_wait3A_1376] : memref<10000x32xf32, #tpu.memory_space<vmem_shared>> -> memref<10000x32xf32, #tpu.memory_space<vmem_shared>>
      tpu.wait_indirect_dma semaphore(%arg30 : memref<!tpu.dma_semaphore, #tpu.memory_space<semaphore_mem>>) src(%dma_wait3A_1371 : memref<80x32xf32, #tpu.memory_space<vmem>>) dst(%dma_wait3A_1377 : memref<10000x32xf32, #tpu.memory_space<vmem_shared>>)
      %dma_wait3A_1378 = arith.constant 6 : i32
      %dma_wait3A_1379 = arith.constant 6 : i32
      %dma_wait3A_1380 = arith.constant 2 : i32
      %dma_wait3A_1381 = arith.constant 0 : i32
      %dma_wait3A_1382 = arith.constant 0 : i32
      %dma_wait3A_1383 = tpu.memref_slice %arg10[%dma_wait3A_1378, %dma_wait3A_1381, %dma_wait3A_1382] : memref<10x80x16xf32, #tpu.memory_space<vmem>> -> memref<1x80x16xf32, #tpu.memory_space<vmem>>
      %dma_wait3A_1384 = tpu.memref_squeeze %dma_wait3A_1383 : memref<1x80x16xf32, #tpu.memory_space<vmem>> -> memref<80x16xf32, #tpu.memory_space<vmem>>
      %dma_wait3A_1385 = arith.constant 0 : i32
      %dma_wait3A_1386 = tpu.memref_slice %arg8[%dma_wait3A_1379, %dma_wait3A_1380, %dma_wait3A_1385] : memref<10x3x80xi32, #tpu.memory_space<vmem>> -> memref<1x1x80xi32, #tpu.memory_space<vmem>>
      %dma_wait3A_1387 = tpu.memref_squeeze %dma_wait3A_1386 : memref<1x1x80xi32, #tpu.memory_space<vmem>> -> memref<80xi32, #tpu.memory_space<vmem>>
      %dma_wait3A_1388 = arith.constant 0 : i32
      %dma_wait3A_1389 = arith.constant 0 : i32
      %dma_wait3A_1390 = tpu.memref_slice %arg13[%dma_wait3A_1388, %dma_wait3A_1389] : memref<10000x16xf32, #tpu.memory_space<vmem_shared>> -> memref<10000x16xf32, #tpu.memory_space<vmem_shared>>
      tpu.wait_indirect_dma semaphore(%arg30 : memref<!tpu.dma_semaphore, #tpu.memory_space<semaphore_mem>>) src(%dma_wait3A_1384 : memref<80x16xf32, #tpu.memory_space<vmem>>) dst(%dma_wait3A_1390 : memref<10000x16xf32, #tpu.memory_space<vmem_shared>>)
      %dma_wait3A_1391 = arith.constant 7 : i32
      %dma_wait3A_1392 = arith.constant 7 : i32
      %dma_wait3A_1393 = arith.constant 2 : i32
      %dma_wait3A_1394 = arith.constant 0 : i32
      %dma_wait3A_1395 = arith.constant 0 : i32
      %dma_wait3A_1396 = tpu.memref_slice %arg9[%dma_wait3A_1391, %dma_wait3A_1394, %dma_wait3A_1395] : memref<10x80x32xf32, #tpu.memory_space<vmem>> -> memref<1x80x32xf32, #tpu.memory_space<vmem>>
      %dma_wait3A_1397 = tpu.memref_squeeze %dma_wait3A_1396 : memref<1x80x32xf32, #tpu.memory_space<vmem>> -> memref<80x32xf32, #tpu.memory_space<vmem>>
      %dma_wait3A_1398 = arith.constant 0 : i32
      %dma_wait3A_1399 = tpu.memref_slice %arg8[%dma_wait3A_1392, %dma_wait3A_1393, %dma_wait3A_1398] : memref<10x3x80xi32, #tpu.memory_space<vmem>> -> memref<1x1x80xi32, #tpu.memory_space<vmem>>
      %dma_wait3A_1400 = tpu.memref_squeeze %dma_wait3A_1399 : memref<1x1x80xi32, #tpu.memory_space<vmem>> -> memref<80xi32, #tpu.memory_space<vmem>>
      %dma_wait3A_1401 = arith.constant 0 : i32
      %dma_wait3A_1402 = arith.constant 0 : i32
      %dma_wait3A_1403 = tpu.memref_slice %arg12[%dma_wait3A_1401, %dma_wait3A_1402] : memref<10000x32xf32, #tpu.memory_space<vmem_shared>> -> memref<10000x32xf32, #tpu.memory_space<vmem_shared>>
      tpu.wait_indirect_dma semaphore(%arg31 : memref<!tpu.dma_semaphore, #tpu.memory_space<semaphore_mem>>) src(%dma_wait3A_1397 : memref<80x32xf32, #tpu.memory_space<vmem>>) dst(%dma_wait3A_1403 : memref<10000x32xf32, #tpu.memory_space<vmem_shared>>)
      %dma_wait3A_1404 = arith.constant 7 : i32
      %dma_wait3A_1405 = arith.constant 7 : i32
      %dma_wait3A_1406 = arith.constant 2 : i32
      %dma_wait3A_1407 = arith.constant 0 : i32
      %dma_wait3A_1408 = arith.constant 0 : i32
      %dma_wait3A_1409 = tpu.memref_slice %arg10[%dma_wait3A_1404, %dma_wait3A_1407, %dma_wait3A_1408] : memref<10x80x16xf32, #tpu.memory_space<vmem>> -> memref<1x80x16xf32, #tpu.memory_space<vmem>>
      %dma_wait3A_1410 = tpu.memref_squeeze %dma_wait3A_1409 : memref<1x80x16xf32, #tpu.memory_space<vmem>> -> memref<80x16xf32, #tpu.memory_space<vmem>>
      %dma_wait3A_1411 = arith.constant 0 : i32
      %dma_wait3A_1412 = tpu.memref_slice %arg8[%dma_wait3A_1405, %dma_wait3A_1406, %dma_wait3A_1411] : memref<10x3x80xi32, #tpu.memory_space<vmem>> -> memref<1x1x80xi32, #tpu.memory_space<vmem>>
      %dma_wait3A_1413 = tpu.memref_squeeze %dma_wait3A_1412 : memref<1x1x80xi32, #tpu.memory_space<vmem>> -> memref<80xi32, #tpu.memory_space<vmem>>
      %dma_wait3A_1414 = arith.constant 0 : i32
      %dma_wait3A_1415 = arith.constant 0 : i32
      %dma_wait3A_1416 = tpu.memref_slice %arg13[%dma_wait3A_1414, %dma_wait3A_1415] : memref<10000x16xf32, #tpu.memory_space<vmem_shared>> -> memref<10000x16xf32, #tpu.memory_space<vmem_shared>>
      tpu.wait_indirect_dma semaphore(%arg31 : memref<!tpu.dma_semaphore, #tpu.memory_space<semaphore_mem>>) src(%dma_wait3A_1410 : memref<80x16xf32, #tpu.memory_space<vmem>>) dst(%dma_wait3A_1416 : memref<10000x16xf32, #tpu.memory_space<vmem_shared>>)
      %dma_wait3A_1417 = arith.constant 8 : i32
      %dma_wait3A_1418 = arith.constant 8 : i32
      %dma_wait3A_1419 = arith.constant 2 : i32
      %dma_wait3A_1420 = arith.constant 0 : i32
      %dma_wait3A_1421 = arith.constant 0 : i32
      %dma_wait3A_1422 = tpu.memref_slice %arg9[%dma_wait3A_1417, %dma_wait3A_1420, %dma_wait3A_1421] : memref<10x80x32xf32, #tpu.memory_space<vmem>> -> memref<1x80x32xf32, #tpu.memory_space<vmem>>
      %dma_wait3A_1423 = tpu.memref_squeeze %dma_wait3A_1422 : memref<1x80x32xf32, #tpu.memory_space<vmem>> -> memref<80x32xf32, #tpu.memory_space<vmem>>
      %dma_wait3A_1424 = arith.constant 0 : i32
      %dma_wait3A_1425 = tpu.memref_slice %arg8[%dma_wait3A_1418, %dma_wait3A_1419, %dma_wait3A_1424] : memref<10x3x80xi32, #tpu.memory_space<vmem>> -> memref<1x1x80xi32, #tpu.memory_space<vmem>>
      %dma_wait3A_1426 = tpu.memref_squeeze %dma_wait3A_1425 : memref<1x1x80xi32, #tpu.memory_space<vmem>> -> memref<80xi32, #tpu.memory_space<vmem>>
      %dma_wait3A_1427 = arith.constant 0 : i32
      %dma_wait3A_1428 = arith.constant 0 : i32
      %dma_wait3A_1429 = tpu.memref_slice %arg12[%dma_wait3A_1427, %dma_wait3A_1428] : memref<10000x32xf32, #tpu.memory_space<vmem_shared>> -> memref<10000x32xf32, #tpu.memory_space<vmem_shared>>
      tpu.wait_indirect_dma semaphore(%arg32 : memref<!tpu.dma_semaphore, #tpu.memory_space<semaphore_mem>>) src(%dma_wait3A_1423 : memref<80x32xf32, #tpu.memory_space<vmem>>) dst(%dma_wait3A_1429 : memref<10000x32xf32, #tpu.memory_space<vmem_shared>>)
      %dma_wait3A_1430 = arith.constant 8 : i32
      %dma_wait3A_1431 = arith.constant 8 : i32
      %dma_wait3A_1432 = arith.constant 2 : i32
      %dma_wait3A_1433 = arith.constant 0 : i32
      %dma_wait3A_1434 = arith.constant 0 : i32
      %dma_wait3A_1435 = tpu.memref_slice %arg10[%dma_wait3A_1430, %dma_wait3A_1433, %dma_wait3A_1434] : memref<10x80x16xf32, #tpu.memory_space<vmem>> -> memref<1x80x16xf32, #tpu.memory_space<vmem>>
      %dma_wait3A_1436 = tpu.memref_squeeze %dma_wait3A_1435 : memref<1x80x16xf32, #tpu.memory_space<vmem>> -> memref<80x16xf32, #tpu.memory_space<vmem>>
      %dma_wait3A_1437 = arith.constant 0 : i32
      %dma_wait3A_1438 = tpu.memref_slice %arg8[%dma_wait3A_1431, %dma_wait3A_1432, %dma_wait3A_1437] : memref<10x3x80xi32, #tpu.memory_space<vmem>> -> memref<1x1x80xi32, #tpu.memory_space<vmem>>
      %dma_wait3A_1439 = tpu.memref_squeeze %dma_wait3A_1438 : memref<1x1x80xi32, #tpu.memory_space<vmem>> -> memref<80xi32, #tpu.memory_space<vmem>>
      %dma_wait3A_1440 = arith.constant 0 : i32
      %dma_wait3A_1441 = arith.constant 0 : i32
      %dma_wait3A_1442 = tpu.memref_slice %arg13[%dma_wait3A_1440, %dma_wait3A_1441] : memref<10000x16xf32, #tpu.memory_space<vmem_shared>> -> memref<10000x16xf32, #tpu.memory_space<vmem_shared>>
      tpu.wait_indirect_dma semaphore(%arg32 : memref<!tpu.dma_semaphore, #tpu.memory_space<semaphore_mem>>) src(%dma_wait3A_1436 : memref<80x16xf32, #tpu.memory_space<vmem>>) dst(%dma_wait3A_1442 : memref<10000x16xf32, #tpu.memory_space<vmem_shared>>)
      %dma_wait3A_1443 = arith.constant 9 : i32
      %dma_wait3A_1444 = arith.constant 9 : i32
      %dma_wait3A_1445 = arith.constant 2 : i32
      %dma_wait3A_1446 = arith.constant 0 : i32
      %dma_wait3A_1447 = arith.constant 0 : i32
      %dma_wait3A_1448 = tpu.memref_slice %arg9[%dma_wait3A_1443, %dma_wait3A_1446, %dma_wait3A_1447] : memref<10x80x32xf32, #tpu.memory_space<vmem>> -> memref<1x80x32xf32, #tpu.memory_space<vmem>>
      %dma_wait3A_1449 = tpu.memref_squeeze %dma_wait3A_1448 : memref<1x80x32xf32, #tpu.memory_space<vmem>> -> memref<80x32xf32, #tpu.memory_space<vmem>>
      %dma_wait3A_1450 = arith.constant 0 : i32
      %dma_wait3A_1451 = tpu.memref_slice %arg8[%dma_wait3A_1444, %dma_wait3A_1445, %dma_wait3A_1450] : memref<10x3x80xi32, #tpu.memory_space<vmem>> -> memref<1x1x80xi32, #tpu.memory_space<vmem>>
      %dma_wait3A_1452 = tpu.memref_squeeze %dma_wait3A_1451 : memref<1x1x80xi32, #tpu.memory_space<vmem>> -> memref<80xi32, #tpu.memory_space<vmem>>
      %dma_wait3A_1453 = arith.constant 0 : i32
      %dma_wait3A_1454 = arith.constant 0 : i32
      %dma_wait3A_1455 = tpu.memref_slice %arg12[%dma_wait3A_1453, %dma_wait3A_1454] : memref<10000x32xf32, #tpu.memory_space<vmem_shared>> -> memref<10000x32xf32, #tpu.memory_space<vmem_shared>>
      tpu.wait_indirect_dma semaphore(%arg33 : memref<!tpu.dma_semaphore, #tpu.memory_space<semaphore_mem>>) src(%dma_wait3A_1449 : memref<80x32xf32, #tpu.memory_space<vmem>>) dst(%dma_wait3A_1455 : memref<10000x32xf32, #tpu.memory_space<vmem_shared>>)
      %dma_wait3A_1456 = arith.constant 9 : i32
      %dma_wait3A_1457 = arith.constant 9 : i32
      %dma_wait3A_1458 = arith.constant 2 : i32
      %dma_wait3A_1459 = arith.constant 0 : i32
      %dma_wait3A_1460 = arith.constant 0 : i32
      %dma_wait3A_1461 = tpu.memref_slice %arg10[%dma_wait3A_1456, %dma_wait3A_1459, %dma_wait3A_1460] : memref<10x80x16xf32, #tpu.memory_space<vmem>> -> memref<1x80x16xf32, #tpu.memory_space<vmem>>
      %dma_wait3A_1462 = tpu.memref_squeeze %dma_wait3A_1461 : memref<1x80x16xf32, #tpu.memory_space<vmem>> -> memref<80x16xf32, #tpu.memory_space<vmem>>
      %dma_wait3A_1463 = arith.constant 0 : i32
      %dma_wait3A_1464 = tpu.memref_slice %arg8[%dma_wait3A_1457, %dma_wait3A_1458, %dma_wait3A_1463] : memref<10x3x80xi32, #tpu.memory_space<vmem>> -> memref<1x1x80xi32, #tpu.memory_space<vmem>>
      %dma_wait3A_1465 = tpu.memref_squeeze %dma_wait3A_1464 : memref<1x1x80xi32, #tpu.memory_space<vmem>> -> memref<80xi32, #tpu.memory_space<vmem>>
      %dma_wait3A_1466 = arith.constant 0 : i32
      %dma_wait3A_1467 = arith.constant 0 : i32
      %dma_wait3A_1468 = tpu.memref_slice %arg13[%dma_wait3A_1466, %dma_wait3A_1467] : memref<10000x16xf32, #tpu.memory_space<vmem_shared>> -> memref<10000x16xf32, #tpu.memory_space<vmem_shared>>
      tpu.wait_indirect_dma semaphore(%arg33 : memref<!tpu.dma_semaphore, #tpu.memory_space<semaphore_mem>>) src(%dma_wait3A_1462 : memref<80x16xf32, #tpu.memory_space<vmem>>) dst(%dma_wait3A_1468 : memref<10000x16xf32, #tpu.memory_space<vmem_shared>>)
      %scan3A_1469 = arith.constant 0 : i32
      scf.yield %scan3A_1469 : i32
    }
    %scan3A_29 = arith.constant 25 : i32
    %barrier3A_30 = arith.constant 0 : index
    tpu.barrier barrier_id(%barrier3A_30)
    %mul3A_31 = arith.constant 640 : i32
    %mul3A_32 = arith.muli %arg1, %mul3A_31 : i32
    %lt3A_33 = arith.constant 15 : i32
    %lt3A_34 = arith.cmpi slt, %arg1, %lt3A_33 : i32
    %convert_element_type3A = arith.extui %lt3A_34 : i1 to i32
    %cond3A = arith.constant 0 : i32
    %cond3A_35 = arith.cmpi ne, %convert_element_type3A, %cond3A : i32
    scf.if %cond3A_35 {
      "tpu.region"() ({
        %run_scoped3A = tpu.sem_alloc : memref<!tpu.dma_semaphore, #tpu.memory_space<semaphore_mem>>
        %dma_start3A = arith.constant 0 : i32
        %dma_start3A_40 = tpu.memref_slice %arg6[%arg0, %mul3A_32, %dma_start3A] : memref<2x10000x32xf32, #tpu.memory_space<hbm>> -> memref<1x640x32xf32, #tpu.memory_space<hbm>>
        %dma_start3A_41 = tpu.memref_squeeze %dma_start3A_40 : memref<1x640x32xf32, #tpu.memory_space<hbm>> -> memref<640x32xf32, #tpu.memory_space<hbm>>
        %dma_start3A_42 = arith.constant 0 : i32
        %dma_start3A_43 = tpu.memref_slice %arg12[%mul3A_32, %dma_start3A_42] : memref<10000x32xf32, #tpu.memory_space<vmem_shared>> -> memref<640x32xf32, #tpu.memory_space<vmem_shared>>
        tpu.enqueue_dma source(%dma_start3A_43 : memref<640x32xf32, #tpu.memory_space<vmem_shared>>) target(%dma_start3A_41 : memref<640x32xf32, #tpu.memory_space<hbm>>) target_semaphore(%run_scoped3A : memref<!tpu.dma_semaphore, #tpu.memory_space<semaphore_mem>>)
        %dma_wait3A = arith.constant 0 : i32
        %dma_wait3A_44 = tpu.memref_slice %arg6[%arg0, %mul3A_32, %dma_wait3A] : memref<2x10000x32xf32, #tpu.memory_space<hbm>> -> memref<1x640x32xf32, #tpu.memory_space<hbm>>
        %dma_wait3A_45 = tpu.memref_squeeze %dma_wait3A_44 : memref<1x640x32xf32, #tpu.memory_space<hbm>> -> memref<640x32xf32, #tpu.memory_space<hbm>>
        %dma_wait3A_46 = arith.constant 0 : i32
        %dma_wait3A_47 = tpu.memref_slice %arg12[%mul3A_32, %dma_wait3A_46] : memref<10000x32xf32, #tpu.memory_space<vmem_shared>> -> memref<640x32xf32, #tpu.memory_space<vmem_shared>>
        tpu.wait_dma2 semaphore(%run_scoped3A : memref<!tpu.dma_semaphore, #tpu.memory_space<semaphore_mem>>) src(%dma_wait3A_47 : memref<640x32xf32, #tpu.memory_space<vmem_shared>>) dst(%dma_wait3A_45 : memref<640x32xf32, #tpu.memory_space<hbm>>)
        tpu.yield
      }) : () -> ()
      "tpu.region"() ({
        %run_scoped3A = tpu.sem_alloc : memref<!tpu.dma_semaphore, #tpu.memory_space<semaphore_mem>>
        %dma_start3A = arith.constant 0 : i32
        %dma_start3A_40 = tpu.memref_slice %arg7[%arg0, %mul3A_32, %dma_start3A] : memref<2x10000x16xf32, #tpu.memory_space<hbm>> -> memref<1x640x16xf32, #tpu.memory_space<hbm>>
        %dma_start3A_41 = tpu.memref_squeeze %dma_start3A_40 : memref<1x640x16xf32, #tpu.memory_space<hbm>> -> memref<640x16xf32, #tpu.memory_space<hbm>>
        %dma_start3A_42 = arith.constant 0 : i32
        %dma_start3A_43 = tpu.memref_slice %arg13[%mul3A_32, %dma_start3A_42] : memref<10000x16xf32, #tpu.memory_space<vmem_shared>> -> memref<640x16xf32, #tpu.memory_space<vmem_shared>>
        tpu.enqueue_dma source(%dma_start3A_43 : memref<640x16xf32, #tpu.memory_space<vmem_shared>>) target(%dma_start3A_41 : memref<640x16xf32, #tpu.memory_space<hbm>>) target_semaphore(%run_scoped3A : memref<!tpu.dma_semaphore, #tpu.memory_space<semaphore_mem>>)
        %dma_wait3A = arith.constant 0 : i32
        %dma_wait3A_44 = tpu.memref_slice %arg7[%arg0, %mul3A_32, %dma_wait3A] : memref<2x10000x16xf32, #tpu.memory_space<hbm>> -> memref<1x640x16xf32, #tpu.memory_space<hbm>>
        %dma_wait3A_45 = tpu.memref_squeeze %dma_wait3A_44 : memref<1x640x16xf32, #tpu.memory_space<hbm>> -> memref<640x16xf32, #tpu.memory_space<hbm>>
        %dma_wait3A_46 = arith.constant 0 : i32
        %dma_wait3A_47 = tpu.memref_slice %arg13[%mul3A_32, %dma_wait3A_46] : memref<10000x16xf32, #tpu.memory_space<vmem_shared>> -> memref<640x16xf32, #tpu.memory_space<vmem_shared>>
        tpu.wait_dma2 semaphore(%run_scoped3A : memref<!tpu.dma_semaphore, #tpu.memory_space<semaphore_mem>>) src(%dma_wait3A_47 : memref<640x16xf32, #tpu.memory_space<vmem_shared>>) dst(%dma_wait3A_45 : memref<640x16xf32, #tpu.memory_space<hbm>>)
        tpu.yield
      }) : () -> ()
    } else {
    }
    %eq3A = arith.constant 15 : i32
    %eq3A_36 = arith.cmpi eq, %arg1, %eq3A : i32
    %convert_element_type3A_37 = arith.extui %eq3A_36 : i1 to i32
    %cond3A_38 = arith.constant 0 : i32
    %cond3A_39 = arith.cmpi ne, %convert_element_type3A_37, %cond3A_38 : i32
    scf.if %cond3A_39 {
      "tpu.region"() ({
        %run_scoped3A = tpu.sem_alloc : memref<!tpu.dma_semaphore, #tpu.memory_space<semaphore_mem>>
        %dma_start3A = arith.constant 0 : i32
        %dma_start3A_40 = tpu.memref_slice %arg6[%arg0, %mul3A_32, %dma_start3A] : memref<2x10000x32xf32, #tpu.memory_space<hbm>> -> memref<1x400x32xf32, #tpu.memory_space<hbm>>
        %dma_start3A_41 = tpu.memref_squeeze %dma_start3A_40 : memref<1x400x32xf32, #tpu.memory_space<hbm>> -> memref<400x32xf32, #tpu.memory_space<hbm>>
        %dma_start3A_42 = arith.constant 0 : i32
        %dma_start3A_43 = tpu.memref_slice %arg12[%mul3A_32, %dma_start3A_42] : memref<10000x32xf32, #tpu.memory_space<vmem_shared>> -> memref<400x32xf32, #tpu.memory_space<vmem_shared>>
        tpu.enqueue_dma source(%dma_start3A_43 : memref<400x32xf32, #tpu.memory_space<vmem_shared>>) target(%dma_start3A_41 : memref<400x32xf32, #tpu.memory_space<hbm>>) target_semaphore(%run_scoped3A : memref<!tpu.dma_semaphore, #tpu.memory_space<semaphore_mem>>)
        %dma_wait3A = arith.constant 0 : i32
        %dma_wait3A_44 = tpu.memref_slice %arg6[%arg0, %mul3A_32, %dma_wait3A] : memref<2x10000x32xf32, #tpu.memory_space<hbm>> -> memref<1x400x32xf32, #tpu.memory_space<hbm>>
        %dma_wait3A_45 = tpu.memref_squeeze %dma_wait3A_44 : memref<1x400x32xf32, #tpu.memory_space<hbm>> -> memref<400x32xf32, #tpu.memory_space<hbm>>
        %dma_wait3A_46 = arith.constant 0 : i32
        %dma_wait3A_47 = tpu.memref_slice %arg12[%mul3A_32, %dma_wait3A_46] : memref<10000x32xf32, #tpu.memory_space<vmem_shared>> -> memref<400x32xf32, #tpu.memory_space<vmem_shared>>
        tpu.wait_dma2 semaphore(%run_scoped3A : memref<!tpu.dma_semaphore, #tpu.memory_space<semaphore_mem>>) src(%dma_wait3A_47 : memref<400x32xf32, #tpu.memory_space<vmem_shared>>) dst(%dma_wait3A_45 : memref<400x32xf32, #tpu.memory_space<hbm>>)
        tpu.yield
      }) : () -> ()
      "tpu.region"() ({
        %run_scoped3A = tpu.sem_alloc : memref<!tpu.dma_semaphore, #tpu.memory_space<semaphore_mem>>
        %dma_start3A = arith.constant 0 : i32
        %dma_start3A_40 = tpu.memref_slice %arg7[%arg0, %mul3A_32, %dma_start3A] : memref<2x10000x16xf32, #tpu.memory_space<hbm>> -> memref<1x400x16xf32, #tpu.memory_space<hbm>>
        %dma_start3A_41 = tpu.memref_squeeze %dma_start3A_40 : memref<1x400x16xf32, #tpu.memory_space<hbm>> -> memref<400x16xf32, #tpu.memory_space<hbm>>
        %dma_start3A_42 = arith.constant 0 : i32
        %dma_start3A_43 = tpu.memref_slice %arg13[%mul3A_32, %dma_start3A_42] : memref<10000x16xf32, #tpu.memory_space<vmem_shared>> -> memref<400x16xf32, #tpu.memory_space<vmem_shared>>
        tpu.enqueue_dma source(%dma_start3A_43 : memref<400x16xf32, #tpu.memory_space<vmem_shared>>) target(%dma_start3A_41 : memref<400x16xf32, #tpu.memory_space<hbm>>) target_semaphore(%run_scoped3A : memref<!tpu.dma_semaphore, #tpu.memory_space<semaphore_mem>>)
        %dma_wait3A = arith.constant 0 : i32
        %dma_wait3A_44 = tpu.memref_slice %arg7[%arg0, %mul3A_32, %dma_wait3A] : memref<2x10000x16xf32, #tpu.memory_space<hbm>> -> memref<1x400x16xf32, #tpu.memory_space<hbm>>
        %dma_wait3A_45 = tpu.memref_squeeze %dma_wait3A_44 : memref<1x400x16xf32, #tpu.memory_space<hbm>> -> memref<400x16xf32, #tpu.memory_space<hbm>>
        %dma_wait3A_46 = arith.constant 0 : i32
        %dma_wait3A_47 = tpu.memref_slice %arg13[%mul3A_32, %dma_wait3A_46] : memref<10000x16xf32, #tpu.memory_space<vmem_shared>> -> memref<400x16xf32, #tpu.memory_space<vmem_shared>>
        tpu.wait_dma2 semaphore(%run_scoped3A : memref<!tpu.dma_semaphore, #tpu.memory_space<semaphore_mem>>) src(%dma_wait3A_47 : memref<400x16xf32, #tpu.memory_space<vmem_shared>>) dst(%dma_wait3A_45 : memref<400x16xf32, #tpu.memory_space<hbm>>)
        tpu.yield
      }) : () -> ()
    } else {
    }
    return
  }
}

module attributes {stable_mosaic.version = 14 : i64} {
  func.func @_tc1_body(%arg0: i32, %arg1: i32, %arg2: memref<400x128xf32, #tpu.memory_space<vmem>>, %arg3: memref<128x128xf32, #tpu.memory_space<vmem>>, %arg4: memref<1x128x16xf32, #tpu.memory_space<vmem>>, %arg5: memref<1x128x16xf32, #tpu.memory_space<vmem>>, %arg6: memref<1x400x128xf32, #tpu.memory_space<vmem>>, %arg7: memref<1x400x16xf32, #tpu.memory_space<vmem>>, %arg8: memref<1x400x16xf32, #tpu.memory_space<vmem>>) attributes {dimension_semantics = [#tpu.dimension_semantics<arbitrary>, #tpu.dimension_semantics<arbitrary>], iteration_bounds = array<i64: 2, 25>, scalar_prefetch = 0 : i64, scratch_operands = 0 : i64, tpu.core_type = #tpu.core_type<tc>, window_params = [{transform_indices = @transform_0, window_bounds = array<i64: 400, 128>}, {transform_indices = @transform_1, window_bounds = array<i64: 128, 128>}, {transform_indices = @transform_2, window_bounds = array<i64: 1, 128, 16>}, {transform_indices = @transform_3, window_bounds = array<i64: 1, 128, 16>}, {transform_indices = @transform_4, window_bounds = array<i64: 1, 400, 128>}, {transform_indices = @transform_5, window_bounds = array<i64: 1, 400, 16>}, {transform_indices = @transform_6, window_bounds = array<i64: 1, 400, 16>}]} {
    %get3A = arith.constant 0 : index
    %get3A_0 = arith.constant 0 : index
    %get3A_1 = vector.load %arg2[%get3A, %get3A_0] : memref<400x128xf32, #tpu.memory_space<vmem>>, vector<400x128xf32>
    %get3A_2 = arith.constant 0 : index
    %get3A_3 = arith.constant 0 : index
    %get3A_4 = vector.load %arg3[%get3A_2, %get3A_3] : memref<128x128xf32, #tpu.memory_space<vmem>>, vector<128x128xf32>
    %dot_general3A = arith.constant dense<0.000000e+00> : vector<400x128xf32>
    %dot_general3A_5 = tpu.matmul %get3A_1, %get3A_4, %dot_general3A {dimension_numbers = #tpu.dot_dimension_numbers<[1], [0], [0], [1], [0, 0, 1, 1], [], []>, transpose_lhs_hint = false} : vector<400x128xf32>, vector<128x128xf32>, vector<400x128xf32> -> vector<400x128xf32>
    %swap3A = arith.constant 0 : index
    %swap3A_6 = arith.constant 0 : index
    %swap3A_7 = arith.constant 0 : index
    %swap3A_8 = vector.load %arg6[%swap3A, %swap3A_6, %swap3A_7] : memref<1x400x128xf32, #tpu.memory_space<vmem>>, vector<1x400x128xf32>
    %swap3A_9 = vector.shape_cast %swap3A_8 : vector<1x400x128xf32> to vector<400x128xf32>
    %swap3A_10 = vector.shape_cast %dot_general3A_5 : vector<400x128xf32> to vector<1x400x128xf32>
    tpu.vector_store %arg6[%swap3A, %swap3A_6, %swap3A_7], %swap3A_10 {strides = array<i32>} : memref<1x400x128xf32, #tpu.memory_space<vmem>>, vector<1x400x128xf32>,
    %get3A_11 = arith.constant 0 : index
    %get3A_12 = arith.constant 0 : index
    %get3A_13 = arith.constant 0 : index
    %get3A_14 = vector.load %arg4[%get3A_11, %get3A_12, %get3A_13] : memref<1x128x16xf32, #tpu.memory_space<vmem>>, vector<1x128x16xf32>
    %get3A_15 = vector.shape_cast %get3A_14 : vector<1x128x16xf32> to vector<128x16xf32>
    %dot_general3A_16 = arith.constant dense<0.000000e+00> : vector<400x16xf32>
    %dot_general3A_17 = tpu.matmul %dot_general3A_5, %get3A_15, %dot_general3A_16 {dimension_numbers = #tpu.dot_dimension_numbers<[1], [0], [0], [1], [0, 0, 1, 1], [], []>, transpose_lhs_hint = false} : vector<400x128xf32>, vector<128x16xf32>, vector<400x16xf32> -> vector<400x16xf32>
    %swap3A_18 = arith.constant 0 : index
    %swap3A_19 = arith.constant 0 : index
    %swap3A_20 = arith.constant 0 : index
    %swap3A_21 = vector.load %arg7[%swap3A_18, %swap3A_19, %swap3A_20] : memref<1x400x16xf32, #tpu.memory_space<vmem>>, vector<1x400x16xf32>
    %swap3A_22 = vector.shape_cast %swap3A_21 : vector<1x400x16xf32> to vector<400x16xf32>
    %swap3A_23 = vector.shape_cast %dot_general3A_17 : vector<400x16xf32> to vector<1x400x16xf32>
    tpu.vector_store %arg7[%swap3A_18, %swap3A_19, %swap3A_20], %swap3A_23 {strides = array<i32>} : memref<1x400x16xf32, #tpu.memory_space<vmem>>, vector<1x400x16xf32>,
    %get3A_24 = arith.constant 0 : index
    %get3A_25 = arith.constant 0 : index
    %get3A_26 = arith.constant 0 : index
    %get3A_27 = vector.load %arg5[%get3A_24, %get3A_25, %get3A_26] : memref<1x128x16xf32, #tpu.memory_space<vmem>>, vector<1x128x16xf32>
    %get3A_28 = vector.shape_cast %get3A_27 : vector<1x128x16xf32> to vector<128x16xf32>
    %dot_general3A_29 = arith.constant dense<0.000000e+00> : vector<400x16xf32>
    %dot_general3A_30 = tpu.matmul %dot_general3A_5, %get3A_28, %dot_general3A_29 {dimension_numbers = #tpu.dot_dimension_numbers<[1], [0], [0], [1], [0, 0, 1, 1], [], []>, transpose_lhs_hint = false} : vector<400x128xf32>, vector<128x16xf32>, vector<400x16xf32> -> vector<400x16xf32>
    %swap3A_31 = arith.constant 0 : index
    %swap3A_32 = arith.constant 0 : index
    %swap3A_33 = arith.constant 0 : index
    %swap3A_34 = vector.load %arg8[%swap3A_31, %swap3A_32, %swap3A_33] : memref<1x400x16xf32, #tpu.memory_space<vmem>>, vector<1x400x16xf32>
    %swap3A_35 = vector.shape_cast %swap3A_34 : vector<1x400x16xf32> to vector<400x16xf32>
    %swap3A_36 = vector.shape_cast %dot_general3A_30 : vector<400x16xf32> to vector<1x400x16xf32>
    tpu.vector_store %arg8[%swap3A_31, %swap3A_32, %swap3A_33], %swap3A_36 {strides = array<i32>} : memref<1x400x16xf32, #tpu.memory_space<vmem>>, vector<1x400x16xf32>,
    return
  }
  func.func @transform_0(%arg0: i32, %arg1: i32) -> (i32, i32) {
    %c0_i32 = arith.constant 0 : i32
    %c0_i32_0 = arith.constant 0 : i32
    return %arg1, %c0_i32 : i32, i32
  }
  func.func @transform_1(%arg0: i32, %arg1: i32) -> (i32, i32) {
    %c0_i32 = arith.constant 0 : i32
    %c0_i32_0 = arith.constant 0 : i32
    return %c0_i32, %arg0 : i32, i32
  }
  func.func @transform_2(%arg0: i32, %arg1: i32) -> (i32, i32, i32) {
    %c0_i32 = arith.constant 0 : i32
    %c0_i32_0 = arith.constant 0 : i32
    %c0_i32_1 = arith.constant 0 : i32
    return %arg0, %c0_i32, %c0_i32_0 : i32, i32, i32
  }
  func.func @transform_3(%arg0: i32, %arg1: i32) -> (i32, i32, i32) {
    %c0_i32 = arith.constant 0 : i32
    %c0_i32_0 = arith.constant 0 : i32
    %c0_i32_1 = arith.constant 0 : i32
    return %arg0, %c0_i32, %c0_i32_0 : i32, i32, i32
  }
  func.func @transform_4(%arg0: i32, %arg1: i32) -> (i32, i32, i32) {
    %c0_i32 = arith.constant 0 : i32
    %c0_i32_0 = arith.constant 0 : i32
    return %arg0, %arg1, %c0_i32 : i32, i32, i32
  }
  func.func @transform_5(%arg0: i32, %arg1: i32) -> (i32, i32, i32) {
    %c0_i32 = arith.constant 0 : i32
    %c0_i32_0 = arith.constant 0 : i32
    return %arg0, %arg1, %c0_i32 : i32, i32, i32
  }
  func.func @transform_6(%arg0: i32, %arg1: i32) -> (i32, i32, i32) {
    %c0_i32 = arith.constant 0 : i32
    %c0_i32_0 = arith.constant 0 : i32
    return %arg0, %arg1, %c0_i32 : i32, i32, i32
  }
}

module attributes {stable_mosaic.version = 14 : i64} {
  func.func @_tc2_body(%arg0: i32, %arg1: i32, %arg2: memref<2x400x128xf32, #tpu.memory_space<vmem>>, %arg3: memref<2x400x16xf32, #tpu.memory_space<vmem>>, %arg4: memref<16x128xf32, #tpu.memory_space<vmem>>, %arg5: memref<256x64xf32, #tpu.memory_space<vmem>>, %arg6: memref<64x16xf32, #tpu.memory_space<vmem>>, %arg7: memref<64x16xf32, #tpu.memory_space<vmem>>, %arg8: memref<1x400x32xf32, #tpu.memory_space<vmem>>, %arg9: memref<1x400x16xf32, #tpu.memory_space<vmem>>, %arg10: memref<1x400x16xf32, #tpu.memory_space<vmem>>) attributes {dimension_semantics = [#tpu.dimension_semantics<arbitrary>, #tpu.dimension_semantics<arbitrary>], iteration_bounds = array<i64: 2, 25>, scalar_prefetch = 0 : i64, scratch_operands = 0 : i64, tpu.core_type = #tpu.core_type<tc>, window_params = [{transform_indices = @transform_0, window_bounds = array<i64: 2, 400, 128>}, {transform_indices = @transform_1, window_bounds = array<i64: 2, 400, 16>}, {pipeline_mode = #tpu.pipeline_mode<synchronous>, transform_indices = @transform_2, window_bounds = array<i64: 16, 128>}, {pipeline_mode = #tpu.pipeline_mode<synchronous>, transform_indices = @transform_3, window_bounds = array<i64: 256, 64>}, {pipeline_mode = #tpu.pipeline_mode<synchronous>, transform_indices = @transform_4, window_bounds = array<i64: 64, 16>}, {pipeline_mode = #tpu.pipeline_mode<synchronous>, transform_indices = @transform_5, window_bounds = array<i64: 64, 16>}, {transform_indices = @transform_6, window_bounds = array<i64: 1, 400, 32>}, {transform_indices = @transform_7, window_bounds = array<i64: 1, 400, 16>}, {transform_indices = @transform_8, window_bounds = array<i64: 1, 400, 16>}]} {
    %get3A = arith.constant 0 : index
    %get3A_0 = arith.constant 0 : index
    %get3A_1 = arith.constant 0 : index
    %get3A_2 = vector.load %arg3[%get3A, %get3A_0, %get3A_1] : memref<2x400x16xf32, #tpu.memory_space<vmem>>, vector<1x400x16xf32>
    %get3A_3 = vector.shape_cast %get3A_2 : vector<1x400x16xf32> to vector<400x16xf32>
    %get3A_4 = arith.constant 0 : index
    %get3A_5 = arith.constant 0 : index
    %get3A_6 = vector.load %arg4[%get3A_4, %get3A_5] : memref<16x128xf32, #tpu.memory_space<vmem>>, vector<16x128xf32>
    %dot_general3A = arith.constant dense<0.000000e+00> : vector<400x128xf32>
    %dot_general3A_7 = tpu.matmul %get3A_3, %get3A_6, %dot_general3A {dimension_numbers = #tpu.dot_dimension_numbers<[1], [0], [0], [1], [0, 0, 1, 1], [], []>, transpose_lhs_hint = false} : vector<400x16xf32>, vector<16x128xf32>, vector<400x128xf32> -> vector<400x128xf32>
    %get3A_8 = arith.constant 1 : index
    %get3A_9 = arith.constant 0 : index
    %get3A_10 = arith.constant 0 : index
    %get3A_11 = vector.load %arg3[%get3A_8, %get3A_9, %get3A_10] : memref<2x400x16xf32, #tpu.memory_space<vmem>>, vector<1x400x16xf32>
    %get3A_12 = vector.shape_cast %get3A_11 : vector<1x400x16xf32> to vector<400x16xf32>
    %get3A_13 = arith.constant 0 : index
    %get3A_14 = arith.constant 0 : index
    %get3A_15 = vector.load %arg4[%get3A_13, %get3A_14] : memref<16x128xf32, #tpu.memory_space<vmem>>, vector<16x128xf32>
    %dot_general3A_16 = arith.constant dense<0.000000e+00> : vector<400x128xf32>
    %dot_general3A_17 = tpu.matmul %get3A_12, %get3A_15, %dot_general3A_16 {dimension_numbers = #tpu.dot_dimension_numbers<[1], [0], [0], [1], [0, 0, 1, 1], [], []>, transpose_lhs_hint = false} : vector<400x16xf32>, vector<16x128xf32>, vector<400x128xf32> -> vector<400x128xf32>
    %get3A_18 = arith.constant 0 : index
    %get3A_19 = arith.constant 0 : index
    %get3A_20 = arith.constant 0 : index
    %get3A_21 = vector.load %arg2[%get3A_18, %get3A_19, %get3A_20] : memref<2x400x128xf32, #tpu.memory_space<vmem>>, vector<1x400x128xf32>
    %get3A_22 = vector.shape_cast %get3A_21 : vector<1x400x128xf32> to vector<400x128xf32>
    %add3A = arith.constant 1.000000e-16 : f32
    %add3A_23 = vector.broadcast %add3A : f32 to vector<400x128xf32>
    %add3A_24 = arith.addf %dot_general3A_7, %add3A_23 : vector<400x128xf32>
    %div3A = arith.divf %get3A_22, %add3A_24 : vector<400x128xf32>
    %get3A_25 = arith.constant 1 : index
    %get3A_26 = arith.constant 0 : index
    %get3A_27 = arith.constant 0 : index
    %get3A_28 = vector.load %arg2[%get3A_25, %get3A_26, %get3A_27] : memref<2x400x128xf32, #tpu.memory_space<vmem>>, vector<1x400x128xf32>
    %get3A_29 = vector.shape_cast %get3A_28 : vector<1x400x128xf32> to vector<400x128xf32>
    %add3A_30 = arith.constant 1.000000e-16 : f32
    %add3A_31 = vector.broadcast %add3A_30 : f32 to vector<400x128xf32>
    %add3A_32 = arith.addf %dot_general3A_17, %add3A_31 : vector<400x128xf32>
    %div3A_33 = arith.divf %get3A_29, %add3A_32 : vector<400x128xf32>
    %concatenate3A = tpu.concatenate %div3A, %div3A_33 in 1 : vector<400x128xf32>, vector<400x128xf32> -> vector<400x256xf32>
    %gt3A = arith.constant 0.000000e+00 : f32
    %gt3A_34 = vector.broadcast %gt3A : f32 to vector<400x256xf32>
    %gt3A_35 = arith.cmpf ogt, %concatenate3A, %gt3A_34 : vector<400x256xf32>
    %exp3A = math.exp %concatenate3A : vector<400x256xf32>
    %sub3A = arith.constant 1.000000e+00 : f32
    %sub3A_36 = vector.broadcast %sub3A : f32 to vector<400x256xf32>
    %sub3A_37 = arith.subf %exp3A, %sub3A_36 : vector<400x256xf32>
    %select_n3A = arith.select %gt3A_35, %concatenate3A, %sub3A_37 : vector<400x256xi1>, vector<400x256xf32>
    %get3A_38 = arith.constant 0 : index
    %get3A_39 = arith.constant 0 : index
    %get3A_40 = vector.load %arg5[%get3A_38, %get3A_39] : memref<256x64xf32, #tpu.memory_space<vmem>>, vector<256x64xf32>
    %dot_general3A_41 = arith.constant dense<0.000000e+00> : vector<400x64xf32>
    %dot_general3A_42 = tpu.matmul %select_n3A, %get3A_40, %dot_general3A_41 {dimension_numbers = #tpu.dot_dimension_numbers<[1], [0], [0], [1], [0, 0, 1, 1], [], []>, transpose_lhs_hint = false} : vector<400x256xf32>, vector<256x64xf32>, vector<400x64xf32> -> vector<400x64xf32>
    %get3A_43 = arith.constant 0 : index
    %get3A_44 = arith.constant 0 : index
    %get3A_45 = vector.load %arg6[%get3A_43, %get3A_44] : memref<64x16xf32, #tpu.memory_space<vmem>>, vector<64x16xf32>
    %dot_general3A_46 = arith.constant dense<0.000000e+00> : vector<400x16xf32>
    %dot_general3A_47 = tpu.matmul %dot_general3A_42, %get3A_45, %dot_general3A_46 {dimension_numbers = #tpu.dot_dimension_numbers<[1], [0], [0], [1], [0, 0, 1, 1], [], []>, transpose_lhs_hint = false} : vector<400x64xf32>, vector<64x16xf32>, vector<400x16xf32> -> vector<400x16xf32>
    %swap3A = arith.constant 0 : index
    %swap3A_48 = arith.constant 0 : index
    %swap3A_49 = arith.constant 0 : index
    %swap3A_50 = vector.load %arg9[%swap3A, %swap3A_48, %swap3A_49] : memref<1x400x16xf32, #tpu.memory_space<vmem>>, vector<1x400x16xf32>
    %swap3A_51 = vector.shape_cast %swap3A_50 : vector<1x400x16xf32> to vector<400x16xf32>
    %swap3A_52 = vector.shape_cast %dot_general3A_47 : vector<400x16xf32> to vector<1x400x16xf32>
    tpu.vector_store %arg9[%swap3A, %swap3A_48, %swap3A_49], %swap3A_52 {strides = array<i32>} : memref<1x400x16xf32, #tpu.memory_space<vmem>>, vector<1x400x16xf32>,
    %get3A_53 = arith.constant 0 : index
    %get3A_54 = arith.constant 0 : index
    %get3A_55 = vector.load %arg7[%get3A_53, %get3A_54] : memref<64x16xf32, #tpu.memory_space<vmem>>, vector<64x16xf32>
    %dot_general3A_56 = arith.constant dense<0.000000e+00> : vector<400x16xf32>
    %dot_general3A_57 = tpu.matmul %dot_general3A_42, %get3A_55, %dot_general3A_56 {dimension_numbers = #tpu.dot_dimension_numbers<[1], [0], [0], [1], [0, 0, 1, 1], [], []>, transpose_lhs_hint = false} : vector<400x64xf32>, vector<64x16xf32>, vector<400x16xf32> -> vector<400x16xf32>
    %swap3A_58 = arith.constant 0 : index
    %swap3A_59 = arith.constant 0 : index
    %swap3A_60 = arith.constant 0 : index
    %swap3A_61 = vector.load %arg10[%swap3A_58, %swap3A_59, %swap3A_60] : memref<1x400x16xf32, #tpu.memory_space<vmem>>, vector<1x400x16xf32>
    %swap3A_62 = vector.shape_cast %swap3A_61 : vector<1x400x16xf32> to vector<400x16xf32>
    %swap3A_63 = vector.shape_cast %dot_general3A_57 : vector<400x16xf32> to vector<1x400x16xf32>
    tpu.vector_store %arg10[%swap3A_58, %swap3A_59, %swap3A_60], %swap3A_63 {strides = array<i32>} : memref<1x400x16xf32, #tpu.memory_space<vmem>>, vector<1x400x16xf32>,
    %eq3A = arith.constant 0 : i32
    %eq3A_64 = arith.cmpi eq, %arg0, %eq3A : i32
    %slice3A = vector.extract_strided_slice %dot_general3A_42 {offsets = [0, 0], sizes = [400, 32], strides = [1, 1]} : vector<400x64xf32> to vector<400x32xf32>
    %slice3A_65 = vector.extract_strided_slice %dot_general3A_42 {offsets = [0, 32], sizes = [400, 32], strides = [1, 1]} : vector<400x64xf32> to vector<400x32xf32>
    %select_n3A_66 = arith.select %eq3A_64, %slice3A, %slice3A_65 : vector<400x32xf32>
    %swap3A_67 = arith.constant 0 : index
    %swap3A_68 = arith.constant 0 : index
    %swap3A_69 = arith.constant 0 : index
    %swap3A_70 = vector.load %arg8[%swap3A_67, %swap3A_68, %swap3A_69] : memref<1x400x32xf32, #tpu.memory_space<vmem>>, vector<1x400x32xf32>
    %swap3A_71 = vector.shape_cast %swap3A_70 : vector<1x400x32xf32> to vector<400x32xf32>
    %swap3A_72 = vector.shape_cast %select_n3A_66 : vector<400x32xf32> to vector<1x400x32xf32>
    tpu.vector_store %arg8[%swap3A_67, %swap3A_68, %swap3A_69], %swap3A_72 {strides = array<i32>} : memref<1x400x32xf32, #tpu.memory_space<vmem>>, vector<1x400x32xf32>,
    return
  }
  func.func @transform_0(%arg0: i32, %arg1: i32) -> (i32, i32, i32) {
    %c0_i32 = arith.constant 0 : i32
    %c0_i32_0 = arith.constant 0 : i32
    %c0_i32_1 = arith.constant 0 : i32
    return %c0_i32, %arg1, %c0_i32_0 : i32, i32, i32
  }
  func.func @transform_1(%arg0: i32, %arg1: i32) -> (i32, i32, i32) {
    %c0_i32 = arith.constant 0 : i32
    %c0_i32_0 = arith.constant 0 : i32
    %c0_i32_1 = arith.constant 0 : i32
    return %c0_i32, %arg1, %c0_i32_0 : i32, i32, i32
  }
  func.func @transform_2(%arg0: i32, %arg1: i32) -> (i32, i32) {
    %c0_i32 = arith.constant 0 : i32
    %c0_i32_0 = arith.constant 0 : i32
    %c0_i32_1 = arith.constant 0 : i32
    return %c0_i32, %c0_i32_0 : i32, i32
  }
  func.func @transform_3(%arg0: i32, %arg1: i32) -> (i32, i32) {
    %c0_i32 = arith.constant 0 : i32
    %c0_i32_0 = arith.constant 0 : i32
    %c0_i32_1 = arith.constant 0 : i32
    return %c0_i32, %c0_i32_0 : i32, i32
  }
  func.func @transform_4(%arg0: i32, %arg1: i32) -> (i32, i32) {
    %c0_i32 = arith.constant 0 : i32
    %c0_i32_0 = arith.constant 0 : i32
    %c0_i32_1 = arith.constant 0 : i32
    return %c0_i32, %c0_i32_0 : i32, i32
  }
  func.func @transform_5(%arg0: i32, %arg1: i32) -> (i32, i32) {
    %c0_i32 = arith.constant 0 : i32
    %c0_i32_0 = arith.constant 0 : i32
    %c0_i32_1 = arith.constant 0 : i32
    return %c0_i32, %c0_i32_0 : i32, i32
  }
  func.func @transform_6(%arg0: i32, %arg1: i32) -> (i32, i32, i32) {
    %c0_i32 = arith.constant 0 : i32
    %c0_i32_0 = arith.constant 0 : i32
    return %arg0, %arg1, %c0_i32 : i32, i32, i32
  }
  func.func @transform_7(%arg0: i32, %arg1: i32) -> (i32, i32, i32) {
    %c0_i32 = arith.constant 0 : i32
    %c0_i32_0 = arith.constant 0 : i32
    return %arg0, %arg1, %c0_i32 : i32, i32, i32
  }
  func.func @transform_8(%arg0: i32, %arg1: i32) -> (i32, i32, i32) {
    %c0_i32 = arith.constant 0 : i32
    %c0_i32_0 = arith.constant 0 : i32
    return %arg0, %arg1, %c0_i32 : i32, i32, i32
  }
}

module attributes {stable_mosaic.version = 14 : i64} {
  func.func @_tc3_body(%arg0: i32, %arg1: memref<2x400x32xf32, #tpu.memory_space<vmem>>, %arg2: memref<2x400x16xf32, #tpu.memory_space<vmem>>, %arg3: memref<16x64xf32, #tpu.memory_space<vmem>>, %arg4: memref<400x64xf32, #tpu.memory_space<vmem>>) attributes {dimension_semantics = [#tpu.dimension_semantics<arbitrary>], iteration_bounds = array<i64: 25>, scalar_prefetch = 0 : i64, scratch_operands = 0 : i64, tpu.core_type = #tpu.core_type<tc>, window_params = [{transform_indices = @transform_0, window_bounds = array<i64: 2, 400, 32>}, {transform_indices = @transform_1, window_bounds = array<i64: 2, 400, 16>}, {pipeline_mode = #tpu.pipeline_mode<synchronous>, transform_indices = @transform_2, window_bounds = array<i64: 16, 64>}, {transform_indices = @transform_3, window_bounds = array<i64: 400, 64>}]} {
    %get3A = arith.constant 0 : index
    %get3A_0 = arith.constant 0 : index
    %get3A_1 = arith.constant 0 : index
    %get3A_2 = vector.load %arg2[%get3A, %get3A_0, %get3A_1] : memref<2x400x16xf32, #tpu.memory_space<vmem>>, vector<1x400x16xf32>
    %get3A_3 = vector.shape_cast %get3A_2 : vector<1x400x16xf32> to vector<400x16xf32>
    %get3A_4 = arith.constant 0 : index
    %get3A_5 = arith.constant 0 : index
    %get3A_6 = vector.load %arg3[%get3A_4, %get3A_5] : memref<16x64xf32, #tpu.memory_space<vmem>>, vector<16x64xf32>
    %dot_general3A = arith.constant dense<0.000000e+00> : vector<400x64xf32>
    %dot_general3A_7 = tpu.matmul %get3A_3, %get3A_6, %dot_general3A {dimension_numbers = #tpu.dot_dimension_numbers<[1], [0], [0], [1], [0, 0, 1, 1], [], []>, transpose_lhs_hint = false} : vector<400x16xf32>, vector<16x64xf32>, vector<400x64xf32> -> vector<400x64xf32>
    %get3A_8 = arith.constant 0 : index
    %get3A_9 = arith.constant 0 : index
    %get3A_10 = arith.constant 0 : index
    %get3A_11 = vector.load %arg1[%get3A_8, %get3A_9, %get3A_10] : memref<2x400x32xf32, #tpu.memory_space<vmem>>, vector<1x400x32xf32>
    %get3A_12 = vector.shape_cast %get3A_11 : vector<1x400x32xf32> to vector<400x32xf32>
    %get3A_13 = arith.constant 1 : index
    %get3A_14 = arith.constant 0 : index
    %get3A_15 = arith.constant 0 : index
    %get3A_16 = vector.load %arg1[%get3A_13, %get3A_14, %get3A_15] : memref<2x400x32xf32, #tpu.memory_space<vmem>>, vector<1x400x32xf32>
    %get3A_17 = vector.shape_cast %get3A_16 : vector<1x400x32xf32> to vector<400x32xf32>
    %concatenate3A = tpu.concatenate %get3A_12, %get3A_17 in 1 : vector<400x32xf32>, vector<400x32xf32> -> vector<400x64xf32>
    %add3A = arith.constant 1.000000e-16 : f32
    %add3A_18 = vector.broadcast %add3A : f32 to vector<400x64xf32>
    %add3A_19 = arith.addf %dot_general3A_7, %add3A_18 : vector<400x64xf32>
    %div3A = arith.divf %concatenate3A, %add3A_19 : vector<400x64xf32>
    %gt3A = arith.constant 0.000000e+00 : f32
    %gt3A_20 = vector.broadcast %gt3A : f32 to vector<400x64xf32>
    %gt3A_21 = arith.cmpf ogt, %div3A, %gt3A_20 : vector<400x64xf32>
    %exp3A = math.exp %div3A : vector<400x64xf32>
    %sub3A = arith.constant 1.000000e+00 : f32
    %sub3A_22 = vector.broadcast %sub3A : f32 to vector<400x64xf32>
    %sub3A_23 = arith.subf %exp3A, %sub3A_22 : vector<400x64xf32>
    %select_n3A = arith.select %gt3A_21, %div3A, %sub3A_23 : vector<400x64xi1>, vector<400x64xf32>
    %reduce_max3A = arith.constant dense<0xFF800000> : vector<400xf32>
    %reduce_max3A_24 = vector.multi_reduction <maximumf>, %select_n3A, %reduce_max3A [1] : vector<400x64xf32> to vector<400xf32>
    %broadcast_in_dim3A = vector.shape_cast %reduce_max3A_24 : vector<400xf32> to vector<400x1xf32>
    %sub3A_25 = vector.broadcast %broadcast_in_dim3A : vector<400x1xf32> to vector<400x64xf32>
    %sub3A_26 = arith.subf %select_n3A, %sub3A_25 : vector<400x64xf32>
    %exp3A_27 = math.exp %sub3A_26 : vector<400x64xf32>
    %reduce_sum3A = arith.constant dense<0.000000e+00> : vector<400xf32>
    %reduce_sum3A_28 = vector.multi_reduction <add>, %exp3A_27, %reduce_sum3A [1] : vector<400x64xf32> to vector<400xf32>
    %broadcast_in_dim3A_29 = vector.shape_cast %reduce_sum3A_28 : vector<400xf32> to vector<400x1xf32>
    %log3A = math.log %broadcast_in_dim3A_29 : vector<400x1xf32>
    %sub3A_30 = vector.broadcast %log3A : vector<400x1xf32> to vector<400x64xf32>
    %sub3A_31 = arith.subf %sub3A_26, %sub3A_30 : vector<400x64xf32>
    %swap3A = arith.constant 0 : index
    %swap3A_32 = arith.constant 0 : index
    %swap3A_33 = vector.load %arg4[%swap3A, %swap3A_32] : memref<400x64xf32, #tpu.memory_space<vmem>>, vector<400x64xf32>
    tpu.vector_store %arg4[%swap3A, %swap3A_32], %sub3A_31 {strides = array<i32>} : memref<400x64xf32, #tpu.memory_space<vmem>>, vector<400x64xf32>,
    return
  }
  func.func @transform_0(%arg0: i32) -> (i32, i32, i32) {
    %c0_i32 = arith.constant 0 : i32
    %c0_i32_0 = arith.constant 0 : i32
    %c0_i32_1 = arith.constant 0 : i32
    return %c0_i32, %arg0, %c0_i32_0 : i32, i32, i32
  }
  func.func @transform_1(%arg0: i32) -> (i32, i32, i32) {
    %c0_i32 = arith.constant 0 : i32
    %c0_i32_0 = arith.constant 0 : i32
    %c0_i32_1 = arith.constant 0 : i32
    return %c0_i32, %arg0, %c0_i32_0 : i32, i32, i32
  }
  func.func @transform_2(%arg0: i32) -> (i32, i32) {
    %c0_i32 = arith.constant 0 : i32
    %c0_i32_0 = arith.constant 0 : i32
    %c0_i32_1 = arith.constant 0 : i32
    return %c0_i32, %c0_i32_0 : i32, i32
  }
  func.func @transform_3(%arg0: i32) -> (i32, i32) {
    %c0_i32 = arith.constant 0 : i32
    %c0_i32_0 = arith.constant 0 : i32
    return %arg0, %c0_i32 : i32, i32
  }
}

</mosaic_0001>

<sc_bundles>
// kernel: kernel.10.cloned.1.call-start
scs
__scs_entry_jumppad:
0x0: {  	(pc) =	sbr.rel $0x88, $3  }
0x1: {  	(tag) =	ssettag $0x0;
	lr =	simm.s32 $0x1  }
0x2: {  	[smem:$0x3F99] =	sst lr;
	_ =	strace $0xD0000000  }
0x3: {  	_ = 	snop  }
0x4: {  	_ = 	snop  }
0x5: {  	_ = 	snop  }
0x6: {  	_ = 	snop  }
0x7: {  	_ = 	snop  }
__scs_overlays_trampoline_lowered:
0x8: {  	[smem:$0x3FA8] =	sst s0  }
0x9: {  	[smem:$0x3FA9] =	sst s1  }
0xa: {  	[smem:$0x3FAA] =	sst s2  }
0xb: {  	[smem:$0x3FAB] =	sst s3  }
0xc: {  	[smem:$0x3FAC] =	sst s4  }
0xd: {  	[smem:$0x3FAD] =	sst s5  }
0xe: {  	[smem:$0x3FAE] =	sst s6  }
0xf: {  	[smem:$0x3FAF] =	sst s7  }
0x10: {  	[smem:$0x3FB0] =	sst s8  }
0x11: {  	[smem:$0x3FB1] =	sst s9;
	s0 =	simm.s32 @!p0 $0x0  }
0x12: {  	s1 =	sld [smem:$0x3F97];
	s0 =	simm.s32 @p0 $0x1  }
0x13: {  	[smem:$0x3FB2] =	sst s0;
	s0 =	simm.s32 @!p1 $0x0  }
0x14: {  	s2 =	sld [smem:$0x3F96];
	s0 =	simm.s32 @p1 $0x1  }
0x15: {  	[smem:$0x3FB3] =	sst s0;
	s0 =	simm.s32 @!p2 $0x0  }
0x16: {  	s3 =	sld [smem:$0x3FDB];
	s0 =	simm.s32 @p2 $0x1  }
0x17: {  	s4 =	simm.s32 $0x1BF5;
	[smem:$0x3FB5] =	sst s0  }
0x18: {  	s0 =	sld [smem:$0x3F98];
	_ =	swait.ge [sflag:s4], $0x0  }
0x19: {  	s7 =	sld [smem:$0x3F99]  }
0x1a: {  	s8 =	sadd.s32 $0xFFFFE003, lr  }
0x1b: {  	s9 =	sadd.s32 $0xFFFFFEF7, lr;
	s5 =	simm.s32 $0xFFFFFFFF;
	p2 =	slt.u32 s8, $0xFFFFF086  }
0x1c: {  	p1 =	slt.u32 s9, $0xF7A;
	s5 =	simm.s32 @!p2 $0x0  }
0x1d: {  	s5 =	simm.s32 @p1 $0x1;
	p0 =	seq.s32 s7, s2  }
0x1e: {  	s7 =	smul.u32 @!p0 $0xF7A, s2;
	p2 =	seq.s32 @!p0 s5, $0x0  }
0x1f: {  	s9 =	smul.u32 $0xF7A, s1;
	s8 =	simm.s32 @!p0 $0x1BF5;
	p2 =	por !p2, p0  }
0x20: {  	[sflag:s8] =	ssyncset.s32 @!p0 $0xFFFFF086;
	s6 =	sadd.s32 @!p0 s3, s7;
	s7 =	simm.s32 @!p0 $0x108  }
0x21: {  	s3 =	sadd.s32 s3, s9;
	s6 =	sadd.s32 @!p0 $0x88, s6;
	s7 =	simm.s32 @p2 $0x1082  }
0x22: {  	[simem:s7], [sflag:s8] =	dma.local @!p0 [hbm:s6], $0xF7A  }
0x23: {  	s9 =	sor.u32 $0xD0000000, s2;
	s6 =	simm.s32 $0x108;
	_ =	swait.ge @!p0 [sflag:s8], $0x0  }
0x24: {  	s3 =	sadd.s32 $0x88, s3;
	s6 =	simm.s32 @!p1 $0x1082;
	[sflag:s4] =	ssyncset.s32 $0xFFFFF086  }
0x25: {  	[simem:s6], [sflag:s4] =	dma.local [hbm:s3], $0xF7A  }
0x26: {  	[smem:$0x3F99] =	sst s1;
	(tag) =	ssettag s2;
	_ =	strace s9  }
0x27: {  	s1 =	sld [smem:$0x3FA9]  }
0x28: {  	s2 =	sld [smem:$0x3FAA]  }
0x29: {  	s4 =	sld [smem:$0x3FAC]  }
0x2a: {  	p0 =	seq.s32 s5, $0x0;
	s5 =	sld [smem:$0x3FAD]  }
0x2b: {  	s6 =	sld [smem:$0x3FAE]  }
0x2c: {  	s7 =	sld [smem:$0x3FAF]  }
0x2d: {  	s3 =	simm.s32 $0x108;
	s8 =	sld [smem:$0x3FB0]  }
0x2e: {  	s3 =	simm.s32 @!p0 $0x1082;
	s9 =	sld [smem:$0x3FB1]  }
0x2f: {  	lr =	sadd.s32 s0, s3;
	s0 =	sld [smem:$0x3FA8]  }
0x30: {  	s3 =	sld [smem:$0x3FAB]  }
0x31: {  	[smem:$0x3FB4] =	sst s10  }
0x32: {  	s10 =	sld [smem:$0x3FB2];
	_ =	sdelay $0x3  }
0x33: {  	p0 =	seq.s32 s10, $0x1;
	s10 =	sld [smem:$0x3FB4];
	_ =	sdelay $0x3  }
0x34: {  	[smem:$0x3FB4] =	sst s10  }
0x35: {  	s10 =	sld [smem:$0x3FB3];
	_ =	sdelay $0x3  }
0x36: {  	p1 =	seq.s32 s10, $0x1;
	s10 =	sld [smem:$0x3FB4];
	_ =	sdelay $0x3  }
0x37: {  	[smem:$0x3FB4] =	sst s10  }
0x38: {  	s10 =	sld [smem:$0x3FB5]  }
0x39: {  	_ = 	snop;
	(pc) =	sbr.ind lr, $3  }
0x3a: {  	_ = 	snop  }
0x3b: {  	_ = 	snop  }
0x3c: {  	p2 =	seq.s32 s10, $0x1;
	s10 =	sld [smem:$0x3FB4]  }
0x3d: {  	_ =	shalt  }
0x3e: {  	_ =	shalt  }
0x3f: {  	_ =	shalt  }
0x40: {  	_ =	shalt  }
0x41: {  	_ =	shalt  }
0x42: {  	_ =	shalt  }
0x43: {  	_ =	shalt  }
0x44: {  	_ =	shalt  }
0x45: {  	_ =	shalt  }
0x46: {  	_ =	shalt  }
0x47: {  	_ =	shalt  }
0x48: {  	_ =	shalt  }
0x49: {  	_ =	shalt  }
0x4a: {  	_ =	shalt  }
0x4b: {  	_ =	shalt  }
0x4c: {  	_ =	shalt  }
0x4d: {  	_ =	shalt  }
0x4e: {  	_ =	shalt  }
0x4f: {  	_ =	shalt  }
0x50: {  	_ =	shalt  }
0x51: {  	_ =	shalt  }
0x52: {  	_ =	shalt  }
0x53: {  	_ =	shalt  }
0x54: {  	_ =	shalt  }
0x55: {  	_ =	shalt  }
0x56: {  	_ =	shalt  }
0x57: {  	_ =	shalt  }
0x58: {  	_ =	shalt  }
0x59: {  	_ =	shalt  }
0x5a: {  	_ =	shalt  }
0x5b: {  	_ =	shalt  }
0x5c: {  	_ =	shalt  }
0x5d: {  	_ =	shalt  }
0x5e: {  	_ =	shalt  }
0x5f: {  	_ =	shalt  }
0x60: {  	_ =	shalt  }
0x61: {  	_ =	shalt  }
0x62: {  	_ =	shalt  }
0x63: {  	_ =	shalt  }
0x64: {  	_ =	shalt  }
0x65: {  	_ =	shalt  }
0x66: {  	_ =	shalt  }
0x67: {  	_ =	shalt  }
0x68: {  	_ =	shalt  }
0x69: {  	_ =	shalt  }
0x6a: {  	_ =	shalt  }
0x6b: {  	_ =	shalt  }
0x6c: {  	_ =	shalt  }
0x6d: {  	_ =	shalt  }
0x6e: {  	_ =	shalt  }
0x6f: {  	_ =	shalt  }
0x70: {  	_ =	shalt  }
0x71: {  	_ =	shalt  }
0x72: {  	_ =	shalt  }
0x73: {  	_ =	shalt  }
0x74: {  	_ =	shalt  }
0x75: {  	_ =	shalt  }
0x76: {  	_ =	shalt  }
0x77: {  	_ =	shalt  }
0x78: {  	_ =	shalt  }
0x79: {  	_ =	shalt  }
0x7a: {  	_ =	shalt  }
0x7b: {  	_ =	shalt  }
0x7c: {  	_ =	shalt  }
0x7d: {  	_ =	shalt  }
0x7e: {  	_ =	shalt  }
0x7f: {  	_ =	shalt  }
0x80: {  	_ =	shalt  }
0x81: {  	_ =	shalt  }
0x82: {  	_ =	shalt  }
0x83: {  	_ =	shalt  }
0x84: {  	_ =	shalt  }
0x85: {  	_ =	shalt  }
0x86: {  	_ =	shalt  }
0x87: {  	_ =	shalt  }
.Lfunc_end0:
.L_simem_size_0:
called_computation.1_lowered:
.L_overlay_start_0:
0x88: {  	s2 =	sld [smem:$0x3FD9]  }
0x89: {  	s3 =	sld [smem:$0x3FFE];
	_ =	sdelay $0x1  }
0x8a: {  	s1 =	srdreg.scid  }
0x8b: {  	s0 =	sand.u32 $0x1, s1  }
0x8c: {  	s17 =	sshll.u32 s0, $0xA;
	s2 =	sadd.s32 s3, s2  }
0x8d: {  	s2 =	sadd.s32 s2, s17  }
0x8e: {  	[smem:$0x3FC0] =	sst s2  }
0x8f: {  	_ = 	snop  }
0x90: {  	s2 =	sld [smem:$0x3FD0];
	(tm) =	ssettm $0x1  }
0x91: {  	s18 =	sld [smem:$0x3FFB];
	_ =	sdelay $0x3  }
0x92: {  	_ =	strace s18  }
0x93: {  	s3 =	sld [smem:$0x3FFC];
	_ =	sdelay $0x3  }
0x94: {  	_ =	strace s3  }
0x95: {  	s3 =	sld [smem:$0x3FFD];
	_ =	sdelay $0x3  }
0x96: {  	_ =	strace s3  }
0x97: {  	_ =	strace $0x8FFFFFFF  }
0x98: {  	s19 =	sld [smem:$0x3FDB];
	_ =	sdelay $0x1  }
0x99: {  	s4 =	simm.s32 $_scs_section_size  }
0x9a: {  	s5 =	simm.s32 $_size__tile_overlayer_lowered;
	s6 =	simm.s32 $_tile_overlayer_lowered  }
0x9b: {  	s22 =	simm.s32 $0x1BFF;
	s21 =	sshll.u32 s6, $0x1;
	s3 =	sadd.s32 s4, s19  }
0x9c: {  	s7 =	simm.s32 $0x0;
	s20 =	sshll.u32 s5, $0x1;
	s5 =	sadd.s32 s21, s3  }
0x9d: {  	[timem:s7], [sflag:s22] =	dma.local [hbm:s5], s20  }
0x9e: {  	_ =	swait.ge [sflag:s22], s20  }
0x9f: {  	s4 =	ssub.s32 $0x0, s20;
	[sflag:s22] =	ssyncset.done $0x0  }
0xa0: {  	[sflag:s22] =	ssyncadd.s32 s4;
	_ =	sdelay $0x1  }
0xa1: {  	s23 =	simm.s32 $0x1B8B  }
0xa2: {  	_ =	swait.ge [sflag:s23], $0x1  }
0xa3: {  	[sflag:s23] =	ssyncset.done $0x0  }
0xa4: {  	s25 =	simm.s32 $0x1B8E;
	s24 =	sld [smem:$0x3FFE];
	[sflag:s23] =	ssyncadd.s32 $0xFFFFFFFF  }
0xa5: {  	s26 =	simm.s32 $execute0_lowered;
	[smem:$0x3FD2] =	sst s25  }
0xa6: {  	s5 =	sshll.u32 s26, $0x1;
	_ =	strace $0x80000049;
	[dreg:$0x1] =	wrdreg $0xFFFFFFFF  }
0xa7: {  	s28 =	simm.s32 $_size_execute0_lowered;
	s3 =	sadd.s32 s3, s5;
	[dreg:$0x0] =	wrdreg $0x0  }
0xa8: {  	s5 =	sshll.u32 s28, $0x1;
	[dreg:$0x2] =	wrdreg s3  }
0xa9: {  	[dreg:$0x3] =	wrdreg s5  }
0xaa: {  	[dreg:$0x4] =	wrdreg $0xC0  }
0xab: {  	_ =	task [dreg:s7], $0x5FFFF  }
0xac: {  	[dreg:$0x1] =	wrdreg $0xFFFFFFFF  }
0xad: {  	[dreg:$0x0] =	wrdreg $0x60  }
0xae: {  	[dreg:$0x2] =	wrdreg s2  }
0xaf: {  	[dreg:$0x3] =	wrdreg s24  }
0xb0: {  	[dreg:$0x4] =	wrdreg $0xD1600  }
0xb1: {  	[dreg:$0x5] =	wrdreg $0x11F800  }
0xb2: {  	[dreg:$0x6] =	wrdreg $0x9  }
0xb3: {  	_ =	task.clear_ibuf [dreg:s7], $0x7FFFF;
	_ =	strace $0x90000049  }
0xb4: {  	s29 =	simm.s32 $0x9;
	_ =	strace $0x8000004B  }
0xb5: {  	_ =	swait.ge [sflag:s29], $0x1  }
0xb6: {  	[sflag:s29] =	ssyncadd.s32 $0xFFFFFFFF  }
0xb7: {  	_ =	strace $0x9000004B  }
0xb8: {  	_ =	sfence  }
0xb9: {  	s30 =	sld [smem:$0x0];
	_ =	sdelay $0x2  }
0xba: {  	s31 =	sshll.u32 s1, $0xD;
	s1 =	sshrl.u32 s1, $0x2  }
0xbb: {  	s3 =	sand.u32 $0x4000, s31;
	s1 =	sadd.s32 s1, s30  }
0xbc: {  	s0 =	sor.u32 s3, s0;
	s1 =	sshll.u32 s1, $0x11  }
0xbd: {  	s0 =	sor.u32 s1, s0  }
0xbe: {  	s0 =	sadd.s32 $0x8F2B, s0  }
0xbf: {  	[sflag:s0] =	ssyncadd.remote.s32 $0x1  }
0xc0: {  	_ =	sfence.sel $0xFFFF  }
0xc1: {  	[dreg:$0x0] =	wrdreg $0xFFFFFFFF;
	(pc) =	sbr.abs _section_cstart, $3  }
0xc2: {  	[dreg:$0x1] =	wrdreg $0xFFFFFFFF  }
0xc3: {  	_ =	task.clear_ibuf [dreg:s7], $0x2FFFF;
	_ =	strace $0x9FFFFFFF  }
0xc4: {  	(tm) =	ssettm $0x7FFFFFFF  }
0xc5: {  	_ =	shalt  }
tec
execute0_lowered:
.L_overlay_start_1:
0x0: {  	(tag) =	ssettag $0x1  }
0x1: {  	s1 =	rddreg [dreg:$0x0]  }
0x2: {  	s0 =	rddreg [dreg:$0x1]  }
0x3: {  	s2 =	rddreg [dreg:$0x2]  }
0x4: {  	s3 =	rddreg [dreg:$0x3];
	s4 =	srdreg.scid  }
0x5: {  	s23 =	simm.s32 $0x0;
	s14 =	stileid.u32;
	s15 =	simm.s32 $0x5  }
0x6: {  	s19 =	simm.s32 $0x960;
	s20 =	simm.s32 $0x15;
	s16 =	simm.s32 $0x2  }
0x7: {  	s30 =	simm.s32 $0x4;
	s18 =	simm.s32 $0x10;
	s28 =	simm.s32 $0x12  }
0x8: {  	s17 =	simm.s32 $0x13;
	s31 =	simm.s32 $0x14;
	s4 =	sand.u32 $0x1, s4  }
0x9: {  	[smem:$0x7FF] =	sst s23;
	s6 =	sadd.s32 $0x3F000, s0;
	s11 =	smul.u32 $0x5000, s14  }
0xa: {  	s7 =	sadd.s32 $0x48E00, s0;
	s21 =	sadd.s32 $0x4600, s0;
	s13 =	smul.u32 $0x2800, s14  }
0xb: {  	s9 =	sadd.s32 $0x52C00, s0;
	s0 =	sadd.s32 $0x66600, s0;
	s25 =	smul.u32 $0xA000, s14  }
0xc: {  	p0 =	seq.s32 s14, $0xF;
	s26 =	smul.u32 $0x14000, s14;
	s5 =	sshll.u32 s4, $0x4  }
0xd: {  	_ =	strace $0x8000004A;
	[dreg:$0x7] =	wrdreg s21;
	s8 =	smul.u32 $0x4E200, s4  }
0xe: {  	s22 =	ssub.s32 $0x2, s4;
	s4 =	smul.u32 $0x27100, s4;
	s15 =	simm.s32 @!p0 $0x8  }
0xf: {  	s21 =	simm.s32 $0x6D60;
	s5 =	sor.u32 s14, s5;
	s10 =	sshrl.u32 s22, $0x1  }
0x10: {  	[dreg:$0x8] =	wrdreg s15;
	s15 =	simm.s32 $0x7;
	s14 =	simm.s32 $0x9  }
0x11: {  	s5 =	smul.u32 $0xFA, s5;
	s12 =	sadd.s32 s11, s8;
	s24 =	sadd.s32 s13, s4  }
0x12: {  	s11 =	sadd.s32 s11, s2;
	s8 =	sshrl.u32 s8, $0x3;
	s4 =	sshrl.u32 s4, $0x3  }
0x13: {  	s12 =	sshrl.u32 s12, $0x3;
	s8 =	sadd.s32 s9, s8;
	[dreg:$0x6] =	wrdreg s5  }
0x14: {  	s5 =	ssub.s32 s22, s10;
	s10 =	simm.s32 $0x5;
	s12 =	sadd.s32 s9, s12  }
0x15: {  	s8 =	sadd.s32 $0x9600, s8;
	s9 =	sadd.s32 $0x4B000, s2;
	[dreg:$0x9] =	wrdreg s12  }
0x16: {  	s22 =	simm.s32 $0xF;
	s12 =	sshrl.u32 s24, $0x3;
	[dreg:$0xb] =	wrdreg s8  }
0x17: {  	s8 =	sshrl.u32 s25, $0x2;
	s5 =	smax.u32 s5, $0x1;
	s25 =	simm.s32 $0x3  }
0x18: {  	s24 =	simm.s32 $0x6;
	s12 =	sadd.s32 s0, s12;
	[dreg:$0xd] =	wrdreg s5  }
0x19: {  	s0 =	sadd.s32 s0, s4;
	s29 =	sadd.s32 s8, s3;
	[dreg:$0xa] =	wrdreg s12  }
0x1a: {  	s4 =	sshrl.u32 s26, $0x2;
	s0 =	sadd.s32 $0x4B00, s0;
	[dreg:$0xe] =	wrdreg s29  }
0x1b: {  	s26 =	simm.s32 $0x50;
	s4 =	sadd.s32 s4, s2;
	[dreg:$0xc] =	wrdreg s0  }
0x1c: {  	s0 =	sadd.s32 $0x25800, s3;
	[dreg:$0xf] =	wrdreg s4;
	s4 =	sshrl.u32 @p0 s9, $0x3  }
0x1d: {  	s5 =	simm.s32 $0x1;
	[dreg:$0x10] =	wrdreg s4;
	s0 =	sshrl.u32 @p0 s0, $0x3  }
0x1e: {  	s12 =	sadd.s32 s13, s3;
	[dreg:$0x11] =	wrdreg s0;
	s0 =	sshrl.u32 @!p0 s11, $0x3  }
0x1f: {  	s8 =	simm.s32 $0x8;
	[dreg:$0x12] =	wrdreg s0;
	s0 =	sshrl.u32 @!p0 s12, $0x3  }
0x20: {  	v0 =	vimm.f32 $0.0e+00;
	v1 =	vimm.s32 $0x0;
	s4 =	simm.s32 $0x11;
	[dreg:$0x13] =	wrdreg s0;
	s0 =	simm.s32 $0xA  }
.LBB2_1:
0x21: {  	s9 =	simm.s32 $0x970  }
0x22: {  	[tilespmem:s9+$0xFFFFFFF0] =	vst v0  }
0x23: {  	s11 =	simm.s32 $0x40;
	s13 =	simm.s32 $0x0;
	[tilespmem:s9+$0x0] =	vst v0  }
.LBB2_2:
0x24: {  	p1 =	sne.s32 s11, $0x13C0  }
0x25: {  	[tilespmem:s13+$0x6D60] =	vst v0;
	s9 =	sadd.s32 $0x20, s9;
	s13 =	smov.u32 s11;
	s11 =	sadd.s32 $0x40, s11  }
.Ltmp0:
0x26: {  	[tilespmem:s9+$0xFFFFFFF0] =	vst v0;
	(pc) =	sbr.rel @p1 .LBB2_2-.Ltmp0, $2  }
0x27: {  	_ =	sdelay $0x2  }
0x28: {  	s13 =	sshra.s32 s13, $0x2;
	[tilespmem:s9+$0x0] =	vst v0  }
0x29: {  	[dreg:$0x5] =	wrdreg s23  }
0x2a: {  	[tilespmem:s13+$0x6D60] =	vst v0;
	s13 =	rddreg [dreg:$0xf]  }
0x2b: {  	[spmem:s13] =	stream.linear.scatter [tilespmem:s19], [sflag:$0x15], $0xA00, $0x38;
	[tilespmem:$0x14690] =	vst v63  }
0x2c: {  	_ =	swait.ge [sflag:s20], $0xA00  }
0x2d: {  	s9 =	rddreg [dreg:$0x8]  }
0x2e: {  	p1 =	sne.s32 s9, $0x1  }
.Ltmp1:
0x2f: {  	[sflag:s20] =	ssyncset.done $0x0;
	(pc) =	sbr.rel @!p1 .LBB2_5-.Ltmp1, $4  }
0x30: {  	s11 =	rddreg [dreg:$0xe];
	[sflag:s20] =	ssyncadd.s32 $0xFFFFF600  }
0x31: {  	[spmem:s11] =	stream.linear.scatter [tilespmem:s21], [sflag:$0x15], $0x500, $0x38;
	[tilespmem:$0x14690] =	vst v63  }
0x32: {  	_ =	swait.ge [sflag:s20], $0x500  }
0x33: {  	s9 =	sadd.s32 $0xFFFFFFFF, s9;
	[sflag:s20] =	ssyncset.done $0x0  }
.LBB2_4:
0x34: {  	[sflag:s20] =	ssyncadd.s32 $0xFFFFFB00;
	s11 =	sadd.s32 $0x500, s11;
	s13 =	sadd.s32 $0xA00, s13  }
0x35: {  	[spmem:s13] =	stream.linear.scatter [tilespmem:s19], [sflag:$0x15], $0xA00, $0x38;
	[tilespmem:$0x14690] =	vst v63  }
0x36: {  	p1 =	sne.s32 s9, $0x1;
	s9 =	sadd.s32 $0xFFFFFFFF, s9;
	_ =	swait.ge [sflag:s20], $0xA00  }
.Ltmp2:
0x37: {  	[sflag:s20] =	ssyncset.done $0x0;
	(pc) =	sbr.rel @p1 .LBB2_4-.Ltmp2, $4  }
0x38: {  	[sflag:s20] =	ssyncadd.s32 $0xFFFFF600  }
0x39: {  	[spmem:s11] =	stream.linear.scatter [tilespmem:s21], [sflag:$0x15], $0x500, $0x38;
	[tilespmem:$0x14690] =	vst v63  }
0x3a: {  	_ =	swait.ge [sflag:s20], $0x500  }
0x3b: {  	[sflag:s20] =	ssyncset.done $0x0  }
.LBB2_5:
0x3c: {  	[sflag:s20] =	ssyncadd.s32 $0xFFFFFB00  }
0x3d: {  	s23 =	simm.s32 $0x0;
	s9 =	simm.s32 $0x0;
	[bflag:$0x0] =	sbarrier.arrive $0xFFFF  }
.LBB2_6:
0x3e: {  	s11 =	smul.u32 $0xA, s9  }
0x3f: {  	s13 =	rddreg [dreg:$0x6]  }
0x40: {  	s11 =	sadd.s32 s13, s11  }
0x41: {  	s13 =	smul.u32 $0x1E, s11  }
0x42: {  	s29 =	rddreg [dreg:$0x7]  }
0x43: {  	s13 =	sadd.s32 s29, s13  }
0x44: {  	[tilespmem:s23], [sflag:$0x15] =	stream.linear.gather [hbm4b:s13+s23], $0xF0, $0x38;
	[tilespmem:$0x14690] =	vst v63  }
0x45: {  	_ =	swait.ge [sflag:s20], $0xF0  }
0x46: {  	[sflag:s20] =	ssyncset.done $0x0  }
0x47: {  	s11 =	smul.u32 $0xF0, s11;
	[sflag:s20] =	ssyncadd.s32 $0xFFFFFF10  }
0x48: {  	[tilespmem:s19], [sflag:$0x1] =	stream.indirect.gather [hbm4b:s1+s26], $0x20, s23, s26, $0xb8;
	[tilespmem:$0x14690] =	vst v63  }
0x49: {  	s11 =	sshrl.u32 s11, $0x3  }
0x4a: {  	[tilespmem:s21], [sflag:$0x1] =	stream.indirect.gather [hbm4b:s6+s26], $0x10, s23, s26, $0xb8;
	[tilespmem:$0x14690] =	vst v63  }
0x4b: {  	s13 =	simm.s32 $0x9F60;
	s11 =	sadd.s32 s29, s11  }
0x4c: {  	[tilespmem:s13], [sflag:$0x1] =	stream.indirect.gather [hbm4b:s7+s26], $0x10, s26, s26, $0xb8;
	[tilespmem:$0x14690] =	vst v63  }
0x4d: {  	s29 =	simm.s32 $0xF0;
	s13 =	sadd.s32 $0x1E, s11  }
0x4e: {  	[tilespmem:s29], [sflag:$0x15] =	stream.linear.gather [hbm4b:s13+s23], $0xF0, $0x38;
	[tilespmem:$0x14690] =	vst v63  }
0x4f: {  	_ =	swait.ge [sflag:s20], $0xF0  }
0x50: {  	[sflag:s20] =	ssyncset.done $0x0  }
0x51: {  	s13 =	simm.s32 $0x1360;
	[sflag:s20] =	ssyncadd.s32 $0xFFFFFF10  }
0x52: {  	[tilespmem:s13], [sflag:$0x2] =	stream.indirect.gather [hbm4b:s1+s26], $0x20, s29, s26, $0xb8;
	[tilespmem:$0x14690] =	vst v63  }
0x53: {  	s13 =	simm.s32 $0x7260  }
0x54: {  	[tilespmem:s13], [sflag:$0x2] =	stream.indirect.gather [hbm4b:s6+s26], $0x10, s29, s26, $0xb8;
	[tilespmem:$0x14690] =	vst v63  }
0x55: {  	s13 =	simm.s32 $0x140;
	s29 =	simm.s32 $0xA460  }
0x56: {  	[tilespmem:s29], [sflag:$0x2] =	stream.indirect.gather [hbm4b:s7+s26], $0x10, s13, s26, $0xb8;
	[tilespmem:$0x14690] =	vst v63  }
0x57: {  	s13 =	sadd.s32 $0x3C, s11;
	s29 =	simm.s32 $0x1E0  }
0x58: {  	[tilespmem:s29], [sflag:$0x15] =	stream.linear.gather [hbm4b:s13+s23], $0xF0, $0x38;
	[tilespmem:$0x14690] =	vst v63  }
0x59: {  	_ =	swait.ge [sflag:s20], $0xF0  }
0x5a: {  	[sflag:s20] =	ssyncset.done $0x0  }
0x5b: {  	s13 =	simm.s32 $0x1D60;
	[sflag:s20] =	ssyncadd.s32 $0xFFFFFF10  }
0x5c: {  	[tilespmem:s13], [sflag:$0x3] =	stream.indirect.gather [hbm4b:s1+s26], $0x20, s29, s26, $0xb8;
	[tilespmem:$0x14690] =	vst v63  }
0x5d: {  	s13 =	simm.s32 $0x7760  }
0x5e: {  	[tilespmem:s13], [sflag:$0x3] =	stream.indirect.gather [hbm4b:s6+s26], $0x10, s29, s26, $0xb8;
	[tilespmem:$0x14690] =	vst v63  }
0x5f: {  	s13 =	simm.s32 $0x230;
	s29 =	simm.s32 $0xA960  }
0x60: {  	[tilespmem:s29], [sflag:$0x3] =	stream.indirect.gather [hbm4b:s7+s26], $0x10, s13, s26, $0xb8;
	[tilespmem:$0x14690] =	vst v63  }
0x61: {  	s13 =	sadd.s32 $0x5A, s11;
	s29 =	simm.s32 $0x2D0  }
0x62: {  	[tilespmem:s29], [sflag:$0x15] =	stream.linear.gather [hbm4b:s13+s23], $0xF0, $0x38;
	[tilespmem:$0x14690] =	vst v63  }
0x63: {  	_ =	swait.ge [sflag:s20], $0xF0  }
0x64: {  	[sflag:s20] =	ssyncset.done $0x0  }
0x65: {  	s13 =	simm.s32 $0x2760;
	[sflag:s20] =	ssyncadd.s32 $0xFFFFFF10  }
0x66: {  	[tilespmem:s13], [sflag:$0x4] =	stream.indirect.gather [hbm4b:s1+s26], $0x20, s29, s26, $0xb8;
	[tilespmem:$0x14690] =	vst v63  }
0x67: {  	s13 =	simm.s32 $0x7C60  }
0x68: {  	[tilespmem:s13], [sflag:$0x4] =	stream.indirect.gather [hbm4b:s6+s26], $0x10, s29, s26, $0xb8;
	[tilespmem:$0x14690] =	vst v63  }
0x69: {  	s13 =	simm.s32 $0x320;
	s29 =	simm.s32 $0xAE60  }
0x6a: {  	[tilespmem:s29], [sflag:$0x4] =	stream.indirect.gather [hbm4b:s7+s26], $0x10, s13, s26, $0xb8;
	[tilespmem:$0x14690] =	vst v63  }
0x6b: {  	s13 =	sadd.s32 $0x78, s11;
	s29 =	simm.s32 $0x3C0  }
0x6c: {  	[tilespmem:s29], [sflag:$0x15] =	stream.linear.gather [hbm4b:s13+s23], $0xF0, $0x38;
	[tilespmem:$0x14690] =	vst v63  }
0x6d: {  	_ =	swait.ge [sflag:s20], $0xF0  }
0x6e: {  	[sflag:s20] =	ssyncset.done $0x0  }
0x6f: {  	s13 =	simm.s32 $0x3160;
	[sflag:s20] =	ssyncadd.s32 $0xFFFFFF10  }
0x70: {  	[tilespmem:s13], [sflag:$0x5] =	stream.indirect.gather [hbm4b:s1+s26], $0x20, s29, s26, $0xb8;
	[tilespmem:$0x14690] =	vst v63  }
0x71: {  	s13 =	simm.s32 $0x8160  }
0x72: {  	[tilespmem:s13], [sflag:$0x5] =	stream.indirect.gather [hbm4b:s6+s26], $0x10, s29, s26, $0xb8;
	[tilespmem:$0x14690] =	vst v63  }
0x73: {  	s13 =	simm.s32 $0x410;
	s29 =	simm.s32 $0xB360  }
0x74: {  	[tilespmem:s29], [sflag:$0x5] =	stream.indirect.gather [hbm4b:s7+s26], $0x10, s13, s26, $0xb8;
	[tilespmem:$0x14690] =	vst v63  }
0x75: {  	s13 =	sadd.s32 $0x96, s11;
	s29 =	simm.s32 $0x4B0  }
0x76: {  	[tilespmem:s29], [sflag:$0x15] =	stream.linear.gather [hbm4b:s13+s23], $0xF0, $0x38;
	[tilespmem:$0x14690] =	vst v63  }
0x77: {  	_ =	swait.ge [sflag:s20], $0xF0  }
0x78: {  	[sflag:s20] =	ssyncset.done $0x0  }
0x79: {  	s13 =	simm.s32 $0x3B60;
	[sflag:s20] =	ssyncadd.s32 $0xFFFFFF10  }
0x7a: {  	[tilespmem:s13], [sflag:$0x6] =	stream.indirect.gather [hbm4b:s1+s26], $0x20, s29, s26, $0xb8;
	[tilespmem:$0x14690] =	vst v63  }
0x7b: {  	s13 =	simm.s32 $0x8660  }
0x7c: {  	[tilespmem:s13], [sflag:$0x6] =	stream.indirect.gather [hbm4b:s6+s26], $0x10, s29, s26, $0xb8;
	[tilespmem:$0x14690] =	vst v63  }
0x7d: {  	s13 =	simm.s32 $0x500;
	s29 =	simm.s32 $0xB860  }
0x7e: {  	[tilespmem:s29], [sflag:$0x6] =	stream.indirect.gather [hbm4b:s7+s26], $0x10, s13, s26, $0xb8;
	[tilespmem:$0x14690] =	vst v63  }
0x7f: {  	s13 =	sadd.s32 $0xB4, s11;
	s29 =	simm.s32 $0x5A0  }
0x80: {  	[tilespmem:s29], [sflag:$0x15] =	stream.linear.gather [hbm4b:s13+s23], $0xF0, $0x38;
	[tilespmem:$0x14690] =	vst v63  }
0x81: {  	_ =	swait.ge [sflag:s20], $0xF0  }
0x82: {  	[sflag:s20] =	ssyncset.done $0x0  }
0x83: {  	s13 =	simm.s32 $0x4560;
	[sflag:s20] =	ssyncadd.s32 $0xFFFFFF10  }
0x84: {  	[tilespmem:s13], [sflag:$0x7] =	stream.indirect.gather [hbm4b:s1+s26], $0x20, s29, s26, $0xb8;
	[tilespmem:$0x14690] =	vst v63  }
0x85: {  	s13 =	simm.s32 $0x8B60  }
0x86: {  	[tilespmem:s13], [sflag:$0x7] =	stream.indirect.gather [hbm4b:s6+s26], $0x10, s29, s26, $0xb8;
	[tilespmem:$0x14690] =	vst v63  }
0x87: {  	s13 =	simm.s32 $0x5F0;
	s29 =	simm.s32 $0xBD60  }
0x88: {  	[tilespmem:s29], [sflag:$0x7] =	stream.indirect.gather [hbm4b:s7+s26], $0x10, s13, s26, $0xb8;
	[tilespmem:$0x14690] =	vst v63  }
0x89: {  	s13 =	sadd.s32 $0xD2, s11;
	s29 =	simm.s32 $0x690  }
0x8a: {  	[tilespmem:s29], [sflag:$0x15] =	stream.linear.gather [hbm4b:s13+s23], $0xF0, $0x38;
	[tilespmem:$0x14690] =	vst v63  }
0x8b: {  	_ =	swait.ge [sflag:s20], $0xF0  }
0x8c: {  	[sflag:s20] =	ssyncset.done $0x0  }
0x8d: {  	s13 =	simm.s32 $0x4F60;
	[sflag:s20] =	ssyncadd.s32 $0xFFFFFF10  }
0x8e: {  	[tilespmem:s13], [sflag:$0x8] =	stream.indirect.gather [hbm4b:s1+s26], $0x20, s29, s26, $0xb8;
	[tilespmem:$0x14690] =	vst v63  }
0x8f: {  	s13 =	simm.s32 $0x9060  }
0x90: {  	[tilespmem:s13], [sflag:$0x8] =	stream.indirect.gather [hbm4b:s6+s26], $0x10, s29, s26, $0xb8;
	[tilespmem:$0x14690] =	vst v63  }
0x91: {  	s13 =	simm.s32 $0x6E0;
	s29 =	simm.s32 $0xC260  }
0x92: {  	[tilespmem:s29], [sflag:$0x8] =	stream.indirect.gather [hbm4b:s7+s26], $0x10, s13, s26, $0xb8;
	[tilespmem:$0x14690] =	vst v63  }
0x93: {  	s13 =	sadd.s32 $0xF0, s11;
	s29 =	simm.s32 $0x780  }
0x94: {  	[tilespmem:s29], [sflag:$0x15] =	stream.linear.gather [hbm4b:s13+s23], $0xF0, $0x38;
	[tilespmem:$0x14690] =	vst v63  }
0x95: {  	_ =	swait.ge [sflag:s20], $0xF0  }
0x96: {  	[sflag:s20] =	ssyncset.done $0x0  }
0x97: {  	s13 =	simm.s32 $0x5960;
	[sflag:s20] =	ssyncadd.s32 $0xFFFFFF10  }
0x98: {  	[tilespmem:s13], [sflag:$0x9] =	stream.indirect.gather [hbm4b:s1+s26], $0x20, s29, s26, $0xb8;
	[tilespmem:$0x14690] =	vst v63  }
0x99: {  	s13 =	simm.s32 $0x9560  }
0x9a: {  	[tilespmem:s13], [sflag:$0x9] =	stream.indirect.gather [hbm4b:s6+s26], $0x10, s29, s26, $0xb8;
	[tilespmem:$0x14690] =	vst v63  }
0x9b: {  	s13 =	simm.s32 $0x7D0;
	s29 =	simm.s32 $0xC760  }
0x9c: {  	[tilespmem:s29], [sflag:$0x9] =	stream.indirect.gather [hbm4b:s7+s26], $0x10, s13, s26, $0xb8;
	[tilespmem:$0x14690] =	vst v63  }
0x9d: {  	s11 =	sadd.s32 $0x10E, s11;
	s13 =	simm.s32 $0x870  }
0x9e: {  	[tilespmem:s13], [sflag:$0x15] =	stream.linear.gather [hbm4b:s11+s23], $0xF0, $0x38;
	[tilespmem:$0x14690] =	vst v63  }
0x9f: {  	_ =	swait.ge [sflag:s20], $0xF0  }
0xa0: {  	[sflag:s20] =	ssyncset.done $0x0  }
0xa1: {  	s12 =	simm.s32 $0x6360;
	[sflag:s20] =	ssyncadd.s32 $0xFFFFFF10  }
0xa2: {  	[tilespmem:s12], [sflag:$0xA] =	stream.indirect.gather [hbm4b:s1+s26], $0x20, s13, s26, $0xb8;
	[tilespmem:$0x14690] =	vst v63  }
0xa3: {  	s12 =	simm.s32 $0x9A60  }
0xa4: {  	[tilespmem:s12], [sflag:$0xA] =	stream.indirect.gather [hbm4b:s6+s26], $0x10, s13, s26, $0xb8;
	[tilespmem:$0x14690] =	vst v63  }
0xa5: {  	s11 =	simm.s32 $0x8C0;
	s13 =	simm.s32 $0xCC60  }
0xa6: {  	[tilespmem:s13], [sflag:$0xA] =	stream.indirect.gather [hbm4b:s7+s26], $0x10, s11, s26, $0xb8;
	[tilespmem:$0x14690] =	vst v63  }
0xa7: {  	_ =	swait.ge [sflag:s5], $0xA00  }
0xa8: {  	[sflag:s5] =	ssyncset.done $0x0  }
0xa9: {  	[sflag:s5] =	ssyncadd.s32 $0xFFFFF600  }
0xaa: {  	_ =	swait.ge [sflag:s5], $0x500  }
0xab: {  	[sflag:s5] =	ssyncset.done $0x0  }
0xac: {  	[sflag:s5] =	ssyncadd.s32 $0xFFFFFB00  }
0xad: {  	_ =	swait.ge [sflag:s5], $0x500  }
0xae: {  	[sflag:s5] =	ssyncset.done $0x0  }
0xaf: {  	s13 =	simm.s32 $0x0;
	[sflag:s5] =	ssyncadd.s32 $0xFFFFFB00  }
0xb0: {  	v2 =	vld [tilespmem:s13+$0x9F60]  }
0xb1: {  	v3 =	vld [tilespmem:s13+$0x6D60];
	_ =	sdelay $0x4  }
0xb2: {  	v2 =	vadd.f32 v2, v3;
	_ =	sdelay $0x1  }
0xb3: {  	v3 =	vmul.f32 $2.000000030e-01, v2;
	_ =	sdelay $0x1  }
0xb4: {  	v2 =	vmax.f32 v2, v3  }
0xb5: {  	v2 =	vmul.f32 $1.442695020e+00, v2;
	_ =	sdelay $0x1  }
0xb6: {  	(erf) = vpow2.f32 v2;
	_ =	sdelay $0x8  }
0xb7: {  	v2 =	vpop (erf)  }
0xb8: {  	s11 =	simm.s32 $0x970;
	[tilespmem:s13+$0x6D60] =	vst v2  }
0xb9: {  	v3 =	vld [tilespmem:s11+$0xFFFFFFF0]  }
0xba: {  	v4 =	vld [tilespmem:s11+$0x0];
	_ =	sdelay $0x1  }
0xbb: {  	v2 =	vperm.xlane v2, v1;
	_ =	sdelay $0x1  }
0xbc: {  	v3 =	vmul.f32 v3, v2  }
0xbd: {  	v2 =	vmul.f32 v4, v2  }
0xbe: {  	[tilespmem:s11+$0xFFFFFFF0] =	vst v3  }
0xbf: {  	s29 =	simm.s32 $0x10;
	[tilespmem:s11+$0x0] =	vst v2  }
0xc0: {  	s13 =	simm.s32 $0x80;
	v2 =	vld [tilespmem:s29+$0x9F60]  }
.LBB2_7:
0xc1: {  	p1 =	sne.s32 s13, $0x13C0;
	v3 =	vld [tilespmem:s29+$0x6D60];
	_ =	sdelay $0x4  }
0xc2: {  	v2 =	vadd.f32 v2, v3;
	_ =	sdelay $0x1  }
0xc3: {  	v3 =	vmul.f32 $2.000000030e-01, v2;
	_ =	sdelay $0x1  }
0xc4: {  	v2 =	vmax.f32 v2, v3  }
0xc5: {  	v2 =	vmul.f32 $1.442695020e+00, v2;
	_ =	sdelay $0x1  }
0xc6: {  	(erf) = vpow2.f32 v2;
	_ =	sdelay $0x8  }
0xc7: {  	v2 =	vpop (erf)  }
0xc8: {  	s11 =	sadd.s32 $0x20, s11;
	[tilespmem:s29+$0x6D60] =	vst v2;
	v2 =	vperm.xlane v2, v1  }
0xc9: {  	v3 =	vld [tilespmem:s11+$0xFFFFFFF0]  }
0xca: {  	v4 =	vld [tilespmem:s11+$0x0];
	_ =	sdelay $0x3  }
.Ltmp3:
0xcb: {  	v3 =	vmul.f32 v3, v2;
	(pc) =	sbr.rel @p1 .LBB2_7-.Ltmp3, $4  }
0xcc: {  	v2 =	vmul.f32 v4, v2  }
0xcd: {  	[tilespmem:s11+$0xFFFFFFF0] =	vst v3  }
0xce: {  	s29 =	sshra.s32 s13, $0x2;
	[tilespmem:s11+$0x0] =	vst v2  }
0xcf: {  	s13 =	sadd.s32 $0x40, s13;
	v2 =	vld [tilespmem:s29+$0x9F60]  }
0xd0: {  	v3 =	vld [tilespmem:s29+$0x6D60];
	_ =	sdelay $0x4  }
0xd1: {  	v2 =	vadd.f32 v2, v3;
	_ =	sdelay $0x1  }
0xd2: {  	v3 =	vmul.f32 $2.000000030e-01, v2;
	_ =	sdelay $0x1  }
0xd3: {  	v2 =	vmax.f32 v2, v3  }
0xd4: {  	v2 =	vmul.f32 $1.442695020e+00, v2;
	_ =	sdelay $0x1  }
0xd5: {  	(erf) = vpow2.f32 v2;
	_ =	sdelay $0x8  }
0xd6: {  	v2 =	vpop (erf)  }
0xd7: {  	s11 =	sadd.s32 $0x20, s11;
	[tilespmem:s29+$0x6D60] =	vst v2  }
0xd8: {  	v3 =	vld [tilespmem:s11+$0xFFFFFFF0]  }
0xd9: {  	v4 =	vld [tilespmem:s11+$0x0];
	_ =	sdelay $0x1  }
0xda: {  	v2 =	vperm.xlane v2, v1;
	_ =	sdelay $0x1  }
0xdb: {  	v3 =	vmul.f32 v3, v2  }
0xdc: {  	v2 =	vmul.f32 v4, v2  }
0xdd: {  	[tilespmem:s11+$0xFFFFFFF0] =	vst v3  }
0xde: {  	s13 =	simm.s32 $0xA0;
	[tilespmem:s11+$0x0] =	vst v2  }
0xdf: {  	[spmem:s2] =	stream.indirect.scatter.add.f32 [tilespmem:s19], [sflag:$0xB], $0x20, s13, s26, $0xb8;
	[tilespmem:$0x14690] =	vst v63  }
0xe0: {  	_ = 	snop  }
0xe1: {  	[spmem:s3] =	stream.indirect.scatter.add.f32 [tilespmem:s21], [sflag:$0xB], $0x10, s13, s26, $0xb8;
	[tilespmem:$0x14690] =	vst v63  }
0xe2: {  	_ =	swait.ge [sflag:s16], $0xA00  }
0xe3: {  	[sflag:s16] =	ssyncset.done $0x0  }
0xe4: {  	[sflag:s16] =	ssyncadd.s32 $0xFFFFF600  }
0xe5: {  	_ =	swait.ge [sflag:s16], $0x500  }
0xe6: {  	[sflag:s16] =	ssyncset.done $0x0  }
0xe7: {  	[sflag:s16] =	ssyncadd.s32 $0xFFFFFB00  }
0xe8: {  	_ =	swait.ge [sflag:s16], $0x500  }
0xe9: {  	[sflag:s16] =	ssyncset.done $0x0  }
0xea: {  	s13 =	simm.s32 $0x0;
	[sflag:s16] =	ssyncadd.s32 $0xFFFFFB00  }
0xeb: {  	v2 =	vld [tilespmem:s13+$0xA460]  }
0xec: {  	v3 =	vld [tilespmem:s13+$0x7260];
	_ =	sdelay $0x4  }
0xed: {  	v2 =	vadd.f32 v2, v3;
	_ =	sdelay $0x1  }
0xee: {  	v3 =	vmul.f32 $2.000000030e-01, v2;
	_ =	sdelay $0x1  }
0xef: {  	v2 =	vmax.f32 v2, v3  }
0xf0: {  	v2 =	vmul.f32 $1.442695020e+00, v2;
	_ =	sdelay $0x1  }
0xf1: {  	(erf) = vpow2.f32 v2;
	_ =	sdelay $0x8  }
0xf2: {  	v2 =	vpop (erf)  }
0xf3: {  	s11 =	simm.s32 $0x1370;
	[tilespmem:s13+$0x7260] =	vst v2  }
0xf4: {  	v3 =	vld [tilespmem:s11+$0xFFFFFFF0]  }
0xf5: {  	v63 =	vld [tilespmem:s11+$0x0];
	_ =	sdelay $0x1  }
0xf6: {  	v2 =	vperm.xlane v2, v1;
	_ =	sdelay $0x1  }
0xf7: {  	v3 =	vmul.f32 v3, v2  }
0xf8: {  	v2 =	vmul.f32 v63, v2  }
0xf9: {  	[tilespmem:s11+$0xFFFFFFF0] =	vst v3  }
0xfa: {  	s29 =	simm.s32 $0x10;
	[tilespmem:s11+$0x0] =	vst v2  }
0xfb: {  	s13 =	simm.s32 $0x80;
	v2 =	vld [tilespmem:s29+$0xA460]  }
.LBB2_9:
0xfc: {  	p1 =	sne.s32 s13, $0x13C0;
	v3 =	vld [tilespmem:s29+$0x7260];
	_ =	sdelay $0x4  }
0xfd: {  	v2 =	vadd.f32 v2, v3;
	_ =	sdelay $0x1  }
0xfe: {  	v3 =	vmul.f32 $2.000000030e-01, v2;
	_ =	sdelay $0x1  }
0xff: {  	v2 =	vmax.f32 v2, v3  }
0x100: {  	v2 =	vmul.f32 $1.442695020e+00, v2;
	_ =	sdelay $0x1  }
0x101: {  	(erf) = vpow2.f32 v2;
	_ =	sdelay $0x8  }
0x102: {  	v2 =	vpop (erf)  }
0x103: {  	s11 =	sadd.s32 $0x20, s11;
	[tilespmem:s29+$0x7260] =	vst v2;
	v2 =	vperm.xlane v2, v1  }
0x104: {  	v3 =	vld [tilespmem:s11+$0xFFFFFFF0]  }
0x105: {  	v4 =	vld [tilespmem:s11+$0x0];
	_ =	sdelay $0x3  }
.Ltmp4:
0x106: {  	v3 =	vmul.f32 v3, v2;
	(pc) =	sbr.rel @p1 .LBB2_9-.Ltmp4, $4  }
0x107: {  	v2 =	vmul.f32 v4, v2  }
0x108: {  	[tilespmem:s11+$0xFFFFFFF0] =	vst v3  }
0x109: {  	s29 =	sshra.s32 s13, $0x2;
	[tilespmem:s11+$0x0] =	vst v2  }
0x10a: {  	s13 =	sadd.s32 $0x40, s13;
	v2 =	vld [tilespmem:s29+$0xA460]  }
0x10b: {  	v3 =	vld [tilespmem:s29+$0x7260];
	_ =	sdelay $0x4  }
0x10c: {  	v2 =	vadd.f32 v2, v3;
	_ =	sdelay $0x1  }
0x10d: {  	v3 =	vmul.f32 $2.000000030e-01, v2;
	_ =	sdelay $0x1  }
0x10e: {  	v2 =	vmax.f32 v2, v3  }
0x10f: {  	v2 =	vmul.f32 $1.442695020e+00, v2;
	_ =	sdelay $0x1  }
0x110: {  	(erf) = vpow2.f32 v2;
	_ =	sdelay $0x8  }
0x111: {  	v2 =	vpop (erf)  }
0x112: {  	s11 =	sadd.s32 $0x20, s11;
	[tilespmem:s29+$0x7260] =	vst v2  }
0x113: {  	v3 =	vld [tilespmem:s11+$0xFFFFFFF0]  }
0x114: {  	v4 =	vld [tilespmem:s11+$0x0];
	_ =	sdelay $0x1  }
0x115: {  	v2 =	vperm.xlane v2, v1;
	_ =	sdelay $0x1  }
0x116: {  	v3 =	vmul.f32 v3, v2  }
0x117: {  	v2 =	vmul.f32 v4, v2  }
0x118: {  	[tilespmem:s11+$0xFFFFFFF0] =	vst v3  }
0x119: {  	s13 =	simm.s32 $0x190;
	[tilespmem:s11+$0x0] =	vst v2;
	s11 =	simm.s32 $0x1360  }
0x11a: {  	[spmem:s2] =	stream.indirect.scatter.add.f32 [tilespmem:s11], [sflag:$0xC], $0x20, s13, s26, $0xb8;
	[tilespmem:$0x14690] =	vst v63  }
0x11b: {  	s11 =	simm.s32 $0x7260  }
0x11c: {  	[spmem:s3] =	stream.indirect.scatter.add.f32 [tilespmem:s11], [sflag:$0xC], $0x10, s13, s26, $0xb8;
	[tilespmem:$0x14690] =	vst v63  }
0x11d: {  	_ =	swait.ge [sflag:s25], $0xA00  }
0x11e: {  	[sflag:s25] =	ssyncset.done $0x0  }
0x11f: {  	[sflag:s25] =	ssyncadd.s32 $0xFFFFF600  }
0x120: {  	_ =	swait.ge [sflag:s25], $0x500  }
0x121: {  	[sflag:s25] =	ssyncset.done $0x0  }
0x122: {  	[sflag:s25] =	ssyncadd.s32 $0xFFFFFB00  }
0x123: {  	_ =	swait.ge [sflag:s25], $0x500  }
0x124: {  	[sflag:s25] =	ssyncset.done $0x0  }
0x125: {  	s13 =	simm.s32 $0x0;
	[sflag:s25] =	ssyncadd.s32 $0xFFFFFB00  }
0x126: {  	v2 =	vld [tilespmem:s13+$0xA960]  }
0x127: {  	v3 =	vld [tilespmem:s13+$0x7760];
	_ =	sdelay $0x4  }
0x128: {  	v2 =	vadd.f32 v2, v3;
	_ =	sdelay $0x1  }
0x129: {  	v3 =	vmul.f32 $2.000000030e-01, v2;
	_ =	sdelay $0x1  }
0x12a: {  	v2 =	vmax.f32 v2, v3  }
0x12b: {  	v2 =	vmul.f32 $1.442695020e+00, v2;
	_ =	sdelay $0x1  }
0x12c: {  	(erf) = vpow2.f32 v2;
	_ =	sdelay $0x8  }
0x12d: {  	v2 =	vpop (erf)  }
0x12e: {  	s11 =	simm.s32 $0x1D70;
	[tilespmem:s13+$0x7760] =	vst v2  }
0x12f: {  	v3 =	vld [tilespmem:s11+$0xFFFFFFF0]  }
0x130: {  	v63 =	vld [tilespmem:s11+$0x0];
	_ =	sdelay $0x1  }
0x131: {  	v2 =	vperm.xlane v2, v1;
	_ =	sdelay $0x1  }
0x132: {  	v3 =	vmul.f32 v3, v2  }
0x133: {  	v2 =	vmul.f32 v63, v2  }
0x134: {  	[tilespmem:s11+$0xFFFFFFF0] =	vst v3  }
0x135: {  	s29 =	simm.s32 $0x10;
	[tilespmem:s11+$0x0] =	vst v2  }
0x136: {  	s13 =	simm.s32 $0x80;
	v2 =	vld [tilespmem:s29+$0xA960]  }
.LBB2_11:
0x137: {  	p1 =	sne.s32 s13, $0x13C0;
	v3 =	vld [tilespmem:s29+$0x7760];
	_ =	sdelay $0x4  }
0x138: {  	v2 =	vadd.f32 v2, v3;
	_ =	sdelay $0x1  }
0x139: {  	v3 =	vmul.f32 $2.000000030e-01, v2;
	_ =	sdelay $0x1  }
0x13a: {  	v2 =	vmax.f32 v2, v3  }
0x13b: {  	v2 =	vmul.f32 $1.442695020e+00, v2;
	_ =	sdelay $0x1  }
0x13c: {  	(erf) = vpow2.f32 v2;
	_ =	sdelay $0x8  }
0x13d: {  	v2 =	vpop (erf)  }
0x13e: {  	s11 =	sadd.s32 $0x20, s11;
	[tilespmem:s29+$0x7760] =	vst v2;
	v2 =	vperm.xlane v2, v1  }
0x13f: {  	v3 =	vld [tilespmem:s11+$0xFFFFFFF0]  }
0x140: {  	v4 =	vld [tilespmem:s11+$0x0];
	_ =	sdelay $0x3  }
.Ltmp5:
0x141: {  	v3 =	vmul.f32 v3, v2;
	(pc) =	sbr.rel @p1 .LBB2_11-.Ltmp5, $4  }
0x142: {  	v2 =	vmul.f32 v4, v2  }
0x143: {  	[tilespmem:s11+$0xFFFFFFF0] =	vst v3  }
0x144: {  	s29 =	sshra.s32 s13, $0x2;
	[tilespmem:s11+$0x0] =	vst v2  }
0x145: {  	s13 =	sadd.s32 $0x40, s13;
	v2 =	vld [tilespmem:s29+$0xA960]  }
0x146: {  	v3 =	vld [tilespmem:s29+$0x7760];
	_ =	sdelay $0x4  }
0x147: {  	v2 =	vadd.f32 v2, v3;
	_ =	sdelay $0x1  }
0x148: {  	v3 =	vmul.f32 $2.000000030e-01, v2;
	_ =	sdelay $0x1  }
0x149: {  	v2 =	vmax.f32 v2, v3  }
0x14a: {  	v2 =	vmul.f32 $1.442695020e+00, v2;
	_ =	sdelay $0x1  }
0x14b: {  	(erf) = vpow2.f32 v2;
	_ =	sdelay $0x8  }
0x14c: {  	v2 =	vpop (erf)  }
0x14d: {  	s11 =	sadd.s32 $0x20, s11;
	[tilespmem:s29+$0x7760] =	vst v2  }
0x14e: {  	v3 =	vld [tilespmem:s11+$0xFFFFFFF0]  }
0x14f: {  	v4 =	vld [tilespmem:s11+$0x0];
	_ =	sdelay $0x1  }
0x150: {  	v2 =	vperm.xlane v2, v1;
	_ =	sdelay $0x1  }
0x151: {  	v3 =	vmul.f32 v3, v2  }
0x152: {  	v2 =	vmul.f32 v4, v2  }
0x153: {  	[tilespmem:s11+$0xFFFFFFF0] =	vst v3  }
0x154: {  	s13 =	simm.s32 $0x280;
	[tilespmem:s11+$0x0] =	vst v2;
	s11 =	simm.s32 $0x1D60  }
0x155: {  	[spmem:s2] =	stream.indirect.scatter.add.f32 [tilespmem:s11], [sflag:$0xD], $0x20, s13, s26, $0xb8;
	[tilespmem:$0x14690] =	vst v63  }
0x156: {  	s11 =	simm.s32 $0x7760  }
0x157: {  	[spmem:s3] =	stream.indirect.scatter.add.f32 [tilespmem:s11], [sflag:$0xD], $0x10, s13, s26, $0xb8;
	[tilespmem:$0x14690] =	vst v63  }
0x158: {  	_ =	swait.ge [sflag:s30], $0xA00  }
0x159: {  	[sflag:s30] =	ssyncset.done $0x0  }
0x15a: {  	[sflag:s30] =	ssyncadd.s32 $0xFFFFF600  }
0x15b: {  	_ =	swait.ge [sflag:s30], $0x500  }
0x15c: {  	[sflag:s30] =	ssyncset.done $0x0  }
0x15d: {  	[sflag:s30] =	ssyncadd.s32 $0xFFFFFB00  }
0x15e: {  	_ =	swait.ge [sflag:s30], $0x500  }
0x15f: {  	[sflag:s30] =	ssyncset.done $0x0  }
0x160: {  	s13 =	simm.s32 $0x0;
	[sflag:s30] =	ssyncadd.s32 $0xFFFFFB00  }
0x161: {  	v2 =	vld [tilespmem:s13+$0xAE60]  }
0x162: {  	v3 =	vld [tilespmem:s13+$0x7C60];
	_ =	sdelay $0x4  }
0x163: {  	v2 =	vadd.f32 v2, v3;
	_ =	sdelay $0x1  }
0x164: {  	v3 =	vmul.f32 $2.000000030e-01, v2;
	_ =	sdelay $0x1  }
0x165: {  	v2 =	vmax.f32 v2, v3  }
0x166: {  	v2 =	vmul.f32 $1.442695020e+00, v2;
	_ =	sdelay $0x1  }
0x167: {  	(erf) = vpow2.f32 v2;
	_ =	sdelay $0x8  }
0x168: {  	v2 =	vpop (erf)  }
0x169: {  	s11 =	simm.s32 $0x2770;
	[tilespmem:s13+$0x7C60] =	vst v2  }
0x16a: {  	v3 =	vld [tilespmem:s11+$0xFFFFFFF0]  }
0x16b: {  	v63 =	vld [tilespmem:s11+$0x0];
	_ =	sdelay $0x1  }
0x16c: {  	v2 =	vperm.xlane v2, v1;
	_ =	sdelay $0x1  }
0x16d: {  	v3 =	vmul.f32 v3, v2  }
0x16e: {  	v2 =	vmul.f32 v63, v2  }
0x16f: {  	[tilespmem:s11+$0xFFFFFFF0] =	vst v3  }
0x170: {  	s29 =	simm.s32 $0x10;
	[tilespmem:s11+$0x0] =	vst v2  }
0x171: {  	s13 =	simm.s32 $0x80;
	v2 =	vld [tilespmem:s29+$0xAE60]  }
.LBB2_13:
0x172: {  	p1 =	sne.s32 s13, $0x13C0;
	v3 =	vld [tilespmem:s29+$0x7C60];
	_ =	sdelay $0x4  }
0x173: {  	v2 =	vadd.f32 v2, v3;
	_ =	sdelay $0x1  }
0x174: {  	v3 =	vmul.f32 $2.000000030e-01, v2;
	_ =	sdelay $0x1  }
0x175: {  	v2 =	vmax.f32 v2, v3  }
0x176: {  	v2 =	vmul.f32 $1.442695020e+00, v2;
	_ =	sdelay $0x1  }
0x177: {  	(erf) = vpow2.f32 v2;
	_ =	sdelay $0x8  }
0x178: {  	v2 =	vpop (erf)  }
0x179: {  	s11 =	sadd.s32 $0x20, s11;
	[tilespmem:s29+$0x7C60] =	vst v2;
	v2 =	vperm.xlane v2, v1  }
0x17a: {  	v3 =	vld [tilespmem:s11+$0xFFFFFFF0]  }
0x17b: {  	v4 =	vld [tilespmem:s11+$0x0];
	_ =	sdelay $0x3  }
.Ltmp6:
0x17c: {  	v3 =	vmul.f32 v3, v2;
	(pc) =	sbr.rel @p1 .LBB2_13-.Ltmp6, $4  }
0x17d: {  	v2 =	vmul.f32 v4, v2  }
0x17e: {  	[tilespmem:s11+$0xFFFFFFF0] =	vst v3  }
0x17f: {  	s29 =	sshra.s32 s13, $0x2;
	[tilespmem:s11+$0x0] =	vst v2  }
0x180: {  	s13 =	sadd.s32 $0x40, s13;
	v2 =	vld [tilespmem:s29+$0xAE60]  }
0x181: {  	v3 =	vld [tilespmem:s29+$0x7C60];
	_ =	sdelay $0x4  }
0x182: {  	v2 =	vadd.f32 v2, v3;
	_ =	sdelay $0x1  }
0x183: {  	v3 =	vmul.f32 $2.000000030e-01, v2;
	_ =	sdelay $0x1  }
0x184: {  	v2 =	vmax.f32 v2, v3  }
0x185: {  	v2 =	vmul.f32 $1.442695020e+00, v2;
	_ =	sdelay $0x1  }
0x186: {  	(erf) = vpow2.f32 v2;
	_ =	sdelay $0x8  }
0x187: {  	v2 =	vpop (erf)  }
0x188: {  	s11 =	sadd.s32 $0x20, s11;
	[tilespmem:s29+$0x7C60] =	vst v2  }
0x189: {  	v3 =	vld [tilespmem:s11+$0xFFFFFFF0]  }
0x18a: {  	v4 =	vld [tilespmem:s11+$0x0];
	_ =	sdelay $0x1  }
0x18b: {  	v2 =	vperm.xlane v2, v1;
	_ =	sdelay $0x1  }
0x18c: {  	v3 =	vmul.f32 v3, v2  }
0x18d: {  	v2 =	vmul.f32 v4, v2  }
0x18e: {  	[tilespmem:s11+$0xFFFFFFF0] =	vst v3  }
0x18f: {  	s13 =	simm.s32 $0x370;
	[tilespmem:s11+$0x0] =	vst v2;
	s11 =	simm.s32 $0x2760  }
0x190: {  	[spmem:s2] =	stream.indirect.scatter.add.f32 [tilespmem:s11], [sflag:$0xE], $0x20, s13, s26, $0xb8;
	[tilespmem:$0x14690] =	vst v63  }
0x191: {  	s11 =	simm.s32 $0x7C60  }
0x192: {  	[spmem:s3] =	stream.indirect.scatter.add.f32 [tilespmem:s11], [sflag:$0xE], $0x10, s13, s26, $0xb8;
	[tilespmem:$0x14690] =	vst v63  }
0x193: {  	_ =	swait.ge [sflag:s10], $0xA00  }
0x194: {  	[sflag:s10] =	ssyncset.done $0x0  }
0x195: {  	[sflag:s10] =	ssyncadd.s32 $0xFFFFF600  }
0x196: {  	_ =	swait.ge [sflag:s10], $0x500  }
0x197: {  	[sflag:s10] =	ssyncset.done $0x0  }
0x198: {  	[sflag:s10] =	ssyncadd.s32 $0xFFFFFB00  }
0x199: {  	_ =	swait.ge [sflag:s10], $0x500  }
0x19a: {  	[sflag:s10] =	ssyncset.done $0x0  }
0x19b: {  	s13 =	simm.s32 $0x0;
	[sflag:s10] =	ssyncadd.s32 $0xFFFFFB00  }
0x19c: {  	v2 =	vld [tilespmem:s13+$0xB360]  }
0x19d: {  	v3 =	vld [tilespmem:s13+$0x8160];
	_ =	sdelay $0x4  }
0x19e: {  	v2 =	vadd.f32 v2, v3;
	_ =	sdelay $0x1  }
0x19f: {  	v3 =	vmul.f32 $2.000000030e-01, v2;
	_ =	sdelay $0x1  }
0x1a0: {  	v2 =	vmax.f32 v2, v3  }
0x1a1: {  	v2 =	vmul.f32 $1.442695020e+00, v2;
	_ =	sdelay $0x1  }
0x1a2: {  	(erf) = vpow2.f32 v2;
	_ =	sdelay $0x8  }
0x1a3: {  	v2 =	vpop (erf)  }
0x1a4: {  	s11 =	simm.s32 $0x3170;
	[tilespmem:s13+$0x8160] =	vst v2  }
0x1a5: {  	v3 =	vld [tilespmem:s11+$0xFFFFFFF0]  }
0x1a6: {  	v63 =	vld [tilespmem:s11+$0x0];
	_ =	sdelay $0x1  }
0x1a7: {  	v2 =	vperm.xlane v2, v1;
	_ =	sdelay $0x1  }
0x1a8: {  	v3 =	vmul.f32 v3, v2  }
0x1a9: {  	v2 =	vmul.f32 v63, v2  }
0x1aa: {  	[tilespmem:s11+$0xFFFFFFF0] =	vst v3  }
0x1ab: {  	s29 =	simm.s32 $0x10;
	[tilespmem:s11+$0x0] =	vst v2  }
0x1ac: {  	s13 =	simm.s32 $0x80;
	v2 =	vld [tilespmem:s29+$0xB360]  }
.LBB2_15:
0x1ad: {  	p1 =	sne.s32 s13, $0x13C0;
	v3 =	vld [tilespmem:s29+$0x8160];
	_ =	sdelay $0x4  }
0x1ae: {  	v2 =	vadd.f32 v2, v3;
	_ =	sdelay $0x1  }
0x1af: {  	v3 =	vmul.f32 $2.000000030e-01, v2;
	_ =	sdelay $0x1  }
0x1b0: {  	v2 =	vmax.f32 v2, v3  }
0x1b1: {  	v2 =	vmul.f32 $1.442695020e+00, v2;
	_ =	sdelay $0x1  }
0x1b2: {  	(erf) = vpow2.f32 v2;
	_ =	sdelay $0x8  }
0x1b3: {  	v2 =	vpop (erf)  }
0x1b4: {  	s11 =	sadd.s32 $0x20, s11;
	[tilespmem:s29+$0x8160] =	vst v2;
	v2 =	vperm.xlane v2, v1  }
0x1b5: {  	v3 =	vld [tilespmem:s11+$0xFFFFFFF0]  }
0x1b6: {  	v4 =	vld [tilespmem:s11+$0x0];
	_ =	sdelay $0x3  }
.Ltmp7:
0x1b7: {  	v3 =	vmul.f32 v3, v2;
	(pc) =	sbr.rel @p1 .LBB2_15-.Ltmp7, $4  }
0x1b8: {  	v2 =	vmul.f32 v4, v2  }
0x1b9: {  	[tilespmem:s11+$0xFFFFFFF0] =	vst v3  }
0x1ba: {  	s29 =	sshra.s32 s13, $0x2;
	[tilespmem:s11+$0x0] =	vst v2  }
0x1bb: {  	s13 =	sadd.s32 $0x40, s13;
	v2 =	vld [tilespmem:s29+$0xB360]  }
0x1bc: {  	v3 =	vld [tilespmem:s29+$0x8160];
	_ =	sdelay $0x4  }
0x1bd: {  	v2 =	vadd.f32 v2, v3;
	_ =	sdelay $0x1  }
0x1be: {  	v3 =	vmul.f32 $2.000000030e-01, v2;
	_ =	sdelay $0x1  }
0x1bf: {  	v2 =	vmax.f32 v2, v3  }
0x1c0: {  	v2 =	vmul.f32 $1.442695020e+00, v2;
	_ =	sdelay $0x1  }
0x1c1: {  	(erf) = vpow2.f32 v2;
	_ =	sdelay $0x8  }
0x1c2: {  	v2 =	vpop (erf)  }
0x1c3: {  	s11 =	sadd.s32 $0x20, s11;
	[tilespmem:s29+$0x8160] =	vst v2  }
0x1c4: {  	v3 =	vld [tilespmem:s11+$0xFFFFFFF0]  }
0x1c5: {  	v4 =	vld [tilespmem:s11+$0x0];
	_ =	sdelay $0x1  }
0x1c6: {  	v2 =	vperm.xlane v2, v1;
	_ =	sdelay $0x1  }
0x1c7: {  	v3 =	vmul.f32 v3, v2  }
0x1c8: {  	v2 =	vmul.f32 v4, v2  }
0x1c9: {  	[tilespmem:s11+$0xFFFFFFF0] =	vst v3  }
0x1ca: {  	s13 =	simm.s32 $0x460;
	[tilespmem:s11+$0x0] =	vst v2;
	s11 =	simm.s32 $0x3160  }
0x1cb: {  	[spmem:s2] =	stream.indirect.scatter.add.f32 [tilespmem:s11], [sflag:$0xF], $0x20, s13, s26, $0xb8;
	[tilespmem:$0x14690] =	vst v63  }
0x1cc: {  	s11 =	simm.s32 $0x8160  }
0x1cd: {  	[spmem:s3] =	stream.indirect.scatter.add.f32 [tilespmem:s11], [sflag:$0xF], $0x10, s13, s26, $0xb8;
	[tilespmem:$0x14690] =	vst v63  }
0x1ce: {  	_ =	swait.ge [sflag:s24], $0xA00  }
0x1cf: {  	[sflag:s24] =	ssyncset.done $0x0  }
0x1d0: {  	[sflag:s24] =	ssyncadd.s32 $0xFFFFF600  }
0x1d1: {  	_ =	swait.ge [sflag:s24], $0x500  }
0x1d2: {  	[sflag:s24] =	ssyncset.done $0x0  }
0x1d3: {  	[sflag:s24] =	ssyncadd.s32 $0xFFFFFB00  }
0x1d4: {  	_ =	swait.ge [sflag:s24], $0x500  }
0x1d5: {  	[sflag:s24] =	ssyncset.done $0x0  }
0x1d6: {  	s13 =	simm.s32 $0x0;
	[sflag:s24] =	ssyncadd.s32 $0xFFFFFB00  }
0x1d7: {  	v2 =	vld [tilespmem:s13+$0xB860]  }
0x1d8: {  	v3 =	vld [tilespmem:s13+$0x8660];
	_ =	sdelay $0x4  }
0x1d9: {  	v2 =	vadd.f32 v2, v3;
	_ =	sdelay $0x1  }
0x1da: {  	v3 =	vmul.f32 $2.000000030e-01, v2;
	_ =	sdelay $0x1  }
0x1db: {  	v2 =	vmax.f32 v2, v3  }
0x1dc: {  	v2 =	vmul.f32 $1.442695020e+00, v2;
	_ =	sdelay $0x1  }
0x1dd: {  	(erf) = vpow2.f32 v2;
	_ =	sdelay $0x8  }
0x1de: {  	v2 =	vpop (erf)  }
0x1df: {  	s11 =	simm.s32 $0x3B70;
	[tilespmem:s13+$0x8660] =	vst v2  }
0x1e0: {  	v3 =	vld [tilespmem:s11+$0xFFFFFFF0]  }
0x1e1: {  	v63 =	vld [tilespmem:s11+$0x0];
	_ =	sdelay $0x1  }
0x1e2: {  	v2 =	vperm.xlane v2, v1;
	_ =	sdelay $0x1  }
0x1e3: {  	v3 =	vmul.f32 v3, v2  }
0x1e4: {  	v2 =	vmul.f32 v63, v2  }
0x1e5: {  	[tilespmem:s11+$0xFFFFFFF0] =	vst v3  }
0x1e6: {  	s29 =	simm.s32 $0x10;
	[tilespmem:s11+$0x0] =	vst v2  }
0x1e7: {  	s13 =	simm.s32 $0x80;
	v2 =	vld [tilespmem:s29+$0xB860]  }
.LBB2_17:
0x1e8: {  	p1 =	sne.s32 s13, $0x13C0;
	v3 =	vld [tilespmem:s29+$0x8660];
	_ =	sdelay $0x4  }
0x1e9: {  	v2 =	vadd.f32 v2, v3;
	_ =	sdelay $0x1  }
0x1ea: {  	v3 =	vmul.f32 $2.000000030e-01, v2;
	_ =	sdelay $0x1  }
0x1eb: {  	v2 =	vmax.f32 v2, v3  }
0x1ec: {  	v2 =	vmul.f32 $1.442695020e+00, v2;
	_ =	sdelay $0x1  }
0x1ed: {  	(erf) = vpow2.f32 v2;
	_ =	sdelay $0x8  }
0x1ee: {  	v2 =	vpop (erf)  }
0x1ef: {  	s11 =	sadd.s32 $0x20, s11;
	[tilespmem:s29+$0x8660] =	vst v2;
	v2 =	vperm.xlane v2, v1  }
0x1f0: {  	v3 =	vld [tilespmem:s11+$0xFFFFFFF0]  }
0x1f1: {  	v4 =	vld [tilespmem:s11+$0x0];
	_ =	sdelay $0x3  }
.Ltmp8:
0x1f2: {  	v3 =	vmul.f32 v3, v2;
	(pc) =	sbr.rel @p1 .LBB2_17-.Ltmp8, $4  }
0x1f3: {  	v2 =	vmul.f32 v4, v2  }
0x1f4: {  	[tilespmem:s11+$0xFFFFFFF0] =	vst v3  }
0x1f5: {  	s29 =	sshra.s32 s13, $0x2;
	[tilespmem:s11+$0x0] =	vst v2  }
0x1f6: {  	s13 =	sadd.s32 $0x40, s13;
	v2 =	vld [tilespmem:s29+$0xB860]  }
0x1f7: {  	v3 =	vld [tilespmem:s29+$0x8660];
	_ =	sdelay $0x4  }
0x1f8: {  	v2 =	vadd.f32 v2, v3;
	_ =	sdelay $0x1  }
0x1f9: {  	v3 =	vmul.f32 $2.000000030e-01, v2;
	_ =	sdelay $0x1  }
0x1fa: {  	v2 =	vmax.f32 v2, v3  }
0x1fb: {  	v2 =	vmul.f32 $1.442695020e+00, v2;
	_ =	sdelay $0x1  }
0x1fc: {  	(erf) = vpow2.f32 v2;
	_ =	sdelay $0x8  }
0x1fd: {  	v2 =	vpop (erf)  }
0x1fe: {  	s11 =	sadd.s32 $0x20, s11;
	[tilespmem:s29+$0x8660] =	vst v2  }
0x1ff: {  	v3 =	vld [tilespmem:s11+$0xFFFFFFF0]  }
0x200: {  	v4 =	vld [tilespmem:s11+$0x0];
	_ =	sdelay $0x1  }
0x201: {  	v2 =	vperm.xlane v2, v1;
	_ =	sdelay $0x1  }
0x202: {  	v3 =	vmul.f32 v3, v2  }
0x203: {  	v2 =	vmul.f32 v4, v2  }
0x204: {  	[tilespmem:s11+$0xFFFFFFF0] =	vst v3  }
0x205: {  	s13 =	simm.s32 $0x550;
	[tilespmem:s11+$0x0] =	vst v2;
	s11 =	simm.s32 $0x3B60  }
0x206: {  	[spmem:s2] =	stream.indirect.scatter.add.f32 [tilespmem:s11], [sflag:$0x10], $0x20, s13, s26, $0xb8;
	[tilespmem:$0x14690] =	vst v63  }
0x207: {  	s11 =	simm.s32 $0x8660  }
0x208: {  	[spmem:s3] =	stream.indirect.scatter.add.f32 [tilespmem:s11], [sflag:$0x10], $0x10, s13, s26, $0xb8;
	[tilespmem:$0x14690] =	vst v63  }
0x209: {  	_ =	swait.ge [sflag:s15], $0xA00  }
0x20a: {  	[sflag:s15] =	ssyncset.done $0x0  }
0x20b: {  	[sflag:s15] =	ssyncadd.s32 $0xFFFFF600  }
0x20c: {  	_ =	swait.ge [sflag:s15], $0x500  }
0x20d: {  	[sflag:s15] =	ssyncset.done $0x0  }
0x20e: {  	[sflag:s15] =	ssyncadd.s32 $0xFFFFFB00  }
0x20f: {  	_ =	swait.ge [sflag:s15], $0x500  }
0x210: {  	[sflag:s15] =	ssyncset.done $0x0  }
0x211: {  	s13 =	simm.s32 $0x0;
	[sflag:s15] =	ssyncadd.s32 $0xFFFFFB00  }
0x212: {  	v2 =	vld [tilespmem:s13+$0xBD60]  }
0x213: {  	v3 =	vld [tilespmem:s13+$0x8B60];
	_ =	sdelay $0x4  }
0x214: {  	v2 =	vadd.f32 v2, v3;
	_ =	sdelay $0x1  }
0x215: {  	v3 =	vmul.f32 $2.000000030e-01, v2;
	_ =	sdelay $0x1  }
0x216: {  	v2 =	vmax.f32 v2, v3  }
0x217: {  	v2 =	vmul.f32 $1.442695020e+00, v2;
	_ =	sdelay $0x1  }
0x218: {  	(erf) = vpow2.f32 v2;
	_ =	sdelay $0x8  }
0x219: {  	v2 =	vpop (erf)  }
0x21a: {  	s11 =	simm.s32 $0x4570;
	[tilespmem:s13+$0x8B60] =	vst v2  }
0x21b: {  	v3 =	vld [tilespmem:s11+$0xFFFFFFF0]  }
0x21c: {  	v63 =	vld [tilespmem:s11+$0x0];
	_ =	sdelay $0x1  }
0x21d: {  	v2 =	vperm.xlane v2, v1;
	_ =	sdelay $0x1  }
0x21e: {  	v3 =	vmul.f32 v3, v2  }
0x21f: {  	v2 =	vmul.f32 v63, v2  }
0x220: {  	[tilespmem:s11+$0xFFFFFFF0] =	vst v3  }
0x221: {  	s29 =	simm.s32 $0x10;
	[tilespmem:s11+$0x0] =	vst v2  }
0x222: {  	s13 =	simm.s32 $0x80;
	v2 =	vld [tilespmem:s29+$0xBD60]  }
.LBB2_19:
0x223: {  	p1 =	sne.s32 s13, $0x13C0;
	v3 =	vld [tilespmem:s29+$0x8B60];
	_ =	sdelay $0x4  }
0x224: {  	v2 =	vadd.f32 v2, v3;
	_ =	sdelay $0x1  }
0x225: {  	v3 =	vmul.f32 $2.000000030e-01, v2;
	_ =	sdelay $0x1  }
0x226: {  	v2 =	vmax.f32 v2, v3  }
0x227: {  	v2 =	vmul.f32 $1.442695020e+00, v2;
	_ =	sdelay $0x1  }
0x228: {  	(erf) = vpow2.f32 v2;
	_ =	sdelay $0x8  }
0x229: {  	v2 =	vpop (erf)  }
0x22a: {  	s11 =	sadd.s32 $0x20, s11;
	[tilespmem:s29+$0x8B60] =	vst v2;
	v2 =	vperm.xlane v2, v1  }
0x22b: {  	v3 =	vld [tilespmem:s11+$0xFFFFFFF0]  }
0x22c: {  	v4 =	vld [tilespmem:s11+$0x0];
	_ =	sdelay $0x3  }
.Ltmp9:
0x22d: {  	v3 =	vmul.f32 v3, v2;
	(pc) =	sbr.rel @p1 .LBB2_19-.Ltmp9, $4  }
0x22e: {  	v2 =	vmul.f32 v4, v2  }
0x22f: {  	[tilespmem:s11+$0xFFFFFFF0] =	vst v3  }
0x230: {  	s29 =	sshra.s32 s13, $0x2;
	[tilespmem:s11+$0x0] =	vst v2  }
0x231: {  	s13 =	sadd.s32 $0x40, s13;
	v2 =	vld [tilespmem:s29+$0xBD60]  }
0x232: {  	v3 =	vld [tilespmem:s29+$0x8B60];
	_ =	sdelay $0x4  }
0x233: {  	v2 =	vadd.f32 v2, v3;
	_ =	sdelay $0x1  }
0x234: {  	v3 =	vmul.f32 $2.000000030e-01, v2;
	_ =	sdelay $0x1  }
0x235: {  	v2 =	vmax.f32 v2, v3  }
0x236: {  	v2 =	vmul.f32 $1.442695020e+00, v2;
	_ =	sdelay $0x1  }
0x237: {  	(erf) = vpow2.f32 v2;
	_ =	sdelay $0x8  }
0x238: {  	v2 =	vpop (erf)  }
0x239: {  	s11 =	sadd.s32 $0x20, s11;
	[tilespmem:s29+$0x8B60] =	vst v2  }
0x23a: {  	v3 =	vld [tilespmem:s11+$0xFFFFFFF0]  }
0x23b: {  	v4 =	vld [tilespmem:s11+$0x0];
	_ =	sdelay $0x1  }
0x23c: {  	v2 =	vperm.xlane v2, v1;
	_ =	sdelay $0x1  }
0x23d: {  	v3 =	vmul.f32 v3, v2  }
0x23e: {  	v2 =	vmul.f32 v4, v2  }
0x23f: {  	[tilespmem:s11+$0xFFFFFFF0] =	vst v3  }
0x240: {  	s13 =	simm.s32 $0x640;
	[tilespmem:s11+$0x0] =	vst v2;
	s11 =	simm.s32 $0x4560  }
0x241: {  	[spmem:s2] =	stream.indirect.scatter.add.f32 [tilespmem:s11], [sflag:$0x11], $0x20, s13, s26, $0xb8;
	[tilespmem:$0x14690] =	vst v63  }
0x242: {  	s11 =	simm.s32 $0x8B60  }
0x243: {  	[spmem:s3] =	stream.indirect.scatter.add.f32 [tilespmem:s11], [sflag:$0x11], $0x10, s13, s26, $0xb8;
	[tilespmem:$0x14690] =	vst v63  }
0x244: {  	_ =	swait.ge [sflag:s8], $0xA00  }
0x245: {  	[sflag:s8] =	ssyncset.done $0x0  }
0x246: {  	[sflag:s8] =	ssyncadd.s32 $0xFFFFF600  }
0x247: {  	_ =	swait.ge [sflag:s8], $0x500  }
0x248: {  	[sflag:s8] =	ssyncset.done $0x0  }
0x249: {  	[sflag:s8] =	ssyncadd.s32 $0xFFFFFB00  }
0x24a: {  	_ =	swait.ge [sflag:s8], $0x500  }
0x24b: {  	[sflag:s8] =	ssyncset.done $0x0  }
0x24c: {  	s13 =	simm.s32 $0x0;
	[sflag:s8] =	ssyncadd.s32 $0xFFFFFB00  }
0x24d: {  	v2 =	vld [tilespmem:s13+$0xC260]  }
0x24e: {  	v3 =	vld [tilespmem:s13+$0x9060];
	_ =	sdelay $0x4  }
0x24f: {  	v2 =	vadd.f32 v2, v3;
	_ =	sdelay $0x1  }
0x250: {  	v3 =	vmul.f32 $2.000000030e-01, v2;
	_ =	sdelay $0x1  }
0x251: {  	v2 =	vmax.f32 v2, v3  }
0x252: {  	v2 =	vmul.f32 $1.442695020e+00, v2;
	_ =	sdelay $0x1  }
0x253: {  	(erf) = vpow2.f32 v2;
	_ =	sdelay $0x8  }
0x254: {  	v2 =	vpop (erf)  }
0x255: {  	s11 =	simm.s32 $0x4F60;
	[tilespmem:s13+$0x9060] =	vst v2  }
0x256: {  	v3 =	vld [tilespmem:s11+$0x0]  }
0x257: {  	v63 =	vld [tilespmem:s11+$0x10];
	_ =	sdelay $0x1  }
0x258: {  	v2 =	vperm.xlane v2, v1;
	_ =	sdelay $0x1  }
0x259: {  	v3 =	vmul.f32 v3, v2  }
0x25a: {  	v2 =	vmul.f32 v63, v2  }
0x25b: {  	[tilespmem:s11+$0x0] =	vst v3  }
0x25c: {  	s29 =	simm.s32 $0x10;
	[tilespmem:s11+$0x10] =	vst v2  }
0x25d: {  	s13 =	simm.s32 $0x80;
	v2 =	vld [tilespmem:s29+$0xC260]  }
.LBB2_21:
0x25e: {  	p1 =	sne.s32 s13, $0x13C0;
	v3 =	vld [tilespmem:s29+$0x9060];
	_ =	sdelay $0x4  }
0x25f: {  	v2 =	vadd.f32 v2, v3;
	_ =	sdelay $0x1  }
0x260: {  	v3 =	vmul.f32 $2.000000030e-01, v2;
	_ =	sdelay $0x1  }
0x261: {  	v2 =	vmax.f32 v2, v3  }
0x262: {  	v2 =	vmul.f32 $1.442695020e+00, v2;
	_ =	sdelay $0x1  }
0x263: {  	(erf) = vpow2.f32 v2;
	_ =	sdelay $0x8  }
0x264: {  	v2 =	vpop (erf)  }
0x265: {  	s11 =	sadd.s32 $0x20, s11;
	[tilespmem:s29+$0x9060] =	vst v2;
	v2 =	vperm.xlane v2, v1  }
0x266: {  	v3 =	vld [tilespmem:s11+$0x0]  }
0x267: {  	v4 =	vld [tilespmem:s11+$0x10];
	_ =	sdelay $0x3  }
.Ltmp10:
0x268: {  	v3 =	vmul.f32 v3, v2;
	(pc) =	sbr.rel @p1 .LBB2_21-.Ltmp10, $4  }
0x269: {  	v2 =	vmul.f32 v4, v2  }
0x26a: {  	[tilespmem:s11+$0x0] =	vst v3  }
0x26b: {  	s29 =	sshra.s32 s13, $0x2;
	[tilespmem:s11+$0x10] =	vst v2  }
0x26c: {  	s13 =	sadd.s32 $0x40, s13;
	v2 =	vld [tilespmem:s29+$0xC260]  }
0x26d: {  	v3 =	vld [tilespmem:s29+$0x9060];
	_ =	sdelay $0x4  }
0x26e: {  	v2 =	vadd.f32 v2, v3;
	_ =	sdelay $0x1  }
0x26f: {  	v3 =	vmul.f32 $2.000000030e-01, v2;
	_ =	sdelay $0x1  }
0x270: {  	v2 =	vmax.f32 v2, v3  }
0x271: {  	v2 =	vmul.f32 $1.442695020e+00, v2;
	_ =	sdelay $0x1  }
0x272: {  	(erf) = vpow2.f32 v2;
	_ =	sdelay $0x8  }
0x273: {  	v2 =	vpop (erf)  }
0x274: {  	s11 =	sadd.s32 $0x20, s11;
	[tilespmem:s29+$0x9060] =	vst v2  }
0x275: {  	v3 =	vld [tilespmem:s11+$0x0]  }
0x276: {  	v4 =	vld [tilespmem:s11+$0x10];
	_ =	sdelay $0x1  }
0x277: {  	v2 =	vperm.xlane v2, v1;
	_ =	sdelay $0x1  }
0x278: {  	v3 =	vmul.f32 v3, v2  }
0x279: {  	v2 =	vmul.f32 v4, v2  }
0x27a: {  	[tilespmem:s11+$0x0] =	vst v3  }
0x27b: {  	s13 =	simm.s32 $0x730;
	[tilespmem:s11+$0x10] =	vst v2;
	s11 =	simm.s32 $0x4F60  }
0x27c: {  	[spmem:s2] =	stream.indirect.scatter.add.f32 [tilespmem:s11], [sflag:$0x12], $0x20, s13, s26, $0xb8;
	[tilespmem:$0x14690] =	vst v63  }
0x27d: {  	s11 =	simm.s32 $0x9060  }
0x27e: {  	[spmem:s3] =	stream.indirect.scatter.add.f32 [tilespmem:s11], [sflag:$0x12], $0x10, s13, s26, $0xb8;
	[tilespmem:$0x14690] =	vst v63  }
0x27f: {  	_ =	swait.ge [sflag:s14], $0xA00  }
0x280: {  	[sflag:s14] =	ssyncset.done $0x0  }
0x281: {  	[sflag:s14] =	ssyncadd.s32 $0xFFFFF600  }
0x282: {  	_ =	swait.ge [sflag:s14], $0x500  }
0x283: {  	[sflag:s14] =	ssyncset.done $0x0  }
0x284: {  	[sflag:s14] =	ssyncadd.s32 $0xFFFFFB00  }
0x285: {  	_ =	swait.ge [sflag:s14], $0x500  }
0x286: {  	[sflag:s14] =	ssyncset.done $0x0  }
0x287: {  	s13 =	simm.s32 $0x0;
	[sflag:s14] =	ssyncadd.s32 $0xFFFFFB00  }
0x288: {  	v2 =	vld [tilespmem:s13+$0xC760]  }
0x289: {  	v3 =	vld [tilespmem:s13+$0x9560];
	_ =	sdelay $0x4  }
0x28a: {  	v2 =	vadd.f32 v2, v3;
	_ =	sdelay $0x1  }
0x28b: {  	v3 =	vmul.f32 $2.000000030e-01, v2;
	_ =	sdelay $0x1  }
0x28c: {  	v2 =	vmax.f32 v2, v3  }
0x28d: {  	v2 =	vmul.f32 $1.442695020e+00, v2;
	_ =	sdelay $0x1  }
0x28e: {  	(erf) = vpow2.f32 v2;
	_ =	sdelay $0x8  }
0x28f: {  	v2 =	vpop (erf)  }
0x290: {  	s11 =	simm.s32 $0x5960;
	[tilespmem:s13+$0x9560] =	vst v2  }
0x291: {  	v3 =	vld [tilespmem:s11+$0x0]  }
0x292: {  	v63 =	vld [tilespmem:s11+$0x10];
	_ =	sdelay $0x1  }
0x293: {  	v2 =	vperm.xlane v2, v1;
	_ =	sdelay $0x1  }
0x294: {  	v3 =	vmul.f32 v3, v2  }
0x295: {  	v2 =	vmul.f32 v63, v2  }
0x296: {  	[tilespmem:s11+$0x0] =	vst v3  }
0x297: {  	s29 =	simm.s32 $0x10;
	[tilespmem:s11+$0x10] =	vst v2  }
0x298: {  	s13 =	simm.s32 $0x80;
	v2 =	vld [tilespmem:s29+$0xC760]  }
.LBB2_23:
0x299: {  	p1 =	sne.s32 s13, $0x13C0;
	v3 =	vld [tilespmem:s29+$0x9560];
	_ =	sdelay $0x4  }
0x29a: {  	v2 =	vadd.f32 v2, v3;
	_ =	sdelay $0x1  }
0x29b: {  	v3 =	vmul.f32 $2.000000030e-01, v2;
	_ =	sdelay $0x1  }
0x29c: {  	v2 =	vmax.f32 v2, v3  }
0x29d: {  	v2 =	vmul.f32 $1.442695020e+00, v2;
	_ =	sdelay $0x1  }
0x29e: {  	(erf) = vpow2.f32 v2;
	_ =	sdelay $0x8  }
0x29f: {  	v2 =	vpop (erf)  }
0x2a0: {  	s11 =	sadd.s32 $0x20, s11;
	[tilespmem:s29+$0x9560] =	vst v2;
	v2 =	vperm.xlane v2, v1  }
0x2a1: {  	v3 =	vld [tilespmem:s11+$0x0]  }
0x2a2: {  	v4 =	vld [tilespmem:s11+$0x10];
	_ =	sdelay $0x3  }
.Ltmp11:
0x2a3: {  	v3 =	vmul.f32 v3, v2;
	(pc) =	sbr.rel @p1 .LBB2_23-.Ltmp11, $4  }
0x2a4: {  	v2 =	vmul.f32 v4, v2  }
0x2a5: {  	[tilespmem:s11+$0x0] =	vst v3  }
0x2a6: {  	s29 =	sshra.s32 s13, $0x2;
	[tilespmem:s11+$0x10] =	vst v2  }
0x2a7: {  	s13 =	sadd.s32 $0x40, s13;
	v2 =	vld [tilespmem:s29+$0xC760]  }
0x2a8: {  	v3 =	vld [tilespmem:s29+$0x9560];
	_ =	sdelay $0x4  }
0x2a9: {  	v2 =	vadd.f32 v2, v3;
	_ =	sdelay $0x1  }
0x2aa: {  	v3 =	vmul.f32 $2.000000030e-01, v2;
	_ =	sdelay $0x1  }
0x2ab: {  	v2 =	vmax.f32 v2, v3  }
0x2ac: {  	v2 =	vmul.f32 $1.442695020e+00, v2;
	_ =	sdelay $0x1  }
0x2ad: {  	(erf) = vpow2.f32 v2;
	_ =	sdelay $0x8  }
0x2ae: {  	v2 =	vpop (erf)  }
0x2af: {  	s11 =	sadd.s32 $0x20, s11;
	[tilespmem:s29+$0x9560] =	vst v2  }
0x2b0: {  	v3 =	vld [tilespmem:s11+$0x0]  }
0x2b1: {  	v4 =	vld [tilespmem:s11+$0x10];
	_ =	sdelay $0x1  }
0x2b2: {  	v2 =	vperm.xlane v2, v1;
	_ =	sdelay $0x1  }
0x2b3: {  	v3 =	vmul.f32 v3, v2  }
0x2b4: {  	v2 =	vmul.f32 v4, v2  }
0x2b5: {  	[tilespmem:s11+$0x0] =	vst v3  }
0x2b6: {  	s13 =	simm.s32 $0x820;
	[tilespmem:s11+$0x10] =	vst v2;
	s11 =	simm.s32 $0x5960  }
0x2b7: {  	[spmem:s2] =	stream.indirect.scatter.add.f32 [tilespmem:s11], [sflag:$0x13], $0x20, s13, s26, $0xb8;
	[tilespmem:$0x14690] =	vst v63  }
0x2b8: {  	s11 =	simm.s32 $0x9560  }
0x2b9: {  	[spmem:s3] =	stream.indirect.scatter.add.f32 [tilespmem:s11], [sflag:$0x13], $0x10, s13, s26, $0xb8;
	[tilespmem:$0x14690] =	vst v63  }
0x2ba: {  	_ =	swait.ge [sflag:s0], $0xA00  }
0x2bb: {  	[sflag:s0] =	ssyncset.done $0x0  }
0x2bc: {  	[sflag:s0] =	ssyncadd.s32 $0xFFFFF600  }
0x2bd: {  	_ =	swait.ge [sflag:s0], $0x500  }
0x2be: {  	[sflag:s0] =	ssyncset.done $0x0  }
0x2bf: {  	[sflag:s0] =	ssyncadd.s32 $0xFFFFFB00  }
0x2c0: {  	_ =	swait.ge [sflag:s0], $0x500  }
0x2c1: {  	[sflag:s0] =	ssyncset.done $0x0  }
0x2c2: {  	s13 =	simm.s32 $0x0;
	[sflag:s0] =	ssyncadd.s32 $0xFFFFFB00  }
0x2c3: {  	v2 =	vld [tilespmem:s13+$0xCC60]  }
0x2c4: {  	v3 =	vld [tilespmem:s13+$0x9A60];
	_ =	sdelay $0x4  }
0x2c5: {  	v2 =	vadd.f32 v2, v3;
	_ =	sdelay $0x1  }
0x2c6: {  	v3 =	vmul.f32 $2.000000030e-01, v2;
	_ =	sdelay $0x1  }
0x2c7: {  	v2 =	vmax.f32 v2, v3  }
0x2c8: {  	v2 =	vmul.f32 $1.442695020e+00, v2;
	_ =	sdelay $0x1  }
0x2c9: {  	(erf) = vpow2.f32 v2;
	_ =	sdelay $0x8  }
0x2ca: {  	v2 =	vpop (erf)  }
0x2cb: {  	s11 =	simm.s32 $0x6360;
	[tilespmem:s13+$0x9A60] =	vst v2  }
0x2cc: {  	v3 =	vld [tilespmem:s11+$0x0]  }
0x2cd: {  	v63 =	vld [tilespmem:s11+$0x10];
	_ =	sdelay $0x1  }
0x2ce: {  	v2 =	vperm.xlane v2, v1;
	_ =	sdelay $0x1  }
0x2cf: {  	v3 =	vmul.f32 v3, v2  }
0x2d0: {  	v2 =	vmul.f32 v63, v2  }
0x2d1: {  	[tilespmem:s11+$0x0] =	vst v3  }
0x2d2: {  	s29 =	simm.s32 $0x10;
	[tilespmem:s11+$0x10] =	vst v2  }
0x2d3: {  	s13 =	simm.s32 $0x80;
	v2 =	vld [tilespmem:s29+$0xCC60]  }
.LBB2_25:
0x2d4: {  	p1 =	sne.s32 s13, $0x13C0;
	v3 =	vld [tilespmem:s29+$0x9A60];
	_ =	sdelay $0x4  }
0x2d5: {  	v2 =	vadd.f32 v2, v3;
	_ =	sdelay $0x1  }
0x2d6: {  	v3 =	vmul.f32 $2.000000030e-01, v2;
	_ =	sdelay $0x1  }
0x2d7: {  	v2 =	vmax.f32 v2, v3  }
0x2d8: {  	v2 =	vmul.f32 $1.442695020e+00, v2;
	_ =	sdelay $0x1  }
0x2d9: {  	(erf) = vpow2.f32 v2;
	_ =	sdelay $0x8  }
0x2da: {  	v2 =	vpop (erf)  }
0x2db: {  	s11 =	sadd.s32 $0x20, s11;
	[tilespmem:s29+$0x9A60] =	vst v2;
	v2 =	vperm.xlane v2, v1  }
0x2dc: {  	v3 =	vld [tilespmem:s11+$0x0]  }
0x2dd: {  	v4 =	vld [tilespmem:s11+$0x10];
	_ =	sdelay $0x3  }
.Ltmp12:
0x2de: {  	v3 =	vmul.f32 v3, v2;
	(pc) =	sbr.rel @p1 .LBB2_25-.Ltmp12, $4  }
0x2df: {  	v2 =	vmul.f32 v4, v2  }
0x2e0: {  	[tilespmem:s11+$0x0] =	vst v3  }
0x2e1: {  	s29 =	sshra.s32 s13, $0x2;
	[tilespmem:s11+$0x10] =	vst v2  }
0x2e2: {  	s13 =	sadd.s32 $0x40, s13;
	v2 =	vld [tilespmem:s29+$0xCC60]  }
0x2e3: {  	v3 =	vld [tilespmem:s29+$0x9A60];
	_ =	sdelay $0x4  }
0x2e4: {  	v2 =	vadd.f32 v2, v3;
	_ =	sdelay $0x1  }
0x2e5: {  	v3 =	vmul.f32 $2.000000030e-01, v2;
	_ =	sdelay $0x1  }
0x2e6: {  	v2 =	vmax.f32 v2, v3  }
0x2e7: {  	v2 =	vmul.f32 $1.442695020e+00, v2;
	_ =	sdelay $0x1  }
0x2e8: {  	(erf) = vpow2.f32 v2;
	_ =	sdelay $0x8  }
0x2e9: {  	v2 =	vpop (erf)  }
0x2ea: {  	s11 =	sadd.s32 $0x20, s11;
	[tilespmem:s29+$0x9A60] =	vst v2  }
0x2eb: {  	v3 =	vld [tilespmem:s11+$0x0]  }
0x2ec: {  	v4 =	vld [tilespmem:s11+$0x10];
	_ =	sdelay $0x1  }
0x2ed: {  	v2 =	vperm.xlane v2, v1;
	_ =	sdelay $0x1  }
0x2ee: {  	v3 =	vmul.f32 v3, v2  }
0x2ef: {  	v2 =	vmul.f32 v4, v2  }
0x2f0: {  	[tilespmem:s11+$0x0] =	vst v3  }
0x2f1: {  	s13 =	simm.s32 $0x910;
	s29 =	simm.s32 $0x6360;
	[tilespmem:s11+$0x10] =	vst v2  }
0x2f2: {  	[spmem:s2] =	stream.indirect.scatter.add.f32 [tilespmem:s29], [sflag:$0x14], $0x20, s13, s26, $0xb8;
	[tilespmem:$0x14690] =	vst v63  }
0x2f3: {  	s29 =	simm.s32 $0xB  }
0x2f4: {  	[spmem:s3] =	stream.indirect.scatter.add.f32 [tilespmem:s12], [sflag:$0x14], $0x10, s13, s26, $0xb8;
	[tilespmem:$0x14690] =	vst v63  }
0x2f5: {  	_ =	swait.ge [sflag:s29], $0xA00  }
0x2f6: {  	[sflag:s29] =	ssyncset.done $0x0  }
0x2f7: {  	[sflag:s29] =	ssyncadd.s32 $0xFFFFF600  }
0x2f8: {  	_ =	swait.ge [sflag:s29], $0x500  }
0x2f9: {  	[sflag:s29] =	ssyncset.done $0x0  }
0x2fa: {  	s12 =	simm.s32 $0xC;
	[sflag:s29] =	ssyncadd.s32 $0xFFFFFB00  }
0x2fb: {  	_ =	swait.ge [sflag:s12], $0xA00  }
0x2fc: {  	[sflag:s12] =	ssyncset.done $0x0  }
0x2fd: {  	[sflag:s12] =	ssyncadd.s32 $0xFFFFF600  }
0x2fe: {  	_ =	swait.ge [sflag:s12], $0x500  }
0x2ff: {  	[sflag:s12] =	ssyncset.done $0x0  }
0x300: {  	s13 =	simm.s32 $0xD;
	[sflag:s12] =	ssyncadd.s32 $0xFFFFFB00  }
0x301: {  	_ =	swait.ge [sflag:s13], $0xA00  }
0x302: {  	[sflag:s13] =	ssyncset.done $0x0  }
0x303: {  	[sflag:s13] =	ssyncadd.s32 $0xFFFFF600  }
0x304: {  	_ =	swait.ge [sflag:s13], $0x500  }
0x305: {  	[sflag:s13] =	ssyncset.done $0x0  }
0x306: {  	s29 =	simm.s32 $0xE;
	[sflag:s13] =	ssyncadd.s32 $0xFFFFFB00  }
0x307: {  	_ =	swait.ge [sflag:s29], $0xA00  }
0x308: {  	[sflag:s29] =	ssyncset.done $0x0  }
0x309: {  	[sflag:s29] =	ssyncadd.s32 $0xFFFFF600  }
0x30a: {  	_ =	swait.ge [sflag:s29], $0x500  }
0x30b: {  	[sflag:s29] =	ssyncset.done $0x0  }
0x30c: {  	[sflag:s29] =	ssyncadd.s32 $0xFFFFFB00  }
0x30d: {  	_ =	swait.ge [sflag:s22], $0xA00  }
0x30e: {  	[sflag:s22] =	ssyncset.done $0x0  }
0x30f: {  	[sflag:s22] =	ssyncadd.s32 $0xFFFFF600  }
0x310: {  	_ =	swait.ge [sflag:s22], $0x500  }
0x311: {  	[sflag:s22] =	ssyncset.done $0x0  }
0x312: {  	[sflag:s22] =	ssyncadd.s32 $0xFFFFFB00  }
0x313: {  	_ =	swait.ge [sflag:s18], $0xA00  }
0x314: {  	[sflag:s18] =	ssyncset.done $0x0  }
0x315: {  	[sflag:s18] =	ssyncadd.s32 $0xFFFFF600  }
0x316: {  	_ =	swait.ge [sflag:s18], $0x500  }
0x317: {  	[sflag:s18] =	ssyncset.done $0x0  }
0x318: {  	[sflag:s18] =	ssyncadd.s32 $0xFFFFFB00  }
0x319: {  	_ =	swait.ge [sflag:s4], $0xA00  }
0x31a: {  	[sflag:s4] =	ssyncset.done $0x0  }
0x31b: {  	[sflag:s4] =	ssyncadd.s32 $0xFFFFF600  }
0x31c: {  	_ =	swait.ge [sflag:s4], $0x500  }
0x31d: {  	[sflag:s4] =	ssyncset.done $0x0  }
0x31e: {  	[sflag:s4] =	ssyncadd.s32 $0xFFFFFB00  }
0x31f: {  	_ =	swait.ge [sflag:s28], $0xA00  }
0x320: {  	[sflag:s28] =	ssyncset.done $0x0  }
0x321: {  	[sflag:s28] =	ssyncadd.s32 $0xFFFFF600  }
0x322: {  	_ =	swait.ge [sflag:s28], $0x500  }
0x323: {  	[sflag:s28] =	ssyncset.done $0x0  }
0x324: {  	[sflag:s28] =	ssyncadd.s32 $0xFFFFFB00  }
0x325: {  	_ =	swait.ge [sflag:s17], $0xA00  }
0x326: {  	[sflag:s17] =	ssyncset.done $0x0  }
0x327: {  	[sflag:s17] =	ssyncadd.s32 $0xFFFFF600  }
0x328: {  	_ =	swait.ge [sflag:s17], $0x500  }
0x329: {  	[sflag:s17] =	ssyncset.done $0x0  }
0x32a: {  	s9 =	sadd.s32 $0x1, s9;
	[sflag:s17] =	ssyncadd.s32 $0xFFFFFB00  }
0x32b: {  	p1 =	sne.s32 s9, $0x19;
	_ =	swait.ge [sflag:s31], $0xA00  }
.Ltmp13:
0x32c: {  	[sflag:s31] =	ssyncset.done $0x0;
	(pc) =	sbr.rel @p1 .LBB2_6-.Ltmp13, $4  }
0x32d: {  	[sflag:s31] =	ssyncadd.s32 $0xFFFFF600  }
0x32e: {  	_ =	swait.ge [sflag:s31], $0x500  }
0x32f: {  	[sflag:s31] =	ssyncset.done $0x0  }
0x330: {  	[sflag:s31] =	ssyncadd.s32 $0xFFFFFB00  }
0x331: {  	[bflag:$0x0] =	sbarrier.arrive $0xFFFF  }
0x332: {  	s11 =	rddreg [dreg:$0xb]  }
0x333: {  	s9 =	simm.s32 @p0 $0x1FD5;
	s13 =	rddreg [dreg:$0x10]  }
0x334: {  	[hbm:s11], [sflag:s9] =	dma.local @p0 [spmem:s13], $0x640  }
0x335: {  	s11 =	simm.s32 @p0 $0x15  }
0x336: {  	_ =	swait.ge @p0 [sflag:s11], $0x640  }
0x337: {  	[sflag:s11] =	ssyncset.done @p0 $0x0;
	s13 =	rddreg [dreg:$0xc]  }
0x338: {  	s23 =	rddreg [dreg:$0x11];
	[sflag:s11] =	ssyncadd.s32 @p0 $0xFFFFF9C0  }
0x339: {  	[hbm:s13], [sflag:s9] =	dma.local @p0 [spmem:s23], $0x320  }
0x33a: {  	s9 =	stileid.u32;
	_ =	swait.ge @p0 [sflag:s11], $0x320  }
0x33b: {  	s9 =	sshll.u32 @!p0 s9, $0x6;
	[sflag:s11] =	ssyncset.done @p0 $0x0;
	s13 =	rddreg [dreg:$0x12]  }
0x33c: {  	s9 =	sor.u32 @!p0 $0x1C15, s9;
	[sflag:s11] =	ssyncadd.s32 @p0 $0xFFFFFCE0;
	s11 =	rddreg [dreg:$0x9]  }
0x33d: {  	[hbm:s11], [sflag:s9] =	dma.local @!p0 [spmem:s13], $0xA00  }
0x33e: {  	s11 =	simm.s32 @!p0 $0x15  }
0x33f: {  	_ =	swait.ge @!p0 [sflag:s11], $0xA00  }
0x340: {  	[sflag:s11] =	ssyncset.done @!p0 $0x0;
	s13 =	rddreg [dreg:$0xa]  }
0x341: {  	s23 =	rddreg [dreg:$0x13];
	[sflag:s11] =	ssyncadd.s32 @!p0 $0xFFFFF600  }
0x342: {  	[hbm:s13], [sflag:s9] =	dma.local @!p0 [spmem:s23], $0x500  }
0x343: {  	_ =	swait.ge @!p0 [sflag:s11], $0x500  }
0x344: {  	s13 =	rddreg [dreg:$0x5]  }
0x345: {  	s29 =	rddreg [dreg:$0xd];
	s23 =	sadd.s32 $0x1, s13  }
0x346: {  	p1 =	sne.s32 s23, s29  }
.Ltmp14:
0x347: {  	_ = 	snop;
	(pc) =	sbr.rel @p1 .LBB2_1-.Ltmp14, $3  }
0x348: {  	_ =	sdelay $0x1  }
0x349: {  	[sflag:s11] =	ssyncset.done @!p0 $0x0  }
0x34a: {  	[sflag:s11] =	ssyncadd.s32 @!p0 $0xFFFFFB00  }
0x34b: {  	_ =	sfence.sel $0x180000  }
0x34c: {  	[bflag:$0x0] =	sbarrier.arrive $0xFFFF  }
0x34d: {  	_ =	strace $0x9000004A  }
0x34e: {  	s0 =	stileid.u32;
	[bflag:$0x2] =	sbarrier.arrive $0xFFFF  }
0x34f: {  	p0 =	sne.s32 s0, $0x0;
	s0 =	rddreg [dreg:$0x4]  }
0x350: {  	s0 =	sadd.s32 @!p0 $0x100000, s0  }
0x351: {  	[sflag:s0] =	ssyncadd.tile.s32 @!p0 $0x1;
	_ =	shalt  }
.Lfunc_end2:
_tile_overlayer_lowered:
.L_overlay_start_2:
0x352: {  	(tag) =	ssettag $0x2  }
0x353: {  	s0 =	rddreg [dreg:$0x0];
	s2 =	stileid.u32  }
0x354: {  	s1 =	rddreg [dreg:$0x1];
	p0 =	sne.s32 s2, $0x0  }
0x355: {  	s3 =	rddreg [dreg:$0x2];
	[bflag:$0x3] =	sbarrier.arrive $0xFFFF;
	s2 =	simm.s32 @!p0 $0x1C15  }
0x356: {  	[timem:s3], [sflag:s2] =	dma.local @!p0 [hbm:s0], s1  }
0x357: {  	s0 =	simm.s32 @!p0 $0x15  }
0x358: {  	_ =	swait.ge @!p0 [sflag:s0], s1  }
0x359: {  	s1 =	ssub.s32 @!p0 $0x0, s1;
	[sflag:s0] =	ssyncset.done @!p0 $0x0  }
0x35a: {  	[sflag:s0] =	ssyncadd.s32 @!p0 s1  }
0x35b: {  	[bflag:$0x3] =	sbarrier.arrive $0xFFFF  }
0x35c: {  	_ =	shalt  }

// kernel: kernel.7.cloned.1.call-start
scs
__scs_entry_jumppad:
0x0: {  	(pc) =	sbr.rel $0x88, $3  }
0x1: {  	(tag) =	ssettag $0x0;
	lr =	simm.s32 $0x1  }
0x2: {  	[smem:$0x3F99] =	sst lr;
	_ =	strace $0xD0000000  }
0x3: {  	_ = 	snop  }
0x4: {  	_ = 	snop  }
0x5: {  	_ = 	snop  }
0x6: {  	_ = 	snop  }
0x7: {  	_ = 	snop  }
__scs_overlays_trampoline_lowered:
0x8: {  	[smem:$0x3FA8] =	sst s0  }
0x9: {  	[smem:$0x3FA9] =	sst s1  }
0xa: {  	[smem:$0x3FAA] =	sst s2  }
0xb: {  	[smem:$0x3FAB] =	sst s3  }
0xc: {  	[smem:$0x3FAC] =	sst s4  }
0xd: {  	[smem:$0x3FAD] =	sst s5  }
0xe: {  	[smem:$0x3FAE] =	sst s6  }
0xf: {  	[smem:$0x3FAF] =	sst s7  }
0x10: {  	[smem:$0x3FB0] =	sst s8  }
0x11: {  	[smem:$0x3FB1] =	sst s9;
	s0 =	simm.s32 @!p0 $0x0  }
0x12: {  	s1 =	sld [smem:$0x3F97];
	s0 =	simm.s32 @p0 $0x1  }
0x13: {  	[smem:$0x3FB2] =	sst s0;
	s0 =	simm.s32 @!p1 $0x0  }
0x14: {  	s2 =	sld [smem:$0x3F96];
	s0 =	simm.s32 @p1 $0x1  }
0x15: {  	[smem:$0x3FB3] =	sst s0;
	s0 =	simm.s32 @!p2 $0x0  }
0x16: {  	s3 =	sld [smem:$0x3FDB];
	s0 =	simm.s32 @p2 $0x1  }
0x17: {  	s4 =	simm.s32 $0x1BF5;
	[smem:$0x3FB5] =	sst s0  }
0x18: {  	s0 =	sld [smem:$0x3F98];
	_ =	swait.ge [sflag:s4], $0x0  }
0x19: {  	s7 =	sld [smem:$0x3F99]  }
0x1a: {  	s8 =	sadd.s32 $0xFFFFE003, lr  }
0x1b: {  	s9 =	sadd.s32 $0xFFFFFEF7, lr;
	s5 =	simm.s32 $0xFFFFFFFF;
	p2 =	slt.u32 s8, $0xFFFFF086  }
0x1c: {  	p1 =	slt.u32 s9, $0xF7A;
	s5 =	simm.s32 @!p2 $0x0  }
0x1d: {  	s5 =	simm.s32 @p1 $0x1;
	p0 =	seq.s32 s7, s2  }
0x1e: {  	s7 =	smul.u32 @!p0 $0xF7A, s2;
	p2 =	seq.s32 @!p0 s5, $0x0  }
0x1f: {  	s9 =	smul.u32 $0xF7A, s1;
	s8 =	simm.s32 @!p0 $0x1BF5;
	p2 =	por !p2, p0  }
0x20: {  	[sflag:s8] =	ssyncset.s32 @!p0 $0xFFFFF086;
	s6 =	sadd.s32 @!p0 s3, s7;
	s7 =	simm.s32 @!p0 $0x108  }
0x21: {  	s3 =	sadd.s32 s3, s9;
	s6 =	sadd.s32 @!p0 $0x88, s6;
	s7 =	simm.s32 @p2 $0x1082  }
0x22: {  	[simem:s7], [sflag:s8] =	dma.local @!p0 [hbm:s6], $0xF7A  }
0x23: {  	s9 =	sor.u32 $0xD0000000, s2;
	s6 =	simm.s32 $0x108;
	_ =	swait.ge @!p0 [sflag:s8], $0x0  }
0x24: {  	s3 =	sadd.s32 $0x88, s3;
	s6 =	simm.s32 @!p1 $0x1082;
	[sflag:s4] =	ssyncset.s32 $0xFFFFF086  }
0x25: {  	[simem:s6], [sflag:s4] =	dma.local [hbm:s3], $0xF7A  }
0x26: {  	[smem:$0x3F99] =	sst s1;
	(tag) =	ssettag s2;
	_ =	strace s9  }
0x27: {  	s1 =	sld [smem:$0x3FA9]  }
0x28: {  	s2 =	sld [smem:$0x3FAA]  }
0x29: {  	s4 =	sld [smem:$0x3FAC]  }
0x2a: {  	p0 =	seq.s32 s5, $0x0;
	s5 =	sld [smem:$0x3FAD]  }
0x2b: {  	s6 =	sld [smem:$0x3FAE]  }
0x2c: {  	s7 =	sld [smem:$0x3FAF]  }
0x2d: {  	s3 =	simm.s32 $0x108;
	s8 =	sld [smem:$0x3FB0]  }
0x2e: {  	s3 =	simm.s32 @!p0 $0x1082;
	s9 =	sld [smem:$0x3FB1]  }
0x2f: {  	lr =	sadd.s32 s0, s3;
	s0 =	sld [smem:$0x3FA8]  }
0x30: {  	s3 =	sld [smem:$0x3FAB]  }
0x31: {  	[smem:$0x3FB4] =	sst s10  }
0x32: {  	s10 =	sld [smem:$0x3FB2];
	_ =	sdelay $0x3  }
0x33: {  	p0 =	seq.s32 s10, $0x1;
	s10 =	sld [smem:$0x3FB4];
	_ =	sdelay $0x3  }
0x34: {  	[smem:$0x3FB4] =	sst s10  }
0x35: {  	s10 =	sld [smem:$0x3FB3];
	_ =	sdelay $0x3  }
0x36: {  	p1 =	seq.s32 s10, $0x1;
	s10 =	sld [smem:$0x3FB4];
	_ =	sdelay $0x3  }
0x37: {  	[smem:$0x3FB4] =	sst s10  }
0x38: {  	s10 =	sld [smem:$0x3FB5]  }
0x39: {  	_ = 	snop;
	(pc) =	sbr.ind lr, $3  }
0x3a: {  	_ = 	snop  }
0x3b: {  	_ = 	snop  }
0x3c: {  	p2 =	seq.s32 s10, $0x1;
	s10 =	sld [smem:$0x3FB4]  }
0x3d: {  	_ =	shalt  }
0x3e: {  	_ =	shalt  }
0x3f: {  	_ =	shalt  }
0x40: {  	_ =	shalt  }
0x41: {  	_ =	shalt  }
0x42: {  	_ =	shalt  }
0x43: {  	_ =	shalt  }
0x44: {  	_ =	shalt  }
0x45: {  	_ =	shalt  }
0x46: {  	_ =	shalt  }
0x47: {  	_ =	shalt  }
0x48: {  	_ =	shalt  }
0x49: {  	_ =	shalt  }
0x4a: {  	_ =	shalt  }
0x4b: {  	_ =	shalt  }
0x4c: {  	_ =	shalt  }
0x4d: {  	_ =	shalt  }
0x4e: {  	_ =	shalt  }
0x4f: {  	_ =	shalt  }
0x50: {  	_ =	shalt  }
0x51: {  	_ =	shalt  }
0x52: {  	_ =	shalt  }
0x53: {  	_ =	shalt  }
0x54: {  	_ =	shalt  }
0x55: {  	_ =	shalt  }
0x56: {  	_ =	shalt  }
0x57: {  	_ =	shalt  }
0x58: {  	_ =	shalt  }
0x59: {  	_ =	shalt  }
0x5a: {  	_ =	shalt  }
0x5b: {  	_ =	shalt  }
0x5c: {  	_ =	shalt  }
0x5d: {  	_ =	shalt  }
0x5e: {  	_ =	shalt  }
0x5f: {  	_ =	shalt  }
0x60: {  	_ =	shalt  }
0x61: {  	_ =	shalt  }
0x62: {  	_ =	shalt  }
0x63: {  	_ =	shalt  }
0x64: {  	_ =	shalt  }
0x65: {  	_ =	shalt  }
0x66: {  	_ =	shalt  }
0x67: {  	_ =	shalt  }
0x68: {  	_ =	shalt  }
0x69: {  	_ =	shalt  }
0x6a: {  	_ =	shalt  }
0x6b: {  	_ =	shalt  }
0x6c: {  	_ =	shalt  }
0x6d: {  	_ =	shalt  }
0x6e: {  	_ =	shalt  }
0x6f: {  	_ =	shalt  }
0x70: {  	_ =	shalt  }
0x71: {  	_ =	shalt  }
0x72: {  	_ =	shalt  }
0x73: {  	_ =	shalt  }
0x74: {  	_ =	shalt  }
0x75: {  	_ =	shalt  }
0x76: {  	_ =	shalt  }
0x77: {  	_ =	shalt  }
0x78: {  	_ =	shalt  }
0x79: {  	_ =	shalt  }
0x7a: {  	_ =	shalt  }
0x7b: {  	_ =	shalt  }
0x7c: {  	_ =	shalt  }
0x7d: {  	_ =	shalt  }
0x7e: {  	_ =	shalt  }
0x7f: {  	_ =	shalt  }
0x80: {  	_ =	shalt  }
0x81: {  	_ =	shalt  }
0x82: {  	_ =	shalt  }
0x83: {  	_ =	shalt  }
0x84: {  	_ =	shalt  }
0x85: {  	_ =	shalt  }
0x86: {  	_ =	shalt  }
0x87: {  	_ =	shalt  }
.Lfunc_end0:
.L_simem_size_0:
called_computation_lowered:
.L_overlay_start_0:
0x88: {  	s2 =	sld [smem:$0x3FD9]  }
0x89: {  	s3 =	sld [smem:$0x3FFE];
	_ =	sdelay $0x1  }
0x8a: {  	s1 =	srdreg.scid  }
0x8b: {  	s0 =	sand.u32 $0x1, s1  }
0x8c: {  	s17 =	sshll.u32 s0, $0xA;
	s2 =	sadd.s32 s3, s2  }
0x8d: {  	s2 =	sadd.s32 s2, s17  }
0x8e: {  	[smem:$0x3FC0] =	sst s2  }
0x8f: {  	_ = 	snop  }
0x90: {  	s2 =	sld [smem:$0x3FD0];
	(tm) =	ssettm $0x1  }
0x91: {  	s18 =	sld [smem:$0x3FFB];
	_ =	sdelay $0x3  }
0x92: {  	_ =	strace s18  }
0x93: {  	s3 =	sld [smem:$0x3FFC];
	_ =	sdelay $0x3  }
0x94: {  	_ =	strace s3  }
0x95: {  	s3 =	sld [smem:$0x3FFD];
	_ =	sdelay $0x3  }
0x96: {  	_ =	strace s3  }
0x97: {  	_ =	strace $0x8FFFFFFF  }
0x98: {  	s19 =	sld [smem:$0x3FDB];
	_ =	sdelay $0x1  }
0x99: {  	s4 =	simm.s32 $_scs_section_size  }
0x9a: {  	s5 =	simm.s32 $_size__tile_overlayer_lowered;
	s6 =	simm.s32 $_tile_overlayer_lowered  }
0x9b: {  	s22 =	simm.s32 $0x1BFF;
	s21 =	sshll.u32 s6, $0x1;
	s3 =	sadd.s32 s4, s19  }
0x9c: {  	s7 =	simm.s32 $0x0;
	s20 =	sshll.u32 s5, $0x1;
	s5 =	sadd.s32 s21, s3  }
0x9d: {  	[timem:s7], [sflag:s22] =	dma.local [hbm:s5], s20  }
0x9e: {  	_ =	swait.ge [sflag:s22], s20  }
0x9f: {  	s4 =	ssub.s32 $0x0, s20;
	[sflag:s22] =	ssyncset.done $0x0  }
0xa0: {  	[sflag:s22] =	ssyncadd.s32 s4;
	_ =	sdelay $0x1  }
0xa1: {  	s23 =	simm.s32 $0x1B8B  }
0xa2: {  	_ =	swait.ge [sflag:s23], $0x1  }
0xa3: {  	[sflag:s23] =	ssyncset.done $0x0  }
0xa4: {  	s25 =	simm.s32 $0x1B8E;
	s24 =	sld [smem:$0x3FFE];
	[sflag:s23] =	ssyncadd.s32 $0xFFFFFFFF  }
0xa5: {  	s26 =	simm.s32 $execute0_lowered;
	[smem:$0x3FD2] =	sst s25  }
0xa6: {  	s5 =	sshll.u32 s26, $0x1;
	_ =	strace $0x80000046;
	[dreg:$0x1] =	wrdreg $0xFFFFFFFF  }
0xa7: {  	s28 =	simm.s32 $_size_execute0_lowered;
	s3 =	sadd.s32 s3, s5;
	[dreg:$0x0] =	wrdreg $0x0  }
0xa8: {  	s5 =	sshll.u32 s28, $0x1;
	[dreg:$0x2] =	wrdreg s3  }
0xa9: {  	[dreg:$0x3] =	wrdreg s5  }
0xaa: {  	[dreg:$0x4] =	wrdreg $0xC0  }
0xab: {  	_ =	task [dreg:s7], $0x5FFFF  }
0xac: {  	[dreg:$0x1] =	wrdreg $0xFFFFFFFF  }
0xad: {  	[dreg:$0x0] =	wrdreg $0x60  }
0xae: {  	[dreg:$0x2] =	wrdreg s24  }
0xaf: {  	[dreg:$0x3] =	wrdreg s2  }
0xb0: {  	[dreg:$0x4] =	wrdreg $0x65E00  }
0xb1: {  	[dreg:$0x5] =	wrdreg $0x19E600  }
0xb2: {  	[dreg:$0x6] =	wrdreg $0x9  }
0xb3: {  	_ =	task.clear_ibuf [dreg:s7], $0x7FFFF;
	_ =	strace $0x90000046  }
0xb4: {  	s29 =	simm.s32 $0x9;
	_ =	strace $0x80000048  }
0xb5: {  	_ =	swait.ge [sflag:s29], $0x1  }
0xb6: {  	[sflag:s29] =	ssyncadd.s32 $0xFFFFFFFF  }
0xb7: {  	_ =	strace $0x90000048  }
0xb8: {  	_ =	sfence  }
0xb9: {  	s30 =	sld [smem:$0x0];
	_ =	sdelay $0x2  }
0xba: {  	s31 =	sshll.u32 s1, $0xD;
	s1 =	sshrl.u32 s1, $0x2  }
0xbb: {  	s3 =	sand.u32 $0x4000, s31;
	s1 =	sadd.s32 s1, s30  }
0xbc: {  	s0 =	sor.u32 s3, s0;
	s1 =	sshll.u32 s1, $0x11  }
0xbd: {  	s0 =	sor.u32 s1, s0  }
0xbe: {  	s0 =	sadd.s32 $0x8F2B, s0  }
0xbf: {  	[sflag:s0] =	ssyncadd.remote.s32 $0x1  }
0xc0: {  	_ =	sfence.sel $0xFFFF  }
0xc1: {  	[dreg:$0x0] =	wrdreg $0xFFFFFFFF;
	(pc) =	sbr.abs _section_cstart, $3  }
0xc2: {  	[dreg:$0x1] =	wrdreg $0xFFFFFFFF  }
0xc3: {  	_ =	task.clear_ibuf [dreg:s7], $0x2FFFF;
	_ =	strace $0x9FFFFFFF  }
0xc4: {  	(tm) =	ssettm $0x7FFFFFFF  }
0xc5: {  	_ =	shalt  }
tec
execute0_lowered:
.L_overlay_start_1:
0x0: {  	(tag) =	ssettag $0x1  }
0x1: {  	s0 =	rddreg [dreg:$0x0]  }
0x2: {  	s1 =	rddreg [dreg:$0x1]  }
0x3: {  	s2 =	rddreg [dreg:$0x2]  }
0x4: {  	s3 =	rddreg [dreg:$0x3]  }
0x5: {  	s4 =	srdreg.scid;
	s5 =	simm.s32 $0x0;
	s18 =	stileid.u32  }
0x6: {  	s17 =	simm.s32 $0x5;
	s19 =	simm.s32 $0x1E0;
	s20 =	simm.s32 $0x51E0  }
0x7: {  	s21 =	simm.s32 $0x50;
	s28 =	simm.s32 $0xF0;
	s29 =	simm.s32 $0x29E0  }
0x8: {  	s30 =	simm.s32 $0x56E0;
	s31 =	simm.s32 $0x140;
	s13 =	smul.u32 $0x14000, s18  }
0x9: {  	s4 =	sand.u32 $0x1, s4;
	[smem:$0x7FF] =	sst s5;
	s15 =	smul.u32 $0x2800, s18  }
0xa: {  	s8 =	sadd.s32 $0x3F000, s0;
	s9 =	sadd.s32 $0x4600, s0;
	s25 =	smul.u32 $0xA000, s18  }
0xb: {  	s12 =	sadd.s32 $0x52C00, s0;
	p0 =	seq.s32 s18, $0xF;
	s26 =	smul.u32 $0x50000, s18  }
0xc: {  	s6 =	sshll.u32 s4, $0x4;
	_ =	strace $0x80000047;
	s11 =	smul.u32 $0x138800, s4  }
0xd: {  	s10 =	ssub.s32 $0x2, s4;
	s4 =	smul.u32 $0x27100, s4;
	s17 =	simm.s32 @!p0 $0x8  }
0xe: {  	s7 =	sor.u32 s18, s6;
	s6 =	sadd.s32 $0xDB400, s0;
	s0 =	sadd.s32 $0x48E00, s0  }
0xf: {  	s14 =	sshrl.u32 s10, $0x1;
	[dreg:$0x5] =	wrdreg s17;
	s7 =	smul.u32 $0xFA, s7  }
0x10: {  	s14 =	ssub.s32 s10, s14;
	s10 =	simm.s32 $0x5;
	s16 =	sadd.s32 s13, s11  }
0x11: {  	s23 =	sadd.s32 s15, s4;
	s13 =	sadd.s32 s13, s2;
	s15 =	sadd.s32 s15, s3  }
0x12: {  	s11 =	sshrl.u32 s11, $0x3;
	s4 =	sshrl.u32 s4, $0x3;
	s16 =	sshrl.u32 s16, $0x3  }
0x13: {  	s24 =	sshrl.u32 s23, $0x3;
	s11 =	sadd.s32 s12, s11;
	s14 =	smax.u32 s14, $0x1  }
0x14: {  	s16 =	sadd.s32 s12, s16;
	s11 =	sadd.s32 $0x25800, s11;
	[dreg:$0xa] =	wrdreg s14  }
0x15: {  	s12 =	sshrl.u32 s25, $0x2;
	s14 =	simm.s32 $0x190;
	[dreg:$0x6] =	wrdreg s16  }
0x16: {  	s16 =	sadd.s32 s0, s24;
	[dreg:$0x8] =	wrdreg s11;
	s0 =	sadd.s32 s0, s4  }
0x17: {  	s11 =	sadd.s32 $0x12C000, s2;
	s4 =	sshrl.u32 s26, $0x2;
	s12 =	sadd.s32 s12, s3  }
0x18: {  	s26 =	simm.s32 $0x5BE0;
	[dreg:$0x7] =	wrdreg s16;
	s0 =	sadd.s32 $0x4B00, s0  }
0x19: {  	[dreg:$0xb] =	wrdreg s12;
	s18 =	sadd.s32 s4, s2;
	s4 =	sshrl.u32 @p0 s11, $0x3  }
0x1a: {  	s12 =	simm.s32 $0xA0;
	[dreg:$0x9] =	wrdreg s0;
	s0 =	sadd.s32 $0x25800, s3  }
0x1b: {  	s16 =	simm.s32 $0x4;
	[dreg:$0xc] =	wrdreg s4;
	s0 =	sshrl.u32 @p0 s0, $0x3  }
0x1c: {  	s4 =	simm.s32 $0x1;
	[dreg:$0xd] =	wrdreg s0;
	s0 =	sshrl.u32 @!p0 s13, $0x3  }
0x1d: {  	v0 =	vimm.f32 $0.0e+00;
	v1 =	vimm.s32 $0x0;
	s13 =	simm.s32 $0x2;
	[dreg:$0xe] =	wrdreg s0;
	s0 =	sshrl.u32 @!p0 s15, $0x3  }
0x1e: {  	v2 =	vimm.s32 $0x1;
	v3 =	vimm.s32 $0x2;
	v4 =	vimm.s32 $0x3;
	s15 =	simm.s32 $0x3;
	[dreg:$0xf] =	wrdreg s0;
	s0 =	simm.s32 $0x60E0  }
.LBB2_1:
0x1f: {  	s11 =	simm.s32 $0x220  }
0x20: {  	[tilespmem:s11+$0xFFFFFFD0] =	vst v0  }
0x21: {  	[tilespmem:s11+$0xFFFFFFE0] =	vst v0  }
0x22: {  	[tilespmem:s11+$0xFFFFFFF0] =	vst v0  }
0x23: {  	[tilespmem:s11+$0x0] =	vst v0  }
0x24: {  	[tilespmem:s11+$0x10] =	vst v0  }
0x25: {  	[tilespmem:s11+$0x20] =	vst v0  }
0x26: {  	[tilespmem:s11+$0x30] =	vst v0  }
0x27: {  	s23 =	simm.s32 $0x0;
	s22 =	simm.s32 $0x40;
	[tilespmem:s11+$0xFFFFFFC0] =	vst v0  }
.LBB2_2:
0x28: {  	p1 =	sne.s32 s22, $0x13C0;
	[tilespmem:s23+$0x51E0] =	vst v0;
	s11 =	sadd.s32 $0x80, s11  }
0x29: {  	[tilespmem:s11+$0xFFFFFFD0] =	vst v0  }
0x2a: {  	[tilespmem:s11+$0xFFFFFFE0] =	vst v0  }
0x2b: {  	[tilespmem:s11+$0xFFFFFFF0] =	vst v0  }
.Ltmp0:
0x2c: {  	[tilespmem:s11+$0x0] =	vst v0;
	(pc) =	sbr.rel @p1 .LBB2_2-.Ltmp0, $4  }
0x2d: {  	[tilespmem:s11+$0x10] =	vst v0  }
0x2e: {  	[tilespmem:s11+$0x20] =	vst v0  }
0x2f: {  	[tilespmem:s11+$0x30] =	vst v0  }
0x30: {  	s23 =	sshra.s32 s22, $0x2;
	s22 =	sadd.s32 $0x40, s22;
	[tilespmem:s11+$0xFFFFFFC0] =	vst v0  }
0x31: {  	[tilespmem:s23+$0x51E0] =	vst v0  }
0x32: {  	[spmem:s18] =	stream.linear.scatter [tilespmem:s19], [sflag:$0x5], $0x2800, $0x38;
	[tilespmem:$0x1C570] =	vst v63  }
0x33: {  	_ =	swait.ge [sflag:s10], $0x2800  }
0x34: {  	s11 =	rddreg [dreg:$0x5]  }
0x35: {  	p1 =	sne.s32 s11, $0x1  }
.Ltmp1:
0x36: {  	[sflag:s10] =	ssyncset.done $0x0;
	(pc) =	sbr.rel @!p1 .LBB2_5-.Ltmp1, $4  }
0x37: {  	s22 =	rddreg [dreg:$0xb];
	[sflag:s10] =	ssyncadd.s32 $0xFFFFD800  }
0x38: {  	[spmem:s22] =	stream.linear.scatter [tilespmem:s20], [sflag:$0x5], $0x500, $0x38;
	[tilespmem:$0x1C570] =	vst v63  }
0x39: {  	_ =	swait.ge [sflag:s10], $0x500  }
0x3a: {  	s23 =	smov.u32 s18;
	s11 =	sadd.s32 $0xFFFFFFFF, s11;
	[sflag:s10] =	ssyncset.done $0x0  }
.LBB2_4:
0x3b: {  	[sflag:s10] =	ssyncadd.s32 $0xFFFFFB00;
	s22 =	sadd.s32 $0x500, s22;
	s23 =	sadd.s32 $0x2800, s23  }
0x3c: {  	[spmem:s23] =	stream.linear.scatter [tilespmem:s19], [sflag:$0x5], $0x2800, $0x38;
	[tilespmem:$0x1C570] =	vst v63  }
0x3d: {  	p1 =	sne.s32 s11, $0x1;
	s11 =	sadd.s32 $0xFFFFFFFF, s11;
	_ =	swait.ge [sflag:s10], $0x2800  }
.Ltmp2:
0x3e: {  	[sflag:s10] =	ssyncset.done $0x0;
	(pc) =	sbr.rel @p1 .LBB2_4-.Ltmp2, $4  }
0x3f: {  	[sflag:s10] =	ssyncadd.s32 $0xFFFFD800  }
0x40: {  	[spmem:s22] =	stream.linear.scatter [tilespmem:s20], [sflag:$0x5], $0x500, $0x38;
	[tilespmem:$0x1C570] =	vst v63  }
0x41: {  	_ =	swait.ge [sflag:s10], $0x500  }
0x42: {  	[sflag:s10] =	ssyncset.done $0x0  }
.LBB2_5:
0x43: {  	[sflag:s10] =	ssyncadd.s32 $0xFFFFFB00  }
0x44: {  	s22 =	simm.s32 $0x0;
	s23 =	simm.s32 $0x0;
	[bflag:$0x0] =	sbarrier.arrive $0xFFFF  }
.LBB2_6:
0x45: {  	s11 =	sshll.u32 s23, $0x1  }
0x46: {  	s11 =	sadd.s32 s7, s11  }
0x47: {  	s24 =	smul.u32 $0x1E, s11;
	_ =	sdelay $0x1  }
0x48: {  	s24 =	sadd.s32 s9, s24  }
0x49: {  	[tilespmem:s22], [sflag:$0x5] =	stream.linear.gather [hbm4b:s24+s22], $0xF0, $0x38;
	[tilespmem:$0x1C570] =	vst v63  }
0x4a: {  	_ =	swait.ge [sflag:s10], $0xF0  }
0x4b: {  	[sflag:s10] =	ssyncset.done $0x0  }
0x4c: {  	s11 =	smul.u32 $0xF0, s11;
	[sflag:s10] =	ssyncadd.s32 $0xFFFFFF10  }
0x4d: {  	[tilespmem:s19], [sflag:$0x1] =	stream.indirect.gather [hbm4b:s6+s21], $0x80, s22, s21, $0xb8;
	[tilespmem:$0x1C570] =	vst v63  }
0x4e: {  	s11 =	sshrl.u32 s11, $0x3  }
0x4f: {  	[tilespmem:s20], [sflag:$0x1] =	stream.indirect.gather [hbm4b:s1+s21], $0x10, s22, s21, $0xb8;
	[tilespmem:$0x1C570] =	vst v63  }
0x50: {  	s11 =	sadd.s32 s9, s11  }
0x51: {  	[tilespmem:s26], [sflag:$0x1] =	stream.indirect.gather [hbm4b:s8+s21], $0x10, s21, s21, $0xb8;
	[tilespmem:$0x1C570] =	vst v63  }
0x52: {  	s11 =	sadd.s32 $0x1E, s11  }
0x53: {  	[tilespmem:s28], [sflag:$0x5] =	stream.linear.gather [hbm4b:s11+s22], $0xF0, $0x38;
	[tilespmem:$0x1C570] =	vst v63  }
0x54: {  	_ =	swait.ge [sflag:s10], $0xF0  }
0x55: {  	[sflag:s10] =	ssyncset.done $0x0  }
0x56: {  	[sflag:s10] =	ssyncadd.s32 $0xFFFFFF10  }
0x57: {  	[tilespmem:s29], [sflag:$0x2] =	stream.indirect.gather [hbm4b:s6+s21], $0x80, s28, s21, $0xb8;
	[tilespmem:$0x1C570] =	vst v63  }
0x58: {  	_ = 	snop  }
0x59: {  	[tilespmem:s30], [sflag:$0x2] =	stream.indirect.gather [hbm4b:s1+s21], $0x10, s28, s21, $0xb8;
	[tilespmem:$0x1C570] =	vst v63  }
0x5a: {  	_ = 	snop  }
0x5b: {  	[tilespmem:s0], [sflag:$0x2] =	stream.indirect.gather [hbm4b:s8+s21], $0x10, s31, s21, $0xb8;
	[tilespmem:$0x1C570] =	vst v63  }
0x5c: {  	_ =	swait.ge [sflag:s4], $0x2800  }
0x5d: {  	[sflag:s4] =	ssyncset.done $0x0  }
0x5e: {  	[sflag:s4] =	ssyncadd.s32 $0xFFFFD800  }
0x5f: {  	_ =	swait.ge [sflag:s4], $0x500  }
0x60: {  	[sflag:s4] =	ssyncset.done $0x0  }
0x61: {  	[sflag:s4] =	ssyncadd.s32 $0xFFFFFB00  }
0x62: {  	_ =	swait.ge [sflag:s4], $0x500  }
0x63: {  	[sflag:s4] =	ssyncset.done $0x0  }
0x64: {  	s25 =	simm.s32 $0x0;
	[sflag:s4] =	ssyncadd.s32 $0xFFFFFB00  }
0x65: {  	v5 =	vld [tilespmem:s25+$0x51E0]  }
0x66: {  	v6 =	vld [tilespmem:s25+$0x5BE0];
	_ =	sdelay $0x4  }
0x67: {  	v5 =	vadd.f32 v6, v5;
	_ =	sdelay $0x1  }
0x68: {  	v6 =	vmul.f32 $2.000000030e-01, v5;
	_ =	sdelay $0x1  }
0x69: {  	v5 =	vmax.f32 v5, v6  }
0x6a: {  	v5 =	vmul.f32 $1.442695020e+00, v5;
	_ =	sdelay $0x1  }
0x6b: {  	(erf) = vpow2.f32 v5;
	_ =	sdelay $0x8  }
0x6c: {  	v6 =	vpop (erf)  }
0x6d: {  	s24 =	simm.s32 $0x220;
	[tilespmem:s25+$0x51E0] =	vst v6  }
0x6e: {  	v14 =	vld [tilespmem:s24+$0x30]  }
0x6f: {  	v13 =	vld [tilespmem:s24+$0xFFFFFFE0]  }
0x70: {  	v11 =	vld [tilespmem:s24+$0x10]  }
0x71: {  	v7 =	vperm.xlane v6, v4;
	v8 =	vld [tilespmem:s24+$0x20]  }
0x72: {  	v5 =	vperm.xlane v6, v2;
	v9 =	vld [tilespmem:s24+$0xFFFFFFD0]  }
0x73: {  	s11 =	simm.s32 $0x220;
	s25 =	simm.s32 $0x40;
	v10 =	vperm.xlane v6, v3;
	v12 =	vld [tilespmem:s24+$0x0];
	v14 =	vmul.f32 v14, v7  }
.LBB2_7:
0x74: {  	p1 =	sne.s32 s25, $0x13C0  }
0x75: {  	v13 =	vmul.f32 v13, v5;
	v15 =	vld [tilespmem:s24+$0xFFFFFFF0];
	s11 =	sadd.s32 $0x80, s11;
	s17 =	smov.u32 s25;
	s25 =	sadd.s32 $0x40, s25  }
0x76: {  	v6 =	vperm.xlane v6, v1;
	v16 =	vld [tilespmem:s24+$0xFFFFFFC0];
	v11 =	vmul.f32 v11, v10;
	[tilespmem:s24+$0x30] =	vst v14  }
0x77: {  	[tilespmem:s24+$0xFFFFFFE0] =	vst v13;
	v7 =	vmul.f32 v8, v7  }
0x78: {  	v8 =	vmul.f32 v9, v6;
	[tilespmem:s24+$0x10] =	vst v11  }
0x79: {  	v9 =	vmul.f32 v12, v10;
	[tilespmem:s24+$0x20] =	vst v7  }
0x7a: {  	[tilespmem:s24+$0xFFFFFFD0] =	vst v8;
	v5 =	vmul.f32 v15, v5  }
0x7b: {  	v6 =	vmul.f32 v16, v6;
	[tilespmem:s24+$0x0] =	vst v9  }
0x7c: {  	[tilespmem:s24+$0xFFFFFFF0] =	vst v5  }
0x7d: {  	s17 =	sshra.s32 s17, $0x2;
	[tilespmem:s24+$0xFFFFFFC0] =	vst v6;
	s24 =	smov.u32 s11  }
0x7e: {  	v5 =	vld [tilespmem:s17+$0x51E0]  }
0x7f: {  	v6 =	vld [tilespmem:s17+$0x5BE0];
	_ =	sdelay $0x4  }
0x80: {  	v5 =	vadd.f32 v6, v5;
	_ =	sdelay $0x1  }
0x81: {  	v6 =	vmul.f32 $2.000000030e-01, v5;
	_ =	sdelay $0x1  }
0x82: {  	v5 =	vmax.f32 v5, v6  }
0x83: {  	v5 =	vmul.f32 $1.442695020e+00, v5;
	_ =	sdelay $0x1  }
0x84: {  	(erf) = vpow2.f32 v5;
	_ =	sdelay $0x8  }
0x85: {  	v6 =	vpop (erf)  }
0x86: {  	[tilespmem:s17+$0x51E0] =	vst v6  }
0x87: {  	v14 =	vld [tilespmem:s11+$0x30]  }
.Ltmp3:
0x88: {  	v13 =	vld [tilespmem:s11+$0xFFFFFFE0];
	(pc) =	sbr.rel @p1 .LBB2_7-.Ltmp3, $4  }
0x89: {  	v11 =	vld [tilespmem:s11+$0x10]  }
0x8a: {  	v7 =	vperm.xlane v6, v4;
	v8 =	vld [tilespmem:s11+$0x20]  }
0x8b: {  	v5 =	vperm.xlane v6, v2;
	v9 =	vld [tilespmem:s11+$0xFFFFFFD0]  }
0x8c: {  	v10 =	vperm.xlane v6, v3;
	v12 =	vld [tilespmem:s11+$0x0];
	v14 =	vmul.f32 v14, v7  }
0x8d: {  	v13 =	vmul.f32 v13, v5;
	v15 =	vld [tilespmem:s24+$0xFFFFFFF0]  }
0x8e: {  	v6 =	vperm.xlane v6, v1;
	v16 =	vld [tilespmem:s24+$0xFFFFFFC0];
	v11 =	vmul.f32 v11, v10;
	[tilespmem:s24+$0x30] =	vst v14  }
0x8f: {  	[tilespmem:s24+$0xFFFFFFE0] =	vst v13;
	v7 =	vmul.f32 v8, v7  }
0x90: {  	v8 =	vmul.f32 v9, v6;
	[tilespmem:s24+$0x10] =	vst v11  }
0x91: {  	v9 =	vmul.f32 v12, v10;
	[tilespmem:s24+$0x20] =	vst v7  }
0x92: {  	[tilespmem:s24+$0xFFFFFFD0] =	vst v8;
	v5 =	vmul.f32 v15, v5  }
0x93: {  	v6 =	vmul.f32 v16, v6;
	[tilespmem:s24+$0x0] =	vst v9  }
0x94: {  	[tilespmem:s24+$0xFFFFFFF0] =	vst v5  }
0x95: {  	[tilespmem:s24+$0xFFFFFFC0] =	vst v6  }
0x96: {  	[spmem:s2] =	stream.indirect.scatter.add.f32 [tilespmem:s19], [sflag:$0x3], $0x80, s12, s21, $0xb8;
	[tilespmem:$0x1C570] =	vst v63  }
0x97: {  	_ = 	snop  }
0x98: {  	[spmem:s3] =	stream.indirect.scatter.add.f32 [tilespmem:s20], [sflag:$0x3], $0x10, s12, s21, $0xb8;
	[tilespmem:$0x1C570] =	vst v63  }
0x99: {  	_ =	swait.ge [sflag:s13], $0x2800  }
0x9a: {  	[sflag:s13] =	ssyncset.done $0x0  }
0x9b: {  	[sflag:s13] =	ssyncadd.s32 $0xFFFFD800  }
0x9c: {  	_ =	swait.ge [sflag:s13], $0x500  }
0x9d: {  	[sflag:s13] =	ssyncset.done $0x0  }
0x9e: {  	[sflag:s13] =	ssyncadd.s32 $0xFFFFFB00  }
0x9f: {  	_ =	swait.ge [sflag:s13], $0x500  }
0xa0: {  	[sflag:s13] =	ssyncset.done $0x0  }
0xa1: {  	s11 =	simm.s32 $0x0;
	[sflag:s13] =	ssyncadd.s32 $0xFFFFFB00  }
0xa2: {  	v5 =	vld [tilespmem:s11+$0x56E0]  }
0xa3: {  	v6 =	vld [tilespmem:s11+$0x60E0];
	_ =	sdelay $0x4  }
0xa4: {  	v5 =	vadd.f32 v6, v5;
	_ =	sdelay $0x1  }
0xa5: {  	v6 =	vmul.f32 $2.000000030e-01, v5;
	_ =	sdelay $0x1  }
0xa6: {  	v5 =	vmax.f32 v5, v6  }
0xa7: {  	v5 =	vmul.f32 $1.442695020e+00, v5;
	_ =	sdelay $0x1  }
0xa8: {  	(erf) = vpow2.f32 v5;
	_ =	sdelay $0x8  }
0xa9: {  	v6 =	vpop (erf)  }
0xaa: {  	s24 =	simm.s32 $0x2A50;
	[tilespmem:s11+$0x56E0] =	vst v6  }
0xab: {  	v14 =	vld [tilespmem:s24+$0x0]  }
0xac: {  	v13 =	vld [tilespmem:s24+$0xFFFFFFB0]  }
0xad: {  	v11 =	vld [tilespmem:s24+$0xFFFFFFE0]  }
0xae: {  	v7 =	vperm.xlane v6, v4;
	v8 =	vld [tilespmem:s24+$0xFFFFFFF0]  }
0xaf: {  	v5 =	vperm.xlane v6, v2;
	v9 =	vld [tilespmem:s24+$0xFFFFFFA0]  }
0xb0: {  	s25 =	simm.s32 $0x40;
	v10 =	vperm.xlane v6, v3;
	s11 =	simm.s32 $0x2A50;
	v12 =	vld [tilespmem:s24+$0xFFFFFFD0];
	v14 =	vmul.f32 v14, v7  }
.LBB2_9:
0xb1: {  	p1 =	sne.s32 s25, $0x13C0  }
0xb2: {  	v13 =	vmul.f32 v13, v5;
	v15 =	vld [tilespmem:s24+$0xFFFFFFC0];
	s11 =	sadd.s32 $0x80, s11;
	s17 =	smov.u32 s25;
	s25 =	sadd.s32 $0x40, s25  }
0xb3: {  	v6 =	vperm.xlane v6, v1;
	v16 =	vld [tilespmem:s24+$0xFFFFFF90];
	v11 =	vmul.f32 v11, v10;
	[tilespmem:s24+$0x0] =	vst v14  }
0xb4: {  	[tilespmem:s24+$0xFFFFFFB0] =	vst v13;
	v7 =	vmul.f32 v8, v7  }
0xb5: {  	v8 =	vmul.f32 v9, v6;
	[tilespmem:s24+$0xFFFFFFE0] =	vst v11  }
0xb6: {  	v9 =	vmul.f32 v12, v10;
	[tilespmem:s24+$0xFFFFFFF0] =	vst v7  }
0xb7: {  	[tilespmem:s24+$0xFFFFFFA0] =	vst v8;
	v5 =	vmul.f32 v15, v5  }
0xb8: {  	v6 =	vmul.f32 v16, v6;
	[tilespmem:s24+$0xFFFFFFD0] =	vst v9  }
0xb9: {  	[tilespmem:s24+$0xFFFFFFC0] =	vst v5  }
0xba: {  	s17 =	sshra.s32 s17, $0x2;
	[tilespmem:s24+$0xFFFFFF90] =	vst v6;
	s24 =	smov.u32 s11  }
0xbb: {  	v5 =	vld [tilespmem:s17+$0x56E0]  }
0xbc: {  	v6 =	vld [tilespmem:s17+$0x60E0];
	_ =	sdelay $0x4  }
0xbd: {  	v5 =	vadd.f32 v6, v5;
	_ =	sdelay $0x1  }
0xbe: {  	v6 =	vmul.f32 $2.000000030e-01, v5;
	_ =	sdelay $0x1  }
0xbf: {  	v5 =	vmax.f32 v5, v6  }
0xc0: {  	v5 =	vmul.f32 $1.442695020e+00, v5;
	_ =	sdelay $0x1  }
0xc1: {  	(erf) = vpow2.f32 v5;
	_ =	sdelay $0x8  }
0xc2: {  	v6 =	vpop (erf)  }
0xc3: {  	[tilespmem:s17+$0x56E0] =	vst v6  }
0xc4: {  	v14 =	vld [tilespmem:s11+$0x0]  }
.Ltmp4:
0xc5: {  	v13 =	vld [tilespmem:s11+$0xFFFFFFB0];
	(pc) =	sbr.rel @p1 .LBB2_9-.Ltmp4, $4  }
0xc6: {  	v11 =	vld [tilespmem:s11+$0xFFFFFFE0]  }
0xc7: {  	v7 =	vperm.xlane v6, v4;
	v8 =	vld [tilespmem:s11+$0xFFFFFFF0]  }
0xc8: {  	v5 =	vperm.xlane v6, v2;
	v9 =	vld [tilespmem:s11+$0xFFFFFFA0]  }
0xc9: {  	v10 =	vperm.xlane v6, v3;
	v12 =	vld [tilespmem:s11+$0xFFFFFFD0];
	v14 =	vmul.f32 v14, v7  }
0xca: {  	v13 =	vmul.f32 v13, v5;
	v15 =	vld [tilespmem:s24+$0xFFFFFFC0]  }
0xcb: {  	v6 =	vperm.xlane v6, v1;
	v16 =	vld [tilespmem:s24+$0xFFFFFF90];
	v11 =	vmul.f32 v11, v10;
	[tilespmem:s24+$0x0] =	vst v14  }
0xcc: {  	[tilespmem:s24+$0xFFFFFFB0] =	vst v13;
	v7 =	vmul.f32 v8, v7  }
0xcd: {  	v62 =	vmul.f32 v9, v6;
	[tilespmem:s24+$0xFFFFFFE0] =	vst v11  }
0xce: {  	v63 =	vmul.f32 v12, v10;
	[tilespmem:s24+$0xFFFFFFF0] =	vst v7  }
0xcf: {  	[tilespmem:s24+$0xFFFFFFA0] =	vst v62;
	v5 =	vmul.f32 v15, v5  }
0xd0: {  	v6 =	vmul.f32 v16, v6;
	[tilespmem:s24+$0xFFFFFFD0] =	vst v63  }
0xd1: {  	[tilespmem:s24+$0xFFFFFFC0] =	vst v5  }
0xd2: {  	[tilespmem:s24+$0xFFFFFF90] =	vst v6  }
0xd3: {  	[spmem:s2] =	stream.indirect.scatter.add.f32 [tilespmem:s29], [sflag:$0x4], $0x80, s14, s21, $0xb8;
	[tilespmem:$0x1C570] =	vst v63  }
0xd4: {  	_ = 	snop  }
0xd5: {  	[spmem:s3] =	stream.indirect.scatter.add.f32 [tilespmem:s30], [sflag:$0x4], $0x10, s14, s21, $0xb8;
	[tilespmem:$0x1C570] =	vst v63  }
0xd6: {  	_ =	swait.ge [sflag:s15], $0x2800  }
0xd7: {  	[sflag:s15] =	ssyncset.done $0x0  }
0xd8: {  	[sflag:s15] =	ssyncadd.s32 $0xFFFFD800  }
0xd9: {  	_ =	swait.ge [sflag:s15], $0x500  }
0xda: {  	[sflag:s15] =	ssyncset.done $0x0  }
0xdb: {  	s23 =	sadd.s32 $0x1, s23;
	[sflag:s15] =	ssyncadd.s32 $0xFFFFFB00  }
0xdc: {  	p1 =	sne.s32 s23, $0x7D;
	_ =	swait.ge [sflag:s16], $0x2800  }
.Ltmp5:
0xdd: {  	[sflag:s16] =	ssyncset.done $0x0;
	(pc) =	sbr.rel @p1 .LBB2_6-.Ltmp5, $4  }
0xde: {  	[sflag:s16] =	ssyncadd.s32 $0xFFFFD800  }
0xdf: {  	_ =	swait.ge [sflag:s16], $0x500  }
0xe0: {  	[sflag:s16] =	ssyncset.done $0x0  }
0xe1: {  	[sflag:s16] =	ssyncadd.s32 $0xFFFFFB00  }
0xe2: {  	[bflag:$0x0] =	sbarrier.arrive $0xFFFF  }
0xe3: {  	s17 =	rddreg [dreg:$0x8]  }
0xe4: {  	s11 =	simm.s32 @p0 $0x1FC5;
	s22 =	rddreg [dreg:$0xc]  }
0xe5: {  	[hbm:s17], [sflag:s11] =	dma.local @p0 [spmem:s22], $0x1900  }
0xe6: {  	s17 =	simm.s32 @p0 $0x5  }
0xe7: {  	_ =	swait.ge @p0 [sflag:s17], $0x1900  }
0xe8: {  	[sflag:s17] =	ssyncset.done @p0 $0x0;
	s22 =	rddreg [dreg:$0x9]  }
0xe9: {  	s23 =	rddreg [dreg:$0xd];
	[sflag:s17] =	ssyncadd.s32 @p0 $0xFFFFE700  }
0xea: {  	[hbm:s22], [sflag:s11] =	dma.local @p0 [spmem:s23], $0x320  }
0xeb: {  	s11 =	stileid.u32;
	_ =	swait.ge @p0 [sflag:s17], $0x320  }
0xec: {  	s11 =	sshll.u32 @!p0 s11, $0x6;
	[sflag:s17] =	ssyncset.done @p0 $0x0;
	s22 =	rddreg [dreg:$0xe]  }
0xed: {  	s11 =	sor.u32 @!p0 $0x1C05, s11;
	[sflag:s17] =	ssyncadd.s32 @p0 $0xFFFFFCE0;
	s17 =	rddreg [dreg:$0x6]  }
0xee: {  	[hbm:s17], [sflag:s11] =	dma.local @!p0 [spmem:s22], $0x2800  }
0xef: {  	s17 =	simm.s32 @!p0 $0x5  }
0xf0: {  	_ =	swait.ge @!p0 [sflag:s17], $0x2800  }
0xf1: {  	[sflag:s17] =	ssyncset.done @!p0 $0x0;
	s22 =	rddreg [dreg:$0x7]  }
0xf2: {  	s23 =	rddreg [dreg:$0xf];
	[sflag:s17] =	ssyncadd.s32 @!p0 $0xFFFFD800  }
0xf3: {  	[hbm:s22], [sflag:s11] =	dma.local @!p0 [spmem:s23], $0x500  }
0xf4: {  	_ =	swait.ge @!p0 [sflag:s17], $0x500  }
0xf5: {  	s5 =	sadd.s32 $0x1, s5;
	s25 =	rddreg [dreg:$0xa]  }
0xf6: {  	p1 =	sne.s32 s5, s25  }
.Ltmp6:
0xf7: {  	_ = 	snop;
	(pc) =	sbr.rel @p1 .LBB2_1-.Ltmp6, $3  }
0xf8: {  	_ =	sdelay $0x1  }
0xf9: {  	[sflag:s17] =	ssyncset.done @!p0 $0x0  }
0xfa: {  	[sflag:s17] =	ssyncadd.s32 @!p0 $0xFFFFFB00  }
0xfb: {  	_ =	sfence.sel $0x180000  }
0xfc: {  	[bflag:$0x0] =	sbarrier.arrive $0xFFFF  }
0xfd: {  	_ =	strace $0x90000047  }
0xfe: {  	s0 =	stileid.u32;
	[bflag:$0x2] =	sbarrier.arrive $0xFFFF  }
0xff: {  	p0 =	sne.s32 s0, $0x0;
	s0 =	rddreg [dreg:$0x4]  }
0x100: {  	s0 =	sadd.s32 @!p0 $0x100000, s0  }
0x101: {  	[sflag:s0] =	ssyncadd.tile.s32 @!p0 $0x1;
	_ =	shalt  }
.Lfunc_end2:
_tile_overlayer_lowered:
.L_overlay_start_2:
0x102: {  	(tag) =	ssettag $0x2  }
0x103: {  	s0 =	rddreg [dreg:$0x0];
	s2 =	stileid.u32  }
0x104: {  	s1 =	rddreg [dreg:$0x1];
	p0 =	sne.s32 s2, $0x0  }
0x105: {  	s3 =	rddreg [dreg:$0x2];
	[bflag:$0x3] =	sbarrier.arrive $0xFFFF;
	s2 =	simm.s32 @!p0 $0x1C05  }
0x106: {  	[timem:s3], [sflag:s2] =	dma.local @!p0 [hbm:s0], s1  }
0x107: {  	s0 =	simm.s32 @!p0 $0x5  }
0x108: {  	_ =	swait.ge @!p0 [sflag:s0], s1  }
0x109: {  	s1 =	ssub.s32 @!p0 $0x0, s1;
	[sflag:s0] =	ssyncset.done @!p0 $0x0  }
0x10a: {  	[sflag:s0] =	ssyncadd.s32 @!p0 s1  }
0x10b: {  	[bflag:$0x3] =	sbarrier.arrive $0xFFFF  }
0x10c: {  	_ =	shalt  }

</sc_bundles>
